<compile_context>
chip_gen: v7x
topology: tpu7x:2x2x1
jax: 0.10.2.dev20260603
libtpu: 0.0.44.dev20260713+nightly
codegen_flags: <defaults>
</compile_context>

<pallas_src>
import functools

import jax
import jax.numpy as jnp
from jax import lax
from jax.experimental import pallas as pl
from jax.experimental.pallas import tpu as pltpu
from jax.experimental.pallas import tpu_sc as plsc

EMBEDDING_DIM = 64
SCALE = 8.0
CHUNK = 128
NBUF = 4


def kernel(x, table):
    B = x.shape[0] * x.shape[1]
    N = table.shape[0]
    xf = x.reshape(-1).astype(jnp.int32)
    tp = jnp.pad(table, ((0, 0), (0, 128 - EMBEDDING_DIM)))
    tp = tp.reshape(2 * N, EMBEDDING_DIM)

    info = plsc.get_sparse_core_info()
    NC, NS = info.num_cores, info.num_subcores
    NW = NC * NS
    assert B % (NW * CHUNK) == 0
    b_per_w = B // NW
    n_chunks = b_per_w // CHUNK
    assert n_chunks % NBUF == 0 and n_chunks >= 2 * NBUF

    mesh = plsc.VectorSubcoreMesh(core_axis_name="c", subcore_axis_name="s")

    @functools.partial(
        pl.kernel,
        mesh=mesh,
        compiler_params=pltpu.CompilerParams(use_tc_tiling_on_sc=False),
        out_type=jax.ShapeDtypeStruct((B, EMBEDDING_DIM), jnp.float32),
        scratch_types=[
            pltpu.VMEM((b_per_w,), jnp.int32),
            pltpu.VMEM((NBUF, CHUNK, EMBEDDING_DIM), jnp.float32),
            pltpu.VMEM((NBUF, CHUNK, EMBEDDING_DIM), jnp.float32),
        ]
        + [pltpu.SemaphoreType.DMA] * (2 * NBUF),
    )
    def emb_kernel(idx_hbm, table_hbm, out_hbm, idx_v, gb, sb, *sems):
        gsem = sems[:NBUF]
        ssem = sems[NBUF:]
        wid = lax.axis_index("s") * NC + lax.axis_index("c")
        base = wid * b_per_w
        pltpu.sync_copy(idx_hbm.at[pl.ds(base, b_per_w)], idx_v)

        def dbl(k, carry):
            sl = pl.ds(k * 16, 16)
            idx_v[sl] = idx_v[sl] * 2
            return carry

        lax.fori_loop(0, b_per_w // 16, dbl, 0, unroll=4)

        def start_gather(j, b):
            pltpu.async_copy(
                table_hbm.at[idx_v.at[pl.ds(j * CHUNK, CHUNK)]],
                gb.at[b], gsem[b])

        def wait_gather(b):
            pltpu.make_async_copy(
                table_hbm.at[idx_v.at[pl.ds(0, CHUNK)]], gb.at[b],
                gsem[b]).wait()

        def start_scatter(j, b):
            pltpu.async_copy(
                sb.at[b], out_hbm.at[pl.ds(base + j * CHUNK, CHUNK)], ssem[b])

        def wait_scatter(b):
            pltpu.make_async_copy(
                sb.at[b], out_hbm.at[pl.ds(0, CHUNK)], ssem[b]).wait()

        def scale(b):
            def row_body(r, carry):
                for rr in range(2):
                    for c in range(EMBEDDING_DIM // 16):
                        sl = pl.ds(c * 16, 16)
                        sb[b, r + rr, sl] = gb[b, r + rr, sl] * SCALE
                return carry

            lax.fori_loop(0, CHUNK // 2, lambda r, c2: row_body(2 * r, c2), 0,
                          unroll=2)

        for b in range(NBUF):
            start_gather(b, b)
        for b in range(NBUF):
            wait_gather(b)
            scale(b)
            start_scatter(b, b)
            start_gather(NBUF + b, b)

        def main_body(j0, carry):
            for b in range(NBUF):
                j = j0 + b
                wait_gather(b)
                wait_scatter(b)
                scale(b)
                start_scatter(j, b)
                start_gather(j + NBUF, b)
            return carry

        lax.fori_loop(1, n_chunks // NBUF - 1,
                      lambda t, c2: main_body(t * NBUF, c2), 0)

        j0 = n_chunks - NBUF
        for b in range(NBUF):
            wait_gather(b)
            wait_scatter(b)
            scale(b)
            start_scatter(j0 + b, b)
        for b in range(NBUF):
            wait_scatter(b)

    out = emb_kernel(xf, tp)
    return out.reshape(x.shape[0], x.shape[1], EMBEDDING_DIM)

# --- scband reference (transcript-rebuilt; emitter-appended) ---
"""Pipeline reference for scband-scale-embedding2-87325275062360 (READ-ONLY COPY).

The authoritative reference and input builder live on the scoring server;
editing this copy changes nothing except your own understanding.
"""

import jax, jax.numpy as jnp
import numpy as np

NUM_EMBEDDINGS = 1000000
EMBEDDING_DIM = 64

def setup_inputs(seed: int = 0) -> dict:
    key = jax.random.key(seed)
    k1, k2 = jax.random.split(key)
    x = jax.random.randint(k1, (16384, 50), 0, NUM_EMBEDDINGS, dtype=jnp.int64 if jax.config.jax_enable_x64 else jnp.int32)
    table = jax.random.normal(k2, (NUM_EMBEDDINGS, EMBEDDING_DIM), dtype=jnp.float32)
    return {"x": x, "table": table}

def reference(x, table):
    scale = jnp.sqrt(jnp.asarray(EMBEDDING_DIM, dtype=jnp.float32))
    emb = jnp.take(table, x, axis=0)
    return emb * scale

if __name__ == "__main__":
    import jax
    _d = setup_inputs()
    print(jax.jit(kernel)(*tuple(_d.values())))

</pallas_src>

<mosaic_0001>
#map = affine_map<(d0, d1) -> (0)>
#map1 = affine_map<(d0, d1) -> (0, 0)>
module attributes {stable_mosaic.version = 14 : i64} {
  func.func @emb_kernel(%arg0: i32, %arg1: i32, %arg2: memref<819200xi32, #tpu.memory_space<hbm>>, %arg3: memref<2000000x64xf32, #tpu.memory_space<hbm>>, %arg4: memref<819200x64xf32, #tpu.memory_space<hbm>>, %arg5: memref<25600xi32, #tpu.memory_space<vmem>>, %arg6: memref<4x128x64xf32, #tpu.memory_space<vmem>>, %arg7: memref<4x128x64xf32, #tpu.memory_space<vmem>>, %arg8: memref<!tpu.dma_semaphore, #tpu.memory_space<semaphore_mem>>, %arg9: memref<!tpu.dma_semaphore, #tpu.memory_space<semaphore_mem>>, %arg10: memref<!tpu.dma_semaphore, #tpu.memory_space<semaphore_mem>>, %arg11: memref<!tpu.dma_semaphore, #tpu.memory_space<semaphore_mem>>, %arg12: memref<!tpu.dma_semaphore, #tpu.memory_space<semaphore_mem>>, %arg13: memref<!tpu.dma_semaphore, #tpu.memory_space<semaphore_mem>>, %arg14: memref<!tpu.dma_semaphore, #tpu.memory_space<semaphore_mem>>, %arg15: memref<!tpu.dma_semaphore, #tpu.memory_space<semaphore_mem>>) attributes {dimension_semantics = [#tpu.dimension_semantics<core_parallel>, #tpu.dimension_semantics<subcore_parallel>], iteration_bounds = array<i64: 2, 16>, scalar_prefetch = 0 : i64, scratch_operands = 11 : i64, tpu.core_type = #tpu.core_type<sc_vector_subcore>, window_params = [{transform_indices = #map}, {transform_indices = #map1}, {transform_indices = #map1}]} {
    %mul3A = arith.constant 2 : i32
    %mul3A_0 = arith.muli %arg1, %mul3A : i32
    %add3A = arith.addi %mul3A_0, %arg0 : i32
    %mul3A_1 = arith.constant 25600 : i32
    %mul3A_2 = arith.muli %add3A, %mul3A_1 : i32
    "tpu.region"() ({
      %run_scoped3A = tpu.sem_alloc : memref<!tpu.dma_semaphore, #tpu.memory_space<semaphore_mem>>
      %dma_start3A_460 = tpu.memref_slice %arg2[%mul3A_2] : memref<819200xi32, #tpu.memory_space<hbm>> -> memref<25600xi32, #tpu.memory_space<hbm>>
      %dma_start3A_461 = tpu.memref_slice %arg2[%mul3A_2] : memref<819200xi32, #tpu.memory_space<hbm>> -> memref<25600xi32, #tpu.memory_space<hbm>>
      tpu.enqueue_dma source(%dma_start3A_461 : memref<25600xi32, #tpu.memory_space<hbm>>) target(%arg5 : memref<25600xi32, #tpu.memory_space<vmem>>) target_semaphore(%run_scoped3A : memref<!tpu.dma_semaphore, #tpu.memory_space<semaphore_mem>>)
      %dma_wait3A_462 = tpu.memref_slice %arg2[%mul3A_2] : memref<819200xi32, #tpu.memory_space<hbm>> -> memref<25600xi32, #tpu.memory_space<hbm>>
      %dma_wait3A_463 = tpu.memref_slice %arg2[%mul3A_2] : memref<819200xi32, #tpu.memory_space<hbm>> -> memref<25600xi32, #tpu.memory_space<hbm>>
      tpu.wait_dma2 semaphore(%run_scoped3A : memref<!tpu.dma_semaphore, #tpu.memory_space<semaphore_mem>>) src(%dma_wait3A_463 : memref<25600xi32, #tpu.memory_space<hbm>>) dst(%arg5 : memref<25600xi32, #tpu.memory_space<vmem>>)
      tpu.yield
    }) : () -> ()
    %scan3A = arith.constant 0 : i32
    %scan3A_3 = arith.constant 0 : i32
    %scan3A_4 = arith.constant 1600 : i32
    %scan3A_5 = arith.addi %scan3A_3, %scan3A_4 : i32
    %scan3A_6 = arith.constant 4 : i32
    scf.for %scan3A_460 = %scan3A_3 to %scan3A_5 step %scan3A_6  : i32 {
      %mul3A_461 = arith.constant 16 : i32
      %mul3A_462 = arith.muli %scan3A_460, %mul3A_461 : i32
      %get3A = arith.index_cast %mul3A_462 : i32 to index
      %get3A_463 = tpu.vector_load %arg5[%get3A] {strides = array<i32>} : memref<25600xi32, #tpu.memory_space<vmem>>, vector<16xi32>,
      %get3A_464 = vector.shape_cast %get3A_463 : vector<16xi32> to vector<16xi32>
      %mul3A_465 = arith.constant 2 : i32
      %mul3A_466 = vector.broadcast %mul3A_465 : i32 to vector<16xi32>
      %mul3A_467 = arith.muli %get3A_464, %mul3A_466 : vector<16xi32>
      %swap3A = arith.index_cast %mul3A_462 : i32 to index
      %swap3A_468 = tpu.vector_load %arg5[%swap3A] {strides = array<i32>} : memref<25600xi32, #tpu.memory_space<vmem>>, vector<16xi32>,
      %swap3A_469 = vector.shape_cast %swap3A_468 : vector<16xi32> to vector<16xi32>
      %swap3A_470 = vector.shape_cast %mul3A_467 : vector<16xi32> to vector<16xi32>
      tpu.vector_store %arg5[%swap3A], %swap3A_470 {strides = array<i32>} : memref<25600xi32, #tpu.memory_space<vmem>>, vector<16xi32>,
      %scan3A_471 = arith.constant 1 : i32
      %scan3A_472 = arith.addi %scan3A_460, %scan3A_471 : i32
      %mul3A_473 = arith.constant 16 : i32
      %mul3A_474 = arith.muli %scan3A_472, %mul3A_473 : i32
      %get3A_475 = arith.index_cast %mul3A_474 : i32 to index
      %get3A_476 = tpu.vector_load %arg5[%get3A_475] {strides = array<i32>} : memref<25600xi32, #tpu.memory_space<vmem>>, vector<16xi32>,
      %get3A_477 = vector.shape_cast %get3A_476 : vector<16xi32> to vector<16xi32>
      %mul3A_478 = arith.constant 2 : i32
      %mul3A_479 = vector.broadcast %mul3A_478 : i32 to vector<16xi32>
      %mul3A_480 = arith.muli %get3A_477, %mul3A_479 : vector<16xi32>
      %swap3A_481 = arith.index_cast %mul3A_474 : i32 to index
      %swap3A_482 = tpu.vector_load %arg5[%swap3A_481] {strides = array<i32>} : memref<25600xi32, #tpu.memory_space<vmem>>, vector<16xi32>,
      %swap3A_483 = vector.shape_cast %swap3A_482 : vector<16xi32> to vector<16xi32>
      %swap3A_484 = vector.shape_cast %mul3A_480 : vector<16xi32> to vector<16xi32>
      tpu.vector_store %arg5[%swap3A_481], %swap3A_484 {strides = array<i32>} : memref<25600xi32, #tpu.memory_space<vmem>>, vector<16xi32>,
      %scan3A_485 = arith.constant 2 : i32
      %scan3A_486 = arith.addi %scan3A_460, %scan3A_485 : i32
      %mul3A_487 = arith.constant 16 : i32
      %mul3A_488 = arith.muli %scan3A_486, %mul3A_487 : i32
      %get3A_489 = arith.index_cast %mul3A_488 : i32 to index
      %get3A_490 = tpu.vector_load %arg5[%get3A_489] {strides = array<i32>} : memref<25600xi32, #tpu.memory_space<vmem>>, vector<16xi32>,
      %get3A_491 = vector.shape_cast %get3A_490 : vector<16xi32> to vector<16xi32>
      %mul3A_492 = arith.constant 2 : i32
      %mul3A_493 = vector.broadcast %mul3A_492 : i32 to vector<16xi32>
      %mul3A_494 = arith.muli %get3A_491, %mul3A_493 : vector<16xi32>
      %swap3A_495 = arith.index_cast %mul3A_488 : i32 to index
      %swap3A_496 = tpu.vector_load %arg5[%swap3A_495] {strides = array<i32>} : memref<25600xi32, #tpu.memory_space<vmem>>, vector<16xi32>,
      %swap3A_497 = vector.shape_cast %swap3A_496 : vector<16xi32> to vector<16xi32>
      %swap3A_498 = vector.shape_cast %mul3A_494 : vector<16xi32> to vector<16xi32>
      tpu.vector_store %arg5[%swap3A_495], %swap3A_498 {strides = array<i32>} : memref<25600xi32, #tpu.memory_space<vmem>>, vector<16xi32>,
      %scan3A_499 = arith.constant 3 : i32
      %scan3A_500 = arith.addi %scan3A_460, %scan3A_499 : i32
      %mul3A_501 = arith.constant 16 : i32
      %mul3A_502 = arith.muli %scan3A_500, %mul3A_501 : i32
      %get3A_503 = arith.index_cast %mul3A_502 : i32 to index
      %get3A_504 = tpu.vector_load %arg5[%get3A_503] {strides = array<i32>} : memref<25600xi32, #tpu.memory_space<vmem>>, vector<16xi32>,
      %get3A_505 = vector.shape_cast %get3A_504 : vector<16xi32> to vector<16xi32>
      %mul3A_506 = arith.constant 2 : i32
      %mul3A_507 = vector.broadcast %mul3A_506 : i32 to vector<16xi32>
      %mul3A_508 = arith.muli %get3A_505, %mul3A_507 : vector<16xi32>
      %swap3A_509 = arith.index_cast %mul3A_502 : i32 to index
      %swap3A_510 = tpu.vector_load %arg5[%swap3A_509] {strides = array<i32>} : memref<25600xi32, #tpu.memory_space<vmem>>, vector<16xi32>,
      %swap3A_511 = vector.shape_cast %swap3A_510 : vector<16xi32> to vector<16xi32>
      %swap3A_512 = vector.shape_cast %mul3A_508 : vector<16xi32> to vector<16xi32>
      tpu.vector_store %arg5[%swap3A_509], %swap3A_512 {strides = array<i32>} : memref<25600xi32, #tpu.memory_space<vmem>>, vector<16xi32>,
    }
    %scan3A_7 = arith.constant 1600 : i32
    %dma_start3A = arith.constant 0 : i32
    %dma_start3A_8 = arith.constant 0 : i32
    %dma_start3A_9 = arith.constant 0 : i32
    %dma_start3A_10 = tpu.memref_slice %arg6[%dma_start3A, %dma_start3A_8, %dma_start3A_9] : memref<4x128x64xf32, #tpu.memory_space<vmem>> -> memref<1x128x64xf32, #tpu.memory_space<vmem>>
    %dma_start3A_11 = tpu.memref_squeeze %dma_start3A_10 : memref<1x128x64xf32, #tpu.memory_space<vmem>> -> memref<128x64xf32, #tpu.memory_space<vmem>>
    %dma_start3A_12 = arith.constant 0 : i32
    %dma_start3A_13 = tpu.memref_slice %arg5[%dma_start3A_12] : memref<25600xi32, #tpu.memory_space<vmem>> -> memref<128xi32, #tpu.memory_space<vmem>>
    %dma_start3A_14 = arith.constant 0 : i32
    %dma_start3A_15 = arith.constant 0 : i32
    %dma_start3A_16 = tpu.memref_slice %arg3[%dma_start3A_14, %dma_start3A_15] : memref<2000000x64xf32, #tpu.memory_space<hbm>> -> memref<2000000x64xf32, #tpu.memory_space<hbm>>
    tpu.enqueue_indirect_dma source(%dma_start3A_16 : memref<2000000x64xf32, #tpu.memory_space<hbm>>) target(%dma_start3A_11 : memref<128x64xf32, #tpu.memory_space<vmem>>) offsets(%dma_start3A_13 : memref<128xi32, #tpu.memory_space<vmem>>) semaphore(%arg8 : memref<!tpu.dma_semaphore, #tpu.memory_space<semaphore_mem>>)
    %dma_start3A_17 = arith.constant 1 : i32
    %dma_start3A_18 = arith.constant 0 : i32
    %dma_start3A_19 = arith.constant 0 : i32
    %dma_start3A_20 = tpu.memref_slice %arg6[%dma_start3A_17, %dma_start3A_18, %dma_start3A_19] : memref<4x128x64xf32, #tpu.memory_space<vmem>> -> memref<1x128x64xf32, #tpu.memory_space<vmem>>
    %dma_start3A_21 = tpu.memref_squeeze %dma_start3A_20 : memref<1x128x64xf32, #tpu.memory_space<vmem>> -> memref<128x64xf32, #tpu.memory_space<vmem>>
    %dma_start3A_22 = arith.constant 128 : i32
    %dma_start3A_23 = tpu.memref_slice %arg5[%dma_start3A_22] : memref<25600xi32, #tpu.memory_space<vmem>> -> memref<128xi32, #tpu.memory_space<vmem>>
    %dma_start3A_24 = arith.constant 0 : i32
    %dma_start3A_25 = arith.constant 0 : i32
    %dma_start3A_26 = tpu.memref_slice %arg3[%dma_start3A_24, %dma_start3A_25] : memref<2000000x64xf32, #tpu.memory_space<hbm>> -> memref<2000000x64xf32, #tpu.memory_space<hbm>>
    tpu.enqueue_indirect_dma source(%dma_start3A_26 : memref<2000000x64xf32, #tpu.memory_space<hbm>>) target(%dma_start3A_21 : memref<128x64xf32, #tpu.memory_space<vmem>>) offsets(%dma_start3A_23 : memref<128xi32, #tpu.memory_space<vmem>>) semaphore(%arg9 : memref<!tpu.dma_semaphore, #tpu.memory_space<semaphore_mem>>)
    %dma_start3A_27 = arith.constant 2 : i32
    %dma_start3A_28 = arith.constant 0 : i32
    %dma_start3A_29 = arith.constant 0 : i32
    %dma_start3A_30 = tpu.memref_slice %arg6[%dma_start3A_27, %dma_start3A_28, %dma_start3A_29] : memref<4x128x64xf32, #tpu.memory_space<vmem>> -> memref<1x128x64xf32, #tpu.memory_space<vmem>>
    %dma_start3A_31 = tpu.memref_squeeze %dma_start3A_30 : memref<1x128x64xf32, #tpu.memory_space<vmem>> -> memref<128x64xf32, #tpu.memory_space<vmem>>
    %dma_start3A_32 = arith.constant 256 : i32
    %dma_start3A_33 = tpu.memref_slice %arg5[%dma_start3A_32] : memref<25600xi32, #tpu.memory_space<vmem>> -> memref<128xi32, #tpu.memory_space<vmem>>
    %dma_start3A_34 = arith.constant 0 : i32
    %dma_start3A_35 = arith.constant 0 : i32
    %dma_start3A_36 = tpu.memref_slice %arg3[%dma_start3A_34, %dma_start3A_35] : memref<2000000x64xf32, #tpu.memory_space<hbm>> -> memref<2000000x64xf32, #tpu.memory_space<hbm>>
    tpu.enqueue_indirect_dma source(%dma_start3A_36 : memref<2000000x64xf32, #tpu.memory_space<hbm>>) target(%dma_start3A_31 : memref<128x64xf32, #tpu.memory_space<vmem>>) offsets(%dma_start3A_33 : memref<128xi32, #tpu.memory_space<vmem>>) semaphore(%arg10 : memref<!tpu.dma_semaphore, #tpu.memory_space<semaphore_mem>>)
    %dma_start3A_37 = arith.constant 3 : i32
    %dma_start3A_38 = arith.constant 0 : i32
    %dma_start3A_39 = arith.constant 0 : i32
    %dma_start3A_40 = tpu.memref_slice %arg6[%dma_start3A_37, %dma_start3A_38, %dma_start3A_39] : memref<4x128x64xf32, #tpu.memory_space<vmem>> -> memref<1x128x64xf32, #tpu.memory_space<vmem>>
    %dma_start3A_41 = tpu.memref_squeeze %dma_start3A_40 : memref<1x128x64xf32, #tpu.memory_space<vmem>> -> memref<128x64xf32, #tpu.memory_space<vmem>>
    %dma_start3A_42 = arith.constant 384 : i32
    %dma_start3A_43 = tpu.memref_slice %arg5[%dma_start3A_42] : memref<25600xi32, #tpu.memory_space<vmem>> -> memref<128xi32, #tpu.memory_space<vmem>>
    %dma_start3A_44 = arith.constant 0 : i32
    %dma_start3A_45 = arith.constant 0 : i32
    %dma_start3A_46 = tpu.memref_slice %arg3[%dma_start3A_44, %dma_start3A_45] : memref<2000000x64xf32, #tpu.memory_space<hbm>> -> memref<2000000x64xf32, #tpu.memory_space<hbm>>
    tpu.enqueue_indirect_dma source(%dma_start3A_46 : memref<2000000x64xf32, #tpu.memory_space<hbm>>) target(%dma_start3A_41 : memref<128x64xf32, #tpu.memory_space<vmem>>) offsets(%dma_start3A_43 : memref<128xi32, #tpu.memory_space<vmem>>) semaphore(%arg11 : memref<!tpu.dma_semaphore, #tpu.memory_space<semaphore_mem>>)
    %dma_wait3A = arith.constant 0 : i32
    %dma_wait3A_47 = arith.constant 0 : i32
    %dma_wait3A_48 = arith.constant 0 : i32
    %dma_wait3A_49 = tpu.memref_slice %arg6[%dma_wait3A, %dma_wait3A_47, %dma_wait3A_48] : memref<4x128x64xf32, #tpu.memory_space<vmem>> -> memref<1x128x64xf32, #tpu.memory_space<vmem>>
    %dma_wait3A_50 = tpu.memref_squeeze %dma_wait3A_49 : memref<1x128x64xf32, #tpu.memory_space<vmem>> -> memref<128x64xf32, #tpu.memory_space<vmem>>
    %dma_wait3A_51 = arith.constant 0 : i32
    %dma_wait3A_52 = tpu.memref_slice %arg5[%dma_wait3A_51] : memref<25600xi32, #tpu.memory_space<vmem>> -> memref<128xi32, #tpu.memory_space<vmem>>
    %dma_wait3A_53 = arith.constant 0 : i32
    %dma_wait3A_54 = arith.constant 0 : i32
    %dma_wait3A_55 = tpu.memref_slice %arg3[%dma_wait3A_53, %dma_wait3A_54] : memref<2000000x64xf32, #tpu.memory_space<hbm>> -> memref<2000000x64xf32, #tpu.memory_space<hbm>>
    tpu.wait_indirect_dma semaphore(%arg8 : memref<!tpu.dma_semaphore, #tpu.memory_space<semaphore_mem>>) src(%dma_wait3A_55 : memref<2000000x64xf32, #tpu.memory_space<hbm>>) dst(%dma_wait3A_50 : memref<128x64xf32, #tpu.memory_space<vmem>>)
    %scan3A_56 = arith.constant 0 : i32
    %scan3A_57 = arith.constant 0 : i32
    %scan3A_58 = arith.constant 64 : i32
    %scan3A_59 = arith.addi %scan3A_57, %scan3A_58 : i32
    %scan3A_60 = arith.constant 2 : i32
    scf.for %scan3A_460 = %scan3A_57 to %scan3A_59 step %scan3A_60  : i32 {
      %mul3A_461 = arith.constant 2 : i32
      %mul3A_462 = arith.muli %mul3A_461, %scan3A_460 : i32
      %add3A_463 = arith.constant 0 : i32
      %add3A_464 = arith.addi %mul3A_462, %add3A_463 : i32
      %get3A = arith.constant 0 : i32
      %get3A_465 = arith.index_cast %get3A : i32 to index
      %get3A_466 = arith.index_cast %add3A_464 : i32 to index
      %get3A_467 = arith.constant 0 : index
      %get3A_468 = tpu.vector_load %arg6[%get3A_465, %get3A_466, %get3A_467] {strides = array<i32>} : memref<4x128x64xf32, #tpu.memory_space<vmem>>, vector<1x1x16xf32>,
      %get3A_469 = vector.shape_cast %get3A_468 : vector<1x1x16xf32> to vector<16xf32>
      %mul3A_470 = arith.constant 8.000000e+00 : f32
      %mul3A_471 = vector.broadcast %mul3A_470 : f32 to vector<16xf32>
      %mul3A_472 = arith.mulf %get3A_469, %mul3A_471 : vector<16xf32>
      %add3A_473 = arith.constant 0 : i32
      %add3A_474 = arith.addi %mul3A_462, %add3A_473 : i32
      %swap3A = arith.constant 0 : i32
      %swap3A_475 = arith.index_cast %swap3A : i32 to index
      %swap3A_476 = arith.index_cast %add3A_474 : i32 to index
      %swap3A_477 = arith.constant 0 : index
      %swap3A_478 = tpu.vector_load %arg7[%swap3A_475, %swap3A_476, %swap3A_477] {strides = array<i32>} : memref<4x128x64xf32, #tpu.memory_space<vmem>>, vector<1x1x16xf32>,
      %swap3A_479 = vector.shape_cast %swap3A_478 : vector<1x1x16xf32> to vector<16xf32>
      %swap3A_480 = vector.shape_cast %mul3A_472 : vector<16xf32> to vector<1x1x16xf32>
      tpu.vector_store %arg7[%swap3A_475, %swap3A_476, %swap3A_477], %swap3A_480 {strides = array<i32>} : memref<4x128x64xf32, #tpu.memory_space<vmem>>, vector<1x1x16xf32>,
      %add3A_481 = arith.constant 0 : i32
      %add3A_482 = arith.addi %mul3A_462, %add3A_481 : i32
      %get3A_483 = arith.constant 0 : i32
      %get3A_484 = arith.index_cast %get3A_483 : i32 to index
      %get3A_485 = arith.index_cast %add3A_482 : i32 to index
      %get3A_486 = arith.constant 16 : index
      %get3A_487 = tpu.vector_load %arg6[%get3A_484, %get3A_485, %get3A_486] {strides = array<i32>} : memref<4x128x64xf32, #tpu.memory_space<vmem>>, vector<1x1x16xf32>,
      %get3A_488 = vector.shape_cast %get3A_487 : vector<1x1x16xf32> to vector<16xf32>
      %mul3A_489 = arith.constant 8.000000e+00 : f32
      %mul3A_490 = vector.broadcast %mul3A_489 : f32 to vector<16xf32>
      %mul3A_491 = arith.mulf %get3A_488, %mul3A_490 : vector<16xf32>
      %add3A_492 = arith.constant 0 : i32
      %add3A_493 = arith.addi %mul3A_462, %add3A_492 : i32
      %swap3A_494 = arith.constant 0 : i32
      %swap3A_495 = arith.index_cast %swap3A_494 : i32 to index
      %swap3A_496 = arith.index_cast %add3A_493 : i32 to index
      %swap3A_497 = arith.constant 16 : index
      %swap3A_498 = tpu.vector_load %arg7[%swap3A_495, %swap3A_496, %swap3A_497] {strides = array<i32>} : memref<4x128x64xf32, #tpu.memory_space<vmem>>, vector<1x1x16xf32>,
      %swap3A_499 = vector.shape_cast %swap3A_498 : vector<1x1x16xf32> to vector<16xf32>
      %swap3A_500 = vector.shape_cast %mul3A_491 : vector<16xf32> to vector<1x1x16xf32>
      tpu.vector_store %arg7[%swap3A_495, %swap3A_496, %swap3A_497], %swap3A_500 {strides = array<i32>} : memref<4x128x64xf32, #tpu.memory_space<vmem>>, vector<1x1x16xf32>,
      %add3A_501 = arith.constant 0 : i32
      %add3A_502 = arith.addi %mul3A_462, %add3A_501 : i32
      %get3A_503 = arith.constant 0 : i32
      %get3A_504 = arith.index_cast %get3A_503 : i32 to index
      %get3A_505 = arith.index_cast %add3A_502 : i32 to index
      %get3A_506 = arith.constant 32 : index
      %get3A_507 = tpu.vector_load %arg6[%get3A_504, %get3A_505, %get3A_506] {strides = array<i32>} : memref<4x128x64xf32, #tpu.memory_space<vmem>>, vector<1x1x16xf32>,
      %get3A_508 = vector.shape_cast %get3A_507 : vector<1x1x16xf32> to vector<16xf32>
      %mul3A_509 = arith.constant 8.000000e+00 : f32
      %mul3A_510 = vector.broadcast %mul3A_509 : f32 to vector<16xf32>
      %mul3A_511 = arith.mulf %get3A_508, %mul3A_510 : vector<16xf32>
      %add3A_512 = arith.constant 0 : i32
      %add3A_513 = arith.addi %mul3A_462, %add3A_512 : i32
      %swap3A_514 = arith.constant 0 : i32
      %swap3A_515 = arith.index_cast %swap3A_514 : i32 to index
      %swap3A_516 = arith.index_cast %add3A_513 : i32 to index
      %swap3A_517 = arith.constant 32 : index
      %swap3A_518 = tpu.vector_load %arg7[%swap3A_515, %swap3A_516, %swap3A_517] {strides = array<i32>} : memref<4x128x64xf32, #tpu.memory_space<vmem>>, vector<1x1x16xf32>,
      %swap3A_519 = vector.shape_cast %swap3A_518 : vector<1x1x16xf32> to vector<16xf32>
      %swap3A_520 = vector.shape_cast %mul3A_511 : vector<16xf32> to vector<1x1x16xf32>
      tpu.vector_store %arg7[%swap3A_515, %swap3A_516, %swap3A_517], %swap3A_520 {strides = array<i32>} : memref<4x128x64xf32, #tpu.memory_space<vmem>>, vector<1x1x16xf32>,
      %add3A_521 = arith.constant 0 : i32
      %add3A_522 = arith.addi %mul3A_462, %add3A_521 : i32
      %get3A_523 = arith.constant 0 : i32
      %get3A_524 = arith.index_cast %get3A_523 : i32 to index
      %get3A_525 = arith.index_cast %add3A_522 : i32 to index
      %get3A_526 = arith.constant 48 : index
      %get3A_527 = tpu.vector_load %arg6[%get3A_524, %get3A_525, %get3A_526] {strides = array<i32>} : memref<4x128x64xf32, #tpu.memory_space<vmem>>, vector<1x1x16xf32>,
      %get3A_528 = vector.shape_cast %get3A_527 : vector<1x1x16xf32> to vector<16xf32>
      %mul3A_529 = arith.constant 8.000000e+00 : f32
      %mul3A_530 = vector.broadcast %mul3A_529 : f32 to vector<16xf32>
      %mul3A_531 = arith.mulf %get3A_528, %mul3A_530 : vector<16xf32>
      %add3A_532 = arith.constant 0 : i32
      %add3A_533 = arith.addi %mul3A_462, %add3A_532 : i32
      %swap3A_534 = arith.constant 0 : i32
      %swap3A_535 = arith.index_cast %swap3A_534 : i32 to index
      %swap3A_536 = arith.index_cast %add3A_533 : i32 to index
      %swap3A_537 = arith.constant 48 : index
      %swap3A_538 = tpu.vector_load %arg7[%swap3A_535, %swap3A_536, %swap3A_537] {strides = array<i32>} : memref<4x128x64xf32, #tpu.memory_space<vmem>>, vector<1x1x16xf32>,
      %swap3A_539 = vector.shape_cast %swap3A_538 : vector<1x1x16xf32> to vector<16xf32>
      %swap3A_540 = vector.shape_cast %mul3A_531 : vector<16xf32> to vector<1x1x16xf32>
      tpu.vector_store %arg7[%swap3A_535, %swap3A_536, %swap3A_537], %swap3A_540 {strides = array<i32>} : memref<4x128x64xf32, #tpu.memory_space<vmem>>, vector<1x1x16xf32>,
      %add3A_541 = arith.constant 1 : i32
      %add3A_542 = arith.addi %mul3A_462, %add3A_541 : i32
      %get3A_543 = arith.constant 0 : i32
      %get3A_544 = arith.index_cast %get3A_543 : i32 to index
      %get3A_545 = arith.index_cast %add3A_542 : i32 to index
      %get3A_546 = arith.constant 0 : index
      %get3A_547 = tpu.vector_load %arg6[%get3A_544, %get3A_545, %get3A_546] {strides = array<i32>} : memref<4x128x64xf32, #tpu.memory_space<vmem>>, vector<1x1x16xf32>,
      %get3A_548 = vector.shape_cast %get3A_547 : vector<1x1x16xf32> to vector<16xf32>
      %mul3A_549 = arith.constant 8.000000e+00 : f32
      %mul3A_550 = vector.broadcast %mul3A_549 : f32 to vector<16xf32>
      %mul3A_551 = arith.mulf %get3A_548, %mul3A_550 : vector<16xf32>
      %add3A_552 = arith.constant 1 : i32
      %add3A_553 = arith.addi %mul3A_462, %add3A_552 : i32
      %swap3A_554 = arith.constant 0 : i32
      %swap3A_555 = arith.index_cast %swap3A_554 : i32 to index
      %swap3A_556 = arith.index_cast %add3A_553 : i32 to index
      %swap3A_557 = arith.constant 0 : index
      %swap3A_558 = tpu.vector_load %arg7[%swap3A_555, %swap3A_556, %swap3A_557] {strides = array<i32>} : memref<4x128x64xf32, #tpu.memory_space<vmem>>, vector<1x1x16xf32>,
      %swap3A_559 = vector.shape_cast %swap3A_558 : vector<1x1x16xf32> to vector<16xf32>
      %swap3A_560 = vector.shape_cast %mul3A_551 : vector<16xf32> to vector<1x1x16xf32>
      tpu.vector_store %arg7[%swap3A_555, %swap3A_556, %swap3A_557], %swap3A_560 {strides = array<i32>} : memref<4x128x64xf32, #tpu.memory_space<vmem>>, vector<1x1x16xf32>,
      %add3A_561 = arith.constant 1 : i32
      %add3A_562 = arith.addi %mul3A_462, %add3A_561 : i32
      %get3A_563 = arith.constant 0 : i32
      %get3A_564 = arith.index_cast %get3A_563 : i32 to index
      %get3A_565 = arith.index_cast %add3A_562 : i32 to index
      %get3A_566 = arith.constant 16 : index
      %get3A_567 = tpu.vector_load %arg6[%get3A_564, %get3A_565, %get3A_566] {strides = array<i32>} : memref<4x128x64xf32, #tpu.memory_space<vmem>>, vector<1x1x16xf32>,
      %get3A_568 = vector.shape_cast %get3A_567 : vector<1x1x16xf32> to vector<16xf32>
      %mul3A_569 = arith.constant 8.000000e+00 : f32
      %mul3A_570 = vector.broadcast %mul3A_569 : f32 to vector<16xf32>
      %mul3A_571 = arith.mulf %get3A_568, %mul3A_570 : vector<16xf32>
      %add3A_572 = arith.constant 1 : i32
      %add3A_573 = arith.addi %mul3A_462, %add3A_572 : i32
      %swap3A_574 = arith.constant 0 : i32
      %swap3A_575 = arith.index_cast %swap3A_574 : i32 to index
      %swap3A_576 = arith.index_cast %add3A_573 : i32 to index
      %swap3A_577 = arith.constant 16 : index
      %swap3A_578 = tpu.vector_load %arg7[%swap3A_575, %swap3A_576, %swap3A_577] {strides = array<i32>} : memref<4x128x64xf32, #tpu.memory_space<vmem>>, vector<1x1x16xf32>,
      %swap3A_579 = vector.shape_cast %swap3A_578 : vector<1x1x16xf32> to vector<16xf32>
      %swap3A_580 = vector.shape_cast %mul3A_571 : vector<16xf32> to vector<1x1x16xf32>
      tpu.vector_store %arg7[%swap3A_575, %swap3A_576, %swap3A_577], %swap3A_580 {strides = array<i32>} : memref<4x128x64xf32, #tpu.memory_space<vmem>>, vector<1x1x16xf32>,
      %add3A_581 = arith.constant 1 : i32
      %add3A_582 = arith.addi %mul3A_462, %add3A_581 : i32
      %get3A_583 = arith.constant 0 : i32
      %get3A_584 = arith.index_cast %get3A_583 : i32 to index
      %get3A_585 = arith.index_cast %add3A_582 : i32 to index
      %get3A_586 = arith.constant 32 : index
      %get3A_587 = tpu.vector_load %arg6[%get3A_584, %get3A_585, %get3A_586] {strides = array<i32>} : memref<4x128x64xf32, #tpu.memory_space<vmem>>, vector<1x1x16xf32>,
      %get3A_588 = vector.shape_cast %get3A_587 : vector<1x1x16xf32> to vector<16xf32>
      %mul3A_589 = arith.constant 8.000000e+00 : f32
      %mul3A_590 = vector.broadcast %mul3A_589 : f32 to vector<16xf32>
      %mul3A_591 = arith.mulf %get3A_588, %mul3A_590 : vector<16xf32>
      %add3A_592 = arith.constant 1 : i32
      %add3A_593 = arith.addi %mul3A_462, %add3A_592 : i32
      %swap3A_594 = arith.constant 0 : i32
      %swap3A_595 = arith.index_cast %swap3A_594 : i32 to index
      %swap3A_596 = arith.index_cast %add3A_593 : i32 to index
      %swap3A_597 = arith.constant 32 : index
      %swap3A_598 = tpu.vector_load %arg7[%swap3A_595, %swap3A_596, %swap3A_597] {strides = array<i32>} : memref<4x128x64xf32, #tpu.memory_space<vmem>>, vector<1x1x16xf32>,
      %swap3A_599 = vector.shape_cast %swap3A_598 : vector<1x1x16xf32> to vector<16xf32>
      %swap3A_600 = vector.shape_cast %mul3A_591 : vector<16xf32> to vector<1x1x16xf32>
      tpu.vector_store %arg7[%swap3A_595, %swap3A_596, %swap3A_597], %swap3A_600 {strides = array<i32>} : memref<4x128x64xf32, #tpu.memory_space<vmem>>, vector<1x1x16xf32>,
      %add3A_601 = arith.constant 1 : i32
      %add3A_602 = arith.addi %mul3A_462, %add3A_601 : i32
      %get3A_603 = arith.constant 0 : i32
      %get3A_604 = arith.index_cast %get3A_603 : i32 to index
      %get3A_605 = arith.index_cast %add3A_602 : i32 to index
      %get3A_606 = arith.constant 48 : index
      %get3A_607 = tpu.vector_load %arg6[%get3A_604, %get3A_605, %get3A_606] {strides = array<i32>} : memref<4x128x64xf32, #tpu.memory_space<vmem>>, vector<1x1x16xf32>,
      %get3A_608 = vector.shape_cast %get3A_607 : vector<1x1x16xf32> to vector<16xf32>
      %mul3A_609 = arith.constant 8.000000e+00 : f32
      %mul3A_610 = vector.broadcast %mul3A_609 : f32 to vector<16xf32>
      %mul3A_611 = arith.mulf %get3A_608, %mul3A_610 : vector<16xf32>
      %add3A_612 = arith.constant 1 : i32
      %add3A_613 = arith.addi %mul3A_462, %add3A_612 : i32
      %swap3A_614 = arith.constant 0 : i32
      %swap3A_615 = arith.index_cast %swap3A_614 : i32 to index
      %swap3A_616 = arith.index_cast %add3A_613 : i32 to index
      %swap3A_617 = arith.constant 48 : index
      %swap3A_618 = tpu.vector_load %arg7[%swap3A_615, %swap3A_616, %swap3A_617] {strides = array<i32>} : memref<4x128x64xf32, #tpu.memory_space<vmem>>, vector<1x1x16xf32>,
      %swap3A_619 = vector.shape_cast %swap3A_618 : vector<1x1x16xf32> to vector<16xf32>
      %swap3A_620 = vector.shape_cast %mul3A_611 : vector<16xf32> to vector<1x1x16xf32>
      tpu.vector_store %arg7[%swap3A_615, %swap3A_616, %swap3A_617], %swap3A_620 {strides = array<i32>} : memref<4x128x64xf32, #tpu.memory_space<vmem>>, vector<1x1x16xf32>,
      %scan3A_621 = arith.constant 1 : i32
      %scan3A_622 = arith.addi %scan3A_460, %scan3A_621 : i32
      %mul3A_623 = arith.constant 2 : i32
      %mul3A_624 = arith.muli %mul3A_623, %scan3A_622 : i32
      %add3A_625 = arith.constant 0 : i32
      %add3A_626 = arith.addi %mul3A_624, %add3A_625 : i32
      %get3A_627 = arith.constant 0 : i32
      %get3A_628 = arith.index_cast %get3A_627 : i32 to index
      %get3A_629 = arith.index_cast %add3A_626 : i32 to index
      %get3A_630 = arith.constant 0 : index
      %get3A_631 = tpu.vector_load %arg6[%get3A_628, %get3A_629, %get3A_630] {strides = array<i32>} : memref<4x128x64xf32, #tpu.memory_space<vmem>>, vector<1x1x16xf32>,
      %get3A_632 = vector.shape_cast %get3A_631 : vector<1x1x16xf32> to vector<16xf32>
      %mul3A_633 = arith.constant 8.000000e+00 : f32
      %mul3A_634 = vector.broadcast %mul3A_633 : f32 to vector<16xf32>
      %mul3A_635 = arith.mulf %get3A_632, %mul3A_634 : vector<16xf32>
      %add3A_636 = arith.constant 0 : i32
      %add3A_637 = arith.addi %mul3A_624, %add3A_636 : i32
      %swap3A_638 = arith.constant 0 : i32
      %swap3A_639 = arith.index_cast %swap3A_638 : i32 to index
      %swap3A_640 = arith.index_cast %add3A_637 : i32 to index
      %swap3A_641 = arith.constant 0 : index
      %swap3A_642 = tpu.vector_load %arg7[%swap3A_639, %swap3A_640, %swap3A_641] {strides = array<i32>} : memref<4x128x64xf32, #tpu.memory_space<vmem>>, vector<1x1x16xf32>,
      %swap3A_643 = vector.shape_cast %swap3A_642 : vector<1x1x16xf32> to vector<16xf32>
      %swap3A_644 = vector.shape_cast %mul3A_635 : vector<16xf32> to vector<1x1x16xf32>
      tpu.vector_store %arg7[%swap3A_639, %swap3A_640, %swap3A_641], %swap3A_644 {strides = array<i32>} : memref<4x128x64xf32, #tpu.memory_space<vmem>>, vector<1x1x16xf32>,
      %add3A_645 = arith.constant 0 : i32
      %add3A_646 = arith.addi %mul3A_624, %add3A_645 : i32
      %get3A_647 = arith.constant 0 : i32
      %get3A_648 = arith.index_cast %get3A_647 : i32 to index
      %get3A_649 = arith.index_cast %add3A_646 : i32 to index
      %get3A_650 = arith.constant 16 : index
      %get3A_651 = tpu.vector_load %arg6[%get3A_648, %get3A_649, %get3A_650] {strides = array<i32>} : memref<4x128x64xf32, #tpu.memory_space<vmem>>, vector<1x1x16xf32>,
      %get3A_652 = vector.shape_cast %get3A_651 : vector<1x1x16xf32> to vector<16xf32>
      %mul3A_653 = arith.constant 8.000000e+00 : f32
      %mul3A_654 = vector.broadcast %mul3A_653 : f32 to vector<16xf32>
      %mul3A_655 = arith.mulf %get3A_652, %mul3A_654 : vector<16xf32>
      %add3A_656 = arith.constant 0 : i32
      %add3A_657 = arith.addi %mul3A_624, %add3A_656 : i32
      %swap3A_658 = arith.constant 0 : i32
      %swap3A_659 = arith.index_cast %swap3A_658 : i32 to index
      %swap3A_660 = arith.index_cast %add3A_657 : i32 to index
      %swap3A_661 = arith.constant 16 : index
      %swap3A_662 = tpu.vector_load %arg7[%swap3A_659, %swap3A_660, %swap3A_661] {strides = array<i32>} : memref<4x128x64xf32, #tpu.memory_space<vmem>>, vector<1x1x16xf32>,
      %swap3A_663 = vector.shape_cast %swap3A_662 : vector<1x1x16xf32> to vector<16xf32>
      %swap3A_664 = vector.shape_cast %mul3A_655 : vector<16xf32> to vector<1x1x16xf32>
      tpu.vector_store %arg7[%swap3A_659, %swap3A_660, %swap3A_661], %swap3A_664 {strides = array<i32>} : memref<4x128x64xf32, #tpu.memory_space<vmem>>, vector<1x1x16xf32>,
      %add3A_665 = arith.constant 0 : i32
      %add3A_666 = arith.addi %mul3A_624, %add3A_665 : i32
      %get3A_667 = arith.constant 0 : i32
      %get3A_668 = arith.index_cast %get3A_667 : i32 to index
      %get3A_669 = arith.index_cast %add3A_666 : i32 to index
      %get3A_670 = arith.constant 32 : index
      %get3A_671 = tpu.vector_load %arg6[%get3A_668, %get3A_669, %get3A_670] {strides = array<i32>} : memref<4x128x64xf32, #tpu.memory_space<vmem>>, vector<1x1x16xf32>,
      %get3A_672 = vector.shape_cast %get3A_671 : vector<1x1x16xf32> to vector<16xf32>
      %mul3A_673 = arith.constant 8.000000e+00 : f32
      %mul3A_674 = vector.broadcast %mul3A_673 : f32 to vector<16xf32>
      %mul3A_675 = arith.mulf %get3A_672, %mul3A_674 : vector<16xf32>
      %add3A_676 = arith.constant 0 : i32
      %add3A_677 = arith.addi %mul3A_624, %add3A_676 : i32
      %swap3A_678 = arith.constant 0 : i32
      %swap3A_679 = arith.index_cast %swap3A_678 : i32 to index
      %swap3A_680 = arith.index_cast %add3A_677 : i32 to index
      %swap3A_681 = arith.constant 32 : index
      %swap3A_682 = tpu.vector_load %arg7[%swap3A_679, %swap3A_680, %swap3A_681] {strides = array<i32>} : memref<4x128x64xf32, #tpu.memory_space<vmem>>, vector<1x1x16xf32>,
      %swap3A_683 = vector.shape_cast %swap3A_682 : vector<1x1x16xf32> to vector<16xf32>
      %swap3A_684 = vector.shape_cast %mul3A_675 : vector<16xf32> to vector<1x1x16xf32>
      tpu.vector_store %arg7[%swap3A_679, %swap3A_680, %swap3A_681], %swap3A_684 {strides = array<i32>} : memref<4x128x64xf32, #tpu.memory_space<vmem>>, vector<1x1x16xf32>,
      %add3A_685 = arith.constant 0 : i32
      %add3A_686 = arith.addi %mul3A_624, %add3A_685 : i32
      %get3A_687 = arith.constant 0 : i32
      %get3A_688 = arith.index_cast %get3A_687 : i32 to index
      %get3A_689 = arith.index_cast %add3A_686 : i32 to index
      %get3A_690 = arith.constant 48 : index
      %get3A_691 = tpu.vector_load %arg6[%get3A_688, %get3A_689, %get3A_690] {strides = array<i32>} : memref<4x128x64xf32, #tpu.memory_space<vmem>>, vector<1x1x16xf32>,
      %get3A_692 = vector.shape_cast %get3A_691 : vector<1x1x16xf32> to vector<16xf32>
      %mul3A_693 = arith.constant 8.000000e+00 : f32
      %mul3A_694 = vector.broadcast %mul3A_693 : f32 to vector<16xf32>
      %mul3A_695 = arith.mulf %get3A_692, %mul3A_694 : vector<16xf32>
      %add3A_696 = arith.constant 0 : i32
      %add3A_697 = arith.addi %mul3A_624, %add3A_696 : i32
      %swap3A_698 = arith.constant 0 : i32
      %swap3A_699 = arith.index_cast %swap3A_698 : i32 to index
      %swap3A_700 = arith.index_cast %add3A_697 : i32 to index
      %swap3A_701 = arith.constant 48 : index
      %swap3A_702 = tpu.vector_load %arg7[%swap3A_699, %swap3A_700, %swap3A_701] {strides = array<i32>} : memref<4x128x64xf32, #tpu.memory_space<vmem>>, vector<1x1x16xf32>,
      %swap3A_703 = vector.shape_cast %swap3A_702 : vector<1x1x16xf32> to vector<16xf32>
      %swap3A_704 = vector.shape_cast %mul3A_695 : vector<16xf32> to vector<1x1x16xf32>
      tpu.vector_store %arg7[%swap3A_699, %swap3A_700, %swap3A_701], %swap3A_704 {strides = array<i32>} : memref<4x128x64xf32, #tpu.memory_space<vmem>>, vector<1x1x16xf32>,
      %add3A_705 = arith.constant 1 : i32
      %add3A_706 = arith.addi %mul3A_624, %add3A_705 : i32
      %get3A_707 = arith.constant 0 : i32
      %get3A_708 = arith.index_cast %get3A_707 : i32 to index
      %get3A_709 = arith.index_cast %add3A_706 : i32 to index
      %get3A_710 = arith.constant 0 : index
      %get3A_711 = tpu.vector_load %arg6[%get3A_708, %get3A_709, %get3A_710] {strides = array<i32>} : memref<4x128x64xf32, #tpu.memory_space<vmem>>, vector<1x1x16xf32>,
      %get3A_712 = vector.shape_cast %get3A_711 : vector<1x1x16xf32> to vector<16xf32>
      %mul3A_713 = arith.constant 8.000000e+00 : f32
      %mul3A_714 = vector.broadcast %mul3A_713 : f32 to vector<16xf32>
      %mul3A_715 = arith.mulf %get3A_712, %mul3A_714 : vector<16xf32>
      %add3A_716 = arith.constant 1 : i32
      %add3A_717 = arith.addi %mul3A_624, %add3A_716 : i32
      %swap3A_718 = arith.constant 0 : i32
      %swap3A_719 = arith.index_cast %swap3A_718 : i32 to index
      %swap3A_720 = arith.index_cast %add3A_717 : i32 to index
      %swap3A_721 = arith.constant 0 : index
      %swap3A_722 = tpu.vector_load %arg7[%swap3A_719, %swap3A_720, %swap3A_721] {strides = array<i32>} : memref<4x128x64xf32, #tpu.memory_space<vmem>>, vector<1x1x16xf32>,
      %swap3A_723 = vector.shape_cast %swap3A_722 : vector<1x1x16xf32> to vector<16xf32>
      %swap3A_724 = vector.shape_cast %mul3A_715 : vector<16xf32> to vector<1x1x16xf32>
      tpu.vector_store %arg7[%swap3A_719, %swap3A_720, %swap3A_721], %swap3A_724 {strides = array<i32>} : memref<4x128x64xf32, #tpu.memory_space<vmem>>, vector<1x1x16xf32>,
      %add3A_725 = arith.constant 1 : i32
      %add3A_726 = arith.addi %mul3A_624, %add3A_725 : i32
      %get3A_727 = arith.constant 0 : i32
      %get3A_728 = arith.index_cast %get3A_727 : i32 to index
      %get3A_729 = arith.index_cast %add3A_726 : i32 to index
      %get3A_730 = arith.constant 16 : index
      %get3A_731 = tpu.vector_load %arg6[%get3A_728, %get3A_729, %get3A_730] {strides = array<i32>} : memref<4x128x64xf32, #tpu.memory_space<vmem>>, vector<1x1x16xf32>,
      %get3A_732 = vector.shape_cast %get3A_731 : vector<1x1x16xf32> to vector<16xf32>
      %mul3A_733 = arith.constant 8.000000e+00 : f32
      %mul3A_734 = vector.broadcast %mul3A_733 : f32 to vector<16xf32>
      %mul3A_735 = arith.mulf %get3A_732, %mul3A_734 : vector<16xf32>
      %add3A_736 = arith.constant 1 : i32
      %add3A_737 = arith.addi %mul3A_624, %add3A_736 : i32
      %swap3A_738 = arith.constant 0 : i32
      %swap3A_739 = arith.index_cast %swap3A_738 : i32 to index
      %swap3A_740 = arith.index_cast %add3A_737 : i32 to index
      %swap3A_741 = arith.constant 16 : index
      %swap3A_742 = tpu.vector_load %arg7[%swap3A_739, %swap3A_740, %swap3A_741] {strides = array<i32>} : memref<4x128x64xf32, #tpu.memory_space<vmem>>, vector<1x1x16xf32>,
      %swap3A_743 = vector.shape_cast %swap3A_742 : vector<1x1x16xf32> to vector<16xf32>
      %swap3A_744 = vector.shape_cast %mul3A_735 : vector<16xf32> to vector<1x1x16xf32>
      tpu.vector_store %arg7[%swap3A_739, %swap3A_740, %swap3A_741], %swap3A_744 {strides = array<i32>} : memref<4x128x64xf32, #tpu.memory_space<vmem>>, vector<1x1x16xf32>,
      %add3A_745 = arith.constant 1 : i32
      %add3A_746 = arith.addi %mul3A_624, %add3A_745 : i32
      %get3A_747 = arith.constant 0 : i32
      %get3A_748 = arith.index_cast %get3A_747 : i32 to index
      %get3A_749 = arith.index_cast %add3A_746 : i32 to index
      %get3A_750 = arith.constant 32 : index
      %get3A_751 = tpu.vector_load %arg6[%get3A_748, %get3A_749, %get3A_750] {strides = array<i32>} : memref<4x128x64xf32, #tpu.memory_space<vmem>>, vector<1x1x16xf32>,
      %get3A_752 = vector.shape_cast %get3A_751 : vector<1x1x16xf32> to vector<16xf32>
      %mul3A_753 = arith.constant 8.000000e+00 : f32
      %mul3A_754 = vector.broadcast %mul3A_753 : f32 to vector<16xf32>
      %mul3A_755 = arith.mulf %get3A_752, %mul3A_754 : vector<16xf32>
      %add3A_756 = arith.constant 1 : i32
      %add3A_757 = arith.addi %mul3A_624, %add3A_756 : i32
      %swap3A_758 = arith.constant 0 : i32
      %swap3A_759 = arith.index_cast %swap3A_758 : i32 to index
      %swap3A_760 = arith.index_cast %add3A_757 : i32 to index
      %swap3A_761 = arith.constant 32 : index
      %swap3A_762 = tpu.vector_load %arg7[%swap3A_759, %swap3A_760, %swap3A_761] {strides = array<i32>} : memref<4x128x64xf32, #tpu.memory_space<vmem>>, vector<1x1x16xf32>,
      %swap3A_763 = vector.shape_cast %swap3A_762 : vector<1x1x16xf32> to vector<16xf32>
      %swap3A_764 = vector.shape_cast %mul3A_755 : vector<16xf32> to vector<1x1x16xf32>
      tpu.vector_store %arg7[%swap3A_759, %swap3A_760, %swap3A_761], %swap3A_764 {strides = array<i32>} : memref<4x128x64xf32, #tpu.memory_space<vmem>>, vector<1x1x16xf32>,
      %add3A_765 = arith.constant 1 : i32
      %add3A_766 = arith.addi %mul3A_624, %add3A_765 : i32
      %get3A_767 = arith.constant 0 : i32
      %get3A_768 = arith.index_cast %get3A_767 : i32 to index
      %get3A_769 = arith.index_cast %add3A_766 : i32 to index
      %get3A_770 = arith.constant 48 : index
      %get3A_771 = tpu.vector_load %arg6[%get3A_768, %get3A_769, %get3A_770] {strides = array<i32>} : memref<4x128x64xf32, #tpu.memory_space<vmem>>, vector<1x1x16xf32>,
      %get3A_772 = vector.shape_cast %get3A_771 : vector<1x1x16xf32> to vector<16xf32>
      %mul3A_773 = arith.constant 8.000000e+00 : f32
      %mul3A_774 = vector.broadcast %mul3A_773 : f32 to vector<16xf32>
      %mul3A_775 = arith.mulf %get3A_772, %mul3A_774 : vector<16xf32>
      %add3A_776 = arith.constant 1 : i32
      %add3A_777 = arith.addi %mul3A_624, %add3A_776 : i32
      %swap3A_778 = arith.constant 0 : i32
      %swap3A_779 = arith.index_cast %swap3A_778 : i32 to index
      %swap3A_780 = arith.index_cast %add3A_777 : i32 to index
      %swap3A_781 = arith.constant 48 : index
      %swap3A_782 = tpu.vector_load %arg7[%swap3A_779, %swap3A_780, %swap3A_781] {strides = array<i32>} : memref<4x128x64xf32, #tpu.memory_space<vmem>>, vector<1x1x16xf32>,
      %swap3A_783 = vector.shape_cast %swap3A_782 : vector<1x1x16xf32> to vector<16xf32>
      %swap3A_784 = vector.shape_cast %mul3A_775 : vector<16xf32> to vector<1x1x16xf32>
      tpu.vector_store %arg7[%swap3A_779, %swap3A_780, %swap3A_781], %swap3A_784 {strides = array<i32>} : memref<4x128x64xf32, #tpu.memory_space<vmem>>, vector<1x1x16xf32>,
    }
    %scan3A_61 = arith.constant 64 : i32
    %add3A_62 = arith.constant 0 : i32
    %add3A_63 = arith.addi %mul3A_2, %add3A_62 : i32
    %dma_start3A_64 = arith.constant 0 : i32
    %dma_start3A_65 = arith.constant 0 : i32
    %dma_start3A_66 = arith.constant 0 : i32
    %dma_start3A_67 = tpu.memref_slice %arg7[%dma_start3A_64, %dma_start3A_65, %dma_start3A_66] : memref<4x128x64xf32, #tpu.memory_space<vmem>> -> memref<1x128x64xf32, #tpu.memory_space<vmem>>
    %dma_start3A_68 = tpu.memref_squeeze %dma_start3A_67 : memref<1x128x64xf32, #tpu.memory_space<vmem>> -> memref<128x64xf32, #tpu.memory_space<vmem>>
    %dma_start3A_69 = arith.constant 0 : i32
    %dma_start3A_70 = tpu.memref_slice %arg4[%add3A_63, %dma_start3A_69] : memref<819200x64xf32, #tpu.memory_space<hbm>> -> memref<128x64xf32, #tpu.memory_space<hbm>>
    %dma_start3A_71 = arith.constant 0 : i32
    %dma_start3A_72 = tpu.memref_slice %arg4[%add3A_63, %dma_start3A_71] : memref<819200x64xf32, #tpu.memory_space<hbm>> -> memref<128x64xf32, #tpu.memory_space<hbm>>
    %dma_start3A_73 = arith.constant 0 : i32
    %dma_start3A_74 = arith.constant 0 : i32
    %dma_start3A_75 = tpu.memref_slice %arg7[%dma_start3A_64, %dma_start3A_73, %dma_start3A_74] : memref<4x128x64xf32, #tpu.memory_space<vmem>> -> memref<1x128x64xf32, #tpu.memory_space<vmem>>
    %dma_start3A_76 = tpu.memref_squeeze %dma_start3A_75 : memref<1x128x64xf32, #tpu.memory_space<vmem>> -> memref<128x64xf32, #tpu.memory_space<vmem>>
    tpu.enqueue_dma source(%dma_start3A_76 : memref<128x64xf32, #tpu.memory_space<vmem>>) target(%dma_start3A_72 : memref<128x64xf32, #tpu.memory_space<hbm>>) target_semaphore(%arg12 : memref<!tpu.dma_semaphore, #tpu.memory_space<semaphore_mem>>)
    %dma_start3A_77 = arith.constant 0 : i32
    %dma_start3A_78 = arith.constant 0 : i32
    %dma_start3A_79 = arith.constant 0 : i32
    %dma_start3A_80 = tpu.memref_slice %arg6[%dma_start3A_77, %dma_start3A_78, %dma_start3A_79] : memref<4x128x64xf32, #tpu.memory_space<vmem>> -> memref<1x128x64xf32, #tpu.memory_space<vmem>>
    %dma_start3A_81 = tpu.memref_squeeze %dma_start3A_80 : memref<1x128x64xf32, #tpu.memory_space<vmem>> -> memref<128x64xf32, #tpu.memory_space<vmem>>
    %dma_start3A_82 = arith.constant 512 : i32
    %dma_start3A_83 = tpu.memref_slice %arg5[%dma_start3A_82] : memref<25600xi32, #tpu.memory_space<vmem>> -> memref<128xi32, #tpu.memory_space<vmem>>
    %dma_start3A_84 = arith.constant 0 : i32
    %dma_start3A_85 = arith.constant 0 : i32
    %dma_start3A_86 = tpu.memref_slice %arg3[%dma_start3A_84, %dma_start3A_85] : memref<2000000x64xf32, #tpu.memory_space<hbm>> -> memref<2000000x64xf32, #tpu.memory_space<hbm>>
    tpu.enqueue_indirect_dma source(%dma_start3A_86 : memref<2000000x64xf32, #tpu.memory_space<hbm>>) target(%dma_start3A_81 : memref<128x64xf32, #tpu.memory_space<vmem>>) offsets(%dma_start3A_83 : memref<128xi32, #tpu.memory_space<vmem>>) semaphore(%arg8 : memref<!tpu.dma_semaphore, #tpu.memory_space<semaphore_mem>>)
    %dma_wait3A_87 = arith.constant 1 : i32
    %dma_wait3A_88 = arith.constant 0 : i32
    %dma_wait3A_89 = arith.constant 0 : i32
    %dma_wait3A_90 = tpu.memref_slice %arg6[%dma_wait3A_87, %dma_wait3A_88, %dma_wait3A_89] : memref<4x128x64xf32, #tpu.memory_space<vmem>> -> memref<1x128x64xf32, #tpu.memory_space<vmem>>
    %dma_wait3A_91 = tpu.memref_squeeze %dma_wait3A_90 : memref<1x128x64xf32, #tpu.memory_space<vmem>> -> memref<128x64xf32, #tpu.memory_space<vmem>>
    %dma_wait3A_92 = arith.constant 0 : i32
    %dma_wait3A_93 = tpu.memref_slice %arg5[%dma_wait3A_92] : memref<25600xi32, #tpu.memory_space<vmem>> -> memref<128xi32, #tpu.memory_space<vmem>>
    %dma_wait3A_94 = arith.constant 0 : i32
    %dma_wait3A_95 = arith.constant 0 : i32
    %dma_wait3A_96 = tpu.memref_slice %arg3[%dma_wait3A_94, %dma_wait3A_95] : memref<2000000x64xf32, #tpu.memory_space<hbm>> -> memref<2000000x64xf32, #tpu.memory_space<hbm>>
    tpu.wait_indirect_dma semaphore(%arg9 : memref<!tpu.dma_semaphore, #tpu.memory_space<semaphore_mem>>) src(%dma_wait3A_96 : memref<2000000x64xf32, #tpu.memory_space<hbm>>) dst(%dma_wait3A_91 : memref<128x64xf32, #tpu.memory_space<vmem>>)
    %scan3A_97 = arith.constant 0 : i32
    %scan3A_98 = arith.constant 0 : i32
    %scan3A_99 = arith.constant 64 : i32
    %scan3A_100 = arith.addi %scan3A_98, %scan3A_99 : i32
    %scan3A_101 = arith.constant 2 : i32
    scf.for %scan3A_460 = %scan3A_98 to %scan3A_100 step %scan3A_101  : i32 {
      %mul3A_461 = arith.constant 2 : i32
      %mul3A_462 = arith.muli %mul3A_461, %scan3A_460 : i32
      %add3A_463 = arith.constant 0 : i32
      %add3A_464 = arith.addi %mul3A_462, %add3A_463 : i32
      %get3A = arith.constant 1 : i32
      %get3A_465 = arith.index_cast %get3A : i32 to index
      %get3A_466 = arith.index_cast %add3A_464 : i32 to index
      %get3A_467 = arith.constant 0 : index
      %get3A_468 = tpu.vector_load %arg6[%get3A_465, %get3A_466, %get3A_467] {strides = array<i32>} : memref<4x128x64xf32, #tpu.memory_space<vmem>>, vector<1x1x16xf32>,
      %get3A_469 = vector.shape_cast %get3A_468 : vector<1x1x16xf32> to vector<16xf32>
      %mul3A_470 = arith.constant 8.000000e+00 : f32
      %mul3A_471 = vector.broadcast %mul3A_470 : f32 to vector<16xf32>
      %mul3A_472 = arith.mulf %get3A_469, %mul3A_471 : vector<16xf32>
      %add3A_473 = arith.constant 0 : i32
      %add3A_474 = arith.addi %mul3A_462, %add3A_473 : i32
      %swap3A = arith.constant 1 : i32
      %swap3A_475 = arith.index_cast %swap3A : i32 to index
      %swap3A_476 = arith.index_cast %add3A_474 : i32 to index
      %swap3A_477 = arith.constant 0 : index
      %swap3A_478 = tpu.vector_load %arg7[%swap3A_475, %swap3A_476, %swap3A_477] {strides = array<i32>} : memref<4x128x64xf32, #tpu.memory_space<vmem>>, vector<1x1x16xf32>,
      %swap3A_479 = vector.shape_cast %swap3A_478 : vector<1x1x16xf32> to vector<16xf32>
      %swap3A_480 = vector.shape_cast %mul3A_472 : vector<16xf32> to vector<1x1x16xf32>
      tpu.vector_store %arg7[%swap3A_475, %swap3A_476, %swap3A_477], %swap3A_480 {strides = array<i32>} : memref<4x128x64xf32, #tpu.memory_space<vmem>>, vector<1x1x16xf32>,
      %add3A_481 = arith.constant 0 : i32
      %add3A_482 = arith.addi %mul3A_462, %add3A_481 : i32
      %get3A_483 = arith.constant 1 : i32
      %get3A_484 = arith.index_cast %get3A_483 : i32 to index
      %get3A_485 = arith.index_cast %add3A_482 : i32 to index
      %get3A_486 = arith.constant 16 : index
      %get3A_487 = tpu.vector_load %arg6[%get3A_484, %get3A_485, %get3A_486] {strides = array<i32>} : memref<4x128x64xf32, #tpu.memory_space<vmem>>, vector<1x1x16xf32>,
      %get3A_488 = vector.shape_cast %get3A_487 : vector<1x1x16xf32> to vector<16xf32>
      %mul3A_489 = arith.constant 8.000000e+00 : f32
      %mul3A_490 = vector.broadcast %mul3A_489 : f32 to vector<16xf32>
      %mul3A_491 = arith.mulf %get3A_488, %mul3A_490 : vector<16xf32>
      %add3A_492 = arith.constant 0 : i32
      %add3A_493 = arith.addi %mul3A_462, %add3A_492 : i32
      %swap3A_494 = arith.constant 1 : i32
      %swap3A_495 = arith.index_cast %swap3A_494 : i32 to index
      %swap3A_496 = arith.index_cast %add3A_493 : i32 to index
      %swap3A_497 = arith.constant 16 : index
      %swap3A_498 = tpu.vector_load %arg7[%swap3A_495, %swap3A_496, %swap3A_497] {strides = array<i32>} : memref<4x128x64xf32, #tpu.memory_space<vmem>>, vector<1x1x16xf32>,
      %swap3A_499 = vector.shape_cast %swap3A_498 : vector<1x1x16xf32> to vector<16xf32>
      %swap3A_500 = vector.shape_cast %mul3A_491 : vector<16xf32> to vector<1x1x16xf32>
      tpu.vector_store %arg7[%swap3A_495, %swap3A_496, %swap3A_497], %swap3A_500 {strides = array<i32>} : memref<4x128x64xf32, #tpu.memory_space<vmem>>, vector<1x1x16xf32>,
      %add3A_501 = arith.constant 0 : i32
      %add3A_502 = arith.addi %mul3A_462, %add3A_501 : i32
      %get3A_503 = arith.constant 1 : i32
      %get3A_504 = arith.index_cast %get3A_503 : i32 to index
      %get3A_505 = arith.index_cast %add3A_502 : i32 to index
      %get3A_506 = arith.constant 32 : index
      %get3A_507 = tpu.vector_load %arg6[%get3A_504, %get3A_505, %get3A_506] {strides = array<i32>} : memref<4x128x64xf32, #tpu.memory_space<vmem>>, vector<1x1x16xf32>,
      %get3A_508 = vector.shape_cast %get3A_507 : vector<1x1x16xf32> to vector<16xf32>
      %mul3A_509 = arith.constant 8.000000e+00 : f32
      %mul3A_510 = vector.broadcast %mul3A_509 : f32 to vector<16xf32>
      %mul3A_511 = arith.mulf %get3A_508, %mul3A_510 : vector<16xf32>
      %add3A_512 = arith.constant 0 : i32
      %add3A_513 = arith.addi %mul3A_462, %add3A_512 : i32
      %swap3A_514 = arith.constant 1 : i32
      %swap3A_515 = arith.index_cast %swap3A_514 : i32 to index
      %swap3A_516 = arith.index_cast %add3A_513 : i32 to index
      %swap3A_517 = arith.constant 32 : index
      %swap3A_518 = tpu.vector_load %arg7[%swap3A_515, %swap3A_516, %swap3A_517] {strides = array<i32>} : memref<4x128x64xf32, #tpu.memory_space<vmem>>, vector<1x1x16xf32>,
      %swap3A_519 = vector.shape_cast %swap3A_518 : vector<1x1x16xf32> to vector<16xf32>
      %swap3A_520 = vector.shape_cast %mul3A_511 : vector<16xf32> to vector<1x1x16xf32>
      tpu.vector_store %arg7[%swap3A_515, %swap3A_516, %swap3A_517], %swap3A_520 {strides = array<i32>} : memref<4x128x64xf32, #tpu.memory_space<vmem>>, vector<1x1x16xf32>,
      %add3A_521 = arith.constant 0 : i32
      %add3A_522 = arith.addi %mul3A_462, %add3A_521 : i32
      %get3A_523 = arith.constant 1 : i32
      %get3A_524 = arith.index_cast %get3A_523 : i32 to index
      %get3A_525 = arith.index_cast %add3A_522 : i32 to index
      %get3A_526 = arith.constant 48 : index
      %get3A_527 = tpu.vector_load %arg6[%get3A_524, %get3A_525, %get3A_526] {strides = array<i32>} : memref<4x128x64xf32, #tpu.memory_space<vmem>>, vector<1x1x16xf32>,
      %get3A_528 = vector.shape_cast %get3A_527 : vector<1x1x16xf32> to vector<16xf32>
      %mul3A_529 = arith.constant 8.000000e+00 : f32
      %mul3A_530 = vector.broadcast %mul3A_529 : f32 to vector<16xf32>
      %mul3A_531 = arith.mulf %get3A_528, %mul3A_530 : vector<16xf32>
      %add3A_532 = arith.constant 0 : i32
      %add3A_533 = arith.addi %mul3A_462, %add3A_532 : i32
      %swap3A_534 = arith.constant 1 : i32
      %swap3A_535 = arith.index_cast %swap3A_534 : i32 to index
      %swap3A_536 = arith.index_cast %add3A_533 : i32 to index
      %swap3A_537 = arith.constant 48 : index
      %swap3A_538 = tpu.vector_load %arg7[%swap3A_535, %swap3A_536, %swap3A_537] {strides = array<i32>} : memref<4x128x64xf32, #tpu.memory_space<vmem>>, vector<1x1x16xf32>,
      %swap3A_539 = vector.shape_cast %swap3A_538 : vector<1x1x16xf32> to vector<16xf32>
      %swap3A_540 = vector.shape_cast %mul3A_531 : vector<16xf32> to vector<1x1x16xf32>
      tpu.vector_store %arg7[%swap3A_535, %swap3A_536, %swap3A_537], %swap3A_540 {strides = array<i32>} : memref<4x128x64xf32, #tpu.memory_space<vmem>>, vector<1x1x16xf32>,
      %add3A_541 = arith.constant 1 : i32
      %add3A_542 = arith.addi %mul3A_462, %add3A_541 : i32
      %get3A_543 = arith.constant 1 : i32
      %get3A_544 = arith.index_cast %get3A_543 : i32 to index
      %get3A_545 = arith.index_cast %add3A_542 : i32 to index
      %get3A_546 = arith.constant 0 : index
      %get3A_547 = tpu.vector_load %arg6[%get3A_544, %get3A_545, %get3A_546] {strides = array<i32>} : memref<4x128x64xf32, #tpu.memory_space<vmem>>, vector<1x1x16xf32>,
      %get3A_548 = vector.shape_cast %get3A_547 : vector<1x1x16xf32> to vector<16xf32>
      %mul3A_549 = arith.constant 8.000000e+00 : f32
      %mul3A_550 = vector.broadcast %mul3A_549 : f32 to vector<16xf32>
      %mul3A_551 = arith.mulf %get3A_548, %mul3A_550 : vector<16xf32>
      %add3A_552 = arith.constant 1 : i32
      %add3A_553 = arith.addi %mul3A_462, %add3A_552 : i32
      %swap3A_554 = arith.constant 1 : i32
      %swap3A_555 = arith.index_cast %swap3A_554 : i32 to index
      %swap3A_556 = arith.index_cast %add3A_553 : i32 to index
      %swap3A_557 = arith.constant 0 : index
      %swap3A_558 = tpu.vector_load %arg7[%swap3A_555, %swap3A_556, %swap3A_557] {strides = array<i32>} : memref<4x128x64xf32, #tpu.memory_space<vmem>>, vector<1x1x16xf32>,
      %swap3A_559 = vector.shape_cast %swap3A_558 : vector<1x1x16xf32> to vector<16xf32>
      %swap3A_560 = vector.shape_cast %mul3A_551 : vector<16xf32> to vector<1x1x16xf32>
      tpu.vector_store %arg7[%swap3A_555, %swap3A_556, %swap3A_557], %swap3A_560 {strides = array<i32>} : memref<4x128x64xf32, #tpu.memory_space<vmem>>, vector<1x1x16xf32>,
      %add3A_561 = arith.constant 1 : i32
      %add3A_562 = arith.addi %mul3A_462, %add3A_561 : i32
      %get3A_563 = arith.constant 1 : i32
      %get3A_564 = arith.index_cast %get3A_563 : i32 to index
      %get3A_565 = arith.index_cast %add3A_562 : i32 to index
      %get3A_566 = arith.constant 16 : index
      %get3A_567 = tpu.vector_load %arg6[%get3A_564, %get3A_565, %get3A_566] {strides = array<i32>} : memref<4x128x64xf32, #tpu.memory_space<vmem>>, vector<1x1x16xf32>,
      %get3A_568 = vector.shape_cast %get3A_567 : vector<1x1x16xf32> to vector<16xf32>
      %mul3A_569 = arith.constant 8.000000e+00 : f32
      %mul3A_570 = vector.broadcast %mul3A_569 : f32 to vector<16xf32>
      %mul3A_571 = arith.mulf %get3A_568, %mul3A_570 : vector<16xf32>
      %add3A_572 = arith.constant 1 : i32
      %add3A_573 = arith.addi %mul3A_462, %add3A_572 : i32
      %swap3A_574 = arith.constant 1 : i32
      %swap3A_575 = arith.index_cast %swap3A_574 : i32 to index
      %swap3A_576 = arith.index_cast %add3A_573 : i32 to index
      %swap3A_577 = arith.constant 16 : index
      %swap3A_578 = tpu.vector_load %arg7[%swap3A_575, %swap3A_576, %swap3A_577] {strides = array<i32>} : memref<4x128x64xf32, #tpu.memory_space<vmem>>, vector<1x1x16xf32>,
      %swap3A_579 = vector.shape_cast %swap3A_578 : vector<1x1x16xf32> to vector<16xf32>
      %swap3A_580 = vector.shape_cast %mul3A_571 : vector<16xf32> to vector<1x1x16xf32>
      tpu.vector_store %arg7[%swap3A_575, %swap3A_576, %swap3A_577], %swap3A_580 {strides = array<i32>} : memref<4x128x64xf32, #tpu.memory_space<vmem>>, vector<1x1x16xf32>,
      %add3A_581 = arith.constant 1 : i32
      %add3A_582 = arith.addi %mul3A_462, %add3A_581 : i32
      %get3A_583 = arith.constant 1 : i32
      %get3A_584 = arith.index_cast %get3A_583 : i32 to index
      %get3A_585 = arith.index_cast %add3A_582 : i32 to index
      %get3A_586 = arith.constant 32 : index
      %get3A_587 = tpu.vector_load %arg6[%get3A_584, %get3A_585, %get3A_586] {strides = array<i32>} : memref<4x128x64xf32, #tpu.memory_space<vmem>>, vector<1x1x16xf32>,
      %get3A_588 = vector.shape_cast %get3A_587 : vector<1x1x16xf32> to vector<16xf32>
      %mul3A_589 = arith.constant 8.000000e+00 : f32
      %mul3A_590 = vector.broadcast %mul3A_589 : f32 to vector<16xf32>
      %mul3A_591 = arith.mulf %get3A_588, %mul3A_590 : vector<16xf32>
      %add3A_592 = arith.constant 1 : i32
      %add3A_593 = arith.addi %mul3A_462, %add3A_592 : i32
      %swap3A_594 = arith.constant 1 : i32
      %swap3A_595 = arith.index_cast %swap3A_594 : i32 to index
      %swap3A_596 = arith.index_cast %add3A_593 : i32 to index
      %swap3A_597 = arith.constant 32 : index
      %swap3A_598 = tpu.vector_load %arg7[%swap3A_595, %swap3A_596, %swap3A_597] {strides = array<i32>} : memref<4x128x64xf32, #tpu.memory_space<vmem>>, vector<1x1x16xf32>,
      %swap3A_599 = vector.shape_cast %swap3A_598 : vector<1x1x16xf32> to vector<16xf32>
      %swap3A_600 = vector.shape_cast %mul3A_591 : vector<16xf32> to vector<1x1x16xf32>
      tpu.vector_store %arg7[%swap3A_595, %swap3A_596, %swap3A_597], %swap3A_600 {strides = array<i32>} : memref<4x128x64xf32, #tpu.memory_space<vmem>>, vector<1x1x16xf32>,
      %add3A_601 = arith.constant 1 : i32
      %add3A_602 = arith.addi %mul3A_462, %add3A_601 : i32
      %get3A_603 = arith.constant 1 : i32
      %get3A_604 = arith.index_cast %get3A_603 : i32 to index
      %get3A_605 = arith.index_cast %add3A_602 : i32 to index
      %get3A_606 = arith.constant 48 : index
      %get3A_607 = tpu.vector_load %arg6[%get3A_604, %get3A_605, %get3A_606] {strides = array<i32>} : memref<4x128x64xf32, #tpu.memory_space<vmem>>, vector<1x1x16xf32>,
      %get3A_608 = vector.shape_cast %get3A_607 : vector<1x1x16xf32> to vector<16xf32>
      %mul3A_609 = arith.constant 8.000000e+00 : f32
      %mul3A_610 = vector.broadcast %mul3A_609 : f32 to vector<16xf32>
      %mul3A_611 = arith.mulf %get3A_608, %mul3A_610 : vector<16xf32>
      %add3A_612 = arith.constant 1 : i32
      %add3A_613 = arith.addi %mul3A_462, %add3A_612 : i32
      %swap3A_614 = arith.constant 1 : i32
      %swap3A_615 = arith.index_cast %swap3A_614 : i32 to index
      %swap3A_616 = arith.index_cast %add3A_613 : i32 to index
      %swap3A_617 = arith.constant 48 : index
      %swap3A_618 = tpu.vector_load %arg7[%swap3A_615, %swap3A_616, %swap3A_617] {strides = array<i32>} : memref<4x128x64xf32, #tpu.memory_space<vmem>>, vector<1x1x16xf32>,
      %swap3A_619 = vector.shape_cast %swap3A_618 : vector<1x1x16xf32> to vector<16xf32>
      %swap3A_620 = vector.shape_cast %mul3A_611 : vector<16xf32> to vector<1x1x16xf32>
      tpu.vector_store %arg7[%swap3A_615, %swap3A_616, %swap3A_617], %swap3A_620 {strides = array<i32>} : memref<4x128x64xf32, #tpu.memory_space<vmem>>, vector<1x1x16xf32>,
      %scan3A_621 = arith.constant 1 : i32
      %scan3A_622 = arith.addi %scan3A_460, %scan3A_621 : i32
      %mul3A_623 = arith.constant 2 : i32
      %mul3A_624 = arith.muli %mul3A_623, %scan3A_622 : i32
      %add3A_625 = arith.constant 0 : i32
      %add3A_626 = arith.addi %mul3A_624, %add3A_625 : i32
      %get3A_627 = arith.constant 1 : i32
      %get3A_628 = arith.index_cast %get3A_627 : i32 to index
      %get3A_629 = arith.index_cast %add3A_626 : i32 to index
      %get3A_630 = arith.constant 0 : index
      %get3A_631 = tpu.vector_load %arg6[%get3A_628, %get3A_629, %get3A_630] {strides = array<i32>} : memref<4x128x64xf32, #tpu.memory_space<vmem>>, vector<1x1x16xf32>,
      %get3A_632 = vector.shape_cast %get3A_631 : vector<1x1x16xf32> to vector<16xf32>
      %mul3A_633 = arith.constant 8.000000e+00 : f32
      %mul3A_634 = vector.broadcast %mul3A_633 : f32 to vector<16xf32>
      %mul3A_635 = arith.mulf %get3A_632, %mul3A_634 : vector<16xf32>
      %add3A_636 = arith.constant 0 : i32
      %add3A_637 = arith.addi %mul3A_624, %add3A_636 : i32
      %swap3A_638 = arith.constant 1 : i32
      %swap3A_639 = arith.index_cast %swap3A_638 : i32 to index
      %swap3A_640 = arith.index_cast %add3A_637 : i32 to index
      %swap3A_641 = arith.constant 0 : index
      %swap3A_642 = tpu.vector_load %arg7[%swap3A_639, %swap3A_640, %swap3A_641] {strides = array<i32>} : memref<4x128x64xf32, #tpu.memory_space<vmem>>, vector<1x1x16xf32>,
      %swap3A_643 = vector.shape_cast %swap3A_642 : vector<1x1x16xf32> to vector<16xf32>
      %swap3A_644 = vector.shape_cast %mul3A_635 : vector<16xf32> to vector<1x1x16xf32>
      tpu.vector_store %arg7[%swap3A_639, %swap3A_640, %swap3A_641], %swap3A_644 {strides = array<i32>} : memref<4x128x64xf32, #tpu.memory_space<vmem>>, vector<1x1x16xf32>,
      %add3A_645 = arith.constant 0 : i32
      %add3A_646 = arith.addi %mul3A_624, %add3A_645 : i32
      %get3A_647 = arith.constant 1 : i32
      %get3A_648 = arith.index_cast %get3A_647 : i32 to index
      %get3A_649 = arith.index_cast %add3A_646 : i32 to index
      %get3A_650 = arith.constant 16 : index
      %get3A_651 = tpu.vector_load %arg6[%get3A_648, %get3A_649, %get3A_650] {strides = array<i32>} : memref<4x128x64xf32, #tpu.memory_space<vmem>>, vector<1x1x16xf32>,
      %get3A_652 = vector.shape_cast %get3A_651 : vector<1x1x16xf32> to vector<16xf32>
      %mul3A_653 = arith.constant 8.000000e+00 : f32
      %mul3A_654 = vector.broadcast %mul3A_653 : f32 to vector<16xf32>
      %mul3A_655 = arith.mulf %get3A_652, %mul3A_654 : vector<16xf32>
      %add3A_656 = arith.constant 0 : i32
      %add3A_657 = arith.addi %mul3A_624, %add3A_656 : i32
      %swap3A_658 = arith.constant 1 : i32
      %swap3A_659 = arith.index_cast %swap3A_658 : i32 to index
      %swap3A_660 = arith.index_cast %add3A_657 : i32 to index
      %swap3A_661 = arith.constant 16 : index
      %swap3A_662 = tpu.vector_load %arg7[%swap3A_659, %swap3A_660, %swap3A_661] {strides = array<i32>} : memref<4x128x64xf32, #tpu.memory_space<vmem>>, vector<1x1x16xf32>,
      %swap3A_663 = vector.shape_cast %swap3A_662 : vector<1x1x16xf32> to vector<16xf32>
      %swap3A_664 = vector.shape_cast %mul3A_655 : vector<16xf32> to vector<1x1x16xf32>
      tpu.vector_store %arg7[%swap3A_659, %swap3A_660, %swap3A_661], %swap3A_664 {strides = array<i32>} : memref<4x128x64xf32, #tpu.memory_space<vmem>>, vector<1x1x16xf32>,
      %add3A_665 = arith.constant 0 : i32
      %add3A_666 = arith.addi %mul3A_624, %add3A_665 : i32
      %get3A_667 = arith.constant 1 : i32
      %get3A_668 = arith.index_cast %get3A_667 : i32 to index
      %get3A_669 = arith.index_cast %add3A_666 : i32 to index
      %get3A_670 = arith.constant 32 : index
      %get3A_671 = tpu.vector_load %arg6[%get3A_668, %get3A_669, %get3A_670] {strides = array<i32>} : memref<4x128x64xf32, #tpu.memory_space<vmem>>, vector<1x1x16xf32>,
      %get3A_672 = vector.shape_cast %get3A_671 : vector<1x1x16xf32> to vector<16xf32>
      %mul3A_673 = arith.constant 8.000000e+00 : f32
      %mul3A_674 = vector.broadcast %mul3A_673 : f32 to vector<16xf32>
      %mul3A_675 = arith.mulf %get3A_672, %mul3A_674 : vector<16xf32>
      %add3A_676 = arith.constant 0 : i32
      %add3A_677 = arith.addi %mul3A_624, %add3A_676 : i32
      %swap3A_678 = arith.constant 1 : i32
      %swap3A_679 = arith.index_cast %swap3A_678 : i32 to index
      %swap3A_680 = arith.index_cast %add3A_677 : i32 to index
      %swap3A_681 = arith.constant 32 : index
      %swap3A_682 = tpu.vector_load %arg7[%swap3A_679, %swap3A_680, %swap3A_681] {strides = array<i32>} : memref<4x128x64xf32, #tpu.memory_space<vmem>>, vector<1x1x16xf32>,
      %swap3A_683 = vector.shape_cast %swap3A_682 : vector<1x1x16xf32> to vector<16xf32>
      %swap3A_684 = vector.shape_cast %mul3A_675 : vector<16xf32> to vector<1x1x16xf32>
      tpu.vector_store %arg7[%swap3A_679, %swap3A_680, %swap3A_681], %swap3A_684 {strides = array<i32>} : memref<4x128x64xf32, #tpu.memory_space<vmem>>, vector<1x1x16xf32>,
      %add3A_685 = arith.constant 0 : i32
      %add3A_686 = arith.addi %mul3A_624, %add3A_685 : i32
      %get3A_687 = arith.constant 1 : i32
      %get3A_688 = arith.index_cast %get3A_687 : i32 to index
      %get3A_689 = arith.index_cast %add3A_686 : i32 to index
      %get3A_690 = arith.constant 48 : index
      %get3A_691 = tpu.vector_load %arg6[%get3A_688, %get3A_689, %get3A_690] {strides = array<i32>} : memref<4x128x64xf32, #tpu.memory_space<vmem>>, vector<1x1x16xf32>,
      %get3A_692 = vector.shape_cast %get3A_691 : vector<1x1x16xf32> to vector<16xf32>
      %mul3A_693 = arith.constant 8.000000e+00 : f32
      %mul3A_694 = vector.broadcast %mul3A_693 : f32 to vector<16xf32>
      %mul3A_695 = arith.mulf %get3A_692, %mul3A_694 : vector<16xf32>
      %add3A_696 = arith.constant 0 : i32
      %add3A_697 = arith.addi %mul3A_624, %add3A_696 : i32
      %swap3A_698 = arith.constant 1 : i32
      %swap3A_699 = arith.index_cast %swap3A_698 : i32 to index
      %swap3A_700 = arith.index_cast %add3A_697 : i32 to index
      %swap3A_701 = arith.constant 48 : index
      %swap3A_702 = tpu.vector_load %arg7[%swap3A_699, %swap3A_700, %swap3A_701] {strides = array<i32>} : memref<4x128x64xf32, #tpu.memory_space<vmem>>, vector<1x1x16xf32>,
      %swap3A_703 = vector.shape_cast %swap3A_702 : vector<1x1x16xf32> to vector<16xf32>
      %swap3A_704 = vector.shape_cast %mul3A_695 : vector<16xf32> to vector<1x1x16xf32>
      tpu.vector_store %arg7[%swap3A_699, %swap3A_700, %swap3A_701], %swap3A_704 {strides = array<i32>} : memref<4x128x64xf32, #tpu.memory_space<vmem>>, vector<1x1x16xf32>,
      %add3A_705 = arith.constant 1 : i32
      %add3A_706 = arith.addi %mul3A_624, %add3A_705 : i32
      %get3A_707 = arith.constant 1 : i32
      %get3A_708 = arith.index_cast %get3A_707 : i32 to index
      %get3A_709 = arith.index_cast %add3A_706 : i32 to index
      %get3A_710 = arith.constant 0 : index
      %get3A_711 = tpu.vector_load %arg6[%get3A_708, %get3A_709, %get3A_710] {strides = array<i32>} : memref<4x128x64xf32, #tpu.memory_space<vmem>>, vector<1x1x16xf32>,
      %get3A_712 = vector.shape_cast %get3A_711 : vector<1x1x16xf32> to vector<16xf32>
      %mul3A_713 = arith.constant 8.000000e+00 : f32
      %mul3A_714 = vector.broadcast %mul3A_713 : f32 to vector<16xf32>
      %mul3A_715 = arith.mulf %get3A_712, %mul3A_714 : vector<16xf32>
      %add3A_716 = arith.constant 1 : i32
      %add3A_717 = arith.addi %mul3A_624, %add3A_716 : i32
      %swap3A_718 = arith.constant 1 : i32
      %swap3A_719 = arith.index_cast %swap3A_718 : i32 to index
      %swap3A_720 = arith.index_cast %add3A_717 : i32 to index
      %swap3A_721 = arith.constant 0 : index
      %swap3A_722 = tpu.vector_load %arg7[%swap3A_719, %swap3A_720, %swap3A_721] {strides = array<i32>} : memref<4x128x64xf32, #tpu.memory_space<vmem>>, vector<1x1x16xf32>,
      %swap3A_723 = vector.shape_cast %swap3A_722 : vector<1x1x16xf32> to vector<16xf32>
      %swap3A_724 = vector.shape_cast %mul3A_715 : vector<16xf32> to vector<1x1x16xf32>
      tpu.vector_store %arg7[%swap3A_719, %swap3A_720, %swap3A_721], %swap3A_724 {strides = array<i32>} : memref<4x128x64xf32, #tpu.memory_space<vmem>>, vector<1x1x16xf32>,
      %add3A_725 = arith.constant 1 : i32
      %add3A_726 = arith.addi %mul3A_624, %add3A_725 : i32
      %get3A_727 = arith.constant 1 : i32
      %get3A_728 = arith.index_cast %get3A_727 : i32 to index
      %get3A_729 = arith.index_cast %add3A_726 : i32 to index
      %get3A_730 = arith.constant 16 : index
      %get3A_731 = tpu.vector_load %arg6[%get3A_728, %get3A_729, %get3A_730] {strides = array<i32>} : memref<4x128x64xf32, #tpu.memory_space<vmem>>, vector<1x1x16xf32>,
      %get3A_732 = vector.shape_cast %get3A_731 : vector<1x1x16xf32> to vector<16xf32>
      %mul3A_733 = arith.constant 8.000000e+00 : f32
      %mul3A_734 = vector.broadcast %mul3A_733 : f32 to vector<16xf32>
      %mul3A_735 = arith.mulf %get3A_732, %mul3A_734 : vector<16xf32>
      %add3A_736 = arith.constant 1 : i32
      %add3A_737 = arith.addi %mul3A_624, %add3A_736 : i32
      %swap3A_738 = arith.constant 1 : i32
      %swap3A_739 = arith.index_cast %swap3A_738 : i32 to index
      %swap3A_740 = arith.index_cast %add3A_737 : i32 to index
      %swap3A_741 = arith.constant 16 : index
      %swap3A_742 = tpu.vector_load %arg7[%swap3A_739, %swap3A_740, %swap3A_741] {strides = array<i32>} : memref<4x128x64xf32, #tpu.memory_space<vmem>>, vector<1x1x16xf32>,
      %swap3A_743 = vector.shape_cast %swap3A_742 : vector<1x1x16xf32> to vector<16xf32>
      %swap3A_744 = vector.shape_cast %mul3A_735 : vector<16xf32> to vector<1x1x16xf32>
      tpu.vector_store %arg7[%swap3A_739, %swap3A_740, %swap3A_741], %swap3A_744 {strides = array<i32>} : memref<4x128x64xf32, #tpu.memory_space<vmem>>, vector<1x1x16xf32>,
      %add3A_745 = arith.constant 1 : i32
      %add3A_746 = arith.addi %mul3A_624, %add3A_745 : i32
      %get3A_747 = arith.constant 1 : i32
      %get3A_748 = arith.index_cast %get3A_747 : i32 to index
      %get3A_749 = arith.index_cast %add3A_746 : i32 to index
      %get3A_750 = arith.constant 32 : index
      %get3A_751 = tpu.vector_load %arg6[%get3A_748, %get3A_749, %get3A_750] {strides = array<i32>} : memref<4x128x64xf32, #tpu.memory_space<vmem>>, vector<1x1x16xf32>,
      %get3A_752 = vector.shape_cast %get3A_751 : vector<1x1x16xf32> to vector<16xf32>
      %mul3A_753 = arith.constant 8.000000e+00 : f32
      %mul3A_754 = vector.broadcast %mul3A_753 : f32 to vector<16xf32>
      %mul3A_755 = arith.mulf %get3A_752, %mul3A_754 : vector<16xf32>
      %add3A_756 = arith.constant 1 : i32
      %add3A_757 = arith.addi %mul3A_624, %add3A_756 : i32
      %swap3A_758 = arith.constant 1 : i32
      %swap3A_759 = arith.index_cast %swap3A_758 : i32 to index
      %swap3A_760 = arith.index_cast %add3A_757 : i32 to index
      %swap3A_761 = arith.constant 32 : index
      %swap3A_762 = tpu.vector_load %arg7[%swap3A_759, %swap3A_760, %swap3A_761] {strides = array<i32>} : memref<4x128x64xf32, #tpu.memory_space<vmem>>, vector<1x1x16xf32>,
      %swap3A_763 = vector.shape_cast %swap3A_762 : vector<1x1x16xf32> to vector<16xf32>
      %swap3A_764 = vector.shape_cast %mul3A_755 : vector<16xf32> to vector<1x1x16xf32>
      tpu.vector_store %arg7[%swap3A_759, %swap3A_760, %swap3A_761], %swap3A_764 {strides = array<i32>} : memref<4x128x64xf32, #tpu.memory_space<vmem>>, vector<1x1x16xf32>,
      %add3A_765 = arith.constant 1 : i32
      %add3A_766 = arith.addi %mul3A_624, %add3A_765 : i32
      %get3A_767 = arith.constant 1 : i32
      %get3A_768 = arith.index_cast %get3A_767 : i32 to index
      %get3A_769 = arith.index_cast %add3A_766 : i32 to index
      %get3A_770 = arith.constant 48 : index
      %get3A_771 = tpu.vector_load %arg6[%get3A_768, %get3A_769, %get3A_770] {strides = array<i32>} : memref<4x128x64xf32, #tpu.memory_space<vmem>>, vector<1x1x16xf32>,
      %get3A_772 = vector.shape_cast %get3A_771 : vector<1x1x16xf32> to vector<16xf32>
      %mul3A_773 = arith.constant 8.000000e+00 : f32
      %mul3A_774 = vector.broadcast %mul3A_773 : f32 to vector<16xf32>
      %mul3A_775 = arith.mulf %get3A_772, %mul3A_774 : vector<16xf32>
      %add3A_776 = arith.constant 1 : i32
      %add3A_777 = arith.addi %mul3A_624, %add3A_776 : i32
      %swap3A_778 = arith.constant 1 : i32
      %swap3A_779 = arith.index_cast %swap3A_778 : i32 to index
      %swap3A_780 = arith.index_cast %add3A_777 : i32 to index
      %swap3A_781 = arith.constant 48 : index
      %swap3A_782 = tpu.vector_load %arg7[%swap3A_779, %swap3A_780, %swap3A_781] {strides = array<i32>} : memref<4x128x64xf32, #tpu.memory_space<vmem>>, vector<1x1x16xf32>,
      %swap3A_783 = vector.shape_cast %swap3A_782 : vector<1x1x16xf32> to vector<16xf32>
      %swap3A_784 = vector.shape_cast %mul3A_775 : vector<16xf32> to vector<1x1x16xf32>
      tpu.vector_store %arg7[%swap3A_779, %swap3A_780, %swap3A_781], %swap3A_784 {strides = array<i32>} : memref<4x128x64xf32, #tpu.memory_space<vmem>>, vector<1x1x16xf32>,
    }
    %scan3A_102 = arith.constant 64 : i32
    %add3A_103 = arith.constant 128 : i32
    %add3A_104 = arith.addi %mul3A_2, %add3A_103 : i32
    %dma_start3A_105 = arith.constant 1 : i32
    %dma_start3A_106 = arith.constant 0 : i32
    %dma_start3A_107 = arith.constant 0 : i32
    %dma_start3A_108 = tpu.memref_slice %arg7[%dma_start3A_105, %dma_start3A_106, %dma_start3A_107] : memref<4x128x64xf32, #tpu.memory_space<vmem>> -> memref<1x128x64xf32, #tpu.memory_space<vmem>>
    %dma_start3A_109 = tpu.memref_squeeze %dma_start3A_108 : memref<1x128x64xf32, #tpu.memory_space<vmem>> -> memref<128x64xf32, #tpu.memory_space<vmem>>
    %dma_start3A_110 = arith.constant 0 : i32
    %dma_start3A_111 = tpu.memref_slice %arg4[%add3A_104, %dma_start3A_110] : memref<819200x64xf32, #tpu.memory_space<hbm>> -> memref<128x64xf32, #tpu.memory_space<hbm>>
    %dma_start3A_112 = arith.constant 0 : i32
    %dma_start3A_113 = tpu.memref_slice %arg4[%add3A_104, %dma_start3A_112] : memref<819200x64xf32, #tpu.memory_space<hbm>> -> memref<128x64xf32, #tpu.memory_space<hbm>>
    %dma_start3A_114 = arith.constant 0 : i32
    %dma_start3A_115 = arith.constant 0 : i32
    %dma_start3A_116 = tpu.memref_slice %arg7[%dma_start3A_105, %dma_start3A_114, %dma_start3A_115] : memref<4x128x64xf32, #tpu.memory_space<vmem>> -> memref<1x128x64xf32, #tpu.memory_space<vmem>>
    %dma_start3A_117 = tpu.memref_squeeze %dma_start3A_116 : memref<1x128x64xf32, #tpu.memory_space<vmem>> -> memref<128x64xf32, #tpu.memory_space<vmem>>
    tpu.enqueue_dma source(%dma_start3A_117 : memref<128x64xf32, #tpu.memory_space<vmem>>) target(%dma_start3A_113 : memref<128x64xf32, #tpu.memory_space<hbm>>) target_semaphore(%arg13 : memref<!tpu.dma_semaphore, #tpu.memory_space<semaphore_mem>>)
    %dma_start3A_118 = arith.constant 1 : i32
    %dma_start3A_119 = arith.constant 0 : i32
    %dma_start3A_120 = arith.constant 0 : i32
    %dma_start3A_121 = tpu.memref_slice %arg6[%dma_start3A_118, %dma_start3A_119, %dma_start3A_120] : memref<4x128x64xf32, #tpu.memory_space<vmem>> -> memref<1x128x64xf32, #tpu.memory_space<vmem>>
    %dma_start3A_122 = tpu.memref_squeeze %dma_start3A_121 : memref<1x128x64xf32, #tpu.memory_space<vmem>> -> memref<128x64xf32, #tpu.memory_space<vmem>>
    %dma_start3A_123 = arith.constant 640 : i32
    %dma_start3A_124 = tpu.memref_slice %arg5[%dma_start3A_123] : memref<25600xi32, #tpu.memory_space<vmem>> -> memref<128xi32, #tpu.memory_space<vmem>>
    %dma_start3A_125 = arith.constant 0 : i32
    %dma_start3A_126 = arith.constant 0 : i32
    %dma_start3A_127 = tpu.memref_slice %arg3[%dma_start3A_125, %dma_start3A_126] : memref<2000000x64xf32, #tpu.memory_space<hbm>> -> memref<2000000x64xf32, #tpu.memory_space<hbm>>
    tpu.enqueue_indirect_dma source(%dma_start3A_127 : memref<2000000x64xf32, #tpu.memory_space<hbm>>) target(%dma_start3A_122 : memref<128x64xf32, #tpu.memory_space<vmem>>) offsets(%dma_start3A_124 : memref<128xi32, #tpu.memory_space<vmem>>) semaphore(%arg9 : memref<!tpu.dma_semaphore, #tpu.memory_space<semaphore_mem>>)
    %dma_wait3A_128 = arith.constant 2 : i32
    %dma_wait3A_129 = arith.constant 0 : i32
    %dma_wait3A_130 = arith.constant 0 : i32
    %dma_wait3A_131 = tpu.memref_slice %arg6[%dma_wait3A_128, %dma_wait3A_129, %dma_wait3A_130] : memref<4x128x64xf32, #tpu.memory_space<vmem>> -> memref<1x128x64xf32, #tpu.memory_space<vmem>>
    %dma_wait3A_132 = tpu.memref_squeeze %dma_wait3A_131 : memref<1x128x64xf32, #tpu.memory_space<vmem>> -> memref<128x64xf32, #tpu.memory_space<vmem>>
    %dma_wait3A_133 = arith.constant 0 : i32
    %dma_wait3A_134 = tpu.memref_slice %arg5[%dma_wait3A_133] : memref<25600xi32, #tpu.memory_space<vmem>> -> memref<128xi32, #tpu.memory_space<vmem>>
    %dma_wait3A_135 = arith.constant 0 : i32
    %dma_wait3A_136 = arith.constant 0 : i32
    %dma_wait3A_137 = tpu.memref_slice %arg3[%dma_wait3A_135, %dma_wait3A_136] : memref<2000000x64xf32, #tpu.memory_space<hbm>> -> memref<2000000x64xf32, #tpu.memory_space<hbm>>
    tpu.wait_indirect_dma semaphore(%arg10 : memref<!tpu.dma_semaphore, #tpu.memory_space<semaphore_mem>>) src(%dma_wait3A_137 : memref<2000000x64xf32, #tpu.memory_space<hbm>>) dst(%dma_wait3A_132 : memref<128x64xf32, #tpu.memory_space<vmem>>)
    %scan3A_138 = arith.constant 0 : i32
    %scan3A_139 = arith.constant 0 : i32
    %scan3A_140 = arith.constant 64 : i32
    %scan3A_141 = arith.addi %scan3A_139, %scan3A_140 : i32
    %scan3A_142 = arith.constant 2 : i32
    scf.for %scan3A_460 = %scan3A_139 to %scan3A_141 step %scan3A_142  : i32 {
      %mul3A_461 = arith.constant 2 : i32
      %mul3A_462 = arith.muli %mul3A_461, %scan3A_460 : i32
      %add3A_463 = arith.constant 0 : i32
      %add3A_464 = arith.addi %mul3A_462, %add3A_463 : i32
      %get3A = arith.constant 2 : i32
      %get3A_465 = arith.index_cast %get3A : i32 to index
      %get3A_466 = arith.index_cast %add3A_464 : i32 to index
      %get3A_467 = arith.constant 0 : index
      %get3A_468 = tpu.vector_load %arg6[%get3A_465, %get3A_466, %get3A_467] {strides = array<i32>} : memref<4x128x64xf32, #tpu.memory_space<vmem>>, vector<1x1x16xf32>,
      %get3A_469 = vector.shape_cast %get3A_468 : vector<1x1x16xf32> to vector<16xf32>
      %mul3A_470 = arith.constant 8.000000e+00 : f32
      %mul3A_471 = vector.broadcast %mul3A_470 : f32 to vector<16xf32>
      %mul3A_472 = arith.mulf %get3A_469, %mul3A_471 : vector<16xf32>
      %add3A_473 = arith.constant 0 : i32
      %add3A_474 = arith.addi %mul3A_462, %add3A_473 : i32
      %swap3A = arith.constant 2 : i32
      %swap3A_475 = arith.index_cast %swap3A : i32 to index
      %swap3A_476 = arith.index_cast %add3A_474 : i32 to index
      %swap3A_477 = arith.constant 0 : index
      %swap3A_478 = tpu.vector_load %arg7[%swap3A_475, %swap3A_476, %swap3A_477] {strides = array<i32>} : memref<4x128x64xf32, #tpu.memory_space<vmem>>, vector<1x1x16xf32>,
      %swap3A_479 = vector.shape_cast %swap3A_478 : vector<1x1x16xf32> to vector<16xf32>
      %swap3A_480 = vector.shape_cast %mul3A_472 : vector<16xf32> to vector<1x1x16xf32>
      tpu.vector_store %arg7[%swap3A_475, %swap3A_476, %swap3A_477], %swap3A_480 {strides = array<i32>} : memref<4x128x64xf32, #tpu.memory_space<vmem>>, vector<1x1x16xf32>,
      %add3A_481 = arith.constant 0 : i32
      %add3A_482 = arith.addi %mul3A_462, %add3A_481 : i32
      %get3A_483 = arith.constant 2 : i32
      %get3A_484 = arith.index_cast %get3A_483 : i32 to index
      %get3A_485 = arith.index_cast %add3A_482 : i32 to index
      %get3A_486 = arith.constant 16 : index
      %get3A_487 = tpu.vector_load %arg6[%get3A_484, %get3A_485, %get3A_486] {strides = array<i32>} : memref<4x128x64xf32, #tpu.memory_space<vmem>>, vector<1x1x16xf32>,
      %get3A_488 = vector.shape_cast %get3A_487 : vector<1x1x16xf32> to vector<16xf32>
      %mul3A_489 = arith.constant 8.000000e+00 : f32
      %mul3A_490 = vector.broadcast %mul3A_489 : f32 to vector<16xf32>
      %mul3A_491 = arith.mulf %get3A_488, %mul3A_490 : vector<16xf32>
      %add3A_492 = arith.constant 0 : i32
      %add3A_493 = arith.addi %mul3A_462, %add3A_492 : i32
      %swap3A_494 = arith.constant 2 : i32
      %swap3A_495 = arith.index_cast %swap3A_494 : i32 to index
      %swap3A_496 = arith.index_cast %add3A_493 : i32 to index
      %swap3A_497 = arith.constant 16 : index
      %swap3A_498 = tpu.vector_load %arg7[%swap3A_495, %swap3A_496, %swap3A_497] {strides = array<i32>} : memref<4x128x64xf32, #tpu.memory_space<vmem>>, vector<1x1x16xf32>,
      %swap3A_499 = vector.shape_cast %swap3A_498 : vector<1x1x16xf32> to vector<16xf32>
      %swap3A_500 = vector.shape_cast %mul3A_491 : vector<16xf32> to vector<1x1x16xf32>
      tpu.vector_store %arg7[%swap3A_495, %swap3A_496, %swap3A_497], %swap3A_500 {strides = array<i32>} : memref<4x128x64xf32, #tpu.memory_space<vmem>>, vector<1x1x16xf32>,
      %add3A_501 = arith.constant 0 : i32
      %add3A_502 = arith.addi %mul3A_462, %add3A_501 : i32
      %get3A_503 = arith.constant 2 : i32
      %get3A_504 = arith.index_cast %get3A_503 : i32 to index
      %get3A_505 = arith.index_cast %add3A_502 : i32 to index
      %get3A_506 = arith.constant 32 : index
      %get3A_507 = tpu.vector_load %arg6[%get3A_504, %get3A_505, %get3A_506] {strides = array<i32>} : memref<4x128x64xf32, #tpu.memory_space<vmem>>, vector<1x1x16xf32>,
      %get3A_508 = vector.shape_cast %get3A_507 : vector<1x1x16xf32> to vector<16xf32>
      %mul3A_509 = arith.constant 8.000000e+00 : f32
      %mul3A_510 = vector.broadcast %mul3A_509 : f32 to vector<16xf32>
      %mul3A_511 = arith.mulf %get3A_508, %mul3A_510 : vector<16xf32>
      %add3A_512 = arith.constant 0 : i32
      %add3A_513 = arith.addi %mul3A_462, %add3A_512 : i32
      %swap3A_514 = arith.constant 2 : i32
      %swap3A_515 = arith.index_cast %swap3A_514 : i32 to index
      %swap3A_516 = arith.index_cast %add3A_513 : i32 to index
      %swap3A_517 = arith.constant 32 : index
      %swap3A_518 = tpu.vector_load %arg7[%swap3A_515, %swap3A_516, %swap3A_517] {strides = array<i32>} : memref<4x128x64xf32, #tpu.memory_space<vmem>>, vector<1x1x16xf32>,
      %swap3A_519 = vector.shape_cast %swap3A_518 : vector<1x1x16xf32> to vector<16xf32>
      %swap3A_520 = vector.shape_cast %mul3A_511 : vector<16xf32> to vector<1x1x16xf32>
      tpu.vector_store %arg7[%swap3A_515, %swap3A_516, %swap3A_517], %swap3A_520 {strides = array<i32>} : memref<4x128x64xf32, #tpu.memory_space<vmem>>, vector<1x1x16xf32>,
      %add3A_521 = arith.constant 0 : i32
      %add3A_522 = arith.addi %mul3A_462, %add3A_521 : i32
      %get3A_523 = arith.constant 2 : i32
      %get3A_524 = arith.index_cast %get3A_523 : i32 to index
      %get3A_525 = arith.index_cast %add3A_522 : i32 to index
      %get3A_526 = arith.constant 48 : index
      %get3A_527 = tpu.vector_load %arg6[%get3A_524, %get3A_525, %get3A_526] {strides = array<i32>} : memref<4x128x64xf32, #tpu.memory_space<vmem>>, vector<1x1x16xf32>,
      %get3A_528 = vector.shape_cast %get3A_527 : vector<1x1x16xf32> to vector<16xf32>
      %mul3A_529 = arith.constant 8.000000e+00 : f32
      %mul3A_530 = vector.broadcast %mul3A_529 : f32 to vector<16xf32>
      %mul3A_531 = arith.mulf %get3A_528, %mul3A_530 : vector<16xf32>
      %add3A_532 = arith.constant 0 : i32
      %add3A_533 = arith.addi %mul3A_462, %add3A_532 : i32
      %swap3A_534 = arith.constant 2 : i32
      %swap3A_535 = arith.index_cast %swap3A_534 : i32 to index
      %swap3A_536 = arith.index_cast %add3A_533 : i32 to index
      %swap3A_537 = arith.constant 48 : index
      %swap3A_538 = tpu.vector_load %arg7[%swap3A_535, %swap3A_536, %swap3A_537] {strides = array<i32>} : memref<4x128x64xf32, #tpu.memory_space<vmem>>, vector<1x1x16xf32>,
      %swap3A_539 = vector.shape_cast %swap3A_538 : vector<1x1x16xf32> to vector<16xf32>
      %swap3A_540 = vector.shape_cast %mul3A_531 : vector<16xf32> to vector<1x1x16xf32>
      tpu.vector_store %arg7[%swap3A_535, %swap3A_536, %swap3A_537], %swap3A_540 {strides = array<i32>} : memref<4x128x64xf32, #tpu.memory_space<vmem>>, vector<1x1x16xf32>,
      %add3A_541 = arith.constant 1 : i32
      %add3A_542 = arith.addi %mul3A_462, %add3A_541 : i32
      %get3A_543 = arith.constant 2 : i32
      %get3A_544 = arith.index_cast %get3A_543 : i32 to index
      %get3A_545 = arith.index_cast %add3A_542 : i32 to index
      %get3A_546 = arith.constant 0 : index
      %get3A_547 = tpu.vector_load %arg6[%get3A_544, %get3A_545, %get3A_546] {strides = array<i32>} : memref<4x128x64xf32, #tpu.memory_space<vmem>>, vector<1x1x16xf32>,
      %get3A_548 = vector.shape_cast %get3A_547 : vector<1x1x16xf32> to vector<16xf32>
      %mul3A_549 = arith.constant 8.000000e+00 : f32
      %mul3A_550 = vector.broadcast %mul3A_549 : f32 to vector<16xf32>
      %mul3A_551 = arith.mulf %get3A_548, %mul3A_550 : vector<16xf32>
      %add3A_552 = arith.constant 1 : i32
      %add3A_553 = arith.addi %mul3A_462, %add3A_552 : i32
      %swap3A_554 = arith.constant 2 : i32
      %swap3A_555 = arith.index_cast %swap3A_554 : i32 to index
      %swap3A_556 = arith.index_cast %add3A_553 : i32 to index
      %swap3A_557 = arith.constant 0 : index
      %swap3A_558 = tpu.vector_load %arg7[%swap3A_555, %swap3A_556, %swap3A_557] {strides = array<i32>} : memref<4x128x64xf32, #tpu.memory_space<vmem>>, vector<1x1x16xf32>,
      %swap3A_559 = vector.shape_cast %swap3A_558 : vector<1x1x16xf32> to vector<16xf32>
      %swap3A_560 = vector.shape_cast %mul3A_551 : vector<16xf32> to vector<1x1x16xf32>
      tpu.vector_store %arg7[%swap3A_555, %swap3A_556, %swap3A_557], %swap3A_560 {strides = array<i32>} : memref<4x128x64xf32, #tpu.memory_space<vmem>>, vector<1x1x16xf32>,
      %add3A_561 = arith.constant 1 : i32
      %add3A_562 = arith.addi %mul3A_462, %add3A_561 : i32
      %get3A_563 = arith.constant 2 : i32
      %get3A_564 = arith.index_cast %get3A_563 : i32 to index
      %get3A_565 = arith.index_cast %add3A_562 : i32 to index
      %get3A_566 = arith.constant 16 : index
      %get3A_567 = tpu.vector_load %arg6[%get3A_564, %get3A_565, %get3A_566] {strides = array<i32>} : memref<4x128x64xf32, #tpu.memory_space<vmem>>, vector<1x1x16xf32>,
      %get3A_568 = vector.shape_cast %get3A_567 : vector<1x1x16xf32> to vector<16xf32>
      %mul3A_569 = arith.constant 8.000000e+00 : f32
      %mul3A_570 = vector.broadcast %mul3A_569 : f32 to vector<16xf32>
      %mul3A_571 = arith.mulf %get3A_568, %mul3A_570 : vector<16xf32>
      %add3A_572 = arith.constant 1 : i32
      %add3A_573 = arith.addi %mul3A_462, %add3A_572 : i32
      %swap3A_574 = arith.constant 2 : i32
      %swap3A_575 = arith.index_cast %swap3A_574 : i32 to index
      %swap3A_576 = arith.index_cast %add3A_573 : i32 to index
      %swap3A_577 = arith.constant 16 : index
      %swap3A_578 = tpu.vector_load %arg7[%swap3A_575, %swap3A_576, %swap3A_577] {strides = array<i32>} : memref<4x128x64xf32, #tpu.memory_space<vmem>>, vector<1x1x16xf32>,
      %swap3A_579 = vector.shape_cast %swap3A_578 : vector<1x1x16xf32> to vector<16xf32>
      %swap3A_580 = vector.shape_cast %mul3A_571 : vector<16xf32> to vector<1x1x16xf32>
      tpu.vector_store %arg7[%swap3A_575, %swap3A_576, %swap3A_577], %swap3A_580 {strides = array<i32>} : memref<4x128x64xf32, #tpu.memory_space<vmem>>, vector<1x1x16xf32>,
      %add3A_581 = arith.constant 1 : i32
      %add3A_582 = arith.addi %mul3A_462, %add3A_581 : i32
      %get3A_583 = arith.constant 2 : i32
      %get3A_584 = arith.index_cast %get3A_583 : i32 to index
      %get3A_585 = arith.index_cast %add3A_582 : i32 to index
      %get3A_586 = arith.constant 32 : index
      %get3A_587 = tpu.vector_load %arg6[%get3A_584, %get3A_585, %get3A_586] {strides = array<i32>} : memref<4x128x64xf32, #tpu.memory_space<vmem>>, vector<1x1x16xf32>,
      %get3A_588 = vector.shape_cast %get3A_587 : vector<1x1x16xf32> to vector<16xf32>
      %mul3A_589 = arith.constant 8.000000e+00 : f32
      %mul3A_590 = vector.broadcast %mul3A_589 : f32 to vector<16xf32>
      %mul3A_591 = arith.mulf %get3A_588, %mul3A_590 : vector<16xf32>
      %add3A_592 = arith.constant 1 : i32
      %add3A_593 = arith.addi %mul3A_462, %add3A_592 : i32
      %swap3A_594 = arith.constant 2 : i32
      %swap3A_595 = arith.index_cast %swap3A_594 : i32 to index
      %swap3A_596 = arith.index_cast %add3A_593 : i32 to index
      %swap3A_597 = arith.constant 32 : index
      %swap3A_598 = tpu.vector_load %arg7[%swap3A_595, %swap3A_596, %swap3A_597] {strides = array<i32>} : memref<4x128x64xf32, #tpu.memory_space<vmem>>, vector<1x1x16xf32>,
      %swap3A_599 = vector.shape_cast %swap3A_598 : vector<1x1x16xf32> to vector<16xf32>
      %swap3A_600 = vector.shape_cast %mul3A_591 : vector<16xf32> to vector<1x1x16xf32>
      tpu.vector_store %arg7[%swap3A_595, %swap3A_596, %swap3A_597], %swap3A_600 {strides = array<i32>} : memref<4x128x64xf32, #tpu.memory_space<vmem>>, vector<1x1x16xf32>,
      %add3A_601 = arith.constant 1 : i32
      %add3A_602 = arith.addi %mul3A_462, %add3A_601 : i32
      %get3A_603 = arith.constant 2 : i32
      %get3A_604 = arith.index_cast %get3A_603 : i32 to index
      %get3A_605 = arith.index_cast %add3A_602 : i32 to index
      %get3A_606 = arith.constant 48 : index
      %get3A_607 = tpu.vector_load %arg6[%get3A_604, %get3A_605, %get3A_606] {strides = array<i32>} : memref<4x128x64xf32, #tpu.memory_space<vmem>>, vector<1x1x16xf32>,
      %get3A_608 = vector.shape_cast %get3A_607 : vector<1x1x16xf32> to vector<16xf32>
      %mul3A_609 = arith.constant 8.000000e+00 : f32
      %mul3A_610 = vector.broadcast %mul3A_609 : f32 to vector<16xf32>
      %mul3A_611 = arith.mulf %get3A_608, %mul3A_610 : vector<16xf32>
      %add3A_612 = arith.constant 1 : i32
      %add3A_613 = arith.addi %mul3A_462, %add3A_612 : i32
      %swap3A_614 = arith.constant 2 : i32
      %swap3A_615 = arith.index_cast %swap3A_614 : i32 to index
      %swap3A_616 = arith.index_cast %add3A_613 : i32 to index
      %swap3A_617 = arith.constant 48 : index
      %swap3A_618 = tpu.vector_load %arg7[%swap3A_615, %swap3A_616, %swap3A_617] {strides = array<i32>} : memref<4x128x64xf32, #tpu.memory_space<vmem>>, vector<1x1x16xf32>,
      %swap3A_619 = vector.shape_cast %swap3A_618 : vector<1x1x16xf32> to vector<16xf32>
      %swap3A_620 = vector.shape_cast %mul3A_611 : vector<16xf32> to vector<1x1x16xf32>
      tpu.vector_store %arg7[%swap3A_615, %swap3A_616, %swap3A_617], %swap3A_620 {strides = array<i32>} : memref<4x128x64xf32, #tpu.memory_space<vmem>>, vector<1x1x16xf32>,
      %scan3A_621 = arith.constant 1 : i32
      %scan3A_622 = arith.addi %scan3A_460, %scan3A_621 : i32
      %mul3A_623 = arith.constant 2 : i32
      %mul3A_624 = arith.muli %mul3A_623, %scan3A_622 : i32
      %add3A_625 = arith.constant 0 : i32
      %add3A_626 = arith.addi %mul3A_624, %add3A_625 : i32
      %get3A_627 = arith.constant 2 : i32
      %get3A_628 = arith.index_cast %get3A_627 : i32 to index
      %get3A_629 = arith.index_cast %add3A_626 : i32 to index
      %get3A_630 = arith.constant 0 : index
      %get3A_631 = tpu.vector_load %arg6[%get3A_628, %get3A_629, %get3A_630] {strides = array<i32>} : memref<4x128x64xf32, #tpu.memory_space<vmem>>, vector<1x1x16xf32>,
      %get3A_632 = vector.shape_cast %get3A_631 : vector<1x1x16xf32> to vector<16xf32>
      %mul3A_633 = arith.constant 8.000000e+00 : f32
      %mul3A_634 = vector.broadcast %mul3A_633 : f32 to vector<16xf32>
      %mul3A_635 = arith.mulf %get3A_632, %mul3A_634 : vector<16xf32>
      %add3A_636 = arith.constant 0 : i32
      %add3A_637 = arith.addi %mul3A_624, %add3A_636 : i32
      %swap3A_638 = arith.constant 2 : i32
      %swap3A_639 = arith.index_cast %swap3A_638 : i32 to index
      %swap3A_640 = arith.index_cast %add3A_637 : i32 to index
      %swap3A_641 = arith.constant 0 : index
      %swap3A_642 = tpu.vector_load %arg7[%swap3A_639, %swap3A_640, %swap3A_641] {strides = array<i32>} : memref<4x128x64xf32, #tpu.memory_space<vmem>>, vector<1x1x16xf32>,
      %swap3A_643 = vector.shape_cast %swap3A_642 : vector<1x1x16xf32> to vector<16xf32>
      %swap3A_644 = vector.shape_cast %mul3A_635 : vector<16xf32> to vector<1x1x16xf32>
      tpu.vector_store %arg7[%swap3A_639, %swap3A_640, %swap3A_641], %swap3A_644 {strides = array<i32>} : memref<4x128x64xf32, #tpu.memory_space<vmem>>, vector<1x1x16xf32>,
      %add3A_645 = arith.constant 0 : i32
      %add3A_646 = arith.addi %mul3A_624, %add3A_645 : i32
      %get3A_647 = arith.constant 2 : i32
      %get3A_648 = arith.index_cast %get3A_647 : i32 to index
      %get3A_649 = arith.index_cast %add3A_646 : i32 to index
      %get3A_650 = arith.constant 16 : index
      %get3A_651 = tpu.vector_load %arg6[%get3A_648, %get3A_649, %get3A_650] {strides = array<i32>} : memref<4x128x64xf32, #tpu.memory_space<vmem>>, vector<1x1x16xf32>,
      %get3A_652 = vector.shape_cast %get3A_651 : vector<1x1x16xf32> to vector<16xf32>
      %mul3A_653 = arith.constant 8.000000e+00 : f32
      %mul3A_654 = vector.broadcast %mul3A_653 : f32 to vector<16xf32>
      %mul3A_655 = arith.mulf %get3A_652, %mul3A_654 : vector<16xf32>
      %add3A_656 = arith.constant 0 : i32
      %add3A_657 = arith.addi %mul3A_624, %add3A_656 : i32
      %swap3A_658 = arith.constant 2 : i32
      %swap3A_659 = arith.index_cast %swap3A_658 : i32 to index
      %swap3A_660 = arith.index_cast %add3A_657 : i32 to index
      %swap3A_661 = arith.constant 16 : index
      %swap3A_662 = tpu.vector_load %arg7[%swap3A_659, %swap3A_660, %swap3A_661] {strides = array<i32>} : memref<4x128x64xf32, #tpu.memory_space<vmem>>, vector<1x1x16xf32>,
      %swap3A_663 = vector.shape_cast %swap3A_662 : vector<1x1x16xf32> to vector<16xf32>
      %swap3A_664 = vector.shape_cast %mul3A_655 : vector<16xf32> to vector<1x1x16xf32>
      tpu.vector_store %arg7[%swap3A_659, %swap3A_660, %swap3A_661], %swap3A_664 {strides = array<i32>} : memref<4x128x64xf32, #tpu.memory_space<vmem>>, vector<1x1x16xf32>,
      %add3A_665 = arith.constant 0 : i32
      %add3A_666 = arith.addi %mul3A_624, %add3A_665 : i32
      %get3A_667 = arith.constant 2 : i32
      %get3A_668 = arith.index_cast %get3A_667 : i32 to index
      %get3A_669 = arith.index_cast %add3A_666 : i32 to index
      %get3A_670 = arith.constant 32 : index
      %get3A_671 = tpu.vector_load %arg6[%get3A_668, %get3A_669, %get3A_670] {strides = array<i32>} : memref<4x128x64xf32, #tpu.memory_space<vmem>>, vector<1x1x16xf32>,
      %get3A_672 = vector.shape_cast %get3A_671 : vector<1x1x16xf32> to vector<16xf32>
      %mul3A_673 = arith.constant 8.000000e+00 : f32
      %mul3A_674 = vector.broadcast %mul3A_673 : f32 to vector<16xf32>
      %mul3A_675 = arith.mulf %get3A_672, %mul3A_674 : vector<16xf32>
      %add3A_676 = arith.constant 0 : i32
      %add3A_677 = arith.addi %mul3A_624, %add3A_676 : i32
      %swap3A_678 = arith.constant 2 : i32
      %swap3A_679 = arith.index_cast %swap3A_678 : i32 to index
      %swap3A_680 = arith.index_cast %add3A_677 : i32 to index
      %swap3A_681 = arith.constant 32 : index
      %swap3A_682 = tpu.vector_load %arg7[%swap3A_679, %swap3A_680, %swap3A_681] {strides = array<i32>} : memref<4x128x64xf32, #tpu.memory_space<vmem>>, vector<1x1x16xf32>,
      %swap3A_683 = vector.shape_cast %swap3A_682 : vector<1x1x16xf32> to vector<16xf32>
      %swap3A_684 = vector.shape_cast %mul3A_675 : vector<16xf32> to vector<1x1x16xf32>
      tpu.vector_store %arg7[%swap3A_679, %swap3A_680, %swap3A_681], %swap3A_684 {strides = array<i32>} : memref<4x128x64xf32, #tpu.memory_space<vmem>>, vector<1x1x16xf32>,
      %add3A_685 = arith.constant 0 : i32
      %add3A_686 = arith.addi %mul3A_624, %add3A_685 : i32
      %get3A_687 = arith.constant 2 : i32
      %get3A_688 = arith.index_cast %get3A_687 : i32 to index
      %get3A_689 = arith.index_cast %add3A_686 : i32 to index
      %get3A_690 = arith.constant 48 : index
      %get3A_691 = tpu.vector_load %arg6[%get3A_688, %get3A_689, %get3A_690] {strides = array<i32>} : memref<4x128x64xf32, #tpu.memory_space<vmem>>, vector<1x1x16xf32>,
      %get3A_692 = vector.shape_cast %get3A_691 : vector<1x1x16xf32> to vector<16xf32>
      %mul3A_693 = arith.constant 8.000000e+00 : f32
      %mul3A_694 = vector.broadcast %mul3A_693 : f32 to vector<16xf32>
      %mul3A_695 = arith.mulf %get3A_692, %mul3A_694 : vector<16xf32>
      %add3A_696 = arith.constant 0 : i32
      %add3A_697 = arith.addi %mul3A_624, %add3A_696 : i32
      %swap3A_698 = arith.constant 2 : i32
      %swap3A_699 = arith.index_cast %swap3A_698 : i32 to index
      %swap3A_700 = arith.index_cast %add3A_697 : i32 to index
      %swap3A_701 = arith.constant 48 : index
      %swap3A_702 = tpu.vector_load %arg7[%swap3A_699, %swap3A_700, %swap3A_701] {strides = array<i32>} : memref<4x128x64xf32, #tpu.memory_space<vmem>>, vector<1x1x16xf32>,
      %swap3A_703 = vector.shape_cast %swap3A_702 : vector<1x1x16xf32> to vector<16xf32>
      %swap3A_704 = vector.shape_cast %mul3A_695 : vector<16xf32> to vector<1x1x16xf32>
      tpu.vector_store %arg7[%swap3A_699, %swap3A_700, %swap3A_701], %swap3A_704 {strides = array<i32>} : memref<4x128x64xf32, #tpu.memory_space<vmem>>, vector<1x1x16xf32>,
      %add3A_705 = arith.constant 1 : i32
      %add3A_706 = arith.addi %mul3A_624, %add3A_705 : i32
      %get3A_707 = arith.constant 2 : i32
      %get3A_708 = arith.index_cast %get3A_707 : i32 to index
      %get3A_709 = arith.index_cast %add3A_706 : i32 to index
      %get3A_710 = arith.constant 0 : index
      %get3A_711 = tpu.vector_load %arg6[%get3A_708, %get3A_709, %get3A_710] {strides = array<i32>} : memref<4x128x64xf32, #tpu.memory_space<vmem>>, vector<1x1x16xf32>,
      %get3A_712 = vector.shape_cast %get3A_711 : vector<1x1x16xf32> to vector<16xf32>
      %mul3A_713 = arith.constant 8.000000e+00 : f32
      %mul3A_714 = vector.broadcast %mul3A_713 : f32 to vector<16xf32>
      %mul3A_715 = arith.mulf %get3A_712, %mul3A_714 : vector<16xf32>
      %add3A_716 = arith.constant 1 : i32
      %add3A_717 = arith.addi %mul3A_624, %add3A_716 : i32
      %swap3A_718 = arith.constant 2 : i32
      %swap3A_719 = arith.index_cast %swap3A_718 : i32 to index
      %swap3A_720 = arith.index_cast %add3A_717 : i32 to index
      %swap3A_721 = arith.constant 0 : index
      %swap3A_722 = tpu.vector_load %arg7[%swap3A_719, %swap3A_720, %swap3A_721] {strides = array<i32>} : memref<4x128x64xf32, #tpu.memory_space<vmem>>, vector<1x1x16xf32>,
      %swap3A_723 = vector.shape_cast %swap3A_722 : vector<1x1x16xf32> to vector<16xf32>
      %swap3A_724 = vector.shape_cast %mul3A_715 : vector<16xf32> to vector<1x1x16xf32>
      tpu.vector_store %arg7[%swap3A_719, %swap3A_720, %swap3A_721], %swap3A_724 {strides = array<i32>} : memref<4x128x64xf32, #tpu.memory_space<vmem>>, vector<1x1x16xf32>,
      %add3A_725 = arith.constant 1 : i32
      %add3A_726 = arith.addi %mul3A_624, %add3A_725 : i32
      %get3A_727 = arith.constant 2 : i32
      %get3A_728 = arith.index_cast %get3A_727 : i32 to index
      %get3A_729 = arith.index_cast %add3A_726 : i32 to index
      %get3A_730 = arith.constant 16 : index
      %get3A_731 = tpu.vector_load %arg6[%get3A_728, %get3A_729, %get3A_730] {strides = array<i32>} : memref<4x128x64xf32, #tpu.memory_space<vmem>>, vector<1x1x16xf32>,
      %get3A_732 = vector.shape_cast %get3A_731 : vector<1x1x16xf32> to vector<16xf32>
      %mul3A_733 = arith.constant 8.000000e+00 : f32
      %mul3A_734 = vector.broadcast %mul3A_733 : f32 to vector<16xf32>
      %mul3A_735 = arith.mulf %get3A_732, %mul3A_734 : vector<16xf32>
      %add3A_736 = arith.constant 1 : i32
      %add3A_737 = arith.addi %mul3A_624, %add3A_736 : i32
      %swap3A_738 = arith.constant 2 : i32
      %swap3A_739 = arith.index_cast %swap3A_738 : i32 to index
      %swap3A_740 = arith.index_cast %add3A_737 : i32 to index
      %swap3A_741 = arith.constant 16 : index
      %swap3A_742 = tpu.vector_load %arg7[%swap3A_739, %swap3A_740, %swap3A_741] {strides = array<i32>} : memref<4x128x64xf32, #tpu.memory_space<vmem>>, vector<1x1x16xf32>,
      %swap3A_743 = vector.shape_cast %swap3A_742 : vector<1x1x16xf32> to vector<16xf32>
      %swap3A_744 = vector.shape_cast %mul3A_735 : vector<16xf32> to vector<1x1x16xf32>
      tpu.vector_store %arg7[%swap3A_739, %swap3A_740, %swap3A_741], %swap3A_744 {strides = array<i32>} : memref<4x128x64xf32, #tpu.memory_space<vmem>>, vector<1x1x16xf32>,
      %add3A_745 = arith.constant 1 : i32
      %add3A_746 = arith.addi %mul3A_624, %add3A_745 : i32
      %get3A_747 = arith.constant 2 : i32
      %get3A_748 = arith.index_cast %get3A_747 : i32 to index
      %get3A_749 = arith.index_cast %add3A_746 : i32 to index
      %get3A_750 = arith.constant 32 : index
      %get3A_751 = tpu.vector_load %arg6[%get3A_748, %get3A_749, %get3A_750] {strides = array<i32>} : memref<4x128x64xf32, #tpu.memory_space<vmem>>, vector<1x1x16xf32>,
      %get3A_752 = vector.shape_cast %get3A_751 : vector<1x1x16xf32> to vector<16xf32>
      %mul3A_753 = arith.constant 8.000000e+00 : f32
      %mul3A_754 = vector.broadcast %mul3A_753 : f32 to vector<16xf32>
      %mul3A_755 = arith.mulf %get3A_752, %mul3A_754 : vector<16xf32>
      %add3A_756 = arith.constant 1 : i32
      %add3A_757 = arith.addi %mul3A_624, %add3A_756 : i32
      %swap3A_758 = arith.constant 2 : i32
      %swap3A_759 = arith.index_cast %swap3A_758 : i32 to index
      %swap3A_760 = arith.index_cast %add3A_757 : i32 to index
      %swap3A_761 = arith.constant 32 : index
      %swap3A_762 = tpu.vector_load %arg7[%swap3A_759, %swap3A_760, %swap3A_761] {strides = array<i32>} : memref<4x128x64xf32, #tpu.memory_space<vmem>>, vector<1x1x16xf32>,
      %swap3A_763 = vector.shape_cast %swap3A_762 : vector<1x1x16xf32> to vector<16xf32>
      %swap3A_764 = vector.shape_cast %mul3A_755 : vector<16xf32> to vector<1x1x16xf32>
      tpu.vector_store %arg7[%swap3A_759, %swap3A_760, %swap3A_761], %swap3A_764 {strides = array<i32>} : memref<4x128x64xf32, #tpu.memory_space<vmem>>, vector<1x1x16xf32>,
      %add3A_765 = arith.constant 1 : i32
      %add3A_766 = arith.addi %mul3A_624, %add3A_765 : i32
      %get3A_767 = arith.constant 2 : i32
      %get3A_768 = arith.index_cast %get3A_767 : i32 to index
      %get3A_769 = arith.index_cast %add3A_766 : i32 to index
      %get3A_770 = arith.constant 48 : index
      %get3A_771 = tpu.vector_load %arg6[%get3A_768, %get3A_769, %get3A_770] {strides = array<i32>} : memref<4x128x64xf32, #tpu.memory_space<vmem>>, vector<1x1x16xf32>,
      %get3A_772 = vector.shape_cast %get3A_771 : vector<1x1x16xf32> to vector<16xf32>
      %mul3A_773 = arith.constant 8.000000e+00 : f32
      %mul3A_774 = vector.broadcast %mul3A_773 : f32 to vector<16xf32>
      %mul3A_775 = arith.mulf %get3A_772, %mul3A_774 : vector<16xf32>
      %add3A_776 = arith.constant 1 : i32
      %add3A_777 = arith.addi %mul3A_624, %add3A_776 : i32
      %swap3A_778 = arith.constant 2 : i32
      %swap3A_779 = arith.index_cast %swap3A_778 : i32 to index
      %swap3A_780 = arith.index_cast %add3A_777 : i32 to index
      %swap3A_781 = arith.constant 48 : index
      %swap3A_782 = tpu.vector_load %arg7[%swap3A_779, %swap3A_780, %swap3A_781] {strides = array<i32>} : memref<4x128x64xf32, #tpu.memory_space<vmem>>, vector<1x1x16xf32>,
      %swap3A_783 = vector.shape_cast %swap3A_782 : vector<1x1x16xf32> to vector<16xf32>
      %swap3A_784 = vector.shape_cast %mul3A_775 : vector<16xf32> to vector<1x1x16xf32>
      tpu.vector_store %arg7[%swap3A_779, %swap3A_780, %swap3A_781], %swap3A_784 {strides = array<i32>} : memref<4x128x64xf32, #tpu.memory_space<vmem>>, vector<1x1x16xf32>,
    }
    %scan3A_143 = arith.constant 64 : i32
    %add3A_144 = arith.constant 256 : i32
    %add3A_145 = arith.addi %mul3A_2, %add3A_144 : i32
    %dma_start3A_146 = arith.constant 2 : i32
    %dma_start3A_147 = arith.constant 0 : i32
    %dma_start3A_148 = arith.constant 0 : i32
    %dma_start3A_149 = tpu.memref_slice %arg7[%dma_start3A_146, %dma_start3A_147, %dma_start3A_148] : memref<4x128x64xf32, #tpu.memory_space<vmem>> -> memref<1x128x64xf32, #tpu.memory_space<vmem>>
    %dma_start3A_150 = tpu.memref_squeeze %dma_start3A_149 : memref<1x128x64xf32, #tpu.memory_space<vmem>> -> memref<128x64xf32, #tpu.memory_space<vmem>>
    %dma_start3A_151 = arith.constant 0 : i32
    %dma_start3A_152 = tpu.memref_slice %arg4[%add3A_145, %dma_start3A_151] : memref<819200x64xf32, #tpu.memory_space<hbm>> -> memref<128x64xf32, #tpu.memory_space<hbm>>
    %dma_start3A_153 = arith.constant 0 : i32
    %dma_start3A_154 = tpu.memref_slice %arg4[%add3A_145, %dma_start3A_153] : memref<819200x64xf32, #tpu.memory_space<hbm>> -> memref<128x64xf32, #tpu.memory_space<hbm>>
    %dma_start3A_155 = arith.constant 0 : i32
    %dma_start3A_156 = arith.constant 0 : i32
    %dma_start3A_157 = tpu.memref_slice %arg7[%dma_start3A_146, %dma_start3A_155, %dma_start3A_156] : memref<4x128x64xf32, #tpu.memory_space<vmem>> -> memref<1x128x64xf32, #tpu.memory_space<vmem>>
    %dma_start3A_158 = tpu.memref_squeeze %dma_start3A_157 : memref<1x128x64xf32, #tpu.memory_space<vmem>> -> memref<128x64xf32, #tpu.memory_space<vmem>>
    tpu.enqueue_dma source(%dma_start3A_158 : memref<128x64xf32, #tpu.memory_space<vmem>>) target(%dma_start3A_154 : memref<128x64xf32, #tpu.memory_space<hbm>>) target_semaphore(%arg14 : memref<!tpu.dma_semaphore, #tpu.memory_space<semaphore_mem>>)
    %dma_start3A_159 = arith.constant 2 : i32
    %dma_start3A_160 = arith.constant 0 : i32
    %dma_start3A_161 = arith.constant 0 : i32
    %dma_start3A_162 = tpu.memref_slice %arg6[%dma_start3A_159, %dma_start3A_160, %dma_start3A_161] : memref<4x128x64xf32, #tpu.memory_space<vmem>> -> memref<1x128x64xf32, #tpu.memory_space<vmem>>
    %dma_start3A_163 = tpu.memref_squeeze %dma_start3A_162 : memref<1x128x64xf32, #tpu.memory_space<vmem>> -> memref<128x64xf32, #tpu.memory_space<vmem>>
    %dma_start3A_164 = arith.constant 768 : i32
    %dma_start3A_165 = tpu.memref_slice %arg5[%dma_start3A_164] : memref<25600xi32, #tpu.memory_space<vmem>> -> memref<128xi32, #tpu.memory_space<vmem>>
    %dma_start3A_166 = arith.constant 0 : i32
    %dma_start3A_167 = arith.constant 0 : i32
    %dma_start3A_168 = tpu.memref_slice %arg3[%dma_start3A_166, %dma_start3A_167] : memref<2000000x64xf32, #tpu.memory_space<hbm>> -> memref<2000000x64xf32, #tpu.memory_space<hbm>>
    tpu.enqueue_indirect_dma source(%dma_start3A_168 : memref<2000000x64xf32, #tpu.memory_space<hbm>>) target(%dma_start3A_163 : memref<128x64xf32, #tpu.memory_space<vmem>>) offsets(%dma_start3A_165 : memref<128xi32, #tpu.memory_space<vmem>>) semaphore(%arg10 : memref<!tpu.dma_semaphore, #tpu.memory_space<semaphore_mem>>)
    %dma_wait3A_169 = arith.constant 3 : i32
    %dma_wait3A_170 = arith.constant 0 : i32
    %dma_wait3A_171 = arith.constant 0 : i32
    %dma_wait3A_172 = tpu.memref_slice %arg6[%dma_wait3A_169, %dma_wait3A_170, %dma_wait3A_171] : memref<4x128x64xf32, #tpu.memory_space<vmem>> -> memref<1x128x64xf32, #tpu.memory_space<vmem>>
    %dma_wait3A_173 = tpu.memref_squeeze %dma_wait3A_172 : memref<1x128x64xf32, #tpu.memory_space<vmem>> -> memref<128x64xf32, #tpu.memory_space<vmem>>
    %dma_wait3A_174 = arith.constant 0 : i32
    %dma_wait3A_175 = tpu.memref_slice %arg5[%dma_wait3A_174] : memref<25600xi32, #tpu.memory_space<vmem>> -> memref<128xi32, #tpu.memory_space<vmem>>
    %dma_wait3A_176 = arith.constant 0 : i32
    %dma_wait3A_177 = arith.constant 0 : i32
    %dma_wait3A_178 = tpu.memref_slice %arg3[%dma_wait3A_176, %dma_wait3A_177] : memref<2000000x64xf32, #tpu.memory_space<hbm>> -> memref<2000000x64xf32, #tpu.memory_space<hbm>>
    tpu.wait_indirect_dma semaphore(%arg11 : memref<!tpu.dma_semaphore, #tpu.memory_space<semaphore_mem>>) src(%dma_wait3A_178 : memref<2000000x64xf32, #tpu.memory_space<hbm>>) dst(%dma_wait3A_173 : memref<128x64xf32, #tpu.memory_space<vmem>>)
    %scan3A_179 = arith.constant 0 : i32
    %scan3A_180 = arith.constant 0 : i32
    %scan3A_181 = arith.constant 64 : i32
    %scan3A_182 = arith.addi %scan3A_180, %scan3A_181 : i32
    %scan3A_183 = arith.constant 2 : i32
    scf.for %scan3A_460 = %scan3A_180 to %scan3A_182 step %scan3A_183  : i32 {
      %mul3A_461 = arith.constant 2 : i32
      %mul3A_462 = arith.muli %mul3A_461, %scan3A_460 : i32
      %add3A_463 = arith.constant 0 : i32
      %add3A_464 = arith.addi %mul3A_462, %add3A_463 : i32
      %get3A = arith.constant 3 : i32
      %get3A_465 = arith.index_cast %get3A : i32 to index
      %get3A_466 = arith.index_cast %add3A_464 : i32 to index
      %get3A_467 = arith.constant 0 : index
      %get3A_468 = tpu.vector_load %arg6[%get3A_465, %get3A_466, %get3A_467] {strides = array<i32>} : memref<4x128x64xf32, #tpu.memory_space<vmem>>, vector<1x1x16xf32>,
      %get3A_469 = vector.shape_cast %get3A_468 : vector<1x1x16xf32> to vector<16xf32>
      %mul3A_470 = arith.constant 8.000000e+00 : f32
      %mul3A_471 = vector.broadcast %mul3A_470 : f32 to vector<16xf32>
      %mul3A_472 = arith.mulf %get3A_469, %mul3A_471 : vector<16xf32>
      %add3A_473 = arith.constant 0 : i32
      %add3A_474 = arith.addi %mul3A_462, %add3A_473 : i32
      %swap3A = arith.constant 3 : i32
      %swap3A_475 = arith.index_cast %swap3A : i32 to index
      %swap3A_476 = arith.index_cast %add3A_474 : i32 to index
      %swap3A_477 = arith.constant 0 : index
      %swap3A_478 = tpu.vector_load %arg7[%swap3A_475, %swap3A_476, %swap3A_477] {strides = array<i32>} : memref<4x128x64xf32, #tpu.memory_space<vmem>>, vector<1x1x16xf32>,
      %swap3A_479 = vector.shape_cast %swap3A_478 : vector<1x1x16xf32> to vector<16xf32>
      %swap3A_480 = vector.shape_cast %mul3A_472 : vector<16xf32> to vector<1x1x16xf32>
      tpu.vector_store %arg7[%swap3A_475, %swap3A_476, %swap3A_477], %swap3A_480 {strides = array<i32>} : memref<4x128x64xf32, #tpu.memory_space<vmem>>, vector<1x1x16xf32>,
      %add3A_481 = arith.constant 0 : i32
      %add3A_482 = arith.addi %mul3A_462, %add3A_481 : i32
      %get3A_483 = arith.constant 3 : i32
      %get3A_484 = arith.index_cast %get3A_483 : i32 to index
      %get3A_485 = arith.index_cast %add3A_482 : i32 to index
      %get3A_486 = arith.constant 16 : index
      %get3A_487 = tpu.vector_load %arg6[%get3A_484, %get3A_485, %get3A_486] {strides = array<i32>} : memref<4x128x64xf32, #tpu.memory_space<vmem>>, vector<1x1x16xf32>,
      %get3A_488 = vector.shape_cast %get3A_487 : vector<1x1x16xf32> to vector<16xf32>
      %mul3A_489 = arith.constant 8.000000e+00 : f32
      %mul3A_490 = vector.broadcast %mul3A_489 : f32 to vector<16xf32>
      %mul3A_491 = arith.mulf %get3A_488, %mul3A_490 : vector<16xf32>
      %add3A_492 = arith.constant 0 : i32
      %add3A_493 = arith.addi %mul3A_462, %add3A_492 : i32
      %swap3A_494 = arith.constant 3 : i32
      %swap3A_495 = arith.index_cast %swap3A_494 : i32 to index
      %swap3A_496 = arith.index_cast %add3A_493 : i32 to index
      %swap3A_497 = arith.constant 16 : index
      %swap3A_498 = tpu.vector_load %arg7[%swap3A_495, %swap3A_496, %swap3A_497] {strides = array<i32>} : memref<4x128x64xf32, #tpu.memory_space<vmem>>, vector<1x1x16xf32>,
      %swap3A_499 = vector.shape_cast %swap3A_498 : vector<1x1x16xf32> to vector<16xf32>
      %swap3A_500 = vector.shape_cast %mul3A_491 : vector<16xf32> to vector<1x1x16xf32>
      tpu.vector_store %arg7[%swap3A_495, %swap3A_496, %swap3A_497], %swap3A_500 {strides = array<i32>} : memref<4x128x64xf32, #tpu.memory_space<vmem>>, vector<1x1x16xf32>,
      %add3A_501 = arith.constant 0 : i32
      %add3A_502 = arith.addi %mul3A_462, %add3A_501 : i32
      %get3A_503 = arith.constant 3 : i32
      %get3A_504 = arith.index_cast %get3A_503 : i32 to index
      %get3A_505 = arith.index_cast %add3A_502 : i32 to index
      %get3A_506 = arith.constant 32 : index
      %get3A_507 = tpu.vector_load %arg6[%get3A_504, %get3A_505, %get3A_506] {strides = array<i32>} : memref<4x128x64xf32, #tpu.memory_space<vmem>>, vector<1x1x16xf32>,
      %get3A_508 = vector.shape_cast %get3A_507 : vector<1x1x16xf32> to vector<16xf32>
      %mul3A_509 = arith.constant 8.000000e+00 : f32
      %mul3A_510 = vector.broadcast %mul3A_509 : f32 to vector<16xf32>
      %mul3A_511 = arith.mulf %get3A_508, %mul3A_510 : vector<16xf32>
      %add3A_512 = arith.constant 0 : i32
      %add3A_513 = arith.addi %mul3A_462, %add3A_512 : i32
      %swap3A_514 = arith.constant 3 : i32
      %swap3A_515 = arith.index_cast %swap3A_514 : i32 to index
      %swap3A_516 = arith.index_cast %add3A_513 : i32 to index
      %swap3A_517 = arith.constant 32 : index
      %swap3A_518 = tpu.vector_load %arg7[%swap3A_515, %swap3A_516, %swap3A_517] {strides = array<i32>} : memref<4x128x64xf32, #tpu.memory_space<vmem>>, vector<1x1x16xf32>,
      %swap3A_519 = vector.shape_cast %swap3A_518 : vector<1x1x16xf32> to vector<16xf32>
      %swap3A_520 = vector.shape_cast %mul3A_511 : vector<16xf32> to vector<1x1x16xf32>
      tpu.vector_store %arg7[%swap3A_515, %swap3A_516, %swap3A_517], %swap3A_520 {strides = array<i32>} : memref<4x128x64xf32, #tpu.memory_space<vmem>>, vector<1x1x16xf32>,
      %add3A_521 = arith.constant 0 : i32
      %add3A_522 = arith.addi %mul3A_462, %add3A_521 : i32
      %get3A_523 = arith.constant 3 : i32
      %get3A_524 = arith.index_cast %get3A_523 : i32 to index
      %get3A_525 = arith.index_cast %add3A_522 : i32 to index
      %get3A_526 = arith.constant 48 : index
      %get3A_527 = tpu.vector_load %arg6[%get3A_524, %get3A_525, %get3A_526] {strides = array<i32>} : memref<4x128x64xf32, #tpu.memory_space<vmem>>, vector<1x1x16xf32>,
      %get3A_528 = vector.shape_cast %get3A_527 : vector<1x1x16xf32> to vector<16xf32>
      %mul3A_529 = arith.constant 8.000000e+00 : f32
      %mul3A_530 = vector.broadcast %mul3A_529 : f32 to vector<16xf32>
      %mul3A_531 = arith.mulf %get3A_528, %mul3A_530 : vector<16xf32>
      %add3A_532 = arith.constant 0 : i32
      %add3A_533 = arith.addi %mul3A_462, %add3A_532 : i32
      %swap3A_534 = arith.constant 3 : i32
      %swap3A_535 = arith.index_cast %swap3A_534 : i32 to index
      %swap3A_536 = arith.index_cast %add3A_533 : i32 to index
      %swap3A_537 = arith.constant 48 : index
      %swap3A_538 = tpu.vector_load %arg7[%swap3A_535, %swap3A_536, %swap3A_537] {strides = array<i32>} : memref<4x128x64xf32, #tpu.memory_space<vmem>>, vector<1x1x16xf32>,
      %swap3A_539 = vector.shape_cast %swap3A_538 : vector<1x1x16xf32> to vector<16xf32>
      %swap3A_540 = vector.shape_cast %mul3A_531 : vector<16xf32> to vector<1x1x16xf32>
      tpu.vector_store %arg7[%swap3A_535, %swap3A_536, %swap3A_537], %swap3A_540 {strides = array<i32>} : memref<4x128x64xf32, #tpu.memory_space<vmem>>, vector<1x1x16xf32>,
      %add3A_541 = arith.constant 1 : i32
      %add3A_542 = arith.addi %mul3A_462, %add3A_541 : i32
      %get3A_543 = arith.constant 3 : i32
      %get3A_544 = arith.index_cast %get3A_543 : i32 to index
      %get3A_545 = arith.index_cast %add3A_542 : i32 to index
      %get3A_546 = arith.constant 0 : index
      %get3A_547 = tpu.vector_load %arg6[%get3A_544, %get3A_545, %get3A_546] {strides = array<i32>} : memref<4x128x64xf32, #tpu.memory_space<vmem>>, vector<1x1x16xf32>,
      %get3A_548 = vector.shape_cast %get3A_547 : vector<1x1x16xf32> to vector<16xf32>
      %mul3A_549 = arith.constant 8.000000e+00 : f32
      %mul3A_550 = vector.broadcast %mul3A_549 : f32 to vector<16xf32>
      %mul3A_551 = arith.mulf %get3A_548, %mul3A_550 : vector<16xf32>
      %add3A_552 = arith.constant 1 : i32
      %add3A_553 = arith.addi %mul3A_462, %add3A_552 : i32
      %swap3A_554 = arith.constant 3 : i32
      %swap3A_555 = arith.index_cast %swap3A_554 : i32 to index
      %swap3A_556 = arith.index_cast %add3A_553 : i32 to index
      %swap3A_557 = arith.constant 0 : index
      %swap3A_558 = tpu.vector_load %arg7[%swap3A_555, %swap3A_556, %swap3A_557] {strides = array<i32>} : memref<4x128x64xf32, #tpu.memory_space<vmem>>, vector<1x1x16xf32>,
      %swap3A_559 = vector.shape_cast %swap3A_558 : vector<1x1x16xf32> to vector<16xf32>
      %swap3A_560 = vector.shape_cast %mul3A_551 : vector<16xf32> to vector<1x1x16xf32>
      tpu.vector_store %arg7[%swap3A_555, %swap3A_556, %swap3A_557], %swap3A_560 {strides = array<i32>} : memref<4x128x64xf32, #tpu.memory_space<vmem>>, vector<1x1x16xf32>,
      %add3A_561 = arith.constant 1 : i32
      %add3A_562 = arith.addi %mul3A_462, %add3A_561 : i32
      %get3A_563 = arith.constant 3 : i32
      %get3A_564 = arith.index_cast %get3A_563 : i32 to index
      %get3A_565 = arith.index_cast %add3A_562 : i32 to index
      %get3A_566 = arith.constant 16 : index
      %get3A_567 = tpu.vector_load %arg6[%get3A_564, %get3A_565, %get3A_566] {strides = array<i32>} : memref<4x128x64xf32, #tpu.memory_space<vmem>>, vector<1x1x16xf32>,
      %get3A_568 = vector.shape_cast %get3A_567 : vector<1x1x16xf32> to vector<16xf32>
      %mul3A_569 = arith.constant 8.000000e+00 : f32
      %mul3A_570 = vector.broadcast %mul3A_569 : f32 to vector<16xf32>
      %mul3A_571 = arith.mulf %get3A_568, %mul3A_570 : vector<16xf32>
      %add3A_572 = arith.constant 1 : i32
      %add3A_573 = arith.addi %mul3A_462, %add3A_572 : i32
      %swap3A_574 = arith.constant 3 : i32
      %swap3A_575 = arith.index_cast %swap3A_574 : i32 to index
      %swap3A_576 = arith.index_cast %add3A_573 : i32 to index
      %swap3A_577 = arith.constant 16 : index
      %swap3A_578 = tpu.vector_load %arg7[%swap3A_575, %swap3A_576, %swap3A_577] {strides = array<i32>} : memref<4x128x64xf32, #tpu.memory_space<vmem>>, vector<1x1x16xf32>,
      %swap3A_579 = vector.shape_cast %swap3A_578 : vector<1x1x16xf32> to vector<16xf32>
      %swap3A_580 = vector.shape_cast %mul3A_571 : vector<16xf32> to vector<1x1x16xf32>
      tpu.vector_store %arg7[%swap3A_575, %swap3A_576, %swap3A_577], %swap3A_580 {strides = array<i32>} : memref<4x128x64xf32, #tpu.memory_space<vmem>>, vector<1x1x16xf32>,
      %add3A_581 = arith.constant 1 : i32
      %add3A_582 = arith.addi %mul3A_462, %add3A_581 : i32
      %get3A_583 = arith.constant 3 : i32
      %get3A_584 = arith.index_cast %get3A_583 : i32 to index
      %get3A_585 = arith.index_cast %add3A_582 : i32 to index
      %get3A_586 = arith.constant 32 : index
      %get3A_587 = tpu.vector_load %arg6[%get3A_584, %get3A_585, %get3A_586] {strides = array<i32>} : memref<4x128x64xf32, #tpu.memory_space<vmem>>, vector<1x1x16xf32>,
      %get3A_588 = vector.shape_cast %get3A_587 : vector<1x1x16xf32> to vector<16xf32>
      %mul3A_589 = arith.constant 8.000000e+00 : f32
      %mul3A_590 = vector.broadcast %mul3A_589 : f32 to vector<16xf32>
      %mul3A_591 = arith.mulf %get3A_588, %mul3A_590 : vector<16xf32>
      %add3A_592 = arith.constant 1 : i32
      %add3A_593 = arith.addi %mul3A_462, %add3A_592 : i32
      %swap3A_594 = arith.constant 3 : i32
      %swap3A_595 = arith.index_cast %swap3A_594 : i32 to index
      %swap3A_596 = arith.index_cast %add3A_593 : i32 to index
      %swap3A_597 = arith.constant 32 : index
      %swap3A_598 = tpu.vector_load %arg7[%swap3A_595, %swap3A_596, %swap3A_597] {strides = array<i32>} : memref<4x128x64xf32, #tpu.memory_space<vmem>>, vector<1x1x16xf32>,
      %swap3A_599 = vector.shape_cast %swap3A_598 : vector<1x1x16xf32> to vector<16xf32>
      %swap3A_600 = vector.shape_cast %mul3A_591 : vector<16xf32> to vector<1x1x16xf32>
      tpu.vector_store %arg7[%swap3A_595, %swap3A_596, %swap3A_597], %swap3A_600 {strides = array<i32>} : memref<4x128x64xf32, #tpu.memory_space<vmem>>, vector<1x1x16xf32>,
      %add3A_601 = arith.constant 1 : i32
      %add3A_602 = arith.addi %mul3A_462, %add3A_601 : i32
      %get3A_603 = arith.constant 3 : i32
      %get3A_604 = arith.index_cast %get3A_603 : i32 to index
      %get3A_605 = arith.index_cast %add3A_602 : i32 to index
      %get3A_606 = arith.constant 48 : index
      %get3A_607 = tpu.vector_load %arg6[%get3A_604, %get3A_605, %get3A_606] {strides = array<i32>} : memref<4x128x64xf32, #tpu.memory_space<vmem>>, vector<1x1x16xf32>,
      %get3A_608 = vector.shape_cast %get3A_607 : vector<1x1x16xf32> to vector<16xf32>
      %mul3A_609 = arith.constant 8.000000e+00 : f32
      %mul3A_610 = vector.broadcast %mul3A_609 : f32 to vector<16xf32>
      %mul3A_611 = arith.mulf %get3A_608, %mul3A_610 : vector<16xf32>
      %add3A_612 = arith.constant 1 : i32
      %add3A_613 = arith.addi %mul3A_462, %add3A_612 : i32
      %swap3A_614 = arith.constant 3 : i32
      %swap3A_615 = arith.index_cast %swap3A_614 : i32 to index
      %swap3A_616 = arith.index_cast %add3A_613 : i32 to index
      %swap3A_617 = arith.constant 48 : index
      %swap3A_618 = tpu.vector_load %arg7[%swap3A_615, %swap3A_616, %swap3A_617] {strides = array<i32>} : memref<4x128x64xf32, #tpu.memory_space<vmem>>, vector<1x1x16xf32>,
      %swap3A_619 = vector.shape_cast %swap3A_618 : vector<1x1x16xf32> to vector<16xf32>
      %swap3A_620 = vector.shape_cast %mul3A_611 : vector<16xf32> to vector<1x1x16xf32>
      tpu.vector_store %arg7[%swap3A_615, %swap3A_616, %swap3A_617], %swap3A_620 {strides = array<i32>} : memref<4x128x64xf32, #tpu.memory_space<vmem>>, vector<1x1x16xf32>,
      %scan3A_621 = arith.constant 1 : i32
      %scan3A_622 = arith.addi %scan3A_460, %scan3A_621 : i32
      %mul3A_623 = arith.constant 2 : i32
      %mul3A_624 = arith.muli %mul3A_623, %scan3A_622 : i32
      %add3A_625 = arith.constant 0 : i32
      %add3A_626 = arith.addi %mul3A_624, %add3A_625 : i32
      %get3A_627 = arith.constant 3 : i32
      %get3A_628 = arith.index_cast %get3A_627 : i32 to index
      %get3A_629 = arith.index_cast %add3A_626 : i32 to index
      %get3A_630 = arith.constant 0 : index
      %get3A_631 = tpu.vector_load %arg6[%get3A_628, %get3A_629, %get3A_630] {strides = array<i32>} : memref<4x128x64xf32, #tpu.memory_space<vmem>>, vector<1x1x16xf32>,
      %get3A_632 = vector.shape_cast %get3A_631 : vector<1x1x16xf32> to vector<16xf32>
      %mul3A_633 = arith.constant 8.000000e+00 : f32
      %mul3A_634 = vector.broadcast %mul3A_633 : f32 to vector<16xf32>
      %mul3A_635 = arith.mulf %get3A_632, %mul3A_634 : vector<16xf32>
      %add3A_636 = arith.constant 0 : i32
      %add3A_637 = arith.addi %mul3A_624, %add3A_636 : i32
      %swap3A_638 = arith.constant 3 : i32
      %swap3A_639 = arith.index_cast %swap3A_638 : i32 to index
      %swap3A_640 = arith.index_cast %add3A_637 : i32 to index
      %swap3A_641 = arith.constant 0 : index
      %swap3A_642 = tpu.vector_load %arg7[%swap3A_639, %swap3A_640, %swap3A_641] {strides = array<i32>} : memref<4x128x64xf32, #tpu.memory_space<vmem>>, vector<1x1x16xf32>,
      %swap3A_643 = vector.shape_cast %swap3A_642 : vector<1x1x16xf32> to vector<16xf32>
      %swap3A_644 = vector.shape_cast %mul3A_635 : vector<16xf32> to vector<1x1x16xf32>
      tpu.vector_store %arg7[%swap3A_639, %swap3A_640, %swap3A_641], %swap3A_644 {strides = array<i32>} : memref<4x128x64xf32, #tpu.memory_space<vmem>>, vector<1x1x16xf32>,
      %add3A_645 = arith.constant 0 : i32
      %add3A_646 = arith.addi %mul3A_624, %add3A_645 : i32
      %get3A_647 = arith.constant 3 : i32
      %get3A_648 = arith.index_cast %get3A_647 : i32 to index
      %get3A_649 = arith.index_cast %add3A_646 : i32 to index
      %get3A_650 = arith.constant 16 : index
      %get3A_651 = tpu.vector_load %arg6[%get3A_648, %get3A_649, %get3A_650] {strides = array<i32>} : memref<4x128x64xf32, #tpu.memory_space<vmem>>, vector<1x1x16xf32>,
      %get3A_652 = vector.shape_cast %get3A_651 : vector<1x1x16xf32> to vector<16xf32>
      %mul3A_653 = arith.constant 8.000000e+00 : f32
      %mul3A_654 = vector.broadcast %mul3A_653 : f32 to vector<16xf32>
      %mul3A_655 = arith.mulf %get3A_652, %mul3A_654 : vector<16xf32>
      %add3A_656 = arith.constant 0 : i32
      %add3A_657 = arith.addi %mul3A_624, %add3A_656 : i32
      %swap3A_658 = arith.constant 3 : i32
      %swap3A_659 = arith.index_cast %swap3A_658 : i32 to index
      %swap3A_660 = arith.index_cast %add3A_657 : i32 to index
      %swap3A_661 = arith.constant 16 : index
      %swap3A_662 = tpu.vector_load %arg7[%swap3A_659, %swap3A_660, %swap3A_661] {strides = array<i32>} : memref<4x128x64xf32, #tpu.memory_space<vmem>>, vector<1x1x16xf32>,
      %swap3A_663 = vector.shape_cast %swap3A_662 : vector<1x1x16xf32> to vector<16xf32>
      %swap3A_664 = vector.shape_cast %mul3A_655 : vector<16xf32> to vector<1x1x16xf32>
      tpu.vector_store %arg7[%swap3A_659, %swap3A_660, %swap3A_661], %swap3A_664 {strides = array<i32>} : memref<4x128x64xf32, #tpu.memory_space<vmem>>, vector<1x1x16xf32>,
      %add3A_665 = arith.constant 0 : i32
      %add3A_666 = arith.addi %mul3A_624, %add3A_665 : i32
      %get3A_667 = arith.constant 3 : i32
      %get3A_668 = arith.index_cast %get3A_667 : i32 to index
      %get3A_669 = arith.index_cast %add3A_666 : i32 to index
      %get3A_670 = arith.constant 32 : index
      %get3A_671 = tpu.vector_load %arg6[%get3A_668, %get3A_669, %get3A_670] {strides = array<i32>} : memref<4x128x64xf32, #tpu.memory_space<vmem>>, vector<1x1x16xf32>,
      %get3A_672 = vector.shape_cast %get3A_671 : vector<1x1x16xf32> to vector<16xf32>
      %mul3A_673 = arith.constant 8.000000e+00 : f32
      %mul3A_674 = vector.broadcast %mul3A_673 : f32 to vector<16xf32>
      %mul3A_675 = arith.mulf %get3A_672, %mul3A_674 : vector<16xf32>
      %add3A_676 = arith.constant 0 : i32
      %add3A_677 = arith.addi %mul3A_624, %add3A_676 : i32
      %swap3A_678 = arith.constant 3 : i32
      %swap3A_679 = arith.index_cast %swap3A_678 : i32 to index
      %swap3A_680 = arith.index_cast %add3A_677 : i32 to index
      %swap3A_681 = arith.constant 32 : index
      %swap3A_682 = tpu.vector_load %arg7[%swap3A_679, %swap3A_680, %swap3A_681] {strides = array<i32>} : memref<4x128x64xf32, #tpu.memory_space<vmem>>, vector<1x1x16xf32>,
      %swap3A_683 = vector.shape_cast %swap3A_682 : vector<1x1x16xf32> to vector<16xf32>
      %swap3A_684 = vector.shape_cast %mul3A_675 : vector<16xf32> to vector<1x1x16xf32>
      tpu.vector_store %arg7[%swap3A_679, %swap3A_680, %swap3A_681], %swap3A_684 {strides = array<i32>} : memref<4x128x64xf32, #tpu.memory_space<vmem>>, vector<1x1x16xf32>,
      %add3A_685 = arith.constant 0 : i32
      %add3A_686 = arith.addi %mul3A_624, %add3A_685 : i32
      %get3A_687 = arith.constant 3 : i32
      %get3A_688 = arith.index_cast %get3A_687 : i32 to index
      %get3A_689 = arith.index_cast %add3A_686 : i32 to index
      %get3A_690 = arith.constant 48 : index
      %get3A_691 = tpu.vector_load %arg6[%get3A_688, %get3A_689, %get3A_690] {strides = array<i32>} : memref<4x128x64xf32, #tpu.memory_space<vmem>>, vector<1x1x16xf32>,
      %get3A_692 = vector.shape_cast %get3A_691 : vector<1x1x16xf32> to vector<16xf32>
      %mul3A_693 = arith.constant 8.000000e+00 : f32
      %mul3A_694 = vector.broadcast %mul3A_693 : f32 to vector<16xf32>
      %mul3A_695 = arith.mulf %get3A_692, %mul3A_694 : vector<16xf32>
      %add3A_696 = arith.constant 0 : i32
      %add3A_697 = arith.addi %mul3A_624, %add3A_696 : i32
      %swap3A_698 = arith.constant 3 : i32
      %swap3A_699 = arith.index_cast %swap3A_698 : i32 to index
      %swap3A_700 = arith.index_cast %add3A_697 : i32 to index
      %swap3A_701 = arith.constant 48 : index
      %swap3A_702 = tpu.vector_load %arg7[%swap3A_699, %swap3A_700, %swap3A_701] {strides = array<i32>} : memref<4x128x64xf32, #tpu.memory_space<vmem>>, vector<1x1x16xf32>,
      %swap3A_703 = vector.shape_cast %swap3A_702 : vector<1x1x16xf32> to vector<16xf32>
      %swap3A_704 = vector.shape_cast %mul3A_695 : vector<16xf32> to vector<1x1x16xf32>
      tpu.vector_store %arg7[%swap3A_699, %swap3A_700, %swap3A_701], %swap3A_704 {strides = array<i32>} : memref<4x128x64xf32, #tpu.memory_space<vmem>>, vector<1x1x16xf32>,
      %add3A_705 = arith.constant 1 : i32
      %add3A_706 = arith.addi %mul3A_624, %add3A_705 : i32
      %get3A_707 = arith.constant 3 : i32
      %get3A_708 = arith.index_cast %get3A_707 : i32 to index
      %get3A_709 = arith.index_cast %add3A_706 : i32 to index
      %get3A_710 = arith.constant 0 : index
      %get3A_711 = tpu.vector_load %arg6[%get3A_708, %get3A_709, %get3A_710] {strides = array<i32>} : memref<4x128x64xf32, #tpu.memory_space<vmem>>, vector<1x1x16xf32>,
      %get3A_712 = vector.shape_cast %get3A_711 : vector<1x1x16xf32> to vector<16xf32>
      %mul3A_713 = arith.constant 8.000000e+00 : f32
      %mul3A_714 = vector.broadcast %mul3A_713 : f32 to vector<16xf32>
      %mul3A_715 = arith.mulf %get3A_712, %mul3A_714 : vector<16xf32>
      %add3A_716 = arith.constant 1 : i32
      %add3A_717 = arith.addi %mul3A_624, %add3A_716 : i32
      %swap3A_718 = arith.constant 3 : i32
      %swap3A_719 = arith.index_cast %swap3A_718 : i32 to index
      %swap3A_720 = arith.index_cast %add3A_717 : i32 to index
      %swap3A_721 = arith.constant 0 : index
      %swap3A_722 = tpu.vector_load %arg7[%swap3A_719, %swap3A_720, %swap3A_721] {strides = array<i32>} : memref<4x128x64xf32, #tpu.memory_space<vmem>>, vector<1x1x16xf32>,
      %swap3A_723 = vector.shape_cast %swap3A_722 : vector<1x1x16xf32> to vector<16xf32>
      %swap3A_724 = vector.shape_cast %mul3A_715 : vector<16xf32> to vector<1x1x16xf32>
      tpu.vector_store %arg7[%swap3A_719, %swap3A_720, %swap3A_721], %swap3A_724 {strides = array<i32>} : memref<4x128x64xf32, #tpu.memory_space<vmem>>, vector<1x1x16xf32>,
      %add3A_725 = arith.constant 1 : i32
      %add3A_726 = arith.addi %mul3A_624, %add3A_725 : i32
      %get3A_727 = arith.constant 3 : i32
      %get3A_728 = arith.index_cast %get3A_727 : i32 to index
      %get3A_729 = arith.index_cast %add3A_726 : i32 to index
      %get3A_730 = arith.constant 16 : index
      %get3A_731 = tpu.vector_load %arg6[%get3A_728, %get3A_729, %get3A_730] {strides = array<i32>} : memref<4x128x64xf32, #tpu.memory_space<vmem>>, vector<1x1x16xf32>,
      %get3A_732 = vector.shape_cast %get3A_731 : vector<1x1x16xf32> to vector<16xf32>
      %mul3A_733 = arith.constant 8.000000e+00 : f32
      %mul3A_734 = vector.broadcast %mul3A_733 : f32 to vector<16xf32>
      %mul3A_735 = arith.mulf %get3A_732, %mul3A_734 : vector<16xf32>
      %add3A_736 = arith.constant 1 : i32
      %add3A_737 = arith.addi %mul3A_624, %add3A_736 : i32
      %swap3A_738 = arith.constant 3 : i32
      %swap3A_739 = arith.index_cast %swap3A_738 : i32 to index
      %swap3A_740 = arith.index_cast %add3A_737 : i32 to index
      %swap3A_741 = arith.constant 16 : index
      %swap3A_742 = tpu.vector_load %arg7[%swap3A_739, %swap3A_740, %swap3A_741] {strides = array<i32>} : memref<4x128x64xf32, #tpu.memory_space<vmem>>, vector<1x1x16xf32>,
      %swap3A_743 = vector.shape_cast %swap3A_742 : vector<1x1x16xf32> to vector<16xf32>
      %swap3A_744 = vector.shape_cast %mul3A_735 : vector<16xf32> to vector<1x1x16xf32>
      tpu.vector_store %arg7[%swap3A_739, %swap3A_740, %swap3A_741], %swap3A_744 {strides = array<i32>} : memref<4x128x64xf32, #tpu.memory_space<vmem>>, vector<1x1x16xf32>,
      %add3A_745 = arith.constant 1 : i32
      %add3A_746 = arith.addi %mul3A_624, %add3A_745 : i32
      %get3A_747 = arith.constant 3 : i32
      %get3A_748 = arith.index_cast %get3A_747 : i32 to index
      %get3A_749 = arith.index_cast %add3A_746 : i32 to index
      %get3A_750 = arith.constant 32 : index
      %get3A_751 = tpu.vector_load %arg6[%get3A_748, %get3A_749, %get3A_750] {strides = array<i32>} : memref<4x128x64xf32, #tpu.memory_space<vmem>>, vector<1x1x16xf32>,
      %get3A_752 = vector.shape_cast %get3A_751 : vector<1x1x16xf32> to vector<16xf32>
      %mul3A_753 = arith.constant 8.000000e+00 : f32
      %mul3A_754 = vector.broadcast %mul3A_753 : f32 to vector<16xf32>
      %mul3A_755 = arith.mulf %get3A_752, %mul3A_754 : vector<16xf32>
      %add3A_756 = arith.constant 1 : i32
      %add3A_757 = arith.addi %mul3A_624, %add3A_756 : i32
      %swap3A_758 = arith.constant 3 : i32
      %swap3A_759 = arith.index_cast %swap3A_758 : i32 to index
      %swap3A_760 = arith.index_cast %add3A_757 : i32 to index
      %swap3A_761 = arith.constant 32 : index
      %swap3A_762 = tpu.vector_load %arg7[%swap3A_759, %swap3A_760, %swap3A_761] {strides = array<i32>} : memref<4x128x64xf32, #tpu.memory_space<vmem>>, vector<1x1x16xf32>,
      %swap3A_763 = vector.shape_cast %swap3A_762 : vector<1x1x16xf32> to vector<16xf32>
      %swap3A_764 = vector.shape_cast %mul3A_755 : vector<16xf32> to vector<1x1x16xf32>
      tpu.vector_store %arg7[%swap3A_759, %swap3A_760, %swap3A_761], %swap3A_764 {strides = array<i32>} : memref<4x128x64xf32, #tpu.memory_space<vmem>>, vector<1x1x16xf32>,
      %add3A_765 = arith.constant 1 : i32
      %add3A_766 = arith.addi %mul3A_624, %add3A_765 : i32
      %get3A_767 = arith.constant 3 : i32
      %get3A_768 = arith.index_cast %get3A_767 : i32 to index
      %get3A_769 = arith.index_cast %add3A_766 : i32 to index
      %get3A_770 = arith.constant 48 : index
      %get3A_771 = tpu.vector_load %arg6[%get3A_768, %get3A_769, %get3A_770] {strides = array<i32>} : memref<4x128x64xf32, #tpu.memory_space<vmem>>, vector<1x1x16xf32>,
      %get3A_772 = vector.shape_cast %get3A_771 : vector<1x1x16xf32> to vector<16xf32>
      %mul3A_773 = arith.constant 8.000000e+00 : f32
      %mul3A_774 = vector.broadcast %mul3A_773 : f32 to vector<16xf32>
      %mul3A_775 = arith.mulf %get3A_772, %mul3A_774 : vector<16xf32>
      %add3A_776 = arith.constant 1 : i32
      %add3A_777 = arith.addi %mul3A_624, %add3A_776 : i32
      %swap3A_778 = arith.constant 3 : i32
      %swap3A_779 = arith.index_cast %swap3A_778 : i32 to index
      %swap3A_780 = arith.index_cast %add3A_777 : i32 to index
      %swap3A_781 = arith.constant 48 : index
      %swap3A_782 = tpu.vector_load %arg7[%swap3A_779, %swap3A_780, %swap3A_781] {strides = array<i32>} : memref<4x128x64xf32, #tpu.memory_space<vmem>>, vector<1x1x16xf32>,
      %swap3A_783 = vector.shape_cast %swap3A_782 : vector<1x1x16xf32> to vector<16xf32>
      %swap3A_784 = vector.shape_cast %mul3A_775 : vector<16xf32> to vector<1x1x16xf32>
      tpu.vector_store %arg7[%swap3A_779, %swap3A_780, %swap3A_781], %swap3A_784 {strides = array<i32>} : memref<4x128x64xf32, #tpu.memory_space<vmem>>, vector<1x1x16xf32>,
    }
    %scan3A_184 = arith.constant 64 : i32
    %add3A_185 = arith.constant 384 : i32
    %add3A_186 = arith.addi %mul3A_2, %add3A_185 : i32
    %dma_start3A_187 = arith.constant 3 : i32
    %dma_start3A_188 = arith.constant 0 : i32
    %dma_start3A_189 = arith.constant 0 : i32
    %dma_start3A_190 = tpu.memref_slice %arg7[%dma_start3A_187, %dma_start3A_188, %dma_start3A_189] : memref<4x128x64xf32, #tpu.memory_space<vmem>> -> memref<1x128x64xf32, #tpu.memory_space<vmem>>
    %dma_start3A_191 = tpu.memref_squeeze %dma_start3A_190 : memref<1x128x64xf32, #tpu.memory_space<vmem>> -> memref<128x64xf32, #tpu.memory_space<vmem>>
    %dma_start3A_192 = arith.constant 0 : i32
    %dma_start3A_193 = tpu.memref_slice %arg4[%add3A_186, %dma_start3A_192] : memref<819200x64xf32, #tpu.memory_space<hbm>> -> memref<128x64xf32, #tpu.memory_space<hbm>>
    %dma_start3A_194 = arith.constant 0 : i32
    %dma_start3A_195 = tpu.memref_slice %arg4[%add3A_186, %dma_start3A_194] : memref<819200x64xf32, #tpu.memory_space<hbm>> -> memref<128x64xf32, #tpu.memory_space<hbm>>
    %dma_start3A_196 = arith.constant 0 : i32
    %dma_start3A_197 = arith.constant 0 : i32
    %dma_start3A_198 = tpu.memref_slice %arg7[%dma_start3A_187, %dma_start3A_196, %dma_start3A_197] : memref<4x128x64xf32, #tpu.memory_space<vmem>> -> memref<1x128x64xf32, #tpu.memory_space<vmem>>
    %dma_start3A_199 = tpu.memref_squeeze %dma_start3A_198 : memref<1x128x64xf32, #tpu.memory_space<vmem>> -> memref<128x64xf32, #tpu.memory_space<vmem>>
    tpu.enqueue_dma source(%dma_start3A_199 : memref<128x64xf32, #tpu.memory_space<vmem>>) target(%dma_start3A_195 : memref<128x64xf32, #tpu.memory_space<hbm>>) target_semaphore(%arg15 : memref<!tpu.dma_semaphore, #tpu.memory_space<semaphore_mem>>)
    %dma_start3A_200 = arith.constant 3 : i32
    %dma_start3A_201 = arith.constant 0 : i32
    %dma_start3A_202 = arith.constant 0 : i32
    %dma_start3A_203 = tpu.memref_slice %arg6[%dma_start3A_200, %dma_start3A_201, %dma_start3A_202] : memref<4x128x64xf32, #tpu.memory_space<vmem>> -> memref<1x128x64xf32, #tpu.memory_space<vmem>>
    %dma_start3A_204 = tpu.memref_squeeze %dma_start3A_203 : memref<1x128x64xf32, #tpu.memory_space<vmem>> -> memref<128x64xf32, #tpu.memory_space<vmem>>
    %dma_start3A_205 = arith.constant 896 : i32
    %dma_start3A_206 = tpu.memref_slice %arg5[%dma_start3A_205] : memref<25600xi32, #tpu.memory_space<vmem>> -> memref<128xi32, #tpu.memory_space<vmem>>
    %dma_start3A_207 = arith.constant 0 : i32
    %dma_start3A_208 = arith.constant 0 : i32
    %dma_start3A_209 = tpu.memref_slice %arg3[%dma_start3A_207, %dma_start3A_208] : memref<2000000x64xf32, #tpu.memory_space<hbm>> -> memref<2000000x64xf32, #tpu.memory_space<hbm>>
    tpu.enqueue_indirect_dma source(%dma_start3A_209 : memref<2000000x64xf32, #tpu.memory_space<hbm>>) target(%dma_start3A_204 : memref<128x64xf32, #tpu.memory_space<vmem>>) offsets(%dma_start3A_206 : memref<128xi32, #tpu.memory_space<vmem>>) semaphore(%arg11 : memref<!tpu.dma_semaphore, #tpu.memory_space<semaphore_mem>>)
    %scan3A_210 = arith.constant 0 : i32
    %scan3A_211 = arith.constant 1 : i32
    %scan3A_212 = arith.constant 48 : i32
    %scan3A_213 = arith.addi %scan3A_211, %scan3A_212 : i32
    %scan3A_214 = arith.constant 1 : i32
    scf.for %scan3A_460 = %scan3A_211 to %scan3A_213 step %scan3A_214  : i32 {
      %mul3A_461 = arith.constant 4 : i32
      %mul3A_462 = arith.muli %scan3A_460, %mul3A_461 : i32
      %add3A_463 = arith.constant 0 : i32
      %add3A_464 = arith.addi %mul3A_462, %add3A_463 : i32
      %dma_wait3A_465 = arith.constant 0 : i32
      %dma_wait3A_466 = arith.constant 0 : i32
      %dma_wait3A_467 = arith.constant 0 : i32
      %dma_wait3A_468 = tpu.memref_slice %arg6[%dma_wait3A_465, %dma_wait3A_466, %dma_wait3A_467] : memref<4x128x64xf32, #tpu.memory_space<vmem>> -> memref<1x128x64xf32, #tpu.memory_space<vmem>>
      %dma_wait3A_469 = tpu.memref_squeeze %dma_wait3A_468 : memref<1x128x64xf32, #tpu.memory_space<vmem>> -> memref<128x64xf32, #tpu.memory_space<vmem>>
      %dma_wait3A_470 = arith.constant 0 : i32
      %dma_wait3A_471 = tpu.memref_slice %arg5[%dma_wait3A_470] : memref<25600xi32, #tpu.memory_space<vmem>> -> memref<128xi32, #tpu.memory_space<vmem>>
      %dma_wait3A_472 = arith.constant 0 : i32
      %dma_wait3A_473 = arith.constant 0 : i32
      %dma_wait3A_474 = tpu.memref_slice %arg3[%dma_wait3A_472, %dma_wait3A_473] : memref<2000000x64xf32, #tpu.memory_space<hbm>> -> memref<2000000x64xf32, #tpu.memory_space<hbm>>
      tpu.wait_indirect_dma semaphore(%arg8 : memref<!tpu.dma_semaphore, #tpu.memory_space<semaphore_mem>>) src(%dma_wait3A_474 : memref<2000000x64xf32, #tpu.memory_space<hbm>>) dst(%dma_wait3A_469 : memref<128x64xf32, #tpu.memory_space<vmem>>)
      %dma_wait3A_475 = arith.constant 0 : i32
      %dma_wait3A_476 = arith.constant 0 : i32
      %dma_wait3A_477 = arith.constant 0 : i32
      %dma_wait3A_478 = tpu.memref_slice %arg7[%dma_wait3A_475, %dma_wait3A_476, %dma_wait3A_477] : memref<4x128x64xf32, #tpu.memory_space<vmem>> -> memref<1x128x64xf32, #tpu.memory_space<vmem>>
      %dma_wait3A_479 = tpu.memref_squeeze %dma_wait3A_478 : memref<1x128x64xf32, #tpu.memory_space<vmem>> -> memref<128x64xf32, #tpu.memory_space<vmem>>
      %dma_wait3A_480 = arith.constant 0 : i32
      %dma_wait3A_481 = arith.constant 0 : i32
      %dma_wait3A_482 = tpu.memref_slice %arg4[%dma_wait3A_480, %dma_wait3A_481] : memref<819200x64xf32, #tpu.memory_space<hbm>> -> memref<128x64xf32, #tpu.memory_space<hbm>>
      %dma_wait3A_483 = arith.constant 0 : i32
      %dma_wait3A_484 = arith.constant 0 : i32
      %dma_wait3A_485 = tpu.memref_slice %arg4[%dma_wait3A_483, %dma_wait3A_484] : memref<819200x64xf32, #tpu.memory_space<hbm>> -> memref<128x64xf32, #tpu.memory_space<hbm>>
      %dma_wait3A_486 = arith.constant 0 : i32
      %dma_wait3A_487 = arith.constant 0 : i32
      %dma_wait3A_488 = tpu.memref_slice %arg7[%dma_wait3A_475, %dma_wait3A_486, %dma_wait3A_487] : memref<4x128x64xf32, #tpu.memory_space<vmem>> -> memref<1x128x64xf32, #tpu.memory_space<vmem>>
      %dma_wait3A_489 = tpu.memref_squeeze %dma_wait3A_488 : memref<1x128x64xf32, #tpu.memory_space<vmem>> -> memref<128x64xf32, #tpu.memory_space<vmem>>
      tpu.wait_dma2 semaphore(%arg12 : memref<!tpu.dma_semaphore, #tpu.memory_space<semaphore_mem>>) src(%dma_wait3A_489 : memref<128x64xf32, #tpu.memory_space<vmem>>) dst(%dma_wait3A_485 : memref<128x64xf32, #tpu.memory_space<hbm>>)
      %scan3A_490 = arith.constant 0 : i32
      %scan3A_491 = arith.constant 0 : i32
      %scan3A_492 = arith.constant 64 : i32
      %scan3A_493 = arith.addi %scan3A_491, %scan3A_492 : i32
      %scan3A_494 = arith.constant 2 : i32
      scf.for %scan3A_711 = %scan3A_491 to %scan3A_493 step %scan3A_494  : i32 {
        %mul3A_712 = arith.constant 2 : i32
        %mul3A_713 = arith.muli %mul3A_712, %scan3A_711 : i32
        %add3A_714 = arith.constant 0 : i32
        %add3A_715 = arith.addi %mul3A_713, %add3A_714 : i32
        %get3A = arith.constant 0 : i32
        %get3A_716 = arith.index_cast %get3A : i32 to index
        %get3A_717 = arith.index_cast %add3A_715 : i32 to index
        %get3A_718 = arith.constant 0 : index
        %get3A_719 = tpu.vector_load %arg6[%get3A_716, %get3A_717, %get3A_718] {strides = array<i32>} : memref<4x128x64xf32, #tpu.memory_space<vmem>>, vector<1x1x16xf32>,
        %get3A_720 = vector.shape_cast %get3A_719 : vector<1x1x16xf32> to vector<16xf32>
        %mul3A_721 = arith.constant 8.000000e+00 : f32
        %mul3A_722 = vector.broadcast %mul3A_721 : f32 to vector<16xf32>
        %mul3A_723 = arith.mulf %get3A_720, %mul3A_722 : vector<16xf32>
        %add3A_724 = arith.constant 0 : i32
        %add3A_725 = arith.addi %mul3A_713, %add3A_724 : i32
        %swap3A = arith.constant 0 : i32
        %swap3A_726 = arith.index_cast %swap3A : i32 to index
        %swap3A_727 = arith.index_cast %add3A_725 : i32 to index
        %swap3A_728 = arith.constant 0 : index
        %swap3A_729 = tpu.vector_load %arg7[%swap3A_726, %swap3A_727, %swap3A_728] {strides = array<i32>} : memref<4x128x64xf32, #tpu.memory_space<vmem>>, vector<1x1x16xf32>,
        %swap3A_730 = vector.shape_cast %swap3A_729 : vector<1x1x16xf32> to vector<16xf32>
        %swap3A_731 = vector.shape_cast %mul3A_723 : vector<16xf32> to vector<1x1x16xf32>
        tpu.vector_store %arg7[%swap3A_726, %swap3A_727, %swap3A_728], %swap3A_731 {strides = array<i32>} : memref<4x128x64xf32, #tpu.memory_space<vmem>>, vector<1x1x16xf32>,
        %add3A_732 = arith.constant 0 : i32
        %add3A_733 = arith.addi %mul3A_713, %add3A_732 : i32
        %get3A_734 = arith.constant 0 : i32
        %get3A_735 = arith.index_cast %get3A_734 : i32 to index
        %get3A_736 = arith.index_cast %add3A_733 : i32 to index
        %get3A_737 = arith.constant 16 : index
        %get3A_738 = tpu.vector_load %arg6[%get3A_735, %get3A_736, %get3A_737] {strides = array<i32>} : memref<4x128x64xf32, #tpu.memory_space<vmem>>, vector<1x1x16xf32>,
        %get3A_739 = vector.shape_cast %get3A_738 : vector<1x1x16xf32> to vector<16xf32>
        %mul3A_740 = arith.constant 8.000000e+00 : f32
        %mul3A_741 = vector.broadcast %mul3A_740 : f32 to vector<16xf32>
        %mul3A_742 = arith.mulf %get3A_739, %mul3A_741 : vector<16xf32>
        %add3A_743 = arith.constant 0 : i32
        %add3A_744 = arith.addi %mul3A_713, %add3A_743 : i32
        %swap3A_745 = arith.constant 0 : i32
        %swap3A_746 = arith.index_cast %swap3A_745 : i32 to index
        %swap3A_747 = arith.index_cast %add3A_744 : i32 to index
        %swap3A_748 = arith.constant 16 : index
        %swap3A_749 = tpu.vector_load %arg7[%swap3A_746, %swap3A_747, %swap3A_748] {strides = array<i32>} : memref<4x128x64xf32, #tpu.memory_space<vmem>>, vector<1x1x16xf32>,
        %swap3A_750 = vector.shape_cast %swap3A_749 : vector<1x1x16xf32> to vector<16xf32>
        %swap3A_751 = vector.shape_cast %mul3A_742 : vector<16xf32> to vector<1x1x16xf32>
        tpu.vector_store %arg7[%swap3A_746, %swap3A_747, %swap3A_748], %swap3A_751 {strides = array<i32>} : memref<4x128x64xf32, #tpu.memory_space<vmem>>, vector<1x1x16xf32>,
        %add3A_752 = arith.constant 0 : i32
        %add3A_753 = arith.addi %mul3A_713, %add3A_752 : i32
        %get3A_754 = arith.constant 0 : i32
        %get3A_755 = arith.index_cast %get3A_754 : i32 to index
        %get3A_756 = arith.index_cast %add3A_753 : i32 to index
        %get3A_757 = arith.constant 32 : index
        %get3A_758 = tpu.vector_load %arg6[%get3A_755, %get3A_756, %get3A_757] {strides = array<i32>} : memref<4x128x64xf32, #tpu.memory_space<vmem>>, vector<1x1x16xf32>,
        %get3A_759 = vector.shape_cast %get3A_758 : vector<1x1x16xf32> to vector<16xf32>
        %mul3A_760 = arith.constant 8.000000e+00 : f32
        %mul3A_761 = vector.broadcast %mul3A_760 : f32 to vector<16xf32>
        %mul3A_762 = arith.mulf %get3A_759, %mul3A_761 : vector<16xf32>
        %add3A_763 = arith.constant 0 : i32
        %add3A_764 = arith.addi %mul3A_713, %add3A_763 : i32
        %swap3A_765 = arith.constant 0 : i32
        %swap3A_766 = arith.index_cast %swap3A_765 : i32 to index
        %swap3A_767 = arith.index_cast %add3A_764 : i32 to index
        %swap3A_768 = arith.constant 32 : index
        %swap3A_769 = tpu.vector_load %arg7[%swap3A_766, %swap3A_767, %swap3A_768] {strides = array<i32>} : memref<4x128x64xf32, #tpu.memory_space<vmem>>, vector<1x1x16xf32>,
        %swap3A_770 = vector.shape_cast %swap3A_769 : vector<1x1x16xf32> to vector<16xf32>
        %swap3A_771 = vector.shape_cast %mul3A_762 : vector<16xf32> to vector<1x1x16xf32>
        tpu.vector_store %arg7[%swap3A_766, %swap3A_767, %swap3A_768], %swap3A_771 {strides = array<i32>} : memref<4x128x64xf32, #tpu.memory_space<vmem>>, vector<1x1x16xf32>,
        %add3A_772 = arith.constant 0 : i32
        %add3A_773 = arith.addi %mul3A_713, %add3A_772 : i32
        %get3A_774 = arith.constant 0 : i32
        %get3A_775 = arith.index_cast %get3A_774 : i32 to index
        %get3A_776 = arith.index_cast %add3A_773 : i32 to index
        %get3A_777 = arith.constant 48 : index
        %get3A_778 = tpu.vector_load %arg6[%get3A_775, %get3A_776, %get3A_777] {strides = array<i32>} : memref<4x128x64xf32, #tpu.memory_space<vmem>>, vector<1x1x16xf32>,
        %get3A_779 = vector.shape_cast %get3A_778 : vector<1x1x16xf32> to vector<16xf32>
        %mul3A_780 = arith.constant 8.000000e+00 : f32
        %mul3A_781 = vector.broadcast %mul3A_780 : f32 to vector<16xf32>
        %mul3A_782 = arith.mulf %get3A_779, %mul3A_781 : vector<16xf32>
        %add3A_783 = arith.constant 0 : i32
        %add3A_784 = arith.addi %mul3A_713, %add3A_783 : i32
        %swap3A_785 = arith.constant 0 : i32
        %swap3A_786 = arith.index_cast %swap3A_785 : i32 to index
        %swap3A_787 = arith.index_cast %add3A_784 : i32 to index
        %swap3A_788 = arith.constant 48 : index
        %swap3A_789 = tpu.vector_load %arg7[%swap3A_786, %swap3A_787, %swap3A_788] {strides = array<i32>} : memref<4x128x64xf32, #tpu.memory_space<vmem>>, vector<1x1x16xf32>,
        %swap3A_790 = vector.shape_cast %swap3A_789 : vector<1x1x16xf32> to vector<16xf32>
        %swap3A_791 = vector.shape_cast %mul3A_782 : vector<16xf32> to vector<1x1x16xf32>
        tpu.vector_store %arg7[%swap3A_786, %swap3A_787, %swap3A_788], %swap3A_791 {strides = array<i32>} : memref<4x128x64xf32, #tpu.memory_space<vmem>>, vector<1x1x16xf32>,
        %add3A_792 = arith.constant 1 : i32
        %add3A_793 = arith.addi %mul3A_713, %add3A_792 : i32
        %get3A_794 = arith.constant 0 : i32
        %get3A_795 = arith.index_cast %get3A_794 : i32 to index
        %get3A_796 = arith.index_cast %add3A_793 : i32 to index
        %get3A_797 = arith.constant 0 : index
        %get3A_798 = tpu.vector_load %arg6[%get3A_795, %get3A_796, %get3A_797] {strides = array<i32>} : memref<4x128x64xf32, #tpu.memory_space<vmem>>, vector<1x1x16xf32>,
        %get3A_799 = vector.shape_cast %get3A_798 : vector<1x1x16xf32> to vector<16xf32>
        %mul3A_800 = arith.constant 8.000000e+00 : f32
        %mul3A_801 = vector.broadcast %mul3A_800 : f32 to vector<16xf32>
        %mul3A_802 = arith.mulf %get3A_799, %mul3A_801 : vector<16xf32>
        %add3A_803 = arith.constant 1 : i32
        %add3A_804 = arith.addi %mul3A_713, %add3A_803 : i32
        %swap3A_805 = arith.constant 0 : i32
        %swap3A_806 = arith.index_cast %swap3A_805 : i32 to index
        %swap3A_807 = arith.index_cast %add3A_804 : i32 to index
        %swap3A_808 = arith.constant 0 : index
        %swap3A_809 = tpu.vector_load %arg7[%swap3A_806, %swap3A_807, %swap3A_808] {strides = array<i32>} : memref<4x128x64xf32, #tpu.memory_space<vmem>>, vector<1x1x16xf32>,
        %swap3A_810 = vector.shape_cast %swap3A_809 : vector<1x1x16xf32> to vector<16xf32>
        %swap3A_811 = vector.shape_cast %mul3A_802 : vector<16xf32> to vector<1x1x16xf32>
        tpu.vector_store %arg7[%swap3A_806, %swap3A_807, %swap3A_808], %swap3A_811 {strides = array<i32>} : memref<4x128x64xf32, #tpu.memory_space<vmem>>, vector<1x1x16xf32>,
        %add3A_812 = arith.constant 1 : i32
        %add3A_813 = arith.addi %mul3A_713, %add3A_812 : i32
        %get3A_814 = arith.constant 0 : i32
        %get3A_815 = arith.index_cast %get3A_814 : i32 to index
        %get3A_816 = arith.index_cast %add3A_813 : i32 to index
        %get3A_817 = arith.constant 16 : index
        %get3A_818 = tpu.vector_load %arg6[%get3A_815, %get3A_816, %get3A_817] {strides = array<i32>} : memref<4x128x64xf32, #tpu.memory_space<vmem>>, vector<1x1x16xf32>,
        %get3A_819 = vector.shape_cast %get3A_818 : vector<1x1x16xf32> to vector<16xf32>
        %mul3A_820 = arith.constant 8.000000e+00 : f32
        %mul3A_821 = vector.broadcast %mul3A_820 : f32 to vector<16xf32>
        %mul3A_822 = arith.mulf %get3A_819, %mul3A_821 : vector<16xf32>
        %add3A_823 = arith.constant 1 : i32
        %add3A_824 = arith.addi %mul3A_713, %add3A_823 : i32
        %swap3A_825 = arith.constant 0 : i32
        %swap3A_826 = arith.index_cast %swap3A_825 : i32 to index
        %swap3A_827 = arith.index_cast %add3A_824 : i32 to index
        %swap3A_828 = arith.constant 16 : index
        %swap3A_829 = tpu.vector_load %arg7[%swap3A_826, %swap3A_827, %swap3A_828] {strides = array<i32>} : memref<4x128x64xf32, #tpu.memory_space<vmem>>, vector<1x1x16xf32>,
        %swap3A_830 = vector.shape_cast %swap3A_829 : vector<1x1x16xf32> to vector<16xf32>
        %swap3A_831 = vector.shape_cast %mul3A_822 : vector<16xf32> to vector<1x1x16xf32>
        tpu.vector_store %arg7[%swap3A_826, %swap3A_827, %swap3A_828], %swap3A_831 {strides = array<i32>} : memref<4x128x64xf32, #tpu.memory_space<vmem>>, vector<1x1x16xf32>,
        %add3A_832 = arith.constant 1 : i32
        %add3A_833 = arith.addi %mul3A_713, %add3A_832 : i32
        %get3A_834 = arith.constant 0 : i32
        %get3A_835 = arith.index_cast %get3A_834 : i32 to index
        %get3A_836 = arith.index_cast %add3A_833 : i32 to index
        %get3A_837 = arith.constant 32 : index
        %get3A_838 = tpu.vector_load %arg6[%get3A_835, %get3A_836, %get3A_837] {strides = array<i32>} : memref<4x128x64xf32, #tpu.memory_space<vmem>>, vector<1x1x16xf32>,
        %get3A_839 = vector.shape_cast %get3A_838 : vector<1x1x16xf32> to vector<16xf32>
        %mul3A_840 = arith.constant 8.000000e+00 : f32
        %mul3A_841 = vector.broadcast %mul3A_840 : f32 to vector<16xf32>
        %mul3A_842 = arith.mulf %get3A_839, %mul3A_841 : vector<16xf32>
        %add3A_843 = arith.constant 1 : i32
        %add3A_844 = arith.addi %mul3A_713, %add3A_843 : i32
        %swap3A_845 = arith.constant 0 : i32
        %swap3A_846 = arith.index_cast %swap3A_845 : i32 to index
        %swap3A_847 = arith.index_cast %add3A_844 : i32 to index
        %swap3A_848 = arith.constant 32 : index
        %swap3A_849 = tpu.vector_load %arg7[%swap3A_846, %swap3A_847, %swap3A_848] {strides = array<i32>} : memref<4x128x64xf32, #tpu.memory_space<vmem>>, vector<1x1x16xf32>,
        %swap3A_850 = vector.shape_cast %swap3A_849 : vector<1x1x16xf32> to vector<16xf32>
        %swap3A_851 = vector.shape_cast %mul3A_842 : vector<16xf32> to vector<1x1x16xf32>
        tpu.vector_store %arg7[%swap3A_846, %swap3A_847, %swap3A_848], %swap3A_851 {strides = array<i32>} : memref<4x128x64xf32, #tpu.memory_space<vmem>>, vector<1x1x16xf32>,
        %add3A_852 = arith.constant 1 : i32
        %add3A_853 = arith.addi %mul3A_713, %add3A_852 : i32
        %get3A_854 = arith.constant 0 : i32
        %get3A_855 = arith.index_cast %get3A_854 : i32 to index
        %get3A_856 = arith.index_cast %add3A_853 : i32 to index
        %get3A_857 = arith.constant 48 : index
        %get3A_858 = tpu.vector_load %arg6[%get3A_855, %get3A_856, %get3A_857] {strides = array<i32>} : memref<4x128x64xf32, #tpu.memory_space<vmem>>, vector<1x1x16xf32>,
        %get3A_859 = vector.shape_cast %get3A_858 : vector<1x1x16xf32> to vector<16xf32>
        %mul3A_860 = arith.constant 8.000000e+00 : f32
        %mul3A_861 = vector.broadcast %mul3A_860 : f32 to vector<16xf32>
        %mul3A_862 = arith.mulf %get3A_859, %mul3A_861 : vector<16xf32>
        %add3A_863 = arith.constant 1 : i32
        %add3A_864 = arith.addi %mul3A_713, %add3A_863 : i32
        %swap3A_865 = arith.constant 0 : i32
        %swap3A_866 = arith.index_cast %swap3A_865 : i32 to index
        %swap3A_867 = arith.index_cast %add3A_864 : i32 to index
        %swap3A_868 = arith.constant 48 : index
        %swap3A_869 = tpu.vector_load %arg7[%swap3A_866, %swap3A_867, %swap3A_868] {strides = array<i32>} : memref<4x128x64xf32, #tpu.memory_space<vmem>>, vector<1x1x16xf32>,
        %swap3A_870 = vector.shape_cast %swap3A_869 : vector<1x1x16xf32> to vector<16xf32>
        %swap3A_871 = vector.shape_cast %mul3A_862 : vector<16xf32> to vector<1x1x16xf32>
        tpu.vector_store %arg7[%swap3A_866, %swap3A_867, %swap3A_868], %swap3A_871 {strides = array<i32>} : memref<4x128x64xf32, #tpu.memory_space<vmem>>, vector<1x1x16xf32>,
        %scan3A_872 = arith.constant 1 : i32
        %scan3A_873 = arith.addi %scan3A_711, %scan3A_872 : i32
        %mul3A_874 = arith.constant 2 : i32
        %mul3A_875 = arith.muli %mul3A_874, %scan3A_873 : i32
        %add3A_876 = arith.constant 0 : i32
        %add3A_877 = arith.addi %mul3A_875, %add3A_876 : i32
        %get3A_878 = arith.constant 0 : i32
        %get3A_879 = arith.index_cast %get3A_878 : i32 to index
        %get3A_880 = arith.index_cast %add3A_877 : i32 to index
        %get3A_881 = arith.constant 0 : index
        %get3A_882 = tpu.vector_load %arg6[%get3A_879, %get3A_880, %get3A_881] {strides = array<i32>} : memref<4x128x64xf32, #tpu.memory_space<vmem>>, vector<1x1x16xf32>,
        %get3A_883 = vector.shape_cast %get3A_882 : vector<1x1x16xf32> to vector<16xf32>
        %mul3A_884 = arith.constant 8.000000e+00 : f32
        %mul3A_885 = vector.broadcast %mul3A_884 : f32 to vector<16xf32>
        %mul3A_886 = arith.mulf %get3A_883, %mul3A_885 : vector<16xf32>
        %add3A_887 = arith.constant 0 : i32
        %add3A_888 = arith.addi %mul3A_875, %add3A_887 : i32
        %swap3A_889 = arith.constant 0 : i32
        %swap3A_890 = arith.index_cast %swap3A_889 : i32 to index
        %swap3A_891 = arith.index_cast %add3A_888 : i32 to index
        %swap3A_892 = arith.constant 0 : index
        %swap3A_893 = tpu.vector_load %arg7[%swap3A_890, %swap3A_891, %swap3A_892] {strides = array<i32>} : memref<4x128x64xf32, #tpu.memory_space<vmem>>, vector<1x1x16xf32>,
        %swap3A_894 = vector.shape_cast %swap3A_893 : vector<1x1x16xf32> to vector<16xf32>
        %swap3A_895 = vector.shape_cast %mul3A_886 : vector<16xf32> to vector<1x1x16xf32>
        tpu.vector_store %arg7[%swap3A_890, %swap3A_891, %swap3A_892], %swap3A_895 {strides = array<i32>} : memref<4x128x64xf32, #tpu.memory_space<vmem>>, vector<1x1x16xf32>,
        %add3A_896 = arith.constant 0 : i32
        %add3A_897 = arith.addi %mul3A_875, %add3A_896 : i32
        %get3A_898 = arith.constant 0 : i32
        %get3A_899 = arith.index_cast %get3A_898 : i32 to index
        %get3A_900 = arith.index_cast %add3A_897 : i32 to index
        %get3A_901 = arith.constant 16 : index
        %get3A_902 = tpu.vector_load %arg6[%get3A_899, %get3A_900, %get3A_901] {strides = array<i32>} : memref<4x128x64xf32, #tpu.memory_space<vmem>>, vector<1x1x16xf32>,
        %get3A_903 = vector.shape_cast %get3A_902 : vector<1x1x16xf32> to vector<16xf32>
        %mul3A_904 = arith.constant 8.000000e+00 : f32
        %mul3A_905 = vector.broadcast %mul3A_904 : f32 to vector<16xf32>
        %mul3A_906 = arith.mulf %get3A_903, %mul3A_905 : vector<16xf32>
        %add3A_907 = arith.constant 0 : i32
        %add3A_908 = arith.addi %mul3A_875, %add3A_907 : i32
        %swap3A_909 = arith.constant 0 : i32
        %swap3A_910 = arith.index_cast %swap3A_909 : i32 to index
        %swap3A_911 = arith.index_cast %add3A_908 : i32 to index
        %swap3A_912 = arith.constant 16 : index
        %swap3A_913 = tpu.vector_load %arg7[%swap3A_910, %swap3A_911, %swap3A_912] {strides = array<i32>} : memref<4x128x64xf32, #tpu.memory_space<vmem>>, vector<1x1x16xf32>,
        %swap3A_914 = vector.shape_cast %swap3A_913 : vector<1x1x16xf32> to vector<16xf32>
        %swap3A_915 = vector.shape_cast %mul3A_906 : vector<16xf32> to vector<1x1x16xf32>
        tpu.vector_store %arg7[%swap3A_910, %swap3A_911, %swap3A_912], %swap3A_915 {strides = array<i32>} : memref<4x128x64xf32, #tpu.memory_space<vmem>>, vector<1x1x16xf32>,
        %add3A_916 = arith.constant 0 : i32
        %add3A_917 = arith.addi %mul3A_875, %add3A_916 : i32
        %get3A_918 = arith.constant 0 : i32
        %get3A_919 = arith.index_cast %get3A_918 : i32 to index
        %get3A_920 = arith.index_cast %add3A_917 : i32 to index
        %get3A_921 = arith.constant 32 : index
        %get3A_922 = tpu.vector_load %arg6[%get3A_919, %get3A_920, %get3A_921] {strides = array<i32>} : memref<4x128x64xf32, #tpu.memory_space<vmem>>, vector<1x1x16xf32>,
        %get3A_923 = vector.shape_cast %get3A_922 : vector<1x1x16xf32> to vector<16xf32>
        %mul3A_924 = arith.constant 8.000000e+00 : f32
        %mul3A_925 = vector.broadcast %mul3A_924 : f32 to vector<16xf32>
        %mul3A_926 = arith.mulf %get3A_923, %mul3A_925 : vector<16xf32>
        %add3A_927 = arith.constant 0 : i32
        %add3A_928 = arith.addi %mul3A_875, %add3A_927 : i32
        %swap3A_929 = arith.constant 0 : i32
        %swap3A_930 = arith.index_cast %swap3A_929 : i32 to index
        %swap3A_931 = arith.index_cast %add3A_928 : i32 to index
        %swap3A_932 = arith.constant 32 : index
        %swap3A_933 = tpu.vector_load %arg7[%swap3A_930, %swap3A_931, %swap3A_932] {strides = array<i32>} : memref<4x128x64xf32, #tpu.memory_space<vmem>>, vector<1x1x16xf32>,
        %swap3A_934 = vector.shape_cast %swap3A_933 : vector<1x1x16xf32> to vector<16xf32>
        %swap3A_935 = vector.shape_cast %mul3A_926 : vector<16xf32> to vector<1x1x16xf32>
        tpu.vector_store %arg7[%swap3A_930, %swap3A_931, %swap3A_932], %swap3A_935 {strides = array<i32>} : memref<4x128x64xf32, #tpu.memory_space<vmem>>, vector<1x1x16xf32>,
        %add3A_936 = arith.constant 0 : i32
        %add3A_937 = arith.addi %mul3A_875, %add3A_936 : i32
        %get3A_938 = arith.constant 0 : i32
        %get3A_939 = arith.index_cast %get3A_938 : i32 to index
        %get3A_940 = arith.index_cast %add3A_937 : i32 to index
        %get3A_941 = arith.constant 48 : index
        %get3A_942 = tpu.vector_load %arg6[%get3A_939, %get3A_940, %get3A_941] {strides = array<i32>} : memref<4x128x64xf32, #tpu.memory_space<vmem>>, vector<1x1x16xf32>,
        %get3A_943 = vector.shape_cast %get3A_942 : vector<1x1x16xf32> to vector<16xf32>
        %mul3A_944 = arith.constant 8.000000e+00 : f32
        %mul3A_945 = vector.broadcast %mul3A_944 : f32 to vector<16xf32>
        %mul3A_946 = arith.mulf %get3A_943, %mul3A_945 : vector<16xf32>
        %add3A_947 = arith.constant 0 : i32
        %add3A_948 = arith.addi %mul3A_875, %add3A_947 : i32
        %swap3A_949 = arith.constant 0 : i32
        %swap3A_950 = arith.index_cast %swap3A_949 : i32 to index
        %swap3A_951 = arith.index_cast %add3A_948 : i32 to index
        %swap3A_952 = arith.constant 48 : index
        %swap3A_953 = tpu.vector_load %arg7[%swap3A_950, %swap3A_951, %swap3A_952] {strides = array<i32>} : memref<4x128x64xf32, #tpu.memory_space<vmem>>, vector<1x1x16xf32>,
        %swap3A_954 = vector.shape_cast %swap3A_953 : vector<1x1x16xf32> to vector<16xf32>
        %swap3A_955 = vector.shape_cast %mul3A_946 : vector<16xf32> to vector<1x1x16xf32>
        tpu.vector_store %arg7[%swap3A_950, %swap3A_951, %swap3A_952], %swap3A_955 {strides = array<i32>} : memref<4x128x64xf32, #tpu.memory_space<vmem>>, vector<1x1x16xf32>,
        %add3A_956 = arith.constant 1 : i32
        %add3A_957 = arith.addi %mul3A_875, %add3A_956 : i32
        %get3A_958 = arith.constant 0 : i32
        %get3A_959 = arith.index_cast %get3A_958 : i32 to index
        %get3A_960 = arith.index_cast %add3A_957 : i32 to index
        %get3A_961 = arith.constant 0 : index
        %get3A_962 = tpu.vector_load %arg6[%get3A_959, %get3A_960, %get3A_961] {strides = array<i32>} : memref<4x128x64xf32, #tpu.memory_space<vmem>>, vector<1x1x16xf32>,
        %get3A_963 = vector.shape_cast %get3A_962 : vector<1x1x16xf32> to vector<16xf32>
        %mul3A_964 = arith.constant 8.000000e+00 : f32
        %mul3A_965 = vector.broadcast %mul3A_964 : f32 to vector<16xf32>
        %mul3A_966 = arith.mulf %get3A_963, %mul3A_965 : vector<16xf32>
        %add3A_967 = arith.constant 1 : i32
        %add3A_968 = arith.addi %mul3A_875, %add3A_967 : i32
        %swap3A_969 = arith.constant 0 : i32
        %swap3A_970 = arith.index_cast %swap3A_969 : i32 to index
        %swap3A_971 = arith.index_cast %add3A_968 : i32 to index
        %swap3A_972 = arith.constant 0 : index
        %swap3A_973 = tpu.vector_load %arg7[%swap3A_970, %swap3A_971, %swap3A_972] {strides = array<i32>} : memref<4x128x64xf32, #tpu.memory_space<vmem>>, vector<1x1x16xf32>,
        %swap3A_974 = vector.shape_cast %swap3A_973 : vector<1x1x16xf32> to vector<16xf32>
        %swap3A_975 = vector.shape_cast %mul3A_966 : vector<16xf32> to vector<1x1x16xf32>
        tpu.vector_store %arg7[%swap3A_970, %swap3A_971, %swap3A_972], %swap3A_975 {strides = array<i32>} : memref<4x128x64xf32, #tpu.memory_space<vmem>>, vector<1x1x16xf32>,
        %add3A_976 = arith.constant 1 : i32
        %add3A_977 = arith.addi %mul3A_875, %add3A_976 : i32
        %get3A_978 = arith.constant 0 : i32
        %get3A_979 = arith.index_cast %get3A_978 : i32 to index
        %get3A_980 = arith.index_cast %add3A_977 : i32 to index
        %get3A_981 = arith.constant 16 : index
        %get3A_982 = tpu.vector_load %arg6[%get3A_979, %get3A_980, %get3A_981] {strides = array<i32>} : memref<4x128x64xf32, #tpu.memory_space<vmem>>, vector<1x1x16xf32>,
        %get3A_983 = vector.shape_cast %get3A_982 : vector<1x1x16xf32> to vector<16xf32>
        %mul3A_984 = arith.constant 8.000000e+00 : f32
        %mul3A_985 = vector.broadcast %mul3A_984 : f32 to vector<16xf32>
        %mul3A_986 = arith.mulf %get3A_983, %mul3A_985 : vector<16xf32>
        %add3A_987 = arith.constant 1 : i32
        %add3A_988 = arith.addi %mul3A_875, %add3A_987 : i32
        %swap3A_989 = arith.constant 0 : i32
        %swap3A_990 = arith.index_cast %swap3A_989 : i32 to index
        %swap3A_991 = arith.index_cast %add3A_988 : i32 to index
        %swap3A_992 = arith.constant 16 : index
        %swap3A_993 = tpu.vector_load %arg7[%swap3A_990, %swap3A_991, %swap3A_992] {strides = array<i32>} : memref<4x128x64xf32, #tpu.memory_space<vmem>>, vector<1x1x16xf32>,
        %swap3A_994 = vector.shape_cast %swap3A_993 : vector<1x1x16xf32> to vector<16xf32>
        %swap3A_995 = vector.shape_cast %mul3A_986 : vector<16xf32> to vector<1x1x16xf32>
        tpu.vector_store %arg7[%swap3A_990, %swap3A_991, %swap3A_992], %swap3A_995 {strides = array<i32>} : memref<4x128x64xf32, #tpu.memory_space<vmem>>, vector<1x1x16xf32>,
        %add3A_996 = arith.constant 1 : i32
        %add3A_997 = arith.addi %mul3A_875, %add3A_996 : i32
        %get3A_998 = arith.constant 0 : i32
        %get3A_999 = arith.index_cast %get3A_998 : i32 to index
        %get3A_1000 = arith.index_cast %add3A_997 : i32 to index
        %get3A_1001 = arith.constant 32 : index
        %get3A_1002 = tpu.vector_load %arg6[%get3A_999, %get3A_1000, %get3A_1001] {strides = array<i32>} : memref<4x128x64xf32, #tpu.memory_space<vmem>>, vector<1x1x16xf32>,
        %get3A_1003 = vector.shape_cast %get3A_1002 : vector<1x1x16xf32> to vector<16xf32>
        %mul3A_1004 = arith.constant 8.000000e+00 : f32
        %mul3A_1005 = vector.broadcast %mul3A_1004 : f32 to vector<16xf32>
        %mul3A_1006 = arith.mulf %get3A_1003, %mul3A_1005 : vector<16xf32>
        %add3A_1007 = arith.constant 1 : i32
        %add3A_1008 = arith.addi %mul3A_875, %add3A_1007 : i32
        %swap3A_1009 = arith.constant 0 : i32
        %swap3A_1010 = arith.index_cast %swap3A_1009 : i32 to index
        %swap3A_1011 = arith.index_cast %add3A_1008 : i32 to index
        %swap3A_1012 = arith.constant 32 : index
        %swap3A_1013 = tpu.vector_load %arg7[%swap3A_1010, %swap3A_1011, %swap3A_1012] {strides = array<i32>} : memref<4x128x64xf32, #tpu.memory_space<vmem>>, vector<1x1x16xf32>,
        %swap3A_1014 = vector.shape_cast %swap3A_1013 : vector<1x1x16xf32> to vector<16xf32>
        %swap3A_1015 = vector.shape_cast %mul3A_1006 : vector<16xf32> to vector<1x1x16xf32>
        tpu.vector_store %arg7[%swap3A_1010, %swap3A_1011, %swap3A_1012], %swap3A_1015 {strides = array<i32>} : memref<4x128x64xf32, #tpu.memory_space<vmem>>, vector<1x1x16xf32>,
        %add3A_1016 = arith.constant 1 : i32
        %add3A_1017 = arith.addi %mul3A_875, %add3A_1016 : i32
        %get3A_1018 = arith.constant 0 : i32
        %get3A_1019 = arith.index_cast %get3A_1018 : i32 to index
        %get3A_1020 = arith.index_cast %add3A_1017 : i32 to index
        %get3A_1021 = arith.constant 48 : index
        %get3A_1022 = tpu.vector_load %arg6[%get3A_1019, %get3A_1020, %get3A_1021] {strides = array<i32>} : memref<4x128x64xf32, #tpu.memory_space<vmem>>, vector<1x1x16xf32>,
        %get3A_1023 = vector.shape_cast %get3A_1022 : vector<1x1x16xf32> to vector<16xf32>
        %mul3A_1024 = arith.constant 8.000000e+00 : f32
        %mul3A_1025 = vector.broadcast %mul3A_1024 : f32 to vector<16xf32>
        %mul3A_1026 = arith.mulf %get3A_1023, %mul3A_1025 : vector<16xf32>
        %add3A_1027 = arith.constant 1 : i32
        %add3A_1028 = arith.addi %mul3A_875, %add3A_1027 : i32
        %swap3A_1029 = arith.constant 0 : i32
        %swap3A_1030 = arith.index_cast %swap3A_1029 : i32 to index
        %swap3A_1031 = arith.index_cast %add3A_1028 : i32 to index
        %swap3A_1032 = arith.constant 48 : index
        %swap3A_1033 = tpu.vector_load %arg7[%swap3A_1030, %swap3A_1031, %swap3A_1032] {strides = array<i32>} : memref<4x128x64xf32, #tpu.memory_space<vmem>>, vector<1x1x16xf32>,
        %swap3A_1034 = vector.shape_cast %swap3A_1033 : vector<1x1x16xf32> to vector<16xf32>
        %swap3A_1035 = vector.shape_cast %mul3A_1026 : vector<16xf32> to vector<1x1x16xf32>
        tpu.vector_store %arg7[%swap3A_1030, %swap3A_1031, %swap3A_1032], %swap3A_1035 {strides = array<i32>} : memref<4x128x64xf32, #tpu.memory_space<vmem>>, vector<1x1x16xf32>,
      }
      %scan3A_495 = arith.constant 64 : i32
      %mul3A_496 = arith.constant 128 : i32
      %mul3A_497 = arith.muli %add3A_464, %mul3A_496 : i32
      %add3A_498 = arith.addi %mul3A_2, %mul3A_497 : i32
      %dma_start3A_499 = arith.constant 0 : i32
      %dma_start3A_500 = arith.constant 0 : i32
      %dma_start3A_501 = arith.constant 0 : i32
      %dma_start3A_502 = tpu.memref_slice %arg7[%dma_start3A_499, %dma_start3A_500, %dma_start3A_501] : memref<4x128x64xf32, #tpu.memory_space<vmem>> -> memref<1x128x64xf32, #tpu.memory_space<vmem>>
      %dma_start3A_503 = tpu.memref_squeeze %dma_start3A_502 : memref<1x128x64xf32, #tpu.memory_space<vmem>> -> memref<128x64xf32, #tpu.memory_space<vmem>>
      %dma_start3A_504 = arith.constant 0 : i32
      %dma_start3A_505 = tpu.memref_slice %arg4[%add3A_498, %dma_start3A_504] : memref<819200x64xf32, #tpu.memory_space<hbm>> -> memref<128x64xf32, #tpu.memory_space<hbm>>
      %dma_start3A_506 = arith.constant 0 : i32
      %dma_start3A_507 = tpu.memref_slice %arg4[%add3A_498, %dma_start3A_506] : memref<819200x64xf32, #tpu.memory_space<hbm>> -> memref<128x64xf32, #tpu.memory_space<hbm>>
      %dma_start3A_508 = arith.constant 0 : i32
      %dma_start3A_509 = arith.constant 0 : i32
      %dma_start3A_510 = tpu.memref_slice %arg7[%dma_start3A_499, %dma_start3A_508, %dma_start3A_509] : memref<4x128x64xf32, #tpu.memory_space<vmem>> -> memref<1x128x64xf32, #tpu.memory_space<vmem>>
      %dma_start3A_511 = tpu.memref_squeeze %dma_start3A_510 : memref<1x128x64xf32, #tpu.memory_space<vmem>> -> memref<128x64xf32, #tpu.memory_space<vmem>>
      tpu.enqueue_dma source(%dma_start3A_511 : memref<128x64xf32, #tpu.memory_space<vmem>>) target(%dma_start3A_507 : memref<128x64xf32, #tpu.memory_space<hbm>>) target_semaphore(%arg12 : memref<!tpu.dma_semaphore, #tpu.memory_space<semaphore_mem>>)
      %add3A_512 = arith.constant 4 : i32
      %add3A_513 = arith.addi %add3A_464, %add3A_512 : i32
      %mul3A_514 = arith.constant 128 : i32
      %mul3A_515 = arith.muli %add3A_513, %mul3A_514 : i32
      %dma_start3A_516 = arith.constant 0 : i32
      %dma_start3A_517 = arith.constant 0 : i32
      %dma_start3A_518 = arith.constant 0 : i32
      %dma_start3A_519 = tpu.memref_slice %arg6[%dma_start3A_516, %dma_start3A_517, %dma_start3A_518] : memref<4x128x64xf32, #tpu.memory_space<vmem>> -> memref<1x128x64xf32, #tpu.memory_space<vmem>>
      %dma_start3A_520 = tpu.memref_squeeze %dma_start3A_519 : memref<1x128x64xf32, #tpu.memory_space<vmem>> -> memref<128x64xf32, #tpu.memory_space<vmem>>
      %dma_start3A_521 = tpu.memref_slice %arg5[%mul3A_515] : memref<25600xi32, #tpu.memory_space<vmem>> -> memref<128xi32, #tpu.memory_space<vmem>>
      %dma_start3A_522 = arith.constant 0 : i32
      %dma_start3A_523 = arith.constant 0 : i32
      %dma_start3A_524 = tpu.memref_slice %arg3[%dma_start3A_522, %dma_start3A_523] : memref<2000000x64xf32, #tpu.memory_space<hbm>> -> memref<2000000x64xf32, #tpu.memory_space<hbm>>
      tpu.enqueue_indirect_dma source(%dma_start3A_524 : memref<2000000x64xf32, #tpu.memory_space<hbm>>) target(%dma_start3A_520 : memref<128x64xf32, #tpu.memory_space<vmem>>) offsets(%dma_start3A_521 : memref<128xi32, #tpu.memory_space<vmem>>) semaphore(%arg8 : memref<!tpu.dma_semaphore, #tpu.memory_space<semaphore_mem>>)
      %add3A_525 = arith.constant 1 : i32
      %add3A_526 = arith.addi %mul3A_462, %add3A_525 : i32
      %dma_wait3A_527 = arith.constant 1 : i32
      %dma_wait3A_528 = arith.constant 0 : i32
      %dma_wait3A_529 = arith.constant 0 : i32
      %dma_wait3A_530 = tpu.memref_slice %arg6[%dma_wait3A_527, %dma_wait3A_528, %dma_wait3A_529] : memref<4x128x64xf32, #tpu.memory_space<vmem>> -> memref<1x128x64xf32, #tpu.memory_space<vmem>>
      %dma_wait3A_531 = tpu.memref_squeeze %dma_wait3A_530 : memref<1x128x64xf32, #tpu.memory_space<vmem>> -> memref<128x64xf32, #tpu.memory_space<vmem>>
      %dma_wait3A_532 = arith.constant 0 : i32
      %dma_wait3A_533 = tpu.memref_slice %arg5[%dma_wait3A_532] : memref<25600xi32, #tpu.memory_space<vmem>> -> memref<128xi32, #tpu.memory_space<vmem>>
      %dma_wait3A_534 = arith.constant 0 : i32
      %dma_wait3A_535 = arith.constant 0 : i32
      %dma_wait3A_536 = tpu.memref_slice %arg3[%dma_wait3A_534, %dma_wait3A_535] : memref<2000000x64xf32, #tpu.memory_space<hbm>> -> memref<2000000x64xf32, #tpu.memory_space<hbm>>
      tpu.wait_indirect_dma semaphore(%arg9 : memref<!tpu.dma_semaphore, #tpu.memory_space<semaphore_mem>>) src(%dma_wait3A_536 : memref<2000000x64xf32, #tpu.memory_space<hbm>>) dst(%dma_wait3A_531 : memref<128x64xf32, #tpu.memory_space<vmem>>)
      %dma_wait3A_537 = arith.constant 1 : i32
      %dma_wait3A_538 = arith.constant 0 : i32
      %dma_wait3A_539 = arith.constant 0 : i32
      %dma_wait3A_540 = tpu.memref_slice %arg7[%dma_wait3A_537, %dma_wait3A_538, %dma_wait3A_539] : memref<4x128x64xf32, #tpu.memory_space<vmem>> -> memref<1x128x64xf32, #tpu.memory_space<vmem>>
      %dma_wait3A_541 = tpu.memref_squeeze %dma_wait3A_540 : memref<1x128x64xf32, #tpu.memory_space<vmem>> -> memref<128x64xf32, #tpu.memory_space<vmem>>
      %dma_wait3A_542 = arith.constant 0 : i32
      %dma_wait3A_543 = arith.constant 0 : i32
      %dma_wait3A_544 = tpu.memref_slice %arg4[%dma_wait3A_542, %dma_wait3A_543] : memref<819200x64xf32, #tpu.memory_space<hbm>> -> memref<128x64xf32, #tpu.memory_space<hbm>>
      %dma_wait3A_545 = arith.constant 0 : i32
      %dma_wait3A_546 = arith.constant 0 : i32
      %dma_wait3A_547 = tpu.memref_slice %arg4[%dma_wait3A_545, %dma_wait3A_546] : memref<819200x64xf32, #tpu.memory_space<hbm>> -> memref<128x64xf32, #tpu.memory_space<hbm>>
      %dma_wait3A_548 = arith.constant 0 : i32
      %dma_wait3A_549 = arith.constant 0 : i32
      %dma_wait3A_550 = tpu.memref_slice %arg7[%dma_wait3A_537, %dma_wait3A_548, %dma_wait3A_549] : memref<4x128x64xf32, #tpu.memory_space<vmem>> -> memref<1x128x64xf32, #tpu.memory_space<vmem>>
      %dma_wait3A_551 = tpu.memref_squeeze %dma_wait3A_550 : memref<1x128x64xf32, #tpu.memory_space<vmem>> -> memref<128x64xf32, #tpu.memory_space<vmem>>
      tpu.wait_dma2 semaphore(%arg13 : memref<!tpu.dma_semaphore, #tpu.memory_space<semaphore_mem>>) src(%dma_wait3A_551 : memref<128x64xf32, #tpu.memory_space<vmem>>) dst(%dma_wait3A_547 : memref<128x64xf32, #tpu.memory_space<hbm>>)
      %scan3A_552 = arith.constant 0 : i32
      %scan3A_553 = arith.constant 0 : i32
      %scan3A_554 = arith.constant 64 : i32
      %scan3A_555 = arith.addi %scan3A_553, %scan3A_554 : i32
      %scan3A_556 = arith.constant 2 : i32
      scf.for %scan3A_711 = %scan3A_553 to %scan3A_555 step %scan3A_556  : i32 {
        %mul3A_712 = arith.constant 2 : i32
        %mul3A_713 = arith.muli %mul3A_712, %scan3A_711 : i32
        %add3A_714 = arith.constant 0 : i32
        %add3A_715 = arith.addi %mul3A_713, %add3A_714 : i32
        %get3A = arith.constant 1 : i32
        %get3A_716 = arith.index_cast %get3A : i32 to index
        %get3A_717 = arith.index_cast %add3A_715 : i32 to index
        %get3A_718 = arith.constant 0 : index
        %get3A_719 = tpu.vector_load %arg6[%get3A_716, %get3A_717, %get3A_718] {strides = array<i32>} : memref<4x128x64xf32, #tpu.memory_space<vmem>>, vector<1x1x16xf32>,
        %get3A_720 = vector.shape_cast %get3A_719 : vector<1x1x16xf32> to vector<16xf32>
        %mul3A_721 = arith.constant 8.000000e+00 : f32
        %mul3A_722 = vector.broadcast %mul3A_721 : f32 to vector<16xf32>
        %mul3A_723 = arith.mulf %get3A_720, %mul3A_722 : vector<16xf32>
        %add3A_724 = arith.constant 0 : i32
        %add3A_725 = arith.addi %mul3A_713, %add3A_724 : i32
        %swap3A = arith.constant 1 : i32
        %swap3A_726 = arith.index_cast %swap3A : i32 to index
        %swap3A_727 = arith.index_cast %add3A_725 : i32 to index
        %swap3A_728 = arith.constant 0 : index
        %swap3A_729 = tpu.vector_load %arg7[%swap3A_726, %swap3A_727, %swap3A_728] {strides = array<i32>} : memref<4x128x64xf32, #tpu.memory_space<vmem>>, vector<1x1x16xf32>,
        %swap3A_730 = vector.shape_cast %swap3A_729 : vector<1x1x16xf32> to vector<16xf32>
        %swap3A_731 = vector.shape_cast %mul3A_723 : vector<16xf32> to vector<1x1x16xf32>
        tpu.vector_store %arg7[%swap3A_726, %swap3A_727, %swap3A_728], %swap3A_731 {strides = array<i32>} : memref<4x128x64xf32, #tpu.memory_space<vmem>>, vector<1x1x16xf32>,
        %add3A_732 = arith.constant 0 : i32
        %add3A_733 = arith.addi %mul3A_713, %add3A_732 : i32
        %get3A_734 = arith.constant 1 : i32
        %get3A_735 = arith.index_cast %get3A_734 : i32 to index
        %get3A_736 = arith.index_cast %add3A_733 : i32 to index
        %get3A_737 = arith.constant 16 : index
        %get3A_738 = tpu.vector_load %arg6[%get3A_735, %get3A_736, %get3A_737] {strides = array<i32>} : memref<4x128x64xf32, #tpu.memory_space<vmem>>, vector<1x1x16xf32>,
        %get3A_739 = vector.shape_cast %get3A_738 : vector<1x1x16xf32> to vector<16xf32>
        %mul3A_740 = arith.constant 8.000000e+00 : f32
        %mul3A_741 = vector.broadcast %mul3A_740 : f32 to vector<16xf32>
        %mul3A_742 = arith.mulf %get3A_739, %mul3A_741 : vector<16xf32>
        %add3A_743 = arith.constant 0 : i32
        %add3A_744 = arith.addi %mul3A_713, %add3A_743 : i32
        %swap3A_745 = arith.constant 1 : i32
        %swap3A_746 = arith.index_cast %swap3A_745 : i32 to index
        %swap3A_747 = arith.index_cast %add3A_744 : i32 to index
        %swap3A_748 = arith.constant 16 : index
        %swap3A_749 = tpu.vector_load %arg7[%swap3A_746, %swap3A_747, %swap3A_748] {strides = array<i32>} : memref<4x128x64xf32, #tpu.memory_space<vmem>>, vector<1x1x16xf32>,
        %swap3A_750 = vector.shape_cast %swap3A_749 : vector<1x1x16xf32> to vector<16xf32>
        %swap3A_751 = vector.shape_cast %mul3A_742 : vector<16xf32> to vector<1x1x16xf32>
        tpu.vector_store %arg7[%swap3A_746, %swap3A_747, %swap3A_748], %swap3A_751 {strides = array<i32>} : memref<4x128x64xf32, #tpu.memory_space<vmem>>, vector<1x1x16xf32>,
        %add3A_752 = arith.constant 0 : i32
        %add3A_753 = arith.addi %mul3A_713, %add3A_752 : i32
        %get3A_754 = arith.constant 1 : i32
        %get3A_755 = arith.index_cast %get3A_754 : i32 to index
        %get3A_756 = arith.index_cast %add3A_753 : i32 to index
        %get3A_757 = arith.constant 32 : index
        %get3A_758 = tpu.vector_load %arg6[%get3A_755, %get3A_756, %get3A_757] {strides = array<i32>} : memref<4x128x64xf32, #tpu.memory_space<vmem>>, vector<1x1x16xf32>,
        %get3A_759 = vector.shape_cast %get3A_758 : vector<1x1x16xf32> to vector<16xf32>
        %mul3A_760 = arith.constant 8.000000e+00 : f32
        %mul3A_761 = vector.broadcast %mul3A_760 : f32 to vector<16xf32>
        %mul3A_762 = arith.mulf %get3A_759, %mul3A_761 : vector<16xf32>
        %add3A_763 = arith.constant 0 : i32
        %add3A_764 = arith.addi %mul3A_713, %add3A_763 : i32
        %swap3A_765 = arith.constant 1 : i32
        %swap3A_766 = arith.index_cast %swap3A_765 : i32 to index
        %swap3A_767 = arith.index_cast %add3A_764 : i32 to index
        %swap3A_768 = arith.constant 32 : index
        %swap3A_769 = tpu.vector_load %arg7[%swap3A_766, %swap3A_767, %swap3A_768] {strides = array<i32>} : memref<4x128x64xf32, #tpu.memory_space<vmem>>, vector<1x1x16xf32>,
        %swap3A_770 = vector.shape_cast %swap3A_769 : vector<1x1x16xf32> to vector<16xf32>
        %swap3A_771 = vector.shape_cast %mul3A_762 : vector<16xf32> to vector<1x1x16xf32>
        tpu.vector_store %arg7[%swap3A_766, %swap3A_767, %swap3A_768], %swap3A_771 {strides = array<i32>} : memref<4x128x64xf32, #tpu.memory_space<vmem>>, vector<1x1x16xf32>,
        %add3A_772 = arith.constant 0 : i32
        %add3A_773 = arith.addi %mul3A_713, %add3A_772 : i32
        %get3A_774 = arith.constant 1 : i32
        %get3A_775 = arith.index_cast %get3A_774 : i32 to index
        %get3A_776 = arith.index_cast %add3A_773 : i32 to index
        %get3A_777 = arith.constant 48 : index
        %get3A_778 = tpu.vector_load %arg6[%get3A_775, %get3A_776, %get3A_777] {strides = array<i32>} : memref<4x128x64xf32, #tpu.memory_space<vmem>>, vector<1x1x16xf32>,
        %get3A_779 = vector.shape_cast %get3A_778 : vector<1x1x16xf32> to vector<16xf32>
        %mul3A_780 = arith.constant 8.000000e+00 : f32
        %mul3A_781 = vector.broadcast %mul3A_780 : f32 to vector<16xf32>
        %mul3A_782 = arith.mulf %get3A_779, %mul3A_781 : vector<16xf32>
        %add3A_783 = arith.constant 0 : i32
        %add3A_784 = arith.addi %mul3A_713, %add3A_783 : i32
        %swap3A_785 = arith.constant 1 : i32
        %swap3A_786 = arith.index_cast %swap3A_785 : i32 to index
        %swap3A_787 = arith.index_cast %add3A_784 : i32 to index
        %swap3A_788 = arith.constant 48 : index
        %swap3A_789 = tpu.vector_load %arg7[%swap3A_786, %swap3A_787, %swap3A_788] {strides = array<i32>} : memref<4x128x64xf32, #tpu.memory_space<vmem>>, vector<1x1x16xf32>,
        %swap3A_790 = vector.shape_cast %swap3A_789 : vector<1x1x16xf32> to vector<16xf32>
        %swap3A_791 = vector.shape_cast %mul3A_782 : vector<16xf32> to vector<1x1x16xf32>
        tpu.vector_store %arg7[%swap3A_786, %swap3A_787, %swap3A_788], %swap3A_791 {strides = array<i32>} : memref<4x128x64xf32, #tpu.memory_space<vmem>>, vector<1x1x16xf32>,
        %add3A_792 = arith.constant 1 : i32
        %add3A_793 = arith.addi %mul3A_713, %add3A_792 : i32
        %get3A_794 = arith.constant 1 : i32
        %get3A_795 = arith.index_cast %get3A_794 : i32 to index
        %get3A_796 = arith.index_cast %add3A_793 : i32 to index
        %get3A_797 = arith.constant 0 : index
        %get3A_798 = tpu.vector_load %arg6[%get3A_795, %get3A_796, %get3A_797] {strides = array<i32>} : memref<4x128x64xf32, #tpu.memory_space<vmem>>, vector<1x1x16xf32>,
        %get3A_799 = vector.shape_cast %get3A_798 : vector<1x1x16xf32> to vector<16xf32>
        %mul3A_800 = arith.constant 8.000000e+00 : f32
        %mul3A_801 = vector.broadcast %mul3A_800 : f32 to vector<16xf32>
        %mul3A_802 = arith.mulf %get3A_799, %mul3A_801 : vector<16xf32>
        %add3A_803 = arith.constant 1 : i32
        %add3A_804 = arith.addi %mul3A_713, %add3A_803 : i32
        %swap3A_805 = arith.constant 1 : i32
        %swap3A_806 = arith.index_cast %swap3A_805 : i32 to index
        %swap3A_807 = arith.index_cast %add3A_804 : i32 to index
        %swap3A_808 = arith.constant 0 : index
        %swap3A_809 = tpu.vector_load %arg7[%swap3A_806, %swap3A_807, %swap3A_808] {strides = array<i32>} : memref<4x128x64xf32, #tpu.memory_space<vmem>>, vector<1x1x16xf32>,
        %swap3A_810 = vector.shape_cast %swap3A_809 : vector<1x1x16xf32> to vector<16xf32>
        %swap3A_811 = vector.shape_cast %mul3A_802 : vector<16xf32> to vector<1x1x16xf32>
        tpu.vector_store %arg7[%swap3A_806, %swap3A_807, %swap3A_808], %swap3A_811 {strides = array<i32>} : memref<4x128x64xf32, #tpu.memory_space<vmem>>, vector<1x1x16xf32>,
        %add3A_812 = arith.constant 1 : i32
        %add3A_813 = arith.addi %mul3A_713, %add3A_812 : i32
        %get3A_814 = arith.constant 1 : i32
        %get3A_815 = arith.index_cast %get3A_814 : i32 to index
        %get3A_816 = arith.index_cast %add3A_813 : i32 to index
        %get3A_817 = arith.constant 16 : index
        %get3A_818 = tpu.vector_load %arg6[%get3A_815, %get3A_816, %get3A_817] {strides = array<i32>} : memref<4x128x64xf32, #tpu.memory_space<vmem>>, vector<1x1x16xf32>,
        %get3A_819 = vector.shape_cast %get3A_818 : vector<1x1x16xf32> to vector<16xf32>
        %mul3A_820 = arith.constant 8.000000e+00 : f32
        %mul3A_821 = vector.broadcast %mul3A_820 : f32 to vector<16xf32>
        %mul3A_822 = arith.mulf %get3A_819, %mul3A_821 : vector<16xf32>
        %add3A_823 = arith.constant 1 : i32
        %add3A_824 = arith.addi %mul3A_713, %add3A_823 : i32
        %swap3A_825 = arith.constant 1 : i32
        %swap3A_826 = arith.index_cast %swap3A_825 : i32 to index
        %swap3A_827 = arith.index_cast %add3A_824 : i32 to index
        %swap3A_828 = arith.constant 16 : index
        %swap3A_829 = tpu.vector_load %arg7[%swap3A_826, %swap3A_827, %swap3A_828] {strides = array<i32>} : memref<4x128x64xf32, #tpu.memory_space<vmem>>, vector<1x1x16xf32>,
        %swap3A_830 = vector.shape_cast %swap3A_829 : vector<1x1x16xf32> to vector<16xf32>
        %swap3A_831 = vector.shape_cast %mul3A_822 : vector<16xf32> to vector<1x1x16xf32>
        tpu.vector_store %arg7[%swap3A_826, %swap3A_827, %swap3A_828], %swap3A_831 {strides = array<i32>} : memref<4x128x64xf32, #tpu.memory_space<vmem>>, vector<1x1x16xf32>,
        %add3A_832 = arith.constant 1 : i32
        %add3A_833 = arith.addi %mul3A_713, %add3A_832 : i32
        %get3A_834 = arith.constant 1 : i32
        %get3A_835 = arith.index_cast %get3A_834 : i32 to index
        %get3A_836 = arith.index_cast %add3A_833 : i32 to index
        %get3A_837 = arith.constant 32 : index
        %get3A_838 = tpu.vector_load %arg6[%get3A_835, %get3A_836, %get3A_837] {strides = array<i32>} : memref<4x128x64xf32, #tpu.memory_space<vmem>>, vector<1x1x16xf32>,
        %get3A_839 = vector.shape_cast %get3A_838 : vector<1x1x16xf32> to vector<16xf32>
        %mul3A_840 = arith.constant 8.000000e+00 : f32
        %mul3A_841 = vector.broadcast %mul3A_840 : f32 to vector<16xf32>
        %mul3A_842 = arith.mulf %get3A_839, %mul3A_841 : vector<16xf32>
        %add3A_843 = arith.constant 1 : i32
        %add3A_844 = arith.addi %mul3A_713, %add3A_843 : i32
        %swap3A_845 = arith.constant 1 : i32
        %swap3A_846 = arith.index_cast %swap3A_845 : i32 to index
        %swap3A_847 = arith.index_cast %add3A_844 : i32 to index
        %swap3A_848 = arith.constant 32 : index
        %swap3A_849 = tpu.vector_load %arg7[%swap3A_846, %swap3A_847, %swap3A_848] {strides = array<i32>} : memref<4x128x64xf32, #tpu.memory_space<vmem>>, vector<1x1x16xf32>,
        %swap3A_850 = vector.shape_cast %swap3A_849 : vector<1x1x16xf32> to vector<16xf32>
        %swap3A_851 = vector.shape_cast %mul3A_842 : vector<16xf32> to vector<1x1x16xf32>
        tpu.vector_store %arg7[%swap3A_846, %swap3A_847, %swap3A_848], %swap3A_851 {strides = array<i32>} : memref<4x128x64xf32, #tpu.memory_space<vmem>>, vector<1x1x16xf32>,
        %add3A_852 = arith.constant 1 : i32
        %add3A_853 = arith.addi %mul3A_713, %add3A_852 : i32
        %get3A_854 = arith.constant 1 : i32
        %get3A_855 = arith.index_cast %get3A_854 : i32 to index
        %get3A_856 = arith.index_cast %add3A_853 : i32 to index
        %get3A_857 = arith.constant 48 : index
        %get3A_858 = tpu.vector_load %arg6[%get3A_855, %get3A_856, %get3A_857] {strides = array<i32>} : memref<4x128x64xf32, #tpu.memory_space<vmem>>, vector<1x1x16xf32>,
        %get3A_859 = vector.shape_cast %get3A_858 : vector<1x1x16xf32> to vector<16xf32>
        %mul3A_860 = arith.constant 8.000000e+00 : f32
        %mul3A_861 = vector.broadcast %mul3A_860 : f32 to vector<16xf32>
        %mul3A_862 = arith.mulf %get3A_859, %mul3A_861 : vector<16xf32>
        %add3A_863 = arith.constant 1 : i32
        %add3A_864 = arith.addi %mul3A_713, %add3A_863 : i32
        %swap3A_865 = arith.constant 1 : i32
        %swap3A_866 = arith.index_cast %swap3A_865 : i32 to index
        %swap3A_867 = arith.index_cast %add3A_864 : i32 to index
        %swap3A_868 = arith.constant 48 : index
        %swap3A_869 = tpu.vector_load %arg7[%swap3A_866, %swap3A_867, %swap3A_868] {strides = array<i32>} : memref<4x128x64xf32, #tpu.memory_space<vmem>>, vector<1x1x16xf32>,
        %swap3A_870 = vector.shape_cast %swap3A_869 : vector<1x1x16xf32> to vector<16xf32>
        %swap3A_871 = vector.shape_cast %mul3A_862 : vector<16xf32> to vector<1x1x16xf32>
        tpu.vector_store %arg7[%swap3A_866, %swap3A_867, %swap3A_868], %swap3A_871 {strides = array<i32>} : memref<4x128x64xf32, #tpu.memory_space<vmem>>, vector<1x1x16xf32>,
        %scan3A_872 = arith.constant 1 : i32
        %scan3A_873 = arith.addi %scan3A_711, %scan3A_872 : i32
        %mul3A_874 = arith.constant 2 : i32
        %mul3A_875 = arith.muli %mul3A_874, %scan3A_873 : i32
        %add3A_876 = arith.constant 0 : i32
        %add3A_877 = arith.addi %mul3A_875, %add3A_876 : i32
        %get3A_878 = arith.constant 1 : i32
        %get3A_879 = arith.index_cast %get3A_878 : i32 to index
        %get3A_880 = arith.index_cast %add3A_877 : i32 to index
        %get3A_881 = arith.constant 0 : index
        %get3A_882 = tpu.vector_load %arg6[%get3A_879, %get3A_880, %get3A_881] {strides = array<i32>} : memref<4x128x64xf32, #tpu.memory_space<vmem>>, vector<1x1x16xf32>,
        %get3A_883 = vector.shape_cast %get3A_882 : vector<1x1x16xf32> to vector<16xf32>
        %mul3A_884 = arith.constant 8.000000e+00 : f32
        %mul3A_885 = vector.broadcast %mul3A_884 : f32 to vector<16xf32>
        %mul3A_886 = arith.mulf %get3A_883, %mul3A_885 : vector<16xf32>
        %add3A_887 = arith.constant 0 : i32
        %add3A_888 = arith.addi %mul3A_875, %add3A_887 : i32
        %swap3A_889 = arith.constant 1 : i32
        %swap3A_890 = arith.index_cast %swap3A_889 : i32 to index
        %swap3A_891 = arith.index_cast %add3A_888 : i32 to index
        %swap3A_892 = arith.constant 0 : index
        %swap3A_893 = tpu.vector_load %arg7[%swap3A_890, %swap3A_891, %swap3A_892] {strides = array<i32>} : memref<4x128x64xf32, #tpu.memory_space<vmem>>, vector<1x1x16xf32>,
        %swap3A_894 = vector.shape_cast %swap3A_893 : vector<1x1x16xf32> to vector<16xf32>
        %swap3A_895 = vector.shape_cast %mul3A_886 : vector<16xf32> to vector<1x1x16xf32>
        tpu.vector_store %arg7[%swap3A_890, %swap3A_891, %swap3A_892], %swap3A_895 {strides = array<i32>} : memref<4x128x64xf32, #tpu.memory_space<vmem>>, vector<1x1x16xf32>,
        %add3A_896 = arith.constant 0 : i32
        %add3A_897 = arith.addi %mul3A_875, %add3A_896 : i32
        %get3A_898 = arith.constant 1 : i32
        %get3A_899 = arith.index_cast %get3A_898 : i32 to index
        %get3A_900 = arith.index_cast %add3A_897 : i32 to index
        %get3A_901 = arith.constant 16 : index
        %get3A_902 = tpu.vector_load %arg6[%get3A_899, %get3A_900, %get3A_901] {strides = array<i32>} : memref<4x128x64xf32, #tpu.memory_space<vmem>>, vector<1x1x16xf32>,
        %get3A_903 = vector.shape_cast %get3A_902 : vector<1x1x16xf32> to vector<16xf32>
        %mul3A_904 = arith.constant 8.000000e+00 : f32
        %mul3A_905 = vector.broadcast %mul3A_904 : f32 to vector<16xf32>
        %mul3A_906 = arith.mulf %get3A_903, %mul3A_905 : vector<16xf32>
        %add3A_907 = arith.constant 0 : i32
        %add3A_908 = arith.addi %mul3A_875, %add3A_907 : i32
        %swap3A_909 = arith.constant 1 : i32
        %swap3A_910 = arith.index_cast %swap3A_909 : i32 to index
        %swap3A_911 = arith.index_cast %add3A_908 : i32 to index
        %swap3A_912 = arith.constant 16 : index
        %swap3A_913 = tpu.vector_load %arg7[%swap3A_910, %swap3A_911, %swap3A_912] {strides = array<i32>} : memref<4x128x64xf32, #tpu.memory_space<vmem>>, vector<1x1x16xf32>,
        %swap3A_914 = vector.shape_cast %swap3A_913 : vector<1x1x16xf32> to vector<16xf32>
        %swap3A_915 = vector.shape_cast %mul3A_906 : vector<16xf32> to vector<1x1x16xf32>
        tpu.vector_store %arg7[%swap3A_910, %swap3A_911, %swap3A_912], %swap3A_915 {strides = array<i32>} : memref<4x128x64xf32, #tpu.memory_space<vmem>>, vector<1x1x16xf32>,
        %add3A_916 = arith.constant 0 : i32
        %add3A_917 = arith.addi %mul3A_875, %add3A_916 : i32
        %get3A_918 = arith.constant 1 : i32
        %get3A_919 = arith.index_cast %get3A_918 : i32 to index
        %get3A_920 = arith.index_cast %add3A_917 : i32 to index
        %get3A_921 = arith.constant 32 : index
        %get3A_922 = tpu.vector_load %arg6[%get3A_919, %get3A_920, %get3A_921] {strides = array<i32>} : memref<4x128x64xf32, #tpu.memory_space<vmem>>, vector<1x1x16xf32>,
        %get3A_923 = vector.shape_cast %get3A_922 : vector<1x1x16xf32> to vector<16xf32>
        %mul3A_924 = arith.constant 8.000000e+00 : f32
        %mul3A_925 = vector.broadcast %mul3A_924 : f32 to vector<16xf32>
        %mul3A_926 = arith.mulf %get3A_923, %mul3A_925 : vector<16xf32>
        %add3A_927 = arith.constant 0 : i32
        %add3A_928 = arith.addi %mul3A_875, %add3A_927 : i32
        %swap3A_929 = arith.constant 1 : i32
        %swap3A_930 = arith.index_cast %swap3A_929 : i32 to index
        %swap3A_931 = arith.index_cast %add3A_928 : i32 to index
        %swap3A_932 = arith.constant 32 : index
        %swap3A_933 = tpu.vector_load %arg7[%swap3A_930, %swap3A_931, %swap3A_932] {strides = array<i32>} : memref<4x128x64xf32, #tpu.memory_space<vmem>>, vector<1x1x16xf32>,
        %swap3A_934 = vector.shape_cast %swap3A_933 : vector<1x1x16xf32> to vector<16xf32>
        %swap3A_935 = vector.shape_cast %mul3A_926 : vector<16xf32> to vector<1x1x16xf32>
        tpu.vector_store %arg7[%swap3A_930, %swap3A_931, %swap3A_932], %swap3A_935 {strides = array<i32>} : memref<4x128x64xf32, #tpu.memory_space<vmem>>, vector<1x1x16xf32>,
        %add3A_936 = arith.constant 0 : i32
        %add3A_937 = arith.addi %mul3A_875, %add3A_936 : i32
        %get3A_938 = arith.constant 1 : i32
        %get3A_939 = arith.index_cast %get3A_938 : i32 to index
        %get3A_940 = arith.index_cast %add3A_937 : i32 to index
        %get3A_941 = arith.constant 48 : index
        %get3A_942 = tpu.vector_load %arg6[%get3A_939, %get3A_940, %get3A_941] {strides = array<i32>} : memref<4x128x64xf32, #tpu.memory_space<vmem>>, vector<1x1x16xf32>,
        %get3A_943 = vector.shape_cast %get3A_942 : vector<1x1x16xf32> to vector<16xf32>
        %mul3A_944 = arith.constant 8.000000e+00 : f32
        %mul3A_945 = vector.broadcast %mul3A_944 : f32 to vector<16xf32>
        %mul3A_946 = arith.mulf %get3A_943, %mul3A_945 : vector<16xf32>
        %add3A_947 = arith.constant 0 : i32
        %add3A_948 = arith.addi %mul3A_875, %add3A_947 : i32
        %swap3A_949 = arith.constant 1 : i32
        %swap3A_950 = arith.index_cast %swap3A_949 : i32 to index
        %swap3A_951 = arith.index_cast %add3A_948 : i32 to index
        %swap3A_952 = arith.constant 48 : index
        %swap3A_953 = tpu.vector_load %arg7[%swap3A_950, %swap3A_951, %swap3A_952] {strides = array<i32>} : memref<4x128x64xf32, #tpu.memory_space<vmem>>, vector<1x1x16xf32>,
        %swap3A_954 = vector.shape_cast %swap3A_953 : vector<1x1x16xf32> to vector<16xf32>
        %swap3A_955 = vector.shape_cast %mul3A_946 : vector<16xf32> to vector<1x1x16xf32>
        tpu.vector_store %arg7[%swap3A_950, %swap3A_951, %swap3A_952], %swap3A_955 {strides = array<i32>} : memref<4x128x64xf32, #tpu.memory_space<vmem>>, vector<1x1x16xf32>,
        %add3A_956 = arith.constant 1 : i32
        %add3A_957 = arith.addi %mul3A_875, %add3A_956 : i32
        %get3A_958 = arith.constant 1 : i32
        %get3A_959 = arith.index_cast %get3A_958 : i32 to index
        %get3A_960 = arith.index_cast %add3A_957 : i32 to index
        %get3A_961 = arith.constant 0 : index
        %get3A_962 = tpu.vector_load %arg6[%get3A_959, %get3A_960, %get3A_961] {strides = array<i32>} : memref<4x128x64xf32, #tpu.memory_space<vmem>>, vector<1x1x16xf32>,
        %get3A_963 = vector.shape_cast %get3A_962 : vector<1x1x16xf32> to vector<16xf32>
        %mul3A_964 = arith.constant 8.000000e+00 : f32
        %mul3A_965 = vector.broadcast %mul3A_964 : f32 to vector<16xf32>
        %mul3A_966 = arith.mulf %get3A_963, %mul3A_965 : vector<16xf32>
        %add3A_967 = arith.constant 1 : i32
        %add3A_968 = arith.addi %mul3A_875, %add3A_967 : i32
        %swap3A_969 = arith.constant 1 : i32
        %swap3A_970 = arith.index_cast %swap3A_969 : i32 to index
        %swap3A_971 = arith.index_cast %add3A_968 : i32 to index
        %swap3A_972 = arith.constant 0 : index
        %swap3A_973 = tpu.vector_load %arg7[%swap3A_970, %swap3A_971, %swap3A_972] {strides = array<i32>} : memref<4x128x64xf32, #tpu.memory_space<vmem>>, vector<1x1x16xf32>,
        %swap3A_974 = vector.shape_cast %swap3A_973 : vector<1x1x16xf32> to vector<16xf32>
        %swap3A_975 = vector.shape_cast %mul3A_966 : vector<16xf32> to vector<1x1x16xf32>
        tpu.vector_store %arg7[%swap3A_970, %swap3A_971, %swap3A_972], %swap3A_975 {strides = array<i32>} : memref<4x128x64xf32, #tpu.memory_space<vmem>>, vector<1x1x16xf32>,
        %add3A_976 = arith.constant 1 : i32
        %add3A_977 = arith.addi %mul3A_875, %add3A_976 : i32
        %get3A_978 = arith.constant 1 : i32
        %get3A_979 = arith.index_cast %get3A_978 : i32 to index
        %get3A_980 = arith.index_cast %add3A_977 : i32 to index
        %get3A_981 = arith.constant 16 : index
        %get3A_982 = tpu.vector_load %arg6[%get3A_979, %get3A_980, %get3A_981] {strides = array<i32>} : memref<4x128x64xf32, #tpu.memory_space<vmem>>, vector<1x1x16xf32>,
        %get3A_983 = vector.shape_cast %get3A_982 : vector<1x1x16xf32> to vector<16xf32>
        %mul3A_984 = arith.constant 8.000000e+00 : f32
        %mul3A_985 = vector.broadcast %mul3A_984 : f32 to vector<16xf32>
        %mul3A_986 = arith.mulf %get3A_983, %mul3A_985 : vector<16xf32>
        %add3A_987 = arith.constant 1 : i32
        %add3A_988 = arith.addi %mul3A_875, %add3A_987 : i32
        %swap3A_989 = arith.constant 1 : i32
        %swap3A_990 = arith.index_cast %swap3A_989 : i32 to index
        %swap3A_991 = arith.index_cast %add3A_988 : i32 to index
        %swap3A_992 = arith.constant 16 : index
        %swap3A_993 = tpu.vector_load %arg7[%swap3A_990, %swap3A_991, %swap3A_992] {strides = array<i32>} : memref<4x128x64xf32, #tpu.memory_space<vmem>>, vector<1x1x16xf32>,
        %swap3A_994 = vector.shape_cast %swap3A_993 : vector<1x1x16xf32> to vector<16xf32>
        %swap3A_995 = vector.shape_cast %mul3A_986 : vector<16xf32> to vector<1x1x16xf32>
        tpu.vector_store %arg7[%swap3A_990, %swap3A_991, %swap3A_992], %swap3A_995 {strides = array<i32>} : memref<4x128x64xf32, #tpu.memory_space<vmem>>, vector<1x1x16xf32>,
        %add3A_996 = arith.constant 1 : i32
        %add3A_997 = arith.addi %mul3A_875, %add3A_996 : i32
        %get3A_998 = arith.constant 1 : i32
        %get3A_999 = arith.index_cast %get3A_998 : i32 to index
        %get3A_1000 = arith.index_cast %add3A_997 : i32 to index
        %get3A_1001 = arith.constant 32 : index
        %get3A_1002 = tpu.vector_load %arg6[%get3A_999, %get3A_1000, %get3A_1001] {strides = array<i32>} : memref<4x128x64xf32, #tpu.memory_space<vmem>>, vector<1x1x16xf32>,
        %get3A_1003 = vector.shape_cast %get3A_1002 : vector<1x1x16xf32> to vector<16xf32>
        %mul3A_1004 = arith.constant 8.000000e+00 : f32
        %mul3A_1005 = vector.broadcast %mul3A_1004 : f32 to vector<16xf32>
        %mul3A_1006 = arith.mulf %get3A_1003, %mul3A_1005 : vector<16xf32>
        %add3A_1007 = arith.constant 1 : i32
        %add3A_1008 = arith.addi %mul3A_875, %add3A_1007 : i32
        %swap3A_1009 = arith.constant 1 : i32
        %swap3A_1010 = arith.index_cast %swap3A_1009 : i32 to index
        %swap3A_1011 = arith.index_cast %add3A_1008 : i32 to index
        %swap3A_1012 = arith.constant 32 : index
        %swap3A_1013 = tpu.vector_load %arg7[%swap3A_1010, %swap3A_1011, %swap3A_1012] {strides = array<i32>} : memref<4x128x64xf32, #tpu.memory_space<vmem>>, vector<1x1x16xf32>,
        %swap3A_1014 = vector.shape_cast %swap3A_1013 : vector<1x1x16xf32> to vector<16xf32>
        %swap3A_1015 = vector.shape_cast %mul3A_1006 : vector<16xf32> to vector<1x1x16xf32>
        tpu.vector_store %arg7[%swap3A_1010, %swap3A_1011, %swap3A_1012], %swap3A_1015 {strides = array<i32>} : memref<4x128x64xf32, #tpu.memory_space<vmem>>, vector<1x1x16xf32>,
        %add3A_1016 = arith.constant 1 : i32
        %add3A_1017 = arith.addi %mul3A_875, %add3A_1016 : i32
        %get3A_1018 = arith.constant 1 : i32
        %get3A_1019 = arith.index_cast %get3A_1018 : i32 to index
        %get3A_1020 = arith.index_cast %add3A_1017 : i32 to index
        %get3A_1021 = arith.constant 48 : index
        %get3A_1022 = tpu.vector_load %arg6[%get3A_1019, %get3A_1020, %get3A_1021] {strides = array<i32>} : memref<4x128x64xf32, #tpu.memory_space<vmem>>, vector<1x1x16xf32>,
        %get3A_1023 = vector.shape_cast %get3A_1022 : vector<1x1x16xf32> to vector<16xf32>
        %mul3A_1024 = arith.constant 8.000000e+00 : f32
        %mul3A_1025 = vector.broadcast %mul3A_1024 : f32 to vector<16xf32>
        %mul3A_1026 = arith.mulf %get3A_1023, %mul3A_1025 : vector<16xf32>
        %add3A_1027 = arith.constant 1 : i32
        %add3A_1028 = arith.addi %mul3A_875, %add3A_1027 : i32
        %swap3A_1029 = arith.constant 1 : i32
        %swap3A_1030 = arith.index_cast %swap3A_1029 : i32 to index
        %swap3A_1031 = arith.index_cast %add3A_1028 : i32 to index
        %swap3A_1032 = arith.constant 48 : index
        %swap3A_1033 = tpu.vector_load %arg7[%swap3A_1030, %swap3A_1031, %swap3A_1032] {strides = array<i32>} : memref<4x128x64xf32, #tpu.memory_space<vmem>>, vector<1x1x16xf32>,
        %swap3A_1034 = vector.shape_cast %swap3A_1033 : vector<1x1x16xf32> to vector<16xf32>
        %swap3A_1035 = vector.shape_cast %mul3A_1026 : vector<16xf32> to vector<1x1x16xf32>
        tpu.vector_store %arg7[%swap3A_1030, %swap3A_1031, %swap3A_1032], %swap3A_1035 {strides = array<i32>} : memref<4x128x64xf32, #tpu.memory_space<vmem>>, vector<1x1x16xf32>,
      }
      %scan3A_557 = arith.constant 64 : i32
      %mul3A_558 = arith.constant 128 : i32
      %mul3A_559 = arith.muli %add3A_526, %mul3A_558 : i32
      %add3A_560 = arith.addi %mul3A_2, %mul3A_559 : i32
      %dma_start3A_561 = arith.constant 1 : i32
      %dma_start3A_562 = arith.constant 0 : i32
      %dma_start3A_563 = arith.constant 0 : i32
      %dma_start3A_564 = tpu.memref_slice %arg7[%dma_start3A_561, %dma_start3A_562, %dma_start3A_563] : memref<4x128x64xf32, #tpu.memory_space<vmem>> -> memref<1x128x64xf32, #tpu.memory_space<vmem>>
      %dma_start3A_565 = tpu.memref_squeeze %dma_start3A_564 : memref<1x128x64xf32, #tpu.memory_space<vmem>> -> memref<128x64xf32, #tpu.memory_space<vmem>>
      %dma_start3A_566 = arith.constant 0 : i32
      %dma_start3A_567 = tpu.memref_slice %arg4[%add3A_560, %dma_start3A_566] : memref<819200x64xf32, #tpu.memory_space<hbm>> -> memref<128x64xf32, #tpu.memory_space<hbm>>
      %dma_start3A_568 = arith.constant 0 : i32
      %dma_start3A_569 = tpu.memref_slice %arg4[%add3A_560, %dma_start3A_568] : memref<819200x64xf32, #tpu.memory_space<hbm>> -> memref<128x64xf32, #tpu.memory_space<hbm>>
      %dma_start3A_570 = arith.constant 0 : i32
      %dma_start3A_571 = arith.constant 0 : i32
      %dma_start3A_572 = tpu.memref_slice %arg7[%dma_start3A_561, %dma_start3A_570, %dma_start3A_571] : memref<4x128x64xf32, #tpu.memory_space<vmem>> -> memref<1x128x64xf32, #tpu.memory_space<vmem>>
      %dma_start3A_573 = tpu.memref_squeeze %dma_start3A_572 : memref<1x128x64xf32, #tpu.memory_space<vmem>> -> memref<128x64xf32, #tpu.memory_space<vmem>>
      tpu.enqueue_dma source(%dma_start3A_573 : memref<128x64xf32, #tpu.memory_space<vmem>>) target(%dma_start3A_569 : memref<128x64xf32, #tpu.memory_space<hbm>>) target_semaphore(%arg13 : memref<!tpu.dma_semaphore, #tpu.memory_space<semaphore_mem>>)
      %add3A_574 = arith.constant 4 : i32
      %add3A_575 = arith.addi %add3A_526, %add3A_574 : i32
      %mul3A_576 = arith.constant 128 : i32
      %mul3A_577 = arith.muli %add3A_575, %mul3A_576 : i32
      %dma_start3A_578 = arith.constant 1 : i32
      %dma_start3A_579 = arith.constant 0 : i32
      %dma_start3A_580 = arith.constant 0 : i32
      %dma_start3A_581 = tpu.memref_slice %arg6[%dma_start3A_578, %dma_start3A_579, %dma_start3A_580] : memref<4x128x64xf32, #tpu.memory_space<vmem>> -> memref<1x128x64xf32, #tpu.memory_space<vmem>>
      %dma_start3A_582 = tpu.memref_squeeze %dma_start3A_581 : memref<1x128x64xf32, #tpu.memory_space<vmem>> -> memref<128x64xf32, #tpu.memory_space<vmem>>
      %dma_start3A_583 = tpu.memref_slice %arg5[%mul3A_577] : memref<25600xi32, #tpu.memory_space<vmem>> -> memref<128xi32, #tpu.memory_space<vmem>>
      %dma_start3A_584 = arith.constant 0 : i32
      %dma_start3A_585 = arith.constant 0 : i32
      %dma_start3A_586 = tpu.memref_slice %arg3[%dma_start3A_584, %dma_start3A_585] : memref<2000000x64xf32, #tpu.memory_space<hbm>> -> memref<2000000x64xf32, #tpu.memory_space<hbm>>
      tpu.enqueue_indirect_dma source(%dma_start3A_586 : memref<2000000x64xf32, #tpu.memory_space<hbm>>) target(%dma_start3A_582 : memref<128x64xf32, #tpu.memory_space<vmem>>) offsets(%dma_start3A_583 : memref<128xi32, #tpu.memory_space<vmem>>) semaphore(%arg9 : memref<!tpu.dma_semaphore, #tpu.memory_space<semaphore_mem>>)
      %add3A_587 = arith.constant 2 : i32
      %add3A_588 = arith.addi %mul3A_462, %add3A_587 : i32
      %dma_wait3A_589 = arith.constant 2 : i32
      %dma_wait3A_590 = arith.constant 0 : i32
      %dma_wait3A_591 = arith.constant 0 : i32
      %dma_wait3A_592 = tpu.memref_slice %arg6[%dma_wait3A_589, %dma_wait3A_590, %dma_wait3A_591] : memref<4x128x64xf32, #tpu.memory_space<vmem>> -> memref<1x128x64xf32, #tpu.memory_space<vmem>>
      %dma_wait3A_593 = tpu.memref_squeeze %dma_wait3A_592 : memref<1x128x64xf32, #tpu.memory_space<vmem>> -> memref<128x64xf32, #tpu.memory_space<vmem>>
      %dma_wait3A_594 = arith.constant 0 : i32
      %dma_wait3A_595 = tpu.memref_slice %arg5[%dma_wait3A_594] : memref<25600xi32, #tpu.memory_space<vmem>> -> memref<128xi32, #tpu.memory_space<vmem>>
      %dma_wait3A_596 = arith.constant 0 : i32
      %dma_wait3A_597 = arith.constant 0 : i32
      %dma_wait3A_598 = tpu.memref_slice %arg3[%dma_wait3A_596, %dma_wait3A_597] : memref<2000000x64xf32, #tpu.memory_space<hbm>> -> memref<2000000x64xf32, #tpu.memory_space<hbm>>
      tpu.wait_indirect_dma semaphore(%arg10 : memref<!tpu.dma_semaphore, #tpu.memory_space<semaphore_mem>>) src(%dma_wait3A_598 : memref<2000000x64xf32, #tpu.memory_space<hbm>>) dst(%dma_wait3A_593 : memref<128x64xf32, #tpu.memory_space<vmem>>)
      %dma_wait3A_599 = arith.constant 2 : i32
      %dma_wait3A_600 = arith.constant 0 : i32
      %dma_wait3A_601 = arith.constant 0 : i32
      %dma_wait3A_602 = tpu.memref_slice %arg7[%dma_wait3A_599, %dma_wait3A_600, %dma_wait3A_601] : memref<4x128x64xf32, #tpu.memory_space<vmem>> -> memref<1x128x64xf32, #tpu.memory_space<vmem>>
      %dma_wait3A_603 = tpu.memref_squeeze %dma_wait3A_602 : memref<1x128x64xf32, #tpu.memory_space<vmem>> -> memref<128x64xf32, #tpu.memory_space<vmem>>
      %dma_wait3A_604 = arith.constant 0 : i32
      %dma_wait3A_605 = arith.constant 0 : i32
      %dma_wait3A_606 = tpu.memref_slice %arg4[%dma_wait3A_604, %dma_wait3A_605] : memref<819200x64xf32, #tpu.memory_space<hbm>> -> memref<128x64xf32, #tpu.memory_space<hbm>>
      %dma_wait3A_607 = arith.constant 0 : i32
      %dma_wait3A_608 = arith.constant 0 : i32
      %dma_wait3A_609 = tpu.memref_slice %arg4[%dma_wait3A_607, %dma_wait3A_608] : memref<819200x64xf32, #tpu.memory_space<hbm>> -> memref<128x64xf32, #tpu.memory_space<hbm>>
      %dma_wait3A_610 = arith.constant 0 : i32
      %dma_wait3A_611 = arith.constant 0 : i32
      %dma_wait3A_612 = tpu.memref_slice %arg7[%dma_wait3A_599, %dma_wait3A_610, %dma_wait3A_611] : memref<4x128x64xf32, #tpu.memory_space<vmem>> -> memref<1x128x64xf32, #tpu.memory_space<vmem>>
      %dma_wait3A_613 = tpu.memref_squeeze %dma_wait3A_612 : memref<1x128x64xf32, #tpu.memory_space<vmem>> -> memref<128x64xf32, #tpu.memory_space<vmem>>
      tpu.wait_dma2 semaphore(%arg14 : memref<!tpu.dma_semaphore, #tpu.memory_space<semaphore_mem>>) src(%dma_wait3A_613 : memref<128x64xf32, #tpu.memory_space<vmem>>) dst(%dma_wait3A_609 : memref<128x64xf32, #tpu.memory_space<hbm>>)
      %scan3A_614 = arith.constant 0 : i32
      %scan3A_615 = arith.constant 0 : i32
      %scan3A_616 = arith.constant 64 : i32
      %scan3A_617 = arith.addi %scan3A_615, %scan3A_616 : i32
      %scan3A_618 = arith.constant 2 : i32
      scf.for %scan3A_711 = %scan3A_615 to %scan3A_617 step %scan3A_618  : i32 {
        %mul3A_712 = arith.constant 2 : i32
        %mul3A_713 = arith.muli %mul3A_712, %scan3A_711 : i32
        %add3A_714 = arith.constant 0 : i32
        %add3A_715 = arith.addi %mul3A_713, %add3A_714 : i32
        %get3A = arith.constant 2 : i32
        %get3A_716 = arith.index_cast %get3A : i32 to index
        %get3A_717 = arith.index_cast %add3A_715 : i32 to index
        %get3A_718 = arith.constant 0 : index
        %get3A_719 = tpu.vector_load %arg6[%get3A_716, %get3A_717, %get3A_718] {strides = array<i32>} : memref<4x128x64xf32, #tpu.memory_space<vmem>>, vector<1x1x16xf32>,
        %get3A_720 = vector.shape_cast %get3A_719 : vector<1x1x16xf32> to vector<16xf32>
        %mul3A_721 = arith.constant 8.000000e+00 : f32
        %mul3A_722 = vector.broadcast %mul3A_721 : f32 to vector<16xf32>
        %mul3A_723 = arith.mulf %get3A_720, %mul3A_722 : vector<16xf32>
        %add3A_724 = arith.constant 0 : i32
        %add3A_725 = arith.addi %mul3A_713, %add3A_724 : i32
        %swap3A = arith.constant 2 : i32
        %swap3A_726 = arith.index_cast %swap3A : i32 to index
        %swap3A_727 = arith.index_cast %add3A_725 : i32 to index
        %swap3A_728 = arith.constant 0 : index
        %swap3A_729 = tpu.vector_load %arg7[%swap3A_726, %swap3A_727, %swap3A_728] {strides = array<i32>} : memref<4x128x64xf32, #tpu.memory_space<vmem>>, vector<1x1x16xf32>,
        %swap3A_730 = vector.shape_cast %swap3A_729 : vector<1x1x16xf32> to vector<16xf32>
        %swap3A_731 = vector.shape_cast %mul3A_723 : vector<16xf32> to vector<1x1x16xf32>
        tpu.vector_store %arg7[%swap3A_726, %swap3A_727, %swap3A_728], %swap3A_731 {strides = array<i32>} : memref<4x128x64xf32, #tpu.memory_space<vmem>>, vector<1x1x16xf32>,
        %add3A_732 = arith.constant 0 : i32
        %add3A_733 = arith.addi %mul3A_713, %add3A_732 : i32
        %get3A_734 = arith.constant 2 : i32
        %get3A_735 = arith.index_cast %get3A_734 : i32 to index
        %get3A_736 = arith.index_cast %add3A_733 : i32 to index
        %get3A_737 = arith.constant 16 : index
        %get3A_738 = tpu.vector_load %arg6[%get3A_735, %get3A_736, %get3A_737] {strides = array<i32>} : memref<4x128x64xf32, #tpu.memory_space<vmem>>, vector<1x1x16xf32>,
        %get3A_739 = vector.shape_cast %get3A_738 : vector<1x1x16xf32> to vector<16xf32>
        %mul3A_740 = arith.constant 8.000000e+00 : f32
        %mul3A_741 = vector.broadcast %mul3A_740 : f32 to vector<16xf32>
        %mul3A_742 = arith.mulf %get3A_739, %mul3A_741 : vector<16xf32>
        %add3A_743 = arith.constant 0 : i32
        %add3A_744 = arith.addi %mul3A_713, %add3A_743 : i32
        %swap3A_745 = arith.constant 2 : i32
        %swap3A_746 = arith.index_cast %swap3A_745 : i32 to index
        %swap3A_747 = arith.index_cast %add3A_744 : i32 to index
        %swap3A_748 = arith.constant 16 : index
        %swap3A_749 = tpu.vector_load %arg7[%swap3A_746, %swap3A_747, %swap3A_748] {strides = array<i32>} : memref<4x128x64xf32, #tpu.memory_space<vmem>>, vector<1x1x16xf32>,
        %swap3A_750 = vector.shape_cast %swap3A_749 : vector<1x1x16xf32> to vector<16xf32>
        %swap3A_751 = vector.shape_cast %mul3A_742 : vector<16xf32> to vector<1x1x16xf32>
        tpu.vector_store %arg7[%swap3A_746, %swap3A_747, %swap3A_748], %swap3A_751 {strides = array<i32>} : memref<4x128x64xf32, #tpu.memory_space<vmem>>, vector<1x1x16xf32>,
        %add3A_752 = arith.constant 0 : i32
        %add3A_753 = arith.addi %mul3A_713, %add3A_752 : i32
        %get3A_754 = arith.constant 2 : i32
        %get3A_755 = arith.index_cast %get3A_754 : i32 to index
        %get3A_756 = arith.index_cast %add3A_753 : i32 to index
        %get3A_757 = arith.constant 32 : index
        %get3A_758 = tpu.vector_load %arg6[%get3A_755, %get3A_756, %get3A_757] {strides = array<i32>} : memref<4x128x64xf32, #tpu.memory_space<vmem>>, vector<1x1x16xf32>,
        %get3A_759 = vector.shape_cast %get3A_758 : vector<1x1x16xf32> to vector<16xf32>
        %mul3A_760 = arith.constant 8.000000e+00 : f32
        %mul3A_761 = vector.broadcast %mul3A_760 : f32 to vector<16xf32>
        %mul3A_762 = arith.mulf %get3A_759, %mul3A_761 : vector<16xf32>
        %add3A_763 = arith.constant 0 : i32
        %add3A_764 = arith.addi %mul3A_713, %add3A_763 : i32
        %swap3A_765 = arith.constant 2 : i32
        %swap3A_766 = arith.index_cast %swap3A_765 : i32 to index
        %swap3A_767 = arith.index_cast %add3A_764 : i32 to index
        %swap3A_768 = arith.constant 32 : index
        %swap3A_769 = tpu.vector_load %arg7[%swap3A_766, %swap3A_767, %swap3A_768] {strides = array<i32>} : memref<4x128x64xf32, #tpu.memory_space<vmem>>, vector<1x1x16xf32>,
        %swap3A_770 = vector.shape_cast %swap3A_769 : vector<1x1x16xf32> to vector<16xf32>
        %swap3A_771 = vector.shape_cast %mul3A_762 : vector<16xf32> to vector<1x1x16xf32>
        tpu.vector_store %arg7[%swap3A_766, %swap3A_767, %swap3A_768], %swap3A_771 {strides = array<i32>} : memref<4x128x64xf32, #tpu.memory_space<vmem>>, vector<1x1x16xf32>,
        %add3A_772 = arith.constant 0 : i32
        %add3A_773 = arith.addi %mul3A_713, %add3A_772 : i32
        %get3A_774 = arith.constant 2 : i32
        %get3A_775 = arith.index_cast %get3A_774 : i32 to index
        %get3A_776 = arith.index_cast %add3A_773 : i32 to index
        %get3A_777 = arith.constant 48 : index
        %get3A_778 = tpu.vector_load %arg6[%get3A_775, %get3A_776, %get3A_777] {strides = array<i32>} : memref<4x128x64xf32, #tpu.memory_space<vmem>>, vector<1x1x16xf32>,
        %get3A_779 = vector.shape_cast %get3A_778 : vector<1x1x16xf32> to vector<16xf32>
        %mul3A_780 = arith.constant 8.000000e+00 : f32
        %mul3A_781 = vector.broadcast %mul3A_780 : f32 to vector<16xf32>
        %mul3A_782 = arith.mulf %get3A_779, %mul3A_781 : vector<16xf32>
        %add3A_783 = arith.constant 0 : i32
        %add3A_784 = arith.addi %mul3A_713, %add3A_783 : i32
        %swap3A_785 = arith.constant 2 : i32
        %swap3A_786 = arith.index_cast %swap3A_785 : i32 to index
        %swap3A_787 = arith.index_cast %add3A_784 : i32 to index
        %swap3A_788 = arith.constant 48 : index
        %swap3A_789 = tpu.vector_load %arg7[%swap3A_786, %swap3A_787, %swap3A_788] {strides = array<i32>} : memref<4x128x64xf32, #tpu.memory_space<vmem>>, vector<1x1x16xf32>,
        %swap3A_790 = vector.shape_cast %swap3A_789 : vector<1x1x16xf32> to vector<16xf32>
        %swap3A_791 = vector.shape_cast %mul3A_782 : vector<16xf32> to vector<1x1x16xf32>
        tpu.vector_store %arg7[%swap3A_786, %swap3A_787, %swap3A_788], %swap3A_791 {strides = array<i32>} : memref<4x128x64xf32, #tpu.memory_space<vmem>>, vector<1x1x16xf32>,
        %add3A_792 = arith.constant 1 : i32
        %add3A_793 = arith.addi %mul3A_713, %add3A_792 : i32
        %get3A_794 = arith.constant 2 : i32
        %get3A_795 = arith.index_cast %get3A_794 : i32 to index
        %get3A_796 = arith.index_cast %add3A_793 : i32 to index
        %get3A_797 = arith.constant 0 : index
        %get3A_798 = tpu.vector_load %arg6[%get3A_795, %get3A_796, %get3A_797] {strides = array<i32>} : memref<4x128x64xf32, #tpu.memory_space<vmem>>, vector<1x1x16xf32>,
        %get3A_799 = vector.shape_cast %get3A_798 : vector<1x1x16xf32> to vector<16xf32>
        %mul3A_800 = arith.constant 8.000000e+00 : f32
        %mul3A_801 = vector.broadcast %mul3A_800 : f32 to vector<16xf32>
        %mul3A_802 = arith.mulf %get3A_799, %mul3A_801 : vector<16xf32>
        %add3A_803 = arith.constant 1 : i32
        %add3A_804 = arith.addi %mul3A_713, %add3A_803 : i32
        %swap3A_805 = arith.constant 2 : i32
        %swap3A_806 = arith.index_cast %swap3A_805 : i32 to index
        %swap3A_807 = arith.index_cast %add3A_804 : i32 to index
        %swap3A_808 = arith.constant 0 : index
        %swap3A_809 = tpu.vector_load %arg7[%swap3A_806, %swap3A_807, %swap3A_808] {strides = array<i32>} : memref<4x128x64xf32, #tpu.memory_space<vmem>>, vector<1x1x16xf32>,
        %swap3A_810 = vector.shape_cast %swap3A_809 : vector<1x1x16xf32> to vector<16xf32>
        %swap3A_811 = vector.shape_cast %mul3A_802 : vector<16xf32> to vector<1x1x16xf32>
        tpu.vector_store %arg7[%swap3A_806, %swap3A_807, %swap3A_808], %swap3A_811 {strides = array<i32>} : memref<4x128x64xf32, #tpu.memory_space<vmem>>, vector<1x1x16xf32>,
        %add3A_812 = arith.constant 1 : i32
        %add3A_813 = arith.addi %mul3A_713, %add3A_812 : i32
        %get3A_814 = arith.constant 2 : i32
        %get3A_815 = arith.index_cast %get3A_814 : i32 to index
        %get3A_816 = arith.index_cast %add3A_813 : i32 to index
        %get3A_817 = arith.constant 16 : index
        %get3A_818 = tpu.vector_load %arg6[%get3A_815, %get3A_816, %get3A_817] {strides = array<i32>} : memref<4x128x64xf32, #tpu.memory_space<vmem>>, vector<1x1x16xf32>,
        %get3A_819 = vector.shape_cast %get3A_818 : vector<1x1x16xf32> to vector<16xf32>
        %mul3A_820 = arith.constant 8.000000e+00 : f32
        %mul3A_821 = vector.broadcast %mul3A_820 : f32 to vector<16xf32>
        %mul3A_822 = arith.mulf %get3A_819, %mul3A_821 : vector<16xf32>
        %add3A_823 = arith.constant 1 : i32
        %add3A_824 = arith.addi %mul3A_713, %add3A_823 : i32
        %swap3A_825 = arith.constant 2 : i32
        %swap3A_826 = arith.index_cast %swap3A_825 : i32 to index
        %swap3A_827 = arith.index_cast %add3A_824 : i32 to index
        %swap3A_828 = arith.constant 16 : index
        %swap3A_829 = tpu.vector_load %arg7[%swap3A_826, %swap3A_827, %swap3A_828] {strides = array<i32>} : memref<4x128x64xf32, #tpu.memory_space<vmem>>, vector<1x1x16xf32>,
        %swap3A_830 = vector.shape_cast %swap3A_829 : vector<1x1x16xf32> to vector<16xf32>
        %swap3A_831 = vector.shape_cast %mul3A_822 : vector<16xf32> to vector<1x1x16xf32>
        tpu.vector_store %arg7[%swap3A_826, %swap3A_827, %swap3A_828], %swap3A_831 {strides = array<i32>} : memref<4x128x64xf32, #tpu.memory_space<vmem>>, vector<1x1x16xf32>,
        %add3A_832 = arith.constant 1 : i32
        %add3A_833 = arith.addi %mul3A_713, %add3A_832 : i32
        %get3A_834 = arith.constant 2 : i32
        %get3A_835 = arith.index_cast %get3A_834 : i32 to index
        %get3A_836 = arith.index_cast %add3A_833 : i32 to index
        %get3A_837 = arith.constant 32 : index
        %get3A_838 = tpu.vector_load %arg6[%get3A_835, %get3A_836, %get3A_837] {strides = array<i32>} : memref<4x128x64xf32, #tpu.memory_space<vmem>>, vector<1x1x16xf32>,
        %get3A_839 = vector.shape_cast %get3A_838 : vector<1x1x16xf32> to vector<16xf32>
        %mul3A_840 = arith.constant 8.000000e+00 : f32
        %mul3A_841 = vector.broadcast %mul3A_840 : f32 to vector<16xf32>
        %mul3A_842 = arith.mulf %get3A_839, %mul3A_841 : vector<16xf32>
        %add3A_843 = arith.constant 1 : i32
        %add3A_844 = arith.addi %mul3A_713, %add3A_843 : i32
        %swap3A_845 = arith.constant 2 : i32
        %swap3A_846 = arith.index_cast %swap3A_845 : i32 to index
        %swap3A_847 = arith.index_cast %add3A_844 : i32 to index
        %swap3A_848 = arith.constant 32 : index
        %swap3A_849 = tpu.vector_load %arg7[%swap3A_846, %swap3A_847, %swap3A_848] {strides = array<i32>} : memref<4x128x64xf32, #tpu.memory_space<vmem>>, vector<1x1x16xf32>,
        %swap3A_850 = vector.shape_cast %swap3A_849 : vector<1x1x16xf32> to vector<16xf32>
        %swap3A_851 = vector.shape_cast %mul3A_842 : vector<16xf32> to vector<1x1x16xf32>
        tpu.vector_store %arg7[%swap3A_846, %swap3A_847, %swap3A_848], %swap3A_851 {strides = array<i32>} : memref<4x128x64xf32, #tpu.memory_space<vmem>>, vector<1x1x16xf32>,
        %add3A_852 = arith.constant 1 : i32
        %add3A_853 = arith.addi %mul3A_713, %add3A_852 : i32
        %get3A_854 = arith.constant 2 : i32
        %get3A_855 = arith.index_cast %get3A_854 : i32 to index
        %get3A_856 = arith.index_cast %add3A_853 : i32 to index
        %get3A_857 = arith.constant 48 : index
        %get3A_858 = tpu.vector_load %arg6[%get3A_855, %get3A_856, %get3A_857] {strides = array<i32>} : memref<4x128x64xf32, #tpu.memory_space<vmem>>, vector<1x1x16xf32>,
        %get3A_859 = vector.shape_cast %get3A_858 : vector<1x1x16xf32> to vector<16xf32>
        %mul3A_860 = arith.constant 8.000000e+00 : f32
        %mul3A_861 = vector.broadcast %mul3A_860 : f32 to vector<16xf32>
        %mul3A_862 = arith.mulf %get3A_859, %mul3A_861 : vector<16xf32>
        %add3A_863 = arith.constant 1 : i32
        %add3A_864 = arith.addi %mul3A_713, %add3A_863 : i32
        %swap3A_865 = arith.constant 2 : i32
        %swap3A_866 = arith.index_cast %swap3A_865 : i32 to index
        %swap3A_867 = arith.index_cast %add3A_864 : i32 to index
        %swap3A_868 = arith.constant 48 : index
        %swap3A_869 = tpu.vector_load %arg7[%swap3A_866, %swap3A_867, %swap3A_868] {strides = array<i32>} : memref<4x128x64xf32, #tpu.memory_space<vmem>>, vector<1x1x16xf32>,
        %swap3A_870 = vector.shape_cast %swap3A_869 : vector<1x1x16xf32> to vector<16xf32>
        %swap3A_871 = vector.shape_cast %mul3A_862 : vector<16xf32> to vector<1x1x16xf32>
        tpu.vector_store %arg7[%swap3A_866, %swap3A_867, %swap3A_868], %swap3A_871 {strides = array<i32>} : memref<4x128x64xf32, #tpu.memory_space<vmem>>, vector<1x1x16xf32>,
        %scan3A_872 = arith.constant 1 : i32
        %scan3A_873 = arith.addi %scan3A_711, %scan3A_872 : i32
        %mul3A_874 = arith.constant 2 : i32
        %mul3A_875 = arith.muli %mul3A_874, %scan3A_873 : i32
        %add3A_876 = arith.constant 0 : i32
        %add3A_877 = arith.addi %mul3A_875, %add3A_876 : i32
        %get3A_878 = arith.constant 2 : i32
        %get3A_879 = arith.index_cast %get3A_878 : i32 to index
        %get3A_880 = arith.index_cast %add3A_877 : i32 to index
        %get3A_881 = arith.constant 0 : index
        %get3A_882 = tpu.vector_load %arg6[%get3A_879, %get3A_880, %get3A_881] {strides = array<i32>} : memref<4x128x64xf32, #tpu.memory_space<vmem>>, vector<1x1x16xf32>,
        %get3A_883 = vector.shape_cast %get3A_882 : vector<1x1x16xf32> to vector<16xf32>
        %mul3A_884 = arith.constant 8.000000e+00 : f32
        %mul3A_885 = vector.broadcast %mul3A_884 : f32 to vector<16xf32>
        %mul3A_886 = arith.mulf %get3A_883, %mul3A_885 : vector<16xf32>
        %add3A_887 = arith.constant 0 : i32
        %add3A_888 = arith.addi %mul3A_875, %add3A_887 : i32
        %swap3A_889 = arith.constant 2 : i32
        %swap3A_890 = arith.index_cast %swap3A_889 : i32 to index
        %swap3A_891 = arith.index_cast %add3A_888 : i32 to index
        %swap3A_892 = arith.constant 0 : index
        %swap3A_893 = tpu.vector_load %arg7[%swap3A_890, %swap3A_891, %swap3A_892] {strides = array<i32>} : memref<4x128x64xf32, #tpu.memory_space<vmem>>, vector<1x1x16xf32>,
        %swap3A_894 = vector.shape_cast %swap3A_893 : vector<1x1x16xf32> to vector<16xf32>
        %swap3A_895 = vector.shape_cast %mul3A_886 : vector<16xf32> to vector<1x1x16xf32>
        tpu.vector_store %arg7[%swap3A_890, %swap3A_891, %swap3A_892], %swap3A_895 {strides = array<i32>} : memref<4x128x64xf32, #tpu.memory_space<vmem>>, vector<1x1x16xf32>,
        %add3A_896 = arith.constant 0 : i32
        %add3A_897 = arith.addi %mul3A_875, %add3A_896 : i32
        %get3A_898 = arith.constant 2 : i32
        %get3A_899 = arith.index_cast %get3A_898 : i32 to index
        %get3A_900 = arith.index_cast %add3A_897 : i32 to index
        %get3A_901 = arith.constant 16 : index
        %get3A_902 = tpu.vector_load %arg6[%get3A_899, %get3A_900, %get3A_901] {strides = array<i32>} : memref<4x128x64xf32, #tpu.memory_space<vmem>>, vector<1x1x16xf32>,
        %get3A_903 = vector.shape_cast %get3A_902 : vector<1x1x16xf32> to vector<16xf32>
        %mul3A_904 = arith.constant 8.000000e+00 : f32
        %mul3A_905 = vector.broadcast %mul3A_904 : f32 to vector<16xf32>
        %mul3A_906 = arith.mulf %get3A_903, %mul3A_905 : vector<16xf32>
        %add3A_907 = arith.constant 0 : i32
        %add3A_908 = arith.addi %mul3A_875, %add3A_907 : i32
        %swap3A_909 = arith.constant 2 : i32
        %swap3A_910 = arith.index_cast %swap3A_909 : i32 to index
        %swap3A_911 = arith.index_cast %add3A_908 : i32 to index
        %swap3A_912 = arith.constant 16 : index
        %swap3A_913 = tpu.vector_load %arg7[%swap3A_910, %swap3A_911, %swap3A_912] {strides = array<i32>} : memref<4x128x64xf32, #tpu.memory_space<vmem>>, vector<1x1x16xf32>,
        %swap3A_914 = vector.shape_cast %swap3A_913 : vector<1x1x16xf32> to vector<16xf32>
        %swap3A_915 = vector.shape_cast %mul3A_906 : vector<16xf32> to vector<1x1x16xf32>
        tpu.vector_store %arg7[%swap3A_910, %swap3A_911, %swap3A_912], %swap3A_915 {strides = array<i32>} : memref<4x128x64xf32, #tpu.memory_space<vmem>>, vector<1x1x16xf32>,
        %add3A_916 = arith.constant 0 : i32
        %add3A_917 = arith.addi %mul3A_875, %add3A_916 : i32
        %get3A_918 = arith.constant 2 : i32
        %get3A_919 = arith.index_cast %get3A_918 : i32 to index
        %get3A_920 = arith.index_cast %add3A_917 : i32 to index
        %get3A_921 = arith.constant 32 : index
        %get3A_922 = tpu.vector_load %arg6[%get3A_919, %get3A_920, %get3A_921] {strides = array<i32>} : memref<4x128x64xf32, #tpu.memory_space<vmem>>, vector<1x1x16xf32>,
        %get3A_923 = vector.shape_cast %get3A_922 : vector<1x1x16xf32> to vector<16xf32>
        %mul3A_924 = arith.constant 8.000000e+00 : f32
        %mul3A_925 = vector.broadcast %mul3A_924 : f32 to vector<16xf32>
        %mul3A_926 = arith.mulf %get3A_923, %mul3A_925 : vector<16xf32>
        %add3A_927 = arith.constant 0 : i32
        %add3A_928 = arith.addi %mul3A_875, %add3A_927 : i32
        %swap3A_929 = arith.constant 2 : i32
        %swap3A_930 = arith.index_cast %swap3A_929 : i32 to index
        %swap3A_931 = arith.index_cast %add3A_928 : i32 to index
        %swap3A_932 = arith.constant 32 : index
        %swap3A_933 = tpu.vector_load %arg7[%swap3A_930, %swap3A_931, %swap3A_932] {strides = array<i32>} : memref<4x128x64xf32, #tpu.memory_space<vmem>>, vector<1x1x16xf32>,
        %swap3A_934 = vector.shape_cast %swap3A_933 : vector<1x1x16xf32> to vector<16xf32>
        %swap3A_935 = vector.shape_cast %mul3A_926 : vector<16xf32> to vector<1x1x16xf32>
        tpu.vector_store %arg7[%swap3A_930, %swap3A_931, %swap3A_932], %swap3A_935 {strides = array<i32>} : memref<4x128x64xf32, #tpu.memory_space<vmem>>, vector<1x1x16xf32>,
        %add3A_936 = arith.constant 0 : i32
        %add3A_937 = arith.addi %mul3A_875, %add3A_936 : i32
        %get3A_938 = arith.constant 2 : i32
        %get3A_939 = arith.index_cast %get3A_938 : i32 to index
        %get3A_940 = arith.index_cast %add3A_937 : i32 to index
        %get3A_941 = arith.constant 48 : index
        %get3A_942 = tpu.vector_load %arg6[%get3A_939, %get3A_940, %get3A_941] {strides = array<i32>} : memref<4x128x64xf32, #tpu.memory_space<vmem>>, vector<1x1x16xf32>,
        %get3A_943 = vector.shape_cast %get3A_942 : vector<1x1x16xf32> to vector<16xf32>
        %mul3A_944 = arith.constant 8.000000e+00 : f32
        %mul3A_945 = vector.broadcast %mul3A_944 : f32 to vector<16xf32>
        %mul3A_946 = arith.mulf %get3A_943, %mul3A_945 : vector<16xf32>
        %add3A_947 = arith.constant 0 : i32
        %add3A_948 = arith.addi %mul3A_875, %add3A_947 : i32
        %swap3A_949 = arith.constant 2 : i32
        %swap3A_950 = arith.index_cast %swap3A_949 : i32 to index
        %swap3A_951 = arith.index_cast %add3A_948 : i32 to index
        %swap3A_952 = arith.constant 48 : index
        %swap3A_953 = tpu.vector_load %arg7[%swap3A_950, %swap3A_951, %swap3A_952] {strides = array<i32>} : memref<4x128x64xf32, #tpu.memory_space<vmem>>, vector<1x1x16xf32>,
        %swap3A_954 = vector.shape_cast %swap3A_953 : vector<1x1x16xf32> to vector<16xf32>
        %swap3A_955 = vector.shape_cast %mul3A_946 : vector<16xf32> to vector<1x1x16xf32>
        tpu.vector_store %arg7[%swap3A_950, %swap3A_951, %swap3A_952], %swap3A_955 {strides = array<i32>} : memref<4x128x64xf32, #tpu.memory_space<vmem>>, vector<1x1x16xf32>,
        %add3A_956 = arith.constant 1 : i32
        %add3A_957 = arith.addi %mul3A_875, %add3A_956 : i32
        %get3A_958 = arith.constant 2 : i32
        %get3A_959 = arith.index_cast %get3A_958 : i32 to index
        %get3A_960 = arith.index_cast %add3A_957 : i32 to index
        %get3A_961 = arith.constant 0 : index
        %get3A_962 = tpu.vector_load %arg6[%get3A_959, %get3A_960, %get3A_961] {strides = array<i32>} : memref<4x128x64xf32, #tpu.memory_space<vmem>>, vector<1x1x16xf32>,
        %get3A_963 = vector.shape_cast %get3A_962 : vector<1x1x16xf32> to vector<16xf32>
        %mul3A_964 = arith.constant 8.000000e+00 : f32
        %mul3A_965 = vector.broadcast %mul3A_964 : f32 to vector<16xf32>
        %mul3A_966 = arith.mulf %get3A_963, %mul3A_965 : vector<16xf32>
        %add3A_967 = arith.constant 1 : i32
        %add3A_968 = arith.addi %mul3A_875, %add3A_967 : i32
        %swap3A_969 = arith.constant 2 : i32
        %swap3A_970 = arith.index_cast %swap3A_969 : i32 to index
        %swap3A_971 = arith.index_cast %add3A_968 : i32 to index
        %swap3A_972 = arith.constant 0 : index
        %swap3A_973 = tpu.vector_load %arg7[%swap3A_970, %swap3A_971, %swap3A_972] {strides = array<i32>} : memref<4x128x64xf32, #tpu.memory_space<vmem>>, vector<1x1x16xf32>,
        %swap3A_974 = vector.shape_cast %swap3A_973 : vector<1x1x16xf32> to vector<16xf32>
        %swap3A_975 = vector.shape_cast %mul3A_966 : vector<16xf32> to vector<1x1x16xf32>
        tpu.vector_store %arg7[%swap3A_970, %swap3A_971, %swap3A_972], %swap3A_975 {strides = array<i32>} : memref<4x128x64xf32, #tpu.memory_space<vmem>>, vector<1x1x16xf32>,
        %add3A_976 = arith.constant 1 : i32
        %add3A_977 = arith.addi %mul3A_875, %add3A_976 : i32
        %get3A_978 = arith.constant 2 : i32
        %get3A_979 = arith.index_cast %get3A_978 : i32 to index
        %get3A_980 = arith.index_cast %add3A_977 : i32 to index
        %get3A_981 = arith.constant 16 : index
        %get3A_982 = tpu.vector_load %arg6[%get3A_979, %get3A_980, %get3A_981] {strides = array<i32>} : memref<4x128x64xf32, #tpu.memory_space<vmem>>, vector<1x1x16xf32>,
        %get3A_983 = vector.shape_cast %get3A_982 : vector<1x1x16xf32> to vector<16xf32>
        %mul3A_984 = arith.constant 8.000000e+00 : f32
        %mul3A_985 = vector.broadcast %mul3A_984 : f32 to vector<16xf32>
        %mul3A_986 = arith.mulf %get3A_983, %mul3A_985 : vector<16xf32>
        %add3A_987 = arith.constant 1 : i32
        %add3A_988 = arith.addi %mul3A_875, %add3A_987 : i32
        %swap3A_989 = arith.constant 2 : i32
        %swap3A_990 = arith.index_cast %swap3A_989 : i32 to index
        %swap3A_991 = arith.index_cast %add3A_988 : i32 to index
        %swap3A_992 = arith.constant 16 : index
        %swap3A_993 = tpu.vector_load %arg7[%swap3A_990, %swap3A_991, %swap3A_992] {strides = array<i32>} : memref<4x128x64xf32, #tpu.memory_space<vmem>>, vector<1x1x16xf32>,
        %swap3A_994 = vector.shape_cast %swap3A_993 : vector<1x1x16xf32> to vector<16xf32>
        %swap3A_995 = vector.shape_cast %mul3A_986 : vector<16xf32> to vector<1x1x16xf32>
        tpu.vector_store %arg7[%swap3A_990, %swap3A_991, %swap3A_992], %swap3A_995 {strides = array<i32>} : memref<4x128x64xf32, #tpu.memory_space<vmem>>, vector<1x1x16xf32>,
        %add3A_996 = arith.constant 1 : i32
        %add3A_997 = arith.addi %mul3A_875, %add3A_996 : i32
        %get3A_998 = arith.constant 2 : i32
        %get3A_999 = arith.index_cast %get3A_998 : i32 to index
        %get3A_1000 = arith.index_cast %add3A_997 : i32 to index
        %get3A_1001 = arith.constant 32 : index
        %get3A_1002 = tpu.vector_load %arg6[%get3A_999, %get3A_1000, %get3A_1001] {strides = array<i32>} : memref<4x128x64xf32, #tpu.memory_space<vmem>>, vector<1x1x16xf32>,
        %get3A_1003 = vector.shape_cast %get3A_1002 : vector<1x1x16xf32> to vector<16xf32>
        %mul3A_1004 = arith.constant 8.000000e+00 : f32
        %mul3A_1005 = vector.broadcast %mul3A_1004 : f32 to vector<16xf32>
        %mul3A_1006 = arith.mulf %get3A_1003, %mul3A_1005 : vector<16xf32>
        %add3A_1007 = arith.constant 1 : i32
        %add3A_1008 = arith.addi %mul3A_875, %add3A_1007 : i32
        %swap3A_1009 = arith.constant 2 : i32
        %swap3A_1010 = arith.index_cast %swap3A_1009 : i32 to index
        %swap3A_1011 = arith.index_cast %add3A_1008 : i32 to index
        %swap3A_1012 = arith.constant 32 : index
        %swap3A_1013 = tpu.vector_load %arg7[%swap3A_1010, %swap3A_1011, %swap3A_1012] {strides = array<i32>} : memref<4x128x64xf32, #tpu.memory_space<vmem>>, vector<1x1x16xf32>,
        %swap3A_1014 = vector.shape_cast %swap3A_1013 : vector<1x1x16xf32> to vector<16xf32>
        %swap3A_1015 = vector.shape_cast %mul3A_1006 : vector<16xf32> to vector<1x1x16xf32>
        tpu.vector_store %arg7[%swap3A_1010, %swap3A_1011, %swap3A_1012], %swap3A_1015 {strides = array<i32>} : memref<4x128x64xf32, #tpu.memory_space<vmem>>, vector<1x1x16xf32>,
        %add3A_1016 = arith.constant 1 : i32
        %add3A_1017 = arith.addi %mul3A_875, %add3A_1016 : i32
        %get3A_1018 = arith.constant 2 : i32
        %get3A_1019 = arith.index_cast %get3A_1018 : i32 to index
        %get3A_1020 = arith.index_cast %add3A_1017 : i32 to index
        %get3A_1021 = arith.constant 48 : index
        %get3A_1022 = tpu.vector_load %arg6[%get3A_1019, %get3A_1020, %get3A_1021] {strides = array<i32>} : memref<4x128x64xf32, #tpu.memory_space<vmem>>, vector<1x1x16xf32>,
        %get3A_1023 = vector.shape_cast %get3A_1022 : vector<1x1x16xf32> to vector<16xf32>
        %mul3A_1024 = arith.constant 8.000000e+00 : f32
        %mul3A_1025 = vector.broadcast %mul3A_1024 : f32 to vector<16xf32>
        %mul3A_1026 = arith.mulf %get3A_1023, %mul3A_1025 : vector<16xf32>
        %add3A_1027 = arith.constant 1 : i32
        %add3A_1028 = arith.addi %mul3A_875, %add3A_1027 : i32
        %swap3A_1029 = arith.constant 2 : i32
        %swap3A_1030 = arith.index_cast %swap3A_1029 : i32 to index
        %swap3A_1031 = arith.index_cast %add3A_1028 : i32 to index
        %swap3A_1032 = arith.constant 48 : index
        %swap3A_1033 = tpu.vector_load %arg7[%swap3A_1030, %swap3A_1031, %swap3A_1032] {strides = array<i32>} : memref<4x128x64xf32, #tpu.memory_space<vmem>>, vector<1x1x16xf32>,
        %swap3A_1034 = vector.shape_cast %swap3A_1033 : vector<1x1x16xf32> to vector<16xf32>
        %swap3A_1035 = vector.shape_cast %mul3A_1026 : vector<16xf32> to vector<1x1x16xf32>
        tpu.vector_store %arg7[%swap3A_1030, %swap3A_1031, %swap3A_1032], %swap3A_1035 {strides = array<i32>} : memref<4x128x64xf32, #tpu.memory_space<vmem>>, vector<1x1x16xf32>,
      }
      %scan3A_619 = arith.constant 64 : i32
      %mul3A_620 = arith.constant 128 : i32
      %mul3A_621 = arith.muli %add3A_588, %mul3A_620 : i32
      %add3A_622 = arith.addi %mul3A_2, %mul3A_621 : i32
      %dma_start3A_623 = arith.constant 2 : i32
      %dma_start3A_624 = arith.constant 0 : i32
      %dma_start3A_625 = arith.constant 0 : i32
      %dma_start3A_626 = tpu.memref_slice %arg7[%dma_start3A_623, %dma_start3A_624, %dma_start3A_625] : memref<4x128x64xf32, #tpu.memory_space<vmem>> -> memref<1x128x64xf32, #tpu.memory_space<vmem>>
      %dma_start3A_627 = tpu.memref_squeeze %dma_start3A_626 : memref<1x128x64xf32, #tpu.memory_space<vmem>> -> memref<128x64xf32, #tpu.memory_space<vmem>>
      %dma_start3A_628 = arith.constant 0 : i32
      %dma_start3A_629 = tpu.memref_slice %arg4[%add3A_622, %dma_start3A_628] : memref<819200x64xf32, #tpu.memory_space<hbm>> -> memref<128x64xf32, #tpu.memory_space<hbm>>
      %dma_start3A_630 = arith.constant 0 : i32
      %dma_start3A_631 = tpu.memref_slice %arg4[%add3A_622, %dma_start3A_630] : memref<819200x64xf32, #tpu.memory_space<hbm>> -> memref<128x64xf32, #tpu.memory_space<hbm>>
      %dma_start3A_632 = arith.constant 0 : i32
      %dma_start3A_633 = arith.constant 0 : i32
      %dma_start3A_634 = tpu.memref_slice %arg7[%dma_start3A_623, %dma_start3A_632, %dma_start3A_633] : memref<4x128x64xf32, #tpu.memory_space<vmem>> -> memref<1x128x64xf32, #tpu.memory_space<vmem>>
      %dma_start3A_635 = tpu.memref_squeeze %dma_start3A_634 : memref<1x128x64xf32, #tpu.memory_space<vmem>> -> memref<128x64xf32, #tpu.memory_space<vmem>>
      tpu.enqueue_dma source(%dma_start3A_635 : memref<128x64xf32, #tpu.memory_space<vmem>>) target(%dma_start3A_631 : memref<128x64xf32, #tpu.memory_space<hbm>>) target_semaphore(%arg14 : memref<!tpu.dma_semaphore, #tpu.memory_space<semaphore_mem>>)
      %add3A_636 = arith.constant 4 : i32
      %add3A_637 = arith.addi %add3A_588, %add3A_636 : i32
      %mul3A_638 = arith.constant 128 : i32
      %mul3A_639 = arith.muli %add3A_637, %mul3A_638 : i32
      %dma_start3A_640 = arith.constant 2 : i32
      %dma_start3A_641 = arith.constant 0 : i32
      %dma_start3A_642 = arith.constant 0 : i32
      %dma_start3A_643 = tpu.memref_slice %arg6[%dma_start3A_640, %dma_start3A_641, %dma_start3A_642] : memref<4x128x64xf32, #tpu.memory_space<vmem>> -> memref<1x128x64xf32, #tpu.memory_space<vmem>>
      %dma_start3A_644 = tpu.memref_squeeze %dma_start3A_643 : memref<1x128x64xf32, #tpu.memory_space<vmem>> -> memref<128x64xf32, #tpu.memory_space<vmem>>
      %dma_start3A_645 = tpu.memref_slice %arg5[%mul3A_639] : memref<25600xi32, #tpu.memory_space<vmem>> -> memref<128xi32, #tpu.memory_space<vmem>>
      %dma_start3A_646 = arith.constant 0 : i32
      %dma_start3A_647 = arith.constant 0 : i32
      %dma_start3A_648 = tpu.memref_slice %arg3[%dma_start3A_646, %dma_start3A_647] : memref<2000000x64xf32, #tpu.memory_space<hbm>> -> memref<2000000x64xf32, #tpu.memory_space<hbm>>
      tpu.enqueue_indirect_dma source(%dma_start3A_648 : memref<2000000x64xf32, #tpu.memory_space<hbm>>) target(%dma_start3A_644 : memref<128x64xf32, #tpu.memory_space<vmem>>) offsets(%dma_start3A_645 : memref<128xi32, #tpu.memory_space<vmem>>) semaphore(%arg10 : memref<!tpu.dma_semaphore, #tpu.memory_space<semaphore_mem>>)
      %add3A_649 = arith.constant 3 : i32
      %add3A_650 = arith.addi %mul3A_462, %add3A_649 : i32
      %dma_wait3A_651 = arith.constant 3 : i32
      %dma_wait3A_652 = arith.constant 0 : i32
      %dma_wait3A_653 = arith.constant 0 : i32
      %dma_wait3A_654 = tpu.memref_slice %arg6[%dma_wait3A_651, %dma_wait3A_652, %dma_wait3A_653] : memref<4x128x64xf32, #tpu.memory_space<vmem>> -> memref<1x128x64xf32, #tpu.memory_space<vmem>>
      %dma_wait3A_655 = tpu.memref_squeeze %dma_wait3A_654 : memref<1x128x64xf32, #tpu.memory_space<vmem>> -> memref<128x64xf32, #tpu.memory_space<vmem>>
      %dma_wait3A_656 = arith.constant 0 : i32
      %dma_wait3A_657 = tpu.memref_slice %arg5[%dma_wait3A_656] : memref<25600xi32, #tpu.memory_space<vmem>> -> memref<128xi32, #tpu.memory_space<vmem>>
      %dma_wait3A_658 = arith.constant 0 : i32
      %dma_wait3A_659 = arith.constant 0 : i32
      %dma_wait3A_660 = tpu.memref_slice %arg3[%dma_wait3A_658, %dma_wait3A_659] : memref<2000000x64xf32, #tpu.memory_space<hbm>> -> memref<2000000x64xf32, #tpu.memory_space<hbm>>
      tpu.wait_indirect_dma semaphore(%arg11 : memref<!tpu.dma_semaphore, #tpu.memory_space<semaphore_mem>>) src(%dma_wait3A_660 : memref<2000000x64xf32, #tpu.memory_space<hbm>>) dst(%dma_wait3A_655 : memref<128x64xf32, #tpu.memory_space<vmem>>)
      %dma_wait3A_661 = arith.constant 3 : i32
      %dma_wait3A_662 = arith.constant 0 : i32
      %dma_wait3A_663 = arith.constant 0 : i32
      %dma_wait3A_664 = tpu.memref_slice %arg7[%dma_wait3A_661, %dma_wait3A_662, %dma_wait3A_663] : memref<4x128x64xf32, #tpu.memory_space<vmem>> -> memref<1x128x64xf32, #tpu.memory_space<vmem>>
      %dma_wait3A_665 = tpu.memref_squeeze %dma_wait3A_664 : memref<1x128x64xf32, #tpu.memory_space<vmem>> -> memref<128x64xf32, #tpu.memory_space<vmem>>
      %dma_wait3A_666 = arith.constant 0 : i32
      %dma_wait3A_667 = arith.constant 0 : i32
      %dma_wait3A_668 = tpu.memref_slice %arg4[%dma_wait3A_666, %dma_wait3A_667] : memref<819200x64xf32, #tpu.memory_space<hbm>> -> memref<128x64xf32, #tpu.memory_space<hbm>>
      %dma_wait3A_669 = arith.constant 0 : i32
      %dma_wait3A_670 = arith.constant 0 : i32
      %dma_wait3A_671 = tpu.memref_slice %arg4[%dma_wait3A_669, %dma_wait3A_670] : memref<819200x64xf32, #tpu.memory_space<hbm>> -> memref<128x64xf32, #tpu.memory_space<hbm>>
      %dma_wait3A_672 = arith.constant 0 : i32
      %dma_wait3A_673 = arith.constant 0 : i32
      %dma_wait3A_674 = tpu.memref_slice %arg7[%dma_wait3A_661, %dma_wait3A_672, %dma_wait3A_673] : memref<4x128x64xf32, #tpu.memory_space<vmem>> -> memref<1x128x64xf32, #tpu.memory_space<vmem>>
      %dma_wait3A_675 = tpu.memref_squeeze %dma_wait3A_674 : memref<1x128x64xf32, #tpu.memory_space<vmem>> -> memref<128x64xf32, #tpu.memory_space<vmem>>
      tpu.wait_dma2 semaphore(%arg15 : memref<!tpu.dma_semaphore, #tpu.memory_space<semaphore_mem>>) src(%dma_wait3A_675 : memref<128x64xf32, #tpu.memory_space<vmem>>) dst(%dma_wait3A_671 : memref<128x64xf32, #tpu.memory_space<hbm>>)
      %scan3A_676 = arith.constant 0 : i32
      %scan3A_677 = arith.constant 0 : i32
      %scan3A_678 = arith.constant 64 : i32
      %scan3A_679 = arith.addi %scan3A_677, %scan3A_678 : i32
      %scan3A_680 = arith.constant 2 : i32
      scf.for %scan3A_711 = %scan3A_677 to %scan3A_679 step %scan3A_680  : i32 {
        %mul3A_712 = arith.constant 2 : i32
        %mul3A_713 = arith.muli %mul3A_712, %scan3A_711 : i32
        %add3A_714 = arith.constant 0 : i32
        %add3A_715 = arith.addi %mul3A_713, %add3A_714 : i32
        %get3A = arith.constant 3 : i32
        %get3A_716 = arith.index_cast %get3A : i32 to index
        %get3A_717 = arith.index_cast %add3A_715 : i32 to index
        %get3A_718 = arith.constant 0 : index
        %get3A_719 = tpu.vector_load %arg6[%get3A_716, %get3A_717, %get3A_718] {strides = array<i32>} : memref<4x128x64xf32, #tpu.memory_space<vmem>>, vector<1x1x16xf32>,
        %get3A_720 = vector.shape_cast %get3A_719 : vector<1x1x16xf32> to vector<16xf32>
        %mul3A_721 = arith.constant 8.000000e+00 : f32
        %mul3A_722 = vector.broadcast %mul3A_721 : f32 to vector<16xf32>
        %mul3A_723 = arith.mulf %get3A_720, %mul3A_722 : vector<16xf32>
        %add3A_724 = arith.constant 0 : i32
        %add3A_725 = arith.addi %mul3A_713, %add3A_724 : i32
        %swap3A = arith.constant 3 : i32
        %swap3A_726 = arith.index_cast %swap3A : i32 to index
        %swap3A_727 = arith.index_cast %add3A_725 : i32 to index
        %swap3A_728 = arith.constant 0 : index
        %swap3A_729 = tpu.vector_load %arg7[%swap3A_726, %swap3A_727, %swap3A_728] {strides = array<i32>} : memref<4x128x64xf32, #tpu.memory_space<vmem>>, vector<1x1x16xf32>,
        %swap3A_730 = vector.shape_cast %swap3A_729 : vector<1x1x16xf32> to vector<16xf32>
        %swap3A_731 = vector.shape_cast %mul3A_723 : vector<16xf32> to vector<1x1x16xf32>
        tpu.vector_store %arg7[%swap3A_726, %swap3A_727, %swap3A_728], %swap3A_731 {strides = array<i32>} : memref<4x128x64xf32, #tpu.memory_space<vmem>>, vector<1x1x16xf32>,
        %add3A_732 = arith.constant 0 : i32
        %add3A_733 = arith.addi %mul3A_713, %add3A_732 : i32
        %get3A_734 = arith.constant 3 : i32
        %get3A_735 = arith.index_cast %get3A_734 : i32 to index
        %get3A_736 = arith.index_cast %add3A_733 : i32 to index
        %get3A_737 = arith.constant 16 : index
        %get3A_738 = tpu.vector_load %arg6[%get3A_735, %get3A_736, %get3A_737] {strides = array<i32>} : memref<4x128x64xf32, #tpu.memory_space<vmem>>, vector<1x1x16xf32>,
        %get3A_739 = vector.shape_cast %get3A_738 : vector<1x1x16xf32> to vector<16xf32>
        %mul3A_740 = arith.constant 8.000000e+00 : f32
        %mul3A_741 = vector.broadcast %mul3A_740 : f32 to vector<16xf32>
        %mul3A_742 = arith.mulf %get3A_739, %mul3A_741 : vector<16xf32>
        %add3A_743 = arith.constant 0 : i32
        %add3A_744 = arith.addi %mul3A_713, %add3A_743 : i32
        %swap3A_745 = arith.constant 3 : i32
        %swap3A_746 = arith.index_cast %swap3A_745 : i32 to index
        %swap3A_747 = arith.index_cast %add3A_744 : i32 to index
        %swap3A_748 = arith.constant 16 : index
        %swap3A_749 = tpu.vector_load %arg7[%swap3A_746, %swap3A_747, %swap3A_748] {strides = array<i32>} : memref<4x128x64xf32, #tpu.memory_space<vmem>>, vector<1x1x16xf32>,
        %swap3A_750 = vector.shape_cast %swap3A_749 : vector<1x1x16xf32> to vector<16xf32>
        %swap3A_751 = vector.shape_cast %mul3A_742 : vector<16xf32> to vector<1x1x16xf32>
        tpu.vector_store %arg7[%swap3A_746, %swap3A_747, %swap3A_748], %swap3A_751 {strides = array<i32>} : memref<4x128x64xf32, #tpu.memory_space<vmem>>, vector<1x1x16xf32>,
        %add3A_752 = arith.constant 0 : i32
        %add3A_753 = arith.addi %mul3A_713, %add3A_752 : i32
        %get3A_754 = arith.constant 3 : i32
        %get3A_755 = arith.index_cast %get3A_754 : i32 to index
        %get3A_756 = arith.index_cast %add3A_753 : i32 to index
        %get3A_757 = arith.constant 32 : index
        %get3A_758 = tpu.vector_load %arg6[%get3A_755, %get3A_756, %get3A_757] {strides = array<i32>} : memref<4x128x64xf32, #tpu.memory_space<vmem>>, vector<1x1x16xf32>,
        %get3A_759 = vector.shape_cast %get3A_758 : vector<1x1x16xf32> to vector<16xf32>
        %mul3A_760 = arith.constant 8.000000e+00 : f32
        %mul3A_761 = vector.broadcast %mul3A_760 : f32 to vector<16xf32>
        %mul3A_762 = arith.mulf %get3A_759, %mul3A_761 : vector<16xf32>
        %add3A_763 = arith.constant 0 : i32
        %add3A_764 = arith.addi %mul3A_713, %add3A_763 : i32
        %swap3A_765 = arith.constant 3 : i32
        %swap3A_766 = arith.index_cast %swap3A_765 : i32 to index
        %swap3A_767 = arith.index_cast %add3A_764 : i32 to index
        %swap3A_768 = arith.constant 32 : index
        %swap3A_769 = tpu.vector_load %arg7[%swap3A_766, %swap3A_767, %swap3A_768] {strides = array<i32>} : memref<4x128x64xf32, #tpu.memory_space<vmem>>, vector<1x1x16xf32>,
        %swap3A_770 = vector.shape_cast %swap3A_769 : vector<1x1x16xf32> to vector<16xf32>
        %swap3A_771 = vector.shape_cast %mul3A_762 : vector<16xf32> to vector<1x1x16xf32>
        tpu.vector_store %arg7[%swap3A_766, %swap3A_767, %swap3A_768], %swap3A_771 {strides = array<i32>} : memref<4x128x64xf32, #tpu.memory_space<vmem>>, vector<1x1x16xf32>,
        %add3A_772 = arith.constant 0 : i32
        %add3A_773 = arith.addi %mul3A_713, %add3A_772 : i32
        %get3A_774 = arith.constant 3 : i32
        %get3A_775 = arith.index_cast %get3A_774 : i32 to index
        %get3A_776 = arith.index_cast %add3A_773 : i32 to index
        %get3A_777 = arith.constant 48 : index
        %get3A_778 = tpu.vector_load %arg6[%get3A_775, %get3A_776, %get3A_777] {strides = array<i32>} : memref<4x128x64xf32, #tpu.memory_space<vmem>>, vector<1x1x16xf32>,
        %get3A_779 = vector.shape_cast %get3A_778 : vector<1x1x16xf32> to vector<16xf32>
        %mul3A_780 = arith.constant 8.000000e+00 : f32
        %mul3A_781 = vector.broadcast %mul3A_780 : f32 to vector<16xf32>
        %mul3A_782 = arith.mulf %get3A_779, %mul3A_781 : vector<16xf32>
        %add3A_783 = arith.constant 0 : i32
        %add3A_784 = arith.addi %mul3A_713, %add3A_783 : i32
        %swap3A_785 = arith.constant 3 : i32
        %swap3A_786 = arith.index_cast %swap3A_785 : i32 to index
        %swap3A_787 = arith.index_cast %add3A_784 : i32 to index
        %swap3A_788 = arith.constant 48 : index
        %swap3A_789 = tpu.vector_load %arg7[%swap3A_786, %swap3A_787, %swap3A_788] {strides = array<i32>} : memref<4x128x64xf32, #tpu.memory_space<vmem>>, vector<1x1x16xf32>,
        %swap3A_790 = vector.shape_cast %swap3A_789 : vector<1x1x16xf32> to vector<16xf32>
        %swap3A_791 = vector.shape_cast %mul3A_782 : vector<16xf32> to vector<1x1x16xf32>
        tpu.vector_store %arg7[%swap3A_786, %swap3A_787, %swap3A_788], %swap3A_791 {strides = array<i32>} : memref<4x128x64xf32, #tpu.memory_space<vmem>>, vector<1x1x16xf32>,
        %add3A_792 = arith.constant 1 : i32
        %add3A_793 = arith.addi %mul3A_713, %add3A_792 : i32
        %get3A_794 = arith.constant 3 : i32
        %get3A_795 = arith.index_cast %get3A_794 : i32 to index
        %get3A_796 = arith.index_cast %add3A_793 : i32 to index
        %get3A_797 = arith.constant 0 : index
        %get3A_798 = tpu.vector_load %arg6[%get3A_795, %get3A_796, %get3A_797] {strides = array<i32>} : memref<4x128x64xf32, #tpu.memory_space<vmem>>, vector<1x1x16xf32>,
        %get3A_799 = vector.shape_cast %get3A_798 : vector<1x1x16xf32> to vector<16xf32>
        %mul3A_800 = arith.constant 8.000000e+00 : f32
        %mul3A_801 = vector.broadcast %mul3A_800 : f32 to vector<16xf32>
        %mul3A_802 = arith.mulf %get3A_799, %mul3A_801 : vector<16xf32>
        %add3A_803 = arith.constant 1 : i32
        %add3A_804 = arith.addi %mul3A_713, %add3A_803 : i32
        %swap3A_805 = arith.constant 3 : i32
        %swap3A_806 = arith.index_cast %swap3A_805 : i32 to index
        %swap3A_807 = arith.index_cast %add3A_804 : i32 to index
        %swap3A_808 = arith.constant 0 : index
        %swap3A_809 = tpu.vector_load %arg7[%swap3A_806, %swap3A_807, %swap3A_808] {strides = array<i32>} : memref<4x128x64xf32, #tpu.memory_space<vmem>>, vector<1x1x16xf32>,
        %swap3A_810 = vector.shape_cast %swap3A_809 : vector<1x1x16xf32> to vector<16xf32>
        %swap3A_811 = vector.shape_cast %mul3A_802 : vector<16xf32> to vector<1x1x16xf32>
        tpu.vector_store %arg7[%swap3A_806, %swap3A_807, %swap3A_808], %swap3A_811 {strides = array<i32>} : memref<4x128x64xf32, #tpu.memory_space<vmem>>, vector<1x1x16xf32>,
        %add3A_812 = arith.constant 1 : i32
        %add3A_813 = arith.addi %mul3A_713, %add3A_812 : i32
        %get3A_814 = arith.constant 3 : i32
        %get3A_815 = arith.index_cast %get3A_814 : i32 to index
        %get3A_816 = arith.index_cast %add3A_813 : i32 to index
        %get3A_817 = arith.constant 16 : index
        %get3A_818 = tpu.vector_load %arg6[%get3A_815, %get3A_816, %get3A_817] {strides = array<i32>} : memref<4x128x64xf32, #tpu.memory_space<vmem>>, vector<1x1x16xf32>,
        %get3A_819 = vector.shape_cast %get3A_818 : vector<1x1x16xf32> to vector<16xf32>
        %mul3A_820 = arith.constant 8.000000e+00 : f32
        %mul3A_821 = vector.broadcast %mul3A_820 : f32 to vector<16xf32>
        %mul3A_822 = arith.mulf %get3A_819, %mul3A_821 : vector<16xf32>
        %add3A_823 = arith.constant 1 : i32
        %add3A_824 = arith.addi %mul3A_713, %add3A_823 : i32
        %swap3A_825 = arith.constant 3 : i32
        %swap3A_826 = arith.index_cast %swap3A_825 : i32 to index
        %swap3A_827 = arith.index_cast %add3A_824 : i32 to index
        %swap3A_828 = arith.constant 16 : index
        %swap3A_829 = tpu.vector_load %arg7[%swap3A_826, %swap3A_827, %swap3A_828] {strides = array<i32>} : memref<4x128x64xf32, #tpu.memory_space<vmem>>, vector<1x1x16xf32>,
        %swap3A_830 = vector.shape_cast %swap3A_829 : vector<1x1x16xf32> to vector<16xf32>
        %swap3A_831 = vector.shape_cast %mul3A_822 : vector<16xf32> to vector<1x1x16xf32>
        tpu.vector_store %arg7[%swap3A_826, %swap3A_827, %swap3A_828], %swap3A_831 {strides = array<i32>} : memref<4x128x64xf32, #tpu.memory_space<vmem>>, vector<1x1x16xf32>,
        %add3A_832 = arith.constant 1 : i32
        %add3A_833 = arith.addi %mul3A_713, %add3A_832 : i32
        %get3A_834 = arith.constant 3 : i32
        %get3A_835 = arith.index_cast %get3A_834 : i32 to index
        %get3A_836 = arith.index_cast %add3A_833 : i32 to index
        %get3A_837 = arith.constant 32 : index
        %get3A_838 = tpu.vector_load %arg6[%get3A_835, %get3A_836, %get3A_837] {strides = array<i32>} : memref<4x128x64xf32, #tpu.memory_space<vmem>>, vector<1x1x16xf32>,
        %get3A_839 = vector.shape_cast %get3A_838 : vector<1x1x16xf32> to vector<16xf32>
        %mul3A_840 = arith.constant 8.000000e+00 : f32
        %mul3A_841 = vector.broadcast %mul3A_840 : f32 to vector<16xf32>
        %mul3A_842 = arith.mulf %get3A_839, %mul3A_841 : vector<16xf32>
        %add3A_843 = arith.constant 1 : i32
        %add3A_844 = arith.addi %mul3A_713, %add3A_843 : i32
        %swap3A_845 = arith.constant 3 : i32
        %swap3A_846 = arith.index_cast %swap3A_845 : i32 to index
        %swap3A_847 = arith.index_cast %add3A_844 : i32 to index
        %swap3A_848 = arith.constant 32 : index
        %swap3A_849 = tpu.vector_load %arg7[%swap3A_846, %swap3A_847, %swap3A_848] {strides = array<i32>} : memref<4x128x64xf32, #tpu.memory_space<vmem>>, vector<1x1x16xf32>,
        %swap3A_850 = vector.shape_cast %swap3A_849 : vector<1x1x16xf32> to vector<16xf32>
        %swap3A_851 = vector.shape_cast %mul3A_842 : vector<16xf32> to vector<1x1x16xf32>
        tpu.vector_store %arg7[%swap3A_846, %swap3A_847, %swap3A_848], %swap3A_851 {strides = array<i32>} : memref<4x128x64xf32, #tpu.memory_space<vmem>>, vector<1x1x16xf32>,
        %add3A_852 = arith.constant 1 : i32
        %add3A_853 = arith.addi %mul3A_713, %add3A_852 : i32
        %get3A_854 = arith.constant 3 : i32
        %get3A_855 = arith.index_cast %get3A_854 : i32 to index
        %get3A_856 = arith.index_cast %add3A_853 : i32 to index
        %get3A_857 = arith.constant 48 : index
        %get3A_858 = tpu.vector_load %arg6[%get3A_855, %get3A_856, %get3A_857] {strides = array<i32>} : memref<4x128x64xf32, #tpu.memory_space<vmem>>, vector<1x1x16xf32>,
        %get3A_859 = vector.shape_cast %get3A_858 : vector<1x1x16xf32> to vector<16xf32>
        %mul3A_860 = arith.constant 8.000000e+00 : f32
        %mul3A_861 = vector.broadcast %mul3A_860 : f32 to vector<16xf32>
        %mul3A_862 = arith.mulf %get3A_859, %mul3A_861 : vector<16xf32>
        %add3A_863 = arith.constant 1 : i32
        %add3A_864 = arith.addi %mul3A_713, %add3A_863 : i32
        %swap3A_865 = arith.constant 3 : i32
        %swap3A_866 = arith.index_cast %swap3A_865 : i32 to index
        %swap3A_867 = arith.index_cast %add3A_864 : i32 to index
        %swap3A_868 = arith.constant 48 : index
        %swap3A_869 = tpu.vector_load %arg7[%swap3A_866, %swap3A_867, %swap3A_868] {strides = array<i32>} : memref<4x128x64xf32, #tpu.memory_space<vmem>>, vector<1x1x16xf32>,
        %swap3A_870 = vector.shape_cast %swap3A_869 : vector<1x1x16xf32> to vector<16xf32>
        %swap3A_871 = vector.shape_cast %mul3A_862 : vector<16xf32> to vector<1x1x16xf32>
        tpu.vector_store %arg7[%swap3A_866, %swap3A_867, %swap3A_868], %swap3A_871 {strides = array<i32>} : memref<4x128x64xf32, #tpu.memory_space<vmem>>, vector<1x1x16xf32>,
        %scan3A_872 = arith.constant 1 : i32
        %scan3A_873 = arith.addi %scan3A_711, %scan3A_872 : i32
        %mul3A_874 = arith.constant 2 : i32
        %mul3A_875 = arith.muli %mul3A_874, %scan3A_873 : i32
        %add3A_876 = arith.constant 0 : i32
        %add3A_877 = arith.addi %mul3A_875, %add3A_876 : i32
        %get3A_878 = arith.constant 3 : i32
        %get3A_879 = arith.index_cast %get3A_878 : i32 to index
        %get3A_880 = arith.index_cast %add3A_877 : i32 to index
        %get3A_881 = arith.constant 0 : index
        %get3A_882 = tpu.vector_load %arg6[%get3A_879, %get3A_880, %get3A_881] {strides = array<i32>} : memref<4x128x64xf32, #tpu.memory_space<vmem>>, vector<1x1x16xf32>,
        %get3A_883 = vector.shape_cast %get3A_882 : vector<1x1x16xf32> to vector<16xf32>
        %mul3A_884 = arith.constant 8.000000e+00 : f32
        %mul3A_885 = vector.broadcast %mul3A_884 : f32 to vector<16xf32>
        %mul3A_886 = arith.mulf %get3A_883, %mul3A_885 : vector<16xf32>
        %add3A_887 = arith.constant 0 : i32
        %add3A_888 = arith.addi %mul3A_875, %add3A_887 : i32
        %swap3A_889 = arith.constant 3 : i32
        %swap3A_890 = arith.index_cast %swap3A_889 : i32 to index
        %swap3A_891 = arith.index_cast %add3A_888 : i32 to index
        %swap3A_892 = arith.constant 0 : index
        %swap3A_893 = tpu.vector_load %arg7[%swap3A_890, %swap3A_891, %swap3A_892] {strides = array<i32>} : memref<4x128x64xf32, #tpu.memory_space<vmem>>, vector<1x1x16xf32>,
        %swap3A_894 = vector.shape_cast %swap3A_893 : vector<1x1x16xf32> to vector<16xf32>
        %swap3A_895 = vector.shape_cast %mul3A_886 : vector<16xf32> to vector<1x1x16xf32>
        tpu.vector_store %arg7[%swap3A_890, %swap3A_891, %swap3A_892], %swap3A_895 {strides = array<i32>} : memref<4x128x64xf32, #tpu.memory_space<vmem>>, vector<1x1x16xf32>,
        %add3A_896 = arith.constant 0 : i32
        %add3A_897 = arith.addi %mul3A_875, %add3A_896 : i32
        %get3A_898 = arith.constant 3 : i32
        %get3A_899 = arith.index_cast %get3A_898 : i32 to index
        %get3A_900 = arith.index_cast %add3A_897 : i32 to index
        %get3A_901 = arith.constant 16 : index
        %get3A_902 = tpu.vector_load %arg6[%get3A_899, %get3A_900, %get3A_901] {strides = array<i32>} : memref<4x128x64xf32, #tpu.memory_space<vmem>>, vector<1x1x16xf32>,
        %get3A_903 = vector.shape_cast %get3A_902 : vector<1x1x16xf32> to vector<16xf32>
        %mul3A_904 = arith.constant 8.000000e+00 : f32
        %mul3A_905 = vector.broadcast %mul3A_904 : f32 to vector<16xf32>
        %mul3A_906 = arith.mulf %get3A_903, %mul3A_905 : vector<16xf32>
        %add3A_907 = arith.constant 0 : i32
        %add3A_908 = arith.addi %mul3A_875, %add3A_907 : i32
        %swap3A_909 = arith.constant 3 : i32
        %swap3A_910 = arith.index_cast %swap3A_909 : i32 to index
        %swap3A_911 = arith.index_cast %add3A_908 : i32 to index
        %swap3A_912 = arith.constant 16 : index
        %swap3A_913 = tpu.vector_load %arg7[%swap3A_910, %swap3A_911, %swap3A_912] {strides = array<i32>} : memref<4x128x64xf32, #tpu.memory_space<vmem>>, vector<1x1x16xf32>,
        %swap3A_914 = vector.shape_cast %swap3A_913 : vector<1x1x16xf32> to vector<16xf32>
        %swap3A_915 = vector.shape_cast %mul3A_906 : vector<16xf32> to vector<1x1x16xf32>
        tpu.vector_store %arg7[%swap3A_910, %swap3A_911, %swap3A_912], %swap3A_915 {strides = array<i32>} : memref<4x128x64xf32, #tpu.memory_space<vmem>>, vector<1x1x16xf32>,
        %add3A_916 = arith.constant 0 : i32
        %add3A_917 = arith.addi %mul3A_875, %add3A_916 : i32
        %get3A_918 = arith.constant 3 : i32
        %get3A_919 = arith.index_cast %get3A_918 : i32 to index
        %get3A_920 = arith.index_cast %add3A_917 : i32 to index
        %get3A_921 = arith.constant 32 : index
        %get3A_922 = tpu.vector_load %arg6[%get3A_919, %get3A_920, %get3A_921] {strides = array<i32>} : memref<4x128x64xf32, #tpu.memory_space<vmem>>, vector<1x1x16xf32>,
        %get3A_923 = vector.shape_cast %get3A_922 : vector<1x1x16xf32> to vector<16xf32>
        %mul3A_924 = arith.constant 8.000000e+00 : f32
        %mul3A_925 = vector.broadcast %mul3A_924 : f32 to vector<16xf32>
        %mul3A_926 = arith.mulf %get3A_923, %mul3A_925 : vector<16xf32>
        %add3A_927 = arith.constant 0 : i32
        %add3A_928 = arith.addi %mul3A_875, %add3A_927 : i32
        %swap3A_929 = arith.constant 3 : i32
        %swap3A_930 = arith.index_cast %swap3A_929 : i32 to index
        %swap3A_931 = arith.index_cast %add3A_928 : i32 to index
        %swap3A_932 = arith.constant 32 : index
        %swap3A_933 = tpu.vector_load %arg7[%swap3A_930, %swap3A_931, %swap3A_932] {strides = array<i32>} : memref<4x128x64xf32, #tpu.memory_space<vmem>>, vector<1x1x16xf32>,
        %swap3A_934 = vector.shape_cast %swap3A_933 : vector<1x1x16xf32> to vector<16xf32>
        %swap3A_935 = vector.shape_cast %mul3A_926 : vector<16xf32> to vector<1x1x16xf32>
        tpu.vector_store %arg7[%swap3A_930, %swap3A_931, %swap3A_932], %swap3A_935 {strides = array<i32>} : memref<4x128x64xf32, #tpu.memory_space<vmem>>, vector<1x1x16xf32>,
        %add3A_936 = arith.constant 0 : i32
        %add3A_937 = arith.addi %mul3A_875, %add3A_936 : i32
        %get3A_938 = arith.constant 3 : i32
        %get3A_939 = arith.index_cast %get3A_938 : i32 to index
        %get3A_940 = arith.index_cast %add3A_937 : i32 to index
        %get3A_941 = arith.constant 48 : index
        %get3A_942 = tpu.vector_load %arg6[%get3A_939, %get3A_940, %get3A_941] {strides = array<i32>} : memref<4x128x64xf32, #tpu.memory_space<vmem>>, vector<1x1x16xf32>,
        %get3A_943 = vector.shape_cast %get3A_942 : vector<1x1x16xf32> to vector<16xf32>
        %mul3A_944 = arith.constant 8.000000e+00 : f32
        %mul3A_945 = vector.broadcast %mul3A_944 : f32 to vector<16xf32>
        %mul3A_946 = arith.mulf %get3A_943, %mul3A_945 : vector<16xf32>
        %add3A_947 = arith.constant 0 : i32
        %add3A_948 = arith.addi %mul3A_875, %add3A_947 : i32
        %swap3A_949 = arith.constant 3 : i32
        %swap3A_950 = arith.index_cast %swap3A_949 : i32 to index
        %swap3A_951 = arith.index_cast %add3A_948 : i32 to index
        %swap3A_952 = arith.constant 48 : index
        %swap3A_953 = tpu.vector_load %arg7[%swap3A_950, %swap3A_951, %swap3A_952] {strides = array<i32>} : memref<4x128x64xf32, #tpu.memory_space<vmem>>, vector<1x1x16xf32>,
        %swap3A_954 = vector.shape_cast %swap3A_953 : vector<1x1x16xf32> to vector<16xf32>
        %swap3A_955 = vector.shape_cast %mul3A_946 : vector<16xf32> to vector<1x1x16xf32>
        tpu.vector_store %arg7[%swap3A_950, %swap3A_951, %swap3A_952], %swap3A_955 {strides = array<i32>} : memref<4x128x64xf32, #tpu.memory_space<vmem>>, vector<1x1x16xf32>,
        %add3A_956 = arith.constant 1 : i32
        %add3A_957 = arith.addi %mul3A_875, %add3A_956 : i32
        %get3A_958 = arith.constant 3 : i32
        %get3A_959 = arith.index_cast %get3A_958 : i32 to index
        %get3A_960 = arith.index_cast %add3A_957 : i32 to index
        %get3A_961 = arith.constant 0 : index
        %get3A_962 = tpu.vector_load %arg6[%get3A_959, %get3A_960, %get3A_961] {strides = array<i32>} : memref<4x128x64xf32, #tpu.memory_space<vmem>>, vector<1x1x16xf32>,
        %get3A_963 = vector.shape_cast %get3A_962 : vector<1x1x16xf32> to vector<16xf32>
        %mul3A_964 = arith.constant 8.000000e+00 : f32
        %mul3A_965 = vector.broadcast %mul3A_964 : f32 to vector<16xf32>
        %mul3A_966 = arith.mulf %get3A_963, %mul3A_965 : vector<16xf32>
        %add3A_967 = arith.constant 1 : i32
        %add3A_968 = arith.addi %mul3A_875, %add3A_967 : i32
        %swap3A_969 = arith.constant 3 : i32
        %swap3A_970 = arith.index_cast %swap3A_969 : i32 to index
        %swap3A_971 = arith.index_cast %add3A_968 : i32 to index
        %swap3A_972 = arith.constant 0 : index
        %swap3A_973 = tpu.vector_load %arg7[%swap3A_970, %swap3A_971, %swap3A_972] {strides = array<i32>} : memref<4x128x64xf32, #tpu.memory_space<vmem>>, vector<1x1x16xf32>,
        %swap3A_974 = vector.shape_cast %swap3A_973 : vector<1x1x16xf32> to vector<16xf32>
        %swap3A_975 = vector.shape_cast %mul3A_966 : vector<16xf32> to vector<1x1x16xf32>
        tpu.vector_store %arg7[%swap3A_970, %swap3A_971, %swap3A_972], %swap3A_975 {strides = array<i32>} : memref<4x128x64xf32, #tpu.memory_space<vmem>>, vector<1x1x16xf32>,
        %add3A_976 = arith.constant 1 : i32
        %add3A_977 = arith.addi %mul3A_875, %add3A_976 : i32
        %get3A_978 = arith.constant 3 : i32
        %get3A_979 = arith.index_cast %get3A_978 : i32 to index
        %get3A_980 = arith.index_cast %add3A_977 : i32 to index
        %get3A_981 = arith.constant 16 : index
        %get3A_982 = tpu.vector_load %arg6[%get3A_979, %get3A_980, %get3A_981] {strides = array<i32>} : memref<4x128x64xf32, #tpu.memory_space<vmem>>, vector<1x1x16xf32>,
        %get3A_983 = vector.shape_cast %get3A_982 : vector<1x1x16xf32> to vector<16xf32>
        %mul3A_984 = arith.constant 8.000000e+00 : f32
        %mul3A_985 = vector.broadcast %mul3A_984 : f32 to vector<16xf32>
        %mul3A_986 = arith.mulf %get3A_983, %mul3A_985 : vector<16xf32>
        %add3A_987 = arith.constant 1 : i32
        %add3A_988 = arith.addi %mul3A_875, %add3A_987 : i32
        %swap3A_989 = arith.constant 3 : i32
        %swap3A_990 = arith.index_cast %swap3A_989 : i32 to index
        %swap3A_991 = arith.index_cast %add3A_988 : i32 to index
        %swap3A_992 = arith.constant 16 : index
        %swap3A_993 = tpu.vector_load %arg7[%swap3A_990, %swap3A_991, %swap3A_992] {strides = array<i32>} : memref<4x128x64xf32, #tpu.memory_space<vmem>>, vector<1x1x16xf32>,
        %swap3A_994 = vector.shape_cast %swap3A_993 : vector<1x1x16xf32> to vector<16xf32>
        %swap3A_995 = vector.shape_cast %mul3A_986 : vector<16xf32> to vector<1x1x16xf32>
        tpu.vector_store %arg7[%swap3A_990, %swap3A_991, %swap3A_992], %swap3A_995 {strides = array<i32>} : memref<4x128x64xf32, #tpu.memory_space<vmem>>, vector<1x1x16xf32>,
        %add3A_996 = arith.constant 1 : i32
        %add3A_997 = arith.addi %mul3A_875, %add3A_996 : i32
        %get3A_998 = arith.constant 3 : i32
        %get3A_999 = arith.index_cast %get3A_998 : i32 to index
        %get3A_1000 = arith.index_cast %add3A_997 : i32 to index
        %get3A_1001 = arith.constant 32 : index
        %get3A_1002 = tpu.vector_load %arg6[%get3A_999, %get3A_1000, %get3A_1001] {strides = array<i32>} : memref<4x128x64xf32, #tpu.memory_space<vmem>>, vector<1x1x16xf32>,
        %get3A_1003 = vector.shape_cast %get3A_1002 : vector<1x1x16xf32> to vector<16xf32>
        %mul3A_1004 = arith.constant 8.000000e+00 : f32
        %mul3A_1005 = vector.broadcast %mul3A_1004 : f32 to vector<16xf32>
        %mul3A_1006 = arith.mulf %get3A_1003, %mul3A_1005 : vector<16xf32>
        %add3A_1007 = arith.constant 1 : i32
        %add3A_1008 = arith.addi %mul3A_875, %add3A_1007 : i32
        %swap3A_1009 = arith.constant 3 : i32
        %swap3A_1010 = arith.index_cast %swap3A_1009 : i32 to index
        %swap3A_1011 = arith.index_cast %add3A_1008 : i32 to index
        %swap3A_1012 = arith.constant 32 : index
        %swap3A_1013 = tpu.vector_load %arg7[%swap3A_1010, %swap3A_1011, %swap3A_1012] {strides = array<i32>} : memref<4x128x64xf32, #tpu.memory_space<vmem>>, vector<1x1x16xf32>,
        %swap3A_1014 = vector.shape_cast %swap3A_1013 : vector<1x1x16xf32> to vector<16xf32>
        %swap3A_1015 = vector.shape_cast %mul3A_1006 : vector<16xf32> to vector<1x1x16xf32>
        tpu.vector_store %arg7[%swap3A_1010, %swap3A_1011, %swap3A_1012], %swap3A_1015 {strides = array<i32>} : memref<4x128x64xf32, #tpu.memory_space<vmem>>, vector<1x1x16xf32>,
        %add3A_1016 = arith.constant 1 : i32
        %add3A_1017 = arith.addi %mul3A_875, %add3A_1016 : i32
        %get3A_1018 = arith.constant 3 : i32
        %get3A_1019 = arith.index_cast %get3A_1018 : i32 to index
        %get3A_1020 = arith.index_cast %add3A_1017 : i32 to index
        %get3A_1021 = arith.constant 48 : index
        %get3A_1022 = tpu.vector_load %arg6[%get3A_1019, %get3A_1020, %get3A_1021] {strides = array<i32>} : memref<4x128x64xf32, #tpu.memory_space<vmem>>, vector<1x1x16xf32>,
        %get3A_1023 = vector.shape_cast %get3A_1022 : vector<1x1x16xf32> to vector<16xf32>
        %mul3A_1024 = arith.constant 8.000000e+00 : f32
        %mul3A_1025 = vector.broadcast %mul3A_1024 : f32 to vector<16xf32>
        %mul3A_1026 = arith.mulf %get3A_1023, %mul3A_1025 : vector<16xf32>
        %add3A_1027 = arith.constant 1 : i32
        %add3A_1028 = arith.addi %mul3A_875, %add3A_1027 : i32
        %swap3A_1029 = arith.constant 3 : i32
        %swap3A_1030 = arith.index_cast %swap3A_1029 : i32 to index
        %swap3A_1031 = arith.index_cast %add3A_1028 : i32 to index
        %swap3A_1032 = arith.constant 48 : index
        %swap3A_1033 = tpu.vector_load %arg7[%swap3A_1030, %swap3A_1031, %swap3A_1032] {strides = array<i32>} : memref<4x128x64xf32, #tpu.memory_space<vmem>>, vector<1x1x16xf32>,
        %swap3A_1034 = vector.shape_cast %swap3A_1033 : vector<1x1x16xf32> to vector<16xf32>
        %swap3A_1035 = vector.shape_cast %mul3A_1026 : vector<16xf32> to vector<1x1x16xf32>
        tpu.vector_store %arg7[%swap3A_1030, %swap3A_1031, %swap3A_1032], %swap3A_1035 {strides = array<i32>} : memref<4x128x64xf32, #tpu.memory_space<vmem>>, vector<1x1x16xf32>,
      }
      %scan3A_681 = arith.constant 64 : i32
      %mul3A_682 = arith.constant 128 : i32
      %mul3A_683 = arith.muli %add3A_650, %mul3A_682 : i32
      %add3A_684 = arith.addi %mul3A_2, %mul3A_683 : i32
      %dma_start3A_685 = arith.constant 3 : i32
      %dma_start3A_686 = arith.constant 0 : i32
      %dma_start3A_687 = arith.constant 0 : i32
      %dma_start3A_688 = tpu.memref_slice %arg7[%dma_start3A_685, %dma_start3A_686, %dma_start3A_687] : memref<4x128x64xf32, #tpu.memory_space<vmem>> -> memref<1x128x64xf32, #tpu.memory_space<vmem>>
      %dma_start3A_689 = tpu.memref_squeeze %dma_start3A_688 : memref<1x128x64xf32, #tpu.memory_space<vmem>> -> memref<128x64xf32, #tpu.memory_space<vmem>>
      %dma_start3A_690 = arith.constant 0 : i32
      %dma_start3A_691 = tpu.memref_slice %arg4[%add3A_684, %dma_start3A_690] : memref<819200x64xf32, #tpu.memory_space<hbm>> -> memref<128x64xf32, #tpu.memory_space<hbm>>
      %dma_start3A_692 = arith.constant 0 : i32
      %dma_start3A_693 = tpu.memref_slice %arg4[%add3A_684, %dma_start3A_692] : memref<819200x64xf32, #tpu.memory_space<hbm>> -> memref<128x64xf32, #tpu.memory_space<hbm>>
      %dma_start3A_694 = arith.constant 0 : i32
      %dma_start3A_695 = arith.constant 0 : i32
      %dma_start3A_696 = tpu.memref_slice %arg7[%dma_start3A_685, %dma_start3A_694, %dma_start3A_695] : memref<4x128x64xf32, #tpu.memory_space<vmem>> -> memref<1x128x64xf32, #tpu.memory_space<vmem>>
      %dma_start3A_697 = tpu.memref_squeeze %dma_start3A_696 : memref<1x128x64xf32, #tpu.memory_space<vmem>> -> memref<128x64xf32, #tpu.memory_space<vmem>>
      tpu.enqueue_dma source(%dma_start3A_697 : memref<128x64xf32, #tpu.memory_space<vmem>>) target(%dma_start3A_693 : memref<128x64xf32, #tpu.memory_space<hbm>>) target_semaphore(%arg15 : memref<!tpu.dma_semaphore, #tpu.memory_space<semaphore_mem>>)
      %add3A_698 = arith.constant 4 : i32
      %add3A_699 = arith.addi %add3A_650, %add3A_698 : i32
      %mul3A_700 = arith.constant 128 : i32
      %mul3A_701 = arith.muli %add3A_699, %mul3A_700 : i32
      %dma_start3A_702 = arith.constant 3 : i32
      %dma_start3A_703 = arith.constant 0 : i32
      %dma_start3A_704 = arith.constant 0 : i32
      %dma_start3A_705 = tpu.memref_slice %arg6[%dma_start3A_702, %dma_start3A_703, %dma_start3A_704] : memref<4x128x64xf32, #tpu.memory_space<vmem>> -> memref<1x128x64xf32, #tpu.memory_space<vmem>>
      %dma_start3A_706 = tpu.memref_squeeze %dma_start3A_705 : memref<1x128x64xf32, #tpu.memory_space<vmem>> -> memref<128x64xf32, #tpu.memory_space<vmem>>
      %dma_start3A_707 = tpu.memref_slice %arg5[%mul3A_701] : memref<25600xi32, #tpu.memory_space<vmem>> -> memref<128xi32, #tpu.memory_space<vmem>>
      %dma_start3A_708 = arith.constant 0 : i32
      %dma_start3A_709 = arith.constant 0 : i32
      %dma_start3A_710 = tpu.memref_slice %arg3[%dma_start3A_708, %dma_start3A_709] : memref<2000000x64xf32, #tpu.memory_space<hbm>> -> memref<2000000x64xf32, #tpu.memory_space<hbm>>
      tpu.enqueue_indirect_dma source(%dma_start3A_710 : memref<2000000x64xf32, #tpu.memory_space<hbm>>) target(%dma_start3A_706 : memref<128x64xf32, #tpu.memory_space<vmem>>) offsets(%dma_start3A_707 : memref<128xi32, #tpu.memory_space<vmem>>) semaphore(%arg11 : memref<!tpu.dma_semaphore, #tpu.memory_space<semaphore_mem>>)
    }
    %scan3A_215 = arith.constant 48 : i32
    %dma_wait3A_216 = arith.constant 0 : i32
    %dma_wait3A_217 = arith.constant 0 : i32
    %dma_wait3A_218 = arith.constant 0 : i32
    %dma_wait3A_219 = tpu.memref_slice %arg6[%dma_wait3A_216, %dma_wait3A_217, %dma_wait3A_218] : memref<4x128x64xf32, #tpu.memory_space<vmem>> -> memref<1x128x64xf32, #tpu.memory_space<vmem>>
    %dma_wait3A_220 = tpu.memref_squeeze %dma_wait3A_219 : memref<1x128x64xf32, #tpu.memory_space<vmem>> -> memref<128x64xf32, #tpu.memory_space<vmem>>
    %dma_wait3A_221 = arith.constant 0 : i32
    %dma_wait3A_222 = tpu.memref_slice %arg5[%dma_wait3A_221] : memref<25600xi32, #tpu.memory_space<vmem>> -> memref<128xi32, #tpu.memory_space<vmem>>
    %dma_wait3A_223 = arith.constant 0 : i32
    %dma_wait3A_224 = arith.constant 0 : i32
    %dma_wait3A_225 = tpu.memref_slice %arg3[%dma_wait3A_223, %dma_wait3A_224] : memref<2000000x64xf32, #tpu.memory_space<hbm>> -> memref<2000000x64xf32, #tpu.memory_space<hbm>>
    tpu.wait_indirect_dma semaphore(%arg8 : memref<!tpu.dma_semaphore, #tpu.memory_space<semaphore_mem>>) src(%dma_wait3A_225 : memref<2000000x64xf32, #tpu.memory_space<hbm>>) dst(%dma_wait3A_220 : memref<128x64xf32, #tpu.memory_space<vmem>>)
    %dma_wait3A_226 = arith.constant 0 : i32
    %dma_wait3A_227 = arith.constant 0 : i32
    %dma_wait3A_228 = arith.constant 0 : i32
    %dma_wait3A_229 = tpu.memref_slice %arg7[%dma_wait3A_226, %dma_wait3A_227, %dma_wait3A_228] : memref<4x128x64xf32, #tpu.memory_space<vmem>> -> memref<1x128x64xf32, #tpu.memory_space<vmem>>
    %dma_wait3A_230 = tpu.memref_squeeze %dma_wait3A_229 : memref<1x128x64xf32, #tpu.memory_space<vmem>> -> memref<128x64xf32, #tpu.memory_space<vmem>>
    %dma_wait3A_231 = arith.constant 0 : i32
    %dma_wait3A_232 = arith.constant 0 : i32
    %dma_wait3A_233 = tpu.memref_slice %arg4[%dma_wait3A_231, %dma_wait3A_232] : memref<819200x64xf32, #tpu.memory_space<hbm>> -> memref<128x64xf32, #tpu.memory_space<hbm>>
    %dma_wait3A_234 = arith.constant 0 : i32
    %dma_wait3A_235 = arith.constant 0 : i32
    %dma_wait3A_236 = tpu.memref_slice %arg4[%dma_wait3A_234, %dma_wait3A_235] : memref<819200x64xf32, #tpu.memory_space<hbm>> -> memref<128x64xf32, #tpu.memory_space<hbm>>
    %dma_wait3A_237 = arith.constant 0 : i32
    %dma_wait3A_238 = arith.constant 0 : i32
    %dma_wait3A_239 = tpu.memref_slice %arg7[%dma_wait3A_226, %dma_wait3A_237, %dma_wait3A_238] : memref<4x128x64xf32, #tpu.memory_space<vmem>> -> memref<1x128x64xf32, #tpu.memory_space<vmem>>
    %dma_wait3A_240 = tpu.memref_squeeze %dma_wait3A_239 : memref<1x128x64xf32, #tpu.memory_space<vmem>> -> memref<128x64xf32, #tpu.memory_space<vmem>>
    tpu.wait_dma2 semaphore(%arg12 : memref<!tpu.dma_semaphore, #tpu.memory_space<semaphore_mem>>) src(%dma_wait3A_240 : memref<128x64xf32, #tpu.memory_space<vmem>>) dst(%dma_wait3A_236 : memref<128x64xf32, #tpu.memory_space<hbm>>)
    %scan3A_241 = arith.constant 0 : i32
    %scan3A_242 = arith.constant 0 : i32
    %scan3A_243 = arith.constant 64 : i32
    %scan3A_244 = arith.addi %scan3A_242, %scan3A_243 : i32
    %scan3A_245 = arith.constant 2 : i32
    scf.for %scan3A_460 = %scan3A_242 to %scan3A_244 step %scan3A_245  : i32 {
      %mul3A_461 = arith.constant 2 : i32
      %mul3A_462 = arith.muli %mul3A_461, %scan3A_460 : i32
      %add3A_463 = arith.constant 0 : i32
      %add3A_464 = arith.addi %mul3A_462, %add3A_463 : i32
      %get3A = arith.constant 0 : i32
      %get3A_465 = arith.index_cast %get3A : i32 to index
      %get3A_466 = arith.index_cast %add3A_464 : i32 to index
      %get3A_467 = arith.constant 0 : index
      %get3A_468 = tpu.vector_load %arg6[%get3A_465, %get3A_466, %get3A_467] {strides = array<i32>} : memref<4x128x64xf32, #tpu.memory_space<vmem>>, vector<1x1x16xf32>,
      %get3A_469 = vector.shape_cast %get3A_468 : vector<1x1x16xf32> to vector<16xf32>
      %mul3A_470 = arith.constant 8.000000e+00 : f32
      %mul3A_471 = vector.broadcast %mul3A_470 : f32 to vector<16xf32>
      %mul3A_472 = arith.mulf %get3A_469, %mul3A_471 : vector<16xf32>
      %add3A_473 = arith.constant 0 : i32
      %add3A_474 = arith.addi %mul3A_462, %add3A_473 : i32
      %swap3A = arith.constant 0 : i32
      %swap3A_475 = arith.index_cast %swap3A : i32 to index
      %swap3A_476 = arith.index_cast %add3A_474 : i32 to index
      %swap3A_477 = arith.constant 0 : index
      %swap3A_478 = tpu.vector_load %arg7[%swap3A_475, %swap3A_476, %swap3A_477] {strides = array<i32>} : memref<4x128x64xf32, #tpu.memory_space<vmem>>, vector<1x1x16xf32>,
      %swap3A_479 = vector.shape_cast %swap3A_478 : vector<1x1x16xf32> to vector<16xf32>
      %swap3A_480 = vector.shape_cast %mul3A_472 : vector<16xf32> to vector<1x1x16xf32>
      tpu.vector_store %arg7[%swap3A_475, %swap3A_476, %swap3A_477], %swap3A_480 {strides = array<i32>} : memref<4x128x64xf32, #tpu.memory_space<vmem>>, vector<1x1x16xf32>,
      %add3A_481 = arith.constant 0 : i32
      %add3A_482 = arith.addi %mul3A_462, %add3A_481 : i32
      %get3A_483 = arith.constant 0 : i32
      %get3A_484 = arith.index_cast %get3A_483 : i32 to index
      %get3A_485 = arith.index_cast %add3A_482 : i32 to index
      %get3A_486 = arith.constant 16 : index
      %get3A_487 = tpu.vector_load %arg6[%get3A_484, %get3A_485, %get3A_486] {strides = array<i32>} : memref<4x128x64xf32, #tpu.memory_space<vmem>>, vector<1x1x16xf32>,
      %get3A_488 = vector.shape_cast %get3A_487 : vector<1x1x16xf32> to vector<16xf32>
      %mul3A_489 = arith.constant 8.000000e+00 : f32
      %mul3A_490 = vector.broadcast %mul3A_489 : f32 to vector<16xf32>
      %mul3A_491 = arith.mulf %get3A_488, %mul3A_490 : vector<16xf32>
      %add3A_492 = arith.constant 0 : i32
      %add3A_493 = arith.addi %mul3A_462, %add3A_492 : i32
      %swap3A_494 = arith.constant 0 : i32
      %swap3A_495 = arith.index_cast %swap3A_494 : i32 to index
      %swap3A_496 = arith.index_cast %add3A_493 : i32 to index
      %swap3A_497 = arith.constant 16 : index
      %swap3A_498 = tpu.vector_load %arg7[%swap3A_495, %swap3A_496, %swap3A_497] {strides = array<i32>} : memref<4x128x64xf32, #tpu.memory_space<vmem>>, vector<1x1x16xf32>,
      %swap3A_499 = vector.shape_cast %swap3A_498 : vector<1x1x16xf32> to vector<16xf32>
      %swap3A_500 = vector.shape_cast %mul3A_491 : vector<16xf32> to vector<1x1x16xf32>
      tpu.vector_store %arg7[%swap3A_495, %swap3A_496, %swap3A_497], %swap3A_500 {strides = array<i32>} : memref<4x128x64xf32, #tpu.memory_space<vmem>>, vector<1x1x16xf32>,
      %add3A_501 = arith.constant 0 : i32
      %add3A_502 = arith.addi %mul3A_462, %add3A_501 : i32
      %get3A_503 = arith.constant 0 : i32
      %get3A_504 = arith.index_cast %get3A_503 : i32 to index
      %get3A_505 = arith.index_cast %add3A_502 : i32 to index
      %get3A_506 = arith.constant 32 : index
      %get3A_507 = tpu.vector_load %arg6[%get3A_504, %get3A_505, %get3A_506] {strides = array<i32>} : memref<4x128x64xf32, #tpu.memory_space<vmem>>, vector<1x1x16xf32>,
      %get3A_508 = vector.shape_cast %get3A_507 : vector<1x1x16xf32> to vector<16xf32>
      %mul3A_509 = arith.constant 8.000000e+00 : f32
      %mul3A_510 = vector.broadcast %mul3A_509 : f32 to vector<16xf32>
      %mul3A_511 = arith.mulf %get3A_508, %mul3A_510 : vector<16xf32>
      %add3A_512 = arith.constant 0 : i32
      %add3A_513 = arith.addi %mul3A_462, %add3A_512 : i32
      %swap3A_514 = arith.constant 0 : i32
      %swap3A_515 = arith.index_cast %swap3A_514 : i32 to index
      %swap3A_516 = arith.index_cast %add3A_513 : i32 to index
      %swap3A_517 = arith.constant 32 : index
      %swap3A_518 = tpu.vector_load %arg7[%swap3A_515, %swap3A_516, %swap3A_517] {strides = array<i32>} : memref<4x128x64xf32, #tpu.memory_space<vmem>>, vector<1x1x16xf32>,
      %swap3A_519 = vector.shape_cast %swap3A_518 : vector<1x1x16xf32> to vector<16xf32>
      %swap3A_520 = vector.shape_cast %mul3A_511 : vector<16xf32> to vector<1x1x16xf32>
      tpu.vector_store %arg7[%swap3A_515, %swap3A_516, %swap3A_517], %swap3A_520 {strides = array<i32>} : memref<4x128x64xf32, #tpu.memory_space<vmem>>, vector<1x1x16xf32>,
      %add3A_521 = arith.constant 0 : i32
      %add3A_522 = arith.addi %mul3A_462, %add3A_521 : i32
      %get3A_523 = arith.constant 0 : i32
      %get3A_524 = arith.index_cast %get3A_523 : i32 to index
      %get3A_525 = arith.index_cast %add3A_522 : i32 to index
      %get3A_526 = arith.constant 48 : index
      %get3A_527 = tpu.vector_load %arg6[%get3A_524, %get3A_525, %get3A_526] {strides = array<i32>} : memref<4x128x64xf32, #tpu.memory_space<vmem>>, vector<1x1x16xf32>,
      %get3A_528 = vector.shape_cast %get3A_527 : vector<1x1x16xf32> to vector<16xf32>
      %mul3A_529 = arith.constant 8.000000e+00 : f32
      %mul3A_530 = vector.broadcast %mul3A_529 : f32 to vector<16xf32>
      %mul3A_531 = arith.mulf %get3A_528, %mul3A_530 : vector<16xf32>
      %add3A_532 = arith.constant 0 : i32
      %add3A_533 = arith.addi %mul3A_462, %add3A_532 : i32
      %swap3A_534 = arith.constant 0 : i32
      %swap3A_535 = arith.index_cast %swap3A_534 : i32 to index
      %swap3A_536 = arith.index_cast %add3A_533 : i32 to index
      %swap3A_537 = arith.constant 48 : index
      %swap3A_538 = tpu.vector_load %arg7[%swap3A_535, %swap3A_536, %swap3A_537] {strides = array<i32>} : memref<4x128x64xf32, #tpu.memory_space<vmem>>, vector<1x1x16xf32>,
      %swap3A_539 = vector.shape_cast %swap3A_538 : vector<1x1x16xf32> to vector<16xf32>
      %swap3A_540 = vector.shape_cast %mul3A_531 : vector<16xf32> to vector<1x1x16xf32>
      tpu.vector_store %arg7[%swap3A_535, %swap3A_536, %swap3A_537], %swap3A_540 {strides = array<i32>} : memref<4x128x64xf32, #tpu.memory_space<vmem>>, vector<1x1x16xf32>,
      %add3A_541 = arith.constant 1 : i32
      %add3A_542 = arith.addi %mul3A_462, %add3A_541 : i32
      %get3A_543 = arith.constant 0 : i32
      %get3A_544 = arith.index_cast %get3A_543 : i32 to index
      %get3A_545 = arith.index_cast %add3A_542 : i32 to index
      %get3A_546 = arith.constant 0 : index
      %get3A_547 = tpu.vector_load %arg6[%get3A_544, %get3A_545, %get3A_546] {strides = array<i32>} : memref<4x128x64xf32, #tpu.memory_space<vmem>>, vector<1x1x16xf32>,
      %get3A_548 = vector.shape_cast %get3A_547 : vector<1x1x16xf32> to vector<16xf32>
      %mul3A_549 = arith.constant 8.000000e+00 : f32
      %mul3A_550 = vector.broadcast %mul3A_549 : f32 to vector<16xf32>
      %mul3A_551 = arith.mulf %get3A_548, %mul3A_550 : vector<16xf32>
      %add3A_552 = arith.constant 1 : i32
      %add3A_553 = arith.addi %mul3A_462, %add3A_552 : i32
      %swap3A_554 = arith.constant 0 : i32
      %swap3A_555 = arith.index_cast %swap3A_554 : i32 to index
      %swap3A_556 = arith.index_cast %add3A_553 : i32 to index
      %swap3A_557 = arith.constant 0 : index
      %swap3A_558 = tpu.vector_load %arg7[%swap3A_555, %swap3A_556, %swap3A_557] {strides = array<i32>} : memref<4x128x64xf32, #tpu.memory_space<vmem>>, vector<1x1x16xf32>,
      %swap3A_559 = vector.shape_cast %swap3A_558 : vector<1x1x16xf32> to vector<16xf32>
      %swap3A_560 = vector.shape_cast %mul3A_551 : vector<16xf32> to vector<1x1x16xf32>
      tpu.vector_store %arg7[%swap3A_555, %swap3A_556, %swap3A_557], %swap3A_560 {strides = array<i32>} : memref<4x128x64xf32, #tpu.memory_space<vmem>>, vector<1x1x16xf32>,
      %add3A_561 = arith.constant 1 : i32
      %add3A_562 = arith.addi %mul3A_462, %add3A_561 : i32
      %get3A_563 = arith.constant 0 : i32
      %get3A_564 = arith.index_cast %get3A_563 : i32 to index
      %get3A_565 = arith.index_cast %add3A_562 : i32 to index
      %get3A_566 = arith.constant 16 : index
      %get3A_567 = tpu.vector_load %arg6[%get3A_564, %get3A_565, %get3A_566] {strides = array<i32>} : memref<4x128x64xf32, #tpu.memory_space<vmem>>, vector<1x1x16xf32>,
      %get3A_568 = vector.shape_cast %get3A_567 : vector<1x1x16xf32> to vector<16xf32>
      %mul3A_569 = arith.constant 8.000000e+00 : f32
      %mul3A_570 = vector.broadcast %mul3A_569 : f32 to vector<16xf32>
      %mul3A_571 = arith.mulf %get3A_568, %mul3A_570 : vector<16xf32>
      %add3A_572 = arith.constant 1 : i32
      %add3A_573 = arith.addi %mul3A_462, %add3A_572 : i32
      %swap3A_574 = arith.constant 0 : i32
      %swap3A_575 = arith.index_cast %swap3A_574 : i32 to index
      %swap3A_576 = arith.index_cast %add3A_573 : i32 to index
      %swap3A_577 = arith.constant 16 : index
      %swap3A_578 = tpu.vector_load %arg7[%swap3A_575, %swap3A_576, %swap3A_577] {strides = array<i32>} : memref<4x128x64xf32, #tpu.memory_space<vmem>>, vector<1x1x16xf32>,
      %swap3A_579 = vector.shape_cast %swap3A_578 : vector<1x1x16xf32> to vector<16xf32>
      %swap3A_580 = vector.shape_cast %mul3A_571 : vector<16xf32> to vector<1x1x16xf32>
      tpu.vector_store %arg7[%swap3A_575, %swap3A_576, %swap3A_577], %swap3A_580 {strides = array<i32>} : memref<4x128x64xf32, #tpu.memory_space<vmem>>, vector<1x1x16xf32>,
      %add3A_581 = arith.constant 1 : i32
      %add3A_582 = arith.addi %mul3A_462, %add3A_581 : i32
      %get3A_583 = arith.constant 0 : i32
      %get3A_584 = arith.index_cast %get3A_583 : i32 to index
      %get3A_585 = arith.index_cast %add3A_582 : i32 to index
      %get3A_586 = arith.constant 32 : index
      %get3A_587 = tpu.vector_load %arg6[%get3A_584, %get3A_585, %get3A_586] {strides = array<i32>} : memref<4x128x64xf32, #tpu.memory_space<vmem>>, vector<1x1x16xf32>,
      %get3A_588 = vector.shape_cast %get3A_587 : vector<1x1x16xf32> to vector<16xf32>
      %mul3A_589 = arith.constant 8.000000e+00 : f32
      %mul3A_590 = vector.broadcast %mul3A_589 : f32 to vector<16xf32>
      %mul3A_591 = arith.mulf %get3A_588, %mul3A_590 : vector<16xf32>
      %add3A_592 = arith.constant 1 : i32
      %add3A_593 = arith.addi %mul3A_462, %add3A_592 : i32
      %swap3A_594 = arith.constant 0 : i32
      %swap3A_595 = arith.index_cast %swap3A_594 : i32 to index
      %swap3A_596 = arith.index_cast %add3A_593 : i32 to index
      %swap3A_597 = arith.constant 32 : index
      %swap3A_598 = tpu.vector_load %arg7[%swap3A_595, %swap3A_596, %swap3A_597] {strides = array<i32>} : memref<4x128x64xf32, #tpu.memory_space<vmem>>, vector<1x1x16xf32>,
      %swap3A_599 = vector.shape_cast %swap3A_598 : vector<1x1x16xf32> to vector<16xf32>
      %swap3A_600 = vector.shape_cast %mul3A_591 : vector<16xf32> to vector<1x1x16xf32>
      tpu.vector_store %arg7[%swap3A_595, %swap3A_596, %swap3A_597], %swap3A_600 {strides = array<i32>} : memref<4x128x64xf32, #tpu.memory_space<vmem>>, vector<1x1x16xf32>,
      %add3A_601 = arith.constant 1 : i32
      %add3A_602 = arith.addi %mul3A_462, %add3A_601 : i32
      %get3A_603 = arith.constant 0 : i32
      %get3A_604 = arith.index_cast %get3A_603 : i32 to index
      %get3A_605 = arith.index_cast %add3A_602 : i32 to index
      %get3A_606 = arith.constant 48 : index
      %get3A_607 = tpu.vector_load %arg6[%get3A_604, %get3A_605, %get3A_606] {strides = array<i32>} : memref<4x128x64xf32, #tpu.memory_space<vmem>>, vector<1x1x16xf32>,
      %get3A_608 = vector.shape_cast %get3A_607 : vector<1x1x16xf32> to vector<16xf32>
      %mul3A_609 = arith.constant 8.000000e+00 : f32
      %mul3A_610 = vector.broadcast %mul3A_609 : f32 to vector<16xf32>
      %mul3A_611 = arith.mulf %get3A_608, %mul3A_610 : vector<16xf32>
      %add3A_612 = arith.constant 1 : i32
      %add3A_613 = arith.addi %mul3A_462, %add3A_612 : i32
      %swap3A_614 = arith.constant 0 : i32
      %swap3A_615 = arith.index_cast %swap3A_614 : i32 to index
      %swap3A_616 = arith.index_cast %add3A_613 : i32 to index
      %swap3A_617 = arith.constant 48 : index
      %swap3A_618 = tpu.vector_load %arg7[%swap3A_615, %swap3A_616, %swap3A_617] {strides = array<i32>} : memref<4x128x64xf32, #tpu.memory_space<vmem>>, vector<1x1x16xf32>,
      %swap3A_619 = vector.shape_cast %swap3A_618 : vector<1x1x16xf32> to vector<16xf32>
      %swap3A_620 = vector.shape_cast %mul3A_611 : vector<16xf32> to vector<1x1x16xf32>
      tpu.vector_store %arg7[%swap3A_615, %swap3A_616, %swap3A_617], %swap3A_620 {strides = array<i32>} : memref<4x128x64xf32, #tpu.memory_space<vmem>>, vector<1x1x16xf32>,
      %scan3A_621 = arith.constant 1 : i32
      %scan3A_622 = arith.addi %scan3A_460, %scan3A_621 : i32
      %mul3A_623 = arith.constant 2 : i32
      %mul3A_624 = arith.muli %mul3A_623, %scan3A_622 : i32
      %add3A_625 = arith.constant 0 : i32
      %add3A_626 = arith.addi %mul3A_624, %add3A_625 : i32
      %get3A_627 = arith.constant 0 : i32
      %get3A_628 = arith.index_cast %get3A_627 : i32 to index
      %get3A_629 = arith.index_cast %add3A_626 : i32 to index
      %get3A_630 = arith.constant 0 : index
      %get3A_631 = tpu.vector_load %arg6[%get3A_628, %get3A_629, %get3A_630] {strides = array<i32>} : memref<4x128x64xf32, #tpu.memory_space<vmem>>, vector<1x1x16xf32>,
      %get3A_632 = vector.shape_cast %get3A_631 : vector<1x1x16xf32> to vector<16xf32>
      %mul3A_633 = arith.constant 8.000000e+00 : f32
      %mul3A_634 = vector.broadcast %mul3A_633 : f32 to vector<16xf32>
      %mul3A_635 = arith.mulf %get3A_632, %mul3A_634 : vector<16xf32>
      %add3A_636 = arith.constant 0 : i32
      %add3A_637 = arith.addi %mul3A_624, %add3A_636 : i32
      %swap3A_638 = arith.constant 0 : i32
      %swap3A_639 = arith.index_cast %swap3A_638 : i32 to index
      %swap3A_640 = arith.index_cast %add3A_637 : i32 to index
      %swap3A_641 = arith.constant 0 : index
      %swap3A_642 = tpu.vector_load %arg7[%swap3A_639, %swap3A_640, %swap3A_641] {strides = array<i32>} : memref<4x128x64xf32, #tpu.memory_space<vmem>>, vector<1x1x16xf32>,
      %swap3A_643 = vector.shape_cast %swap3A_642 : vector<1x1x16xf32> to vector<16xf32>
      %swap3A_644 = vector.shape_cast %mul3A_635 : vector<16xf32> to vector<1x1x16xf32>
      tpu.vector_store %arg7[%swap3A_639, %swap3A_640, %swap3A_641], %swap3A_644 {strides = array<i32>} : memref<4x128x64xf32, #tpu.memory_space<vmem>>, vector<1x1x16xf32>,
      %add3A_645 = arith.constant 0 : i32
      %add3A_646 = arith.addi %mul3A_624, %add3A_645 : i32
      %get3A_647 = arith.constant 0 : i32
      %get3A_648 = arith.index_cast %get3A_647 : i32 to index
      %get3A_649 = arith.index_cast %add3A_646 : i32 to index
      %get3A_650 = arith.constant 16 : index
      %get3A_651 = tpu.vector_load %arg6[%get3A_648, %get3A_649, %get3A_650] {strides = array<i32>} : memref<4x128x64xf32, #tpu.memory_space<vmem>>, vector<1x1x16xf32>,
      %get3A_652 = vector.shape_cast %get3A_651 : vector<1x1x16xf32> to vector<16xf32>
      %mul3A_653 = arith.constant 8.000000e+00 : f32
      %mul3A_654 = vector.broadcast %mul3A_653 : f32 to vector<16xf32>
      %mul3A_655 = arith.mulf %get3A_652, %mul3A_654 : vector<16xf32>
      %add3A_656 = arith.constant 0 : i32
      %add3A_657 = arith.addi %mul3A_624, %add3A_656 : i32
      %swap3A_658 = arith.constant 0 : i32
      %swap3A_659 = arith.index_cast %swap3A_658 : i32 to index
      %swap3A_660 = arith.index_cast %add3A_657 : i32 to index
      %swap3A_661 = arith.constant 16 : index
      %swap3A_662 = tpu.vector_load %arg7[%swap3A_659, %swap3A_660, %swap3A_661] {strides = array<i32>} : memref<4x128x64xf32, #tpu.memory_space<vmem>>, vector<1x1x16xf32>,
      %swap3A_663 = vector.shape_cast %swap3A_662 : vector<1x1x16xf32> to vector<16xf32>
      %swap3A_664 = vector.shape_cast %mul3A_655 : vector<16xf32> to vector<1x1x16xf32>
      tpu.vector_store %arg7[%swap3A_659, %swap3A_660, %swap3A_661], %swap3A_664 {strides = array<i32>} : memref<4x128x64xf32, #tpu.memory_space<vmem>>, vector<1x1x16xf32>,
      %add3A_665 = arith.constant 0 : i32
      %add3A_666 = arith.addi %mul3A_624, %add3A_665 : i32
      %get3A_667 = arith.constant 0 : i32
      %get3A_668 = arith.index_cast %get3A_667 : i32 to index
      %get3A_669 = arith.index_cast %add3A_666 : i32 to index
      %get3A_670 = arith.constant 32 : index
      %get3A_671 = tpu.vector_load %arg6[%get3A_668, %get3A_669, %get3A_670] {strides = array<i32>} : memref<4x128x64xf32, #tpu.memory_space<vmem>>, vector<1x1x16xf32>,
      %get3A_672 = vector.shape_cast %get3A_671 : vector<1x1x16xf32> to vector<16xf32>
      %mul3A_673 = arith.constant 8.000000e+00 : f32
      %mul3A_674 = vector.broadcast %mul3A_673 : f32 to vector<16xf32>
      %mul3A_675 = arith.mulf %get3A_672, %mul3A_674 : vector<16xf32>
      %add3A_676 = arith.constant 0 : i32
      %add3A_677 = arith.addi %mul3A_624, %add3A_676 : i32
      %swap3A_678 = arith.constant 0 : i32
      %swap3A_679 = arith.index_cast %swap3A_678 : i32 to index
      %swap3A_680 = arith.index_cast %add3A_677 : i32 to index
      %swap3A_681 = arith.constant 32 : index
      %swap3A_682 = tpu.vector_load %arg7[%swap3A_679, %swap3A_680, %swap3A_681] {strides = array<i32>} : memref<4x128x64xf32, #tpu.memory_space<vmem>>, vector<1x1x16xf32>,
      %swap3A_683 = vector.shape_cast %swap3A_682 : vector<1x1x16xf32> to vector<16xf32>
      %swap3A_684 = vector.shape_cast %mul3A_675 : vector<16xf32> to vector<1x1x16xf32>
      tpu.vector_store %arg7[%swap3A_679, %swap3A_680, %swap3A_681], %swap3A_684 {strides = array<i32>} : memref<4x128x64xf32, #tpu.memory_space<vmem>>, vector<1x1x16xf32>,
      %add3A_685 = arith.constant 0 : i32
      %add3A_686 = arith.addi %mul3A_624, %add3A_685 : i32
      %get3A_687 = arith.constant 0 : i32
      %get3A_688 = arith.index_cast %get3A_687 : i32 to index
      %get3A_689 = arith.index_cast %add3A_686 : i32 to index
      %get3A_690 = arith.constant 48 : index
      %get3A_691 = tpu.vector_load %arg6[%get3A_688, %get3A_689, %get3A_690] {strides = array<i32>} : memref<4x128x64xf32, #tpu.memory_space<vmem>>, vector<1x1x16xf32>,
      %get3A_692 = vector.shape_cast %get3A_691 : vector<1x1x16xf32> to vector<16xf32>
      %mul3A_693 = arith.constant 8.000000e+00 : f32
      %mul3A_694 = vector.broadcast %mul3A_693 : f32 to vector<16xf32>
      %mul3A_695 = arith.mulf %get3A_692, %mul3A_694 : vector<16xf32>
      %add3A_696 = arith.constant 0 : i32
      %add3A_697 = arith.addi %mul3A_624, %add3A_696 : i32
      %swap3A_698 = arith.constant 0 : i32
      %swap3A_699 = arith.index_cast %swap3A_698 : i32 to index
      %swap3A_700 = arith.index_cast %add3A_697 : i32 to index
      %swap3A_701 = arith.constant 48 : index
      %swap3A_702 = tpu.vector_load %arg7[%swap3A_699, %swap3A_700, %swap3A_701] {strides = array<i32>} : memref<4x128x64xf32, #tpu.memory_space<vmem>>, vector<1x1x16xf32>,
      %swap3A_703 = vector.shape_cast %swap3A_702 : vector<1x1x16xf32> to vector<16xf32>
      %swap3A_704 = vector.shape_cast %mul3A_695 : vector<16xf32> to vector<1x1x16xf32>
      tpu.vector_store %arg7[%swap3A_699, %swap3A_700, %swap3A_701], %swap3A_704 {strides = array<i32>} : memref<4x128x64xf32, #tpu.memory_space<vmem>>, vector<1x1x16xf32>,
      %add3A_705 = arith.constant 1 : i32
      %add3A_706 = arith.addi %mul3A_624, %add3A_705 : i32
      %get3A_707 = arith.constant 0 : i32
      %get3A_708 = arith.index_cast %get3A_707 : i32 to index
      %get3A_709 = arith.index_cast %add3A_706 : i32 to index
      %get3A_710 = arith.constant 0 : index
      %get3A_711 = tpu.vector_load %arg6[%get3A_708, %get3A_709, %get3A_710] {strides = array<i32>} : memref<4x128x64xf32, #tpu.memory_space<vmem>>, vector<1x1x16xf32>,
      %get3A_712 = vector.shape_cast %get3A_711 : vector<1x1x16xf32> to vector<16xf32>
      %mul3A_713 = arith.constant 8.000000e+00 : f32
      %mul3A_714 = vector.broadcast %mul3A_713 : f32 to vector<16xf32>
      %mul3A_715 = arith.mulf %get3A_712, %mul3A_714 : vector<16xf32>
      %add3A_716 = arith.constant 1 : i32
      %add3A_717 = arith.addi %mul3A_624, %add3A_716 : i32
      %swap3A_718 = arith.constant 0 : i32
      %swap3A_719 = arith.index_cast %swap3A_718 : i32 to index
      %swap3A_720 = arith.index_cast %add3A_717 : i32 to index
      %swap3A_721 = arith.constant 0 : index
      %swap3A_722 = tpu.vector_load %arg7[%swap3A_719, %swap3A_720, %swap3A_721] {strides = array<i32>} : memref<4x128x64xf32, #tpu.memory_space<vmem>>, vector<1x1x16xf32>,
      %swap3A_723 = vector.shape_cast %swap3A_722 : vector<1x1x16xf32> to vector<16xf32>
      %swap3A_724 = vector.shape_cast %mul3A_715 : vector<16xf32> to vector<1x1x16xf32>
      tpu.vector_store %arg7[%swap3A_719, %swap3A_720, %swap3A_721], %swap3A_724 {strides = array<i32>} : memref<4x128x64xf32, #tpu.memory_space<vmem>>, vector<1x1x16xf32>,
      %add3A_725 = arith.constant 1 : i32
      %add3A_726 = arith.addi %mul3A_624, %add3A_725 : i32
      %get3A_727 = arith.constant 0 : i32
      %get3A_728 = arith.index_cast %get3A_727 : i32 to index
      %get3A_729 = arith.index_cast %add3A_726 : i32 to index
      %get3A_730 = arith.constant 16 : index
      %get3A_731 = tpu.vector_load %arg6[%get3A_728, %get3A_729, %get3A_730] {strides = array<i32>} : memref<4x128x64xf32, #tpu.memory_space<vmem>>, vector<1x1x16xf32>,
      %get3A_732 = vector.shape_cast %get3A_731 : vector<1x1x16xf32> to vector<16xf32>
      %mul3A_733 = arith.constant 8.000000e+00 : f32
      %mul3A_734 = vector.broadcast %mul3A_733 : f32 to vector<16xf32>
      %mul3A_735 = arith.mulf %get3A_732, %mul3A_734 : vector<16xf32>
      %add3A_736 = arith.constant 1 : i32
      %add3A_737 = arith.addi %mul3A_624, %add3A_736 : i32
      %swap3A_738 = arith.constant 0 : i32
      %swap3A_739 = arith.index_cast %swap3A_738 : i32 to index
      %swap3A_740 = arith.index_cast %add3A_737 : i32 to index
      %swap3A_741 = arith.constant 16 : index
      %swap3A_742 = tpu.vector_load %arg7[%swap3A_739, %swap3A_740, %swap3A_741] {strides = array<i32>} : memref<4x128x64xf32, #tpu.memory_space<vmem>>, vector<1x1x16xf32>,
      %swap3A_743 = vector.shape_cast %swap3A_742 : vector<1x1x16xf32> to vector<16xf32>
      %swap3A_744 = vector.shape_cast %mul3A_735 : vector<16xf32> to vector<1x1x16xf32>
      tpu.vector_store %arg7[%swap3A_739, %swap3A_740, %swap3A_741], %swap3A_744 {strides = array<i32>} : memref<4x128x64xf32, #tpu.memory_space<vmem>>, vector<1x1x16xf32>,
      %add3A_745 = arith.constant 1 : i32
      %add3A_746 = arith.addi %mul3A_624, %add3A_745 : i32
      %get3A_747 = arith.constant 0 : i32
      %get3A_748 = arith.index_cast %get3A_747 : i32 to index
      %get3A_749 = arith.index_cast %add3A_746 : i32 to index
      %get3A_750 = arith.constant 32 : index
      %get3A_751 = tpu.vector_load %arg6[%get3A_748, %get3A_749, %get3A_750] {strides = array<i32>} : memref<4x128x64xf32, #tpu.memory_space<vmem>>, vector<1x1x16xf32>,
      %get3A_752 = vector.shape_cast %get3A_751 : vector<1x1x16xf32> to vector<16xf32>
      %mul3A_753 = arith.constant 8.000000e+00 : f32
      %mul3A_754 = vector.broadcast %mul3A_753 : f32 to vector<16xf32>
      %mul3A_755 = arith.mulf %get3A_752, %mul3A_754 : vector<16xf32>
      %add3A_756 = arith.constant 1 : i32
      %add3A_757 = arith.addi %mul3A_624, %add3A_756 : i32
      %swap3A_758 = arith.constant 0 : i32
      %swap3A_759 = arith.index_cast %swap3A_758 : i32 to index
      %swap3A_760 = arith.index_cast %add3A_757 : i32 to index
      %swap3A_761 = arith.constant 32 : index
      %swap3A_762 = tpu.vector_load %arg7[%swap3A_759, %swap3A_760, %swap3A_761] {strides = array<i32>} : memref<4x128x64xf32, #tpu.memory_space<vmem>>, vector<1x1x16xf32>,
      %swap3A_763 = vector.shape_cast %swap3A_762 : vector<1x1x16xf32> to vector<16xf32>
      %swap3A_764 = vector.shape_cast %mul3A_755 : vector<16xf32> to vector<1x1x16xf32>
      tpu.vector_store %arg7[%swap3A_759, %swap3A_760, %swap3A_761], %swap3A_764 {strides = array<i32>} : memref<4x128x64xf32, #tpu.memory_space<vmem>>, vector<1x1x16xf32>,
      %add3A_765 = arith.constant 1 : i32
      %add3A_766 = arith.addi %mul3A_624, %add3A_765 : i32
      %get3A_767 = arith.constant 0 : i32
      %get3A_768 = arith.index_cast %get3A_767 : i32 to index
      %get3A_769 = arith.index_cast %add3A_766 : i32 to index
      %get3A_770 = arith.constant 48 : index
      %get3A_771 = tpu.vector_load %arg6[%get3A_768, %get3A_769, %get3A_770] {strides = array<i32>} : memref<4x128x64xf32, #tpu.memory_space<vmem>>, vector<1x1x16xf32>,
      %get3A_772 = vector.shape_cast %get3A_771 : vector<1x1x16xf32> to vector<16xf32>
      %mul3A_773 = arith.constant 8.000000e+00 : f32
      %mul3A_774 = vector.broadcast %mul3A_773 : f32 to vector<16xf32>
      %mul3A_775 = arith.mulf %get3A_772, %mul3A_774 : vector<16xf32>
      %add3A_776 = arith.constant 1 : i32
      %add3A_777 = arith.addi %mul3A_624, %add3A_776 : i32
      %swap3A_778 = arith.constant 0 : i32
      %swap3A_779 = arith.index_cast %swap3A_778 : i32 to index
      %swap3A_780 = arith.index_cast %add3A_777 : i32 to index
      %swap3A_781 = arith.constant 48 : index
      %swap3A_782 = tpu.vector_load %arg7[%swap3A_779, %swap3A_780, %swap3A_781] {strides = array<i32>} : memref<4x128x64xf32, #tpu.memory_space<vmem>>, vector<1x1x16xf32>,
      %swap3A_783 = vector.shape_cast %swap3A_782 : vector<1x1x16xf32> to vector<16xf32>
      %swap3A_784 = vector.shape_cast %mul3A_775 : vector<16xf32> to vector<1x1x16xf32>
      tpu.vector_store %arg7[%swap3A_779, %swap3A_780, %swap3A_781], %swap3A_784 {strides = array<i32>} : memref<4x128x64xf32, #tpu.memory_space<vmem>>, vector<1x1x16xf32>,
    }
    %scan3A_246 = arith.constant 64 : i32
    %add3A_247 = arith.constant 25088 : i32
    %add3A_248 = arith.addi %mul3A_2, %add3A_247 : i32
    %dma_start3A_249 = arith.constant 0 : i32
    %dma_start3A_250 = arith.constant 0 : i32
    %dma_start3A_251 = arith.constant 0 : i32
    %dma_start3A_252 = tpu.memref_slice %arg7[%dma_start3A_249, %dma_start3A_250, %dma_start3A_251] : memref<4x128x64xf32, #tpu.memory_space<vmem>> -> memref<1x128x64xf32, #tpu.memory_space<vmem>>
    %dma_start3A_253 = tpu.memref_squeeze %dma_start3A_252 : memref<1x128x64xf32, #tpu.memory_space<vmem>> -> memref<128x64xf32, #tpu.memory_space<vmem>>
    %dma_start3A_254 = arith.constant 0 : i32
    %dma_start3A_255 = tpu.memref_slice %arg4[%add3A_248, %dma_start3A_254] : memref<819200x64xf32, #tpu.memory_space<hbm>> -> memref<128x64xf32, #tpu.memory_space<hbm>>
    %dma_start3A_256 = arith.constant 0 : i32
    %dma_start3A_257 = tpu.memref_slice %arg4[%add3A_248, %dma_start3A_256] : memref<819200x64xf32, #tpu.memory_space<hbm>> -> memref<128x64xf32, #tpu.memory_space<hbm>>
    %dma_start3A_258 = arith.constant 0 : i32
    %dma_start3A_259 = arith.constant 0 : i32
    %dma_start3A_260 = tpu.memref_slice %arg7[%dma_start3A_249, %dma_start3A_258, %dma_start3A_259] : memref<4x128x64xf32, #tpu.memory_space<vmem>> -> memref<1x128x64xf32, #tpu.memory_space<vmem>>
    %dma_start3A_261 = tpu.memref_squeeze %dma_start3A_260 : memref<1x128x64xf32, #tpu.memory_space<vmem>> -> memref<128x64xf32, #tpu.memory_space<vmem>>
    tpu.enqueue_dma source(%dma_start3A_261 : memref<128x64xf32, #tpu.memory_space<vmem>>) target(%dma_start3A_257 : memref<128x64xf32, #tpu.memory_space<hbm>>) target_semaphore(%arg12 : memref<!tpu.dma_semaphore, #tpu.memory_space<semaphore_mem>>)
    %dma_wait3A_262 = arith.constant 1 : i32
    %dma_wait3A_263 = arith.constant 0 : i32
    %dma_wait3A_264 = arith.constant 0 : i32
    %dma_wait3A_265 = tpu.memref_slice %arg6[%dma_wait3A_262, %dma_wait3A_263, %dma_wait3A_264] : memref<4x128x64xf32, #tpu.memory_space<vmem>> -> memref<1x128x64xf32, #tpu.memory_space<vmem>>
    %dma_wait3A_266 = tpu.memref_squeeze %dma_wait3A_265 : memref<1x128x64xf32, #tpu.memory_space<vmem>> -> memref<128x64xf32, #tpu.memory_space<vmem>>
    %dma_wait3A_267 = arith.constant 0 : i32
    %dma_wait3A_268 = tpu.memref_slice %arg5[%dma_wait3A_267] : memref<25600xi32, #tpu.memory_space<vmem>> -> memref<128xi32, #tpu.memory_space<vmem>>
    %dma_wait3A_269 = arith.constant 0 : i32
    %dma_wait3A_270 = arith.constant 0 : i32
    %dma_wait3A_271 = tpu.memref_slice %arg3[%dma_wait3A_269, %dma_wait3A_270] : memref<2000000x64xf32, #tpu.memory_space<hbm>> -> memref<2000000x64xf32, #tpu.memory_space<hbm>>
    tpu.wait_indirect_dma semaphore(%arg9 : memref<!tpu.dma_semaphore, #tpu.memory_space<semaphore_mem>>) src(%dma_wait3A_271 : memref<2000000x64xf32, #tpu.memory_space<hbm>>) dst(%dma_wait3A_266 : memref<128x64xf32, #tpu.memory_space<vmem>>)
    %dma_wait3A_272 = arith.constant 1 : i32
    %dma_wait3A_273 = arith.constant 0 : i32
    %dma_wait3A_274 = arith.constant 0 : i32
    %dma_wait3A_275 = tpu.memref_slice %arg7[%dma_wait3A_272, %dma_wait3A_273, %dma_wait3A_274] : memref<4x128x64xf32, #tpu.memory_space<vmem>> -> memref<1x128x64xf32, #tpu.memory_space<vmem>>
    %dma_wait3A_276 = tpu.memref_squeeze %dma_wait3A_275 : memref<1x128x64xf32, #tpu.memory_space<vmem>> -> memref<128x64xf32, #tpu.memory_space<vmem>>
    %dma_wait3A_277 = arith.constant 0 : i32
    %dma_wait3A_278 = arith.constant 0 : i32
    %dma_wait3A_279 = tpu.memref_slice %arg4[%dma_wait3A_277, %dma_wait3A_278] : memref<819200x64xf32, #tpu.memory_space<hbm>> -> memref<128x64xf32, #tpu.memory_space<hbm>>
    %dma_wait3A_280 = arith.constant 0 : i32
    %dma_wait3A_281 = arith.constant 0 : i32
    %dma_wait3A_282 = tpu.memref_slice %arg4[%dma_wait3A_280, %dma_wait3A_281] : memref<819200x64xf32, #tpu.memory_space<hbm>> -> memref<128x64xf32, #tpu.memory_space<hbm>>
    %dma_wait3A_283 = arith.constant 0 : i32
    %dma_wait3A_284 = arith.constant 0 : i32
    %dma_wait3A_285 = tpu.memref_slice %arg7[%dma_wait3A_272, %dma_wait3A_283, %dma_wait3A_284] : memref<4x128x64xf32, #tpu.memory_space<vmem>> -> memref<1x128x64xf32, #tpu.memory_space<vmem>>
    %dma_wait3A_286 = tpu.memref_squeeze %dma_wait3A_285 : memref<1x128x64xf32, #tpu.memory_space<vmem>> -> memref<128x64xf32, #tpu.memory_space<vmem>>
    tpu.wait_dma2 semaphore(%arg13 : memref<!tpu.dma_semaphore, #tpu.memory_space<semaphore_mem>>) src(%dma_wait3A_286 : memref<128x64xf32, #tpu.memory_space<vmem>>) dst(%dma_wait3A_282 : memref<128x64xf32, #tpu.memory_space<hbm>>)
    %scan3A_287 = arith.constant 0 : i32
    %scan3A_288 = arith.constant 0 : i32
    %scan3A_289 = arith.constant 64 : i32
    %scan3A_290 = arith.addi %scan3A_288, %scan3A_289 : i32
    %scan3A_291 = arith.constant 2 : i32
    scf.for %scan3A_460 = %scan3A_288 to %scan3A_290 step %scan3A_291  : i32 {
      %mul3A_461 = arith.constant 2 : i32
      %mul3A_462 = arith.muli %mul3A_461, %scan3A_460 : i32
      %add3A_463 = arith.constant 0 : i32
      %add3A_464 = arith.addi %mul3A_462, %add3A_463 : i32
      %get3A = arith.constant 1 : i32
      %get3A_465 = arith.index_cast %get3A : i32 to index
      %get3A_466 = arith.index_cast %add3A_464 : i32 to index
      %get3A_467 = arith.constant 0 : index
      %get3A_468 = tpu.vector_load %arg6[%get3A_465, %get3A_466, %get3A_467] {strides = array<i32>} : memref<4x128x64xf32, #tpu.memory_space<vmem>>, vector<1x1x16xf32>,
      %get3A_469 = vector.shape_cast %get3A_468 : vector<1x1x16xf32> to vector<16xf32>
      %mul3A_470 = arith.constant 8.000000e+00 : f32
      %mul3A_471 = vector.broadcast %mul3A_470 : f32 to vector<16xf32>
      %mul3A_472 = arith.mulf %get3A_469, %mul3A_471 : vector<16xf32>
      %add3A_473 = arith.constant 0 : i32
      %add3A_474 = arith.addi %mul3A_462, %add3A_473 : i32
      %swap3A = arith.constant 1 : i32
      %swap3A_475 = arith.index_cast %swap3A : i32 to index
      %swap3A_476 = arith.index_cast %add3A_474 : i32 to index
      %swap3A_477 = arith.constant 0 : index
      %swap3A_478 = tpu.vector_load %arg7[%swap3A_475, %swap3A_476, %swap3A_477] {strides = array<i32>} : memref<4x128x64xf32, #tpu.memory_space<vmem>>, vector<1x1x16xf32>,
      %swap3A_479 = vector.shape_cast %swap3A_478 : vector<1x1x16xf32> to vector<16xf32>
      %swap3A_480 = vector.shape_cast %mul3A_472 : vector<16xf32> to vector<1x1x16xf32>
      tpu.vector_store %arg7[%swap3A_475, %swap3A_476, %swap3A_477], %swap3A_480 {strides = array<i32>} : memref<4x128x64xf32, #tpu.memory_space<vmem>>, vector<1x1x16xf32>,
      %add3A_481 = arith.constant 0 : i32
      %add3A_482 = arith.addi %mul3A_462, %add3A_481 : i32
      %get3A_483 = arith.constant 1 : i32
      %get3A_484 = arith.index_cast %get3A_483 : i32 to index
      %get3A_485 = arith.index_cast %add3A_482 : i32 to index
      %get3A_486 = arith.constant 16 : index
      %get3A_487 = tpu.vector_load %arg6[%get3A_484, %get3A_485, %get3A_486] {strides = array<i32>} : memref<4x128x64xf32, #tpu.memory_space<vmem>>, vector<1x1x16xf32>,
      %get3A_488 = vector.shape_cast %get3A_487 : vector<1x1x16xf32> to vector<16xf32>
      %mul3A_489 = arith.constant 8.000000e+00 : f32
      %mul3A_490 = vector.broadcast %mul3A_489 : f32 to vector<16xf32>
      %mul3A_491 = arith.mulf %get3A_488, %mul3A_490 : vector<16xf32>
      %add3A_492 = arith.constant 0 : i32
      %add3A_493 = arith.addi %mul3A_462, %add3A_492 : i32
      %swap3A_494 = arith.constant 1 : i32
      %swap3A_495 = arith.index_cast %swap3A_494 : i32 to index
      %swap3A_496 = arith.index_cast %add3A_493 : i32 to index
      %swap3A_497 = arith.constant 16 : index
      %swap3A_498 = tpu.vector_load %arg7[%swap3A_495, %swap3A_496, %swap3A_497] {strides = array<i32>} : memref<4x128x64xf32, #tpu.memory_space<vmem>>, vector<1x1x16xf32>,
      %swap3A_499 = vector.shape_cast %swap3A_498 : vector<1x1x16xf32> to vector<16xf32>
      %swap3A_500 = vector.shape_cast %mul3A_491 : vector<16xf32> to vector<1x1x16xf32>
      tpu.vector_store %arg7[%swap3A_495, %swap3A_496, %swap3A_497], %swap3A_500 {strides = array<i32>} : memref<4x128x64xf32, #tpu.memory_space<vmem>>, vector<1x1x16xf32>,
      %add3A_501 = arith.constant 0 : i32
      %add3A_502 = arith.addi %mul3A_462, %add3A_501 : i32
      %get3A_503 = arith.constant 1 : i32
      %get3A_504 = arith.index_cast %get3A_503 : i32 to index
      %get3A_505 = arith.index_cast %add3A_502 : i32 to index
      %get3A_506 = arith.constant 32 : index
      %get3A_507 = tpu.vector_load %arg6[%get3A_504, %get3A_505, %get3A_506] {strides = array<i32>} : memref<4x128x64xf32, #tpu.memory_space<vmem>>, vector<1x1x16xf32>,
      %get3A_508 = vector.shape_cast %get3A_507 : vector<1x1x16xf32> to vector<16xf32>
      %mul3A_509 = arith.constant 8.000000e+00 : f32
      %mul3A_510 = vector.broadcast %mul3A_509 : f32 to vector<16xf32>
      %mul3A_511 = arith.mulf %get3A_508, %mul3A_510 : vector<16xf32>
      %add3A_512 = arith.constant 0 : i32
      %add3A_513 = arith.addi %mul3A_462, %add3A_512 : i32
      %swap3A_514 = arith.constant 1 : i32
      %swap3A_515 = arith.index_cast %swap3A_514 : i32 to index
      %swap3A_516 = arith.index_cast %add3A_513 : i32 to index
      %swap3A_517 = arith.constant 32 : index
      %swap3A_518 = tpu.vector_load %arg7[%swap3A_515, %swap3A_516, %swap3A_517] {strides = array<i32>} : memref<4x128x64xf32, #tpu.memory_space<vmem>>, vector<1x1x16xf32>,
      %swap3A_519 = vector.shape_cast %swap3A_518 : vector<1x1x16xf32> to vector<16xf32>
      %swap3A_520 = vector.shape_cast %mul3A_511 : vector<16xf32> to vector<1x1x16xf32>
      tpu.vector_store %arg7[%swap3A_515, %swap3A_516, %swap3A_517], %swap3A_520 {strides = array<i32>} : memref<4x128x64xf32, #tpu.memory_space<vmem>>, vector<1x1x16xf32>,
      %add3A_521 = arith.constant 0 : i32
      %add3A_522 = arith.addi %mul3A_462, %add3A_521 : i32
      %get3A_523 = arith.constant 1 : i32
      %get3A_524 = arith.index_cast %get3A_523 : i32 to index
      %get3A_525 = arith.index_cast %add3A_522 : i32 to index
      %get3A_526 = arith.constant 48 : index
      %get3A_527 = tpu.vector_load %arg6[%get3A_524, %get3A_525, %get3A_526] {strides = array<i32>} : memref<4x128x64xf32, #tpu.memory_space<vmem>>, vector<1x1x16xf32>,
      %get3A_528 = vector.shape_cast %get3A_527 : vector<1x1x16xf32> to vector<16xf32>
      %mul3A_529 = arith.constant 8.000000e+00 : f32
      %mul3A_530 = vector.broadcast %mul3A_529 : f32 to vector<16xf32>
      %mul3A_531 = arith.mulf %get3A_528, %mul3A_530 : vector<16xf32>
      %add3A_532 = arith.constant 0 : i32
      %add3A_533 = arith.addi %mul3A_462, %add3A_532 : i32
      %swap3A_534 = arith.constant 1 : i32
      %swap3A_535 = arith.index_cast %swap3A_534 : i32 to index
      %swap3A_536 = arith.index_cast %add3A_533 : i32 to index
      %swap3A_537 = arith.constant 48 : index
      %swap3A_538 = tpu.vector_load %arg7[%swap3A_535, %swap3A_536, %swap3A_537] {strides = array<i32>} : memref<4x128x64xf32, #tpu.memory_space<vmem>>, vector<1x1x16xf32>,
      %swap3A_539 = vector.shape_cast %swap3A_538 : vector<1x1x16xf32> to vector<16xf32>
      %swap3A_540 = vector.shape_cast %mul3A_531 : vector<16xf32> to vector<1x1x16xf32>
      tpu.vector_store %arg7[%swap3A_535, %swap3A_536, %swap3A_537], %swap3A_540 {strides = array<i32>} : memref<4x128x64xf32, #tpu.memory_space<vmem>>, vector<1x1x16xf32>,
      %add3A_541 = arith.constant 1 : i32
      %add3A_542 = arith.addi %mul3A_462, %add3A_541 : i32
      %get3A_543 = arith.constant 1 : i32
      %get3A_544 = arith.index_cast %get3A_543 : i32 to index
      %get3A_545 = arith.index_cast %add3A_542 : i32 to index
      %get3A_546 = arith.constant 0 : index
      %get3A_547 = tpu.vector_load %arg6[%get3A_544, %get3A_545, %get3A_546] {strides = array<i32>} : memref<4x128x64xf32, #tpu.memory_space<vmem>>, vector<1x1x16xf32>,
      %get3A_548 = vector.shape_cast %get3A_547 : vector<1x1x16xf32> to vector<16xf32>
      %mul3A_549 = arith.constant 8.000000e+00 : f32
      %mul3A_550 = vector.broadcast %mul3A_549 : f32 to vector<16xf32>
      %mul3A_551 = arith.mulf %get3A_548, %mul3A_550 : vector<16xf32>
      %add3A_552 = arith.constant 1 : i32
      %add3A_553 = arith.addi %mul3A_462, %add3A_552 : i32
      %swap3A_554 = arith.constant 1 : i32
      %swap3A_555 = arith.index_cast %swap3A_554 : i32 to index
      %swap3A_556 = arith.index_cast %add3A_553 : i32 to index
      %swap3A_557 = arith.constant 0 : index
      %swap3A_558 = tpu.vector_load %arg7[%swap3A_555, %swap3A_556, %swap3A_557] {strides = array<i32>} : memref<4x128x64xf32, #tpu.memory_space<vmem>>, vector<1x1x16xf32>,
      %swap3A_559 = vector.shape_cast %swap3A_558 : vector<1x1x16xf32> to vector<16xf32>
      %swap3A_560 = vector.shape_cast %mul3A_551 : vector<16xf32> to vector<1x1x16xf32>
      tpu.vector_store %arg7[%swap3A_555, %swap3A_556, %swap3A_557], %swap3A_560 {strides = array<i32>} : memref<4x128x64xf32, #tpu.memory_space<vmem>>, vector<1x1x16xf32>,
      %add3A_561 = arith.constant 1 : i32
      %add3A_562 = arith.addi %mul3A_462, %add3A_561 : i32
      %get3A_563 = arith.constant 1 : i32
      %get3A_564 = arith.index_cast %get3A_563 : i32 to index
      %get3A_565 = arith.index_cast %add3A_562 : i32 to index
      %get3A_566 = arith.constant 16 : index
      %get3A_567 = tpu.vector_load %arg6[%get3A_564, %get3A_565, %get3A_566] {strides = array<i32>} : memref<4x128x64xf32, #tpu.memory_space<vmem>>, vector<1x1x16xf32>,
      %get3A_568 = vector.shape_cast %get3A_567 : vector<1x1x16xf32> to vector<16xf32>
      %mul3A_569 = arith.constant 8.000000e+00 : f32
      %mul3A_570 = vector.broadcast %mul3A_569 : f32 to vector<16xf32>
      %mul3A_571 = arith.mulf %get3A_568, %mul3A_570 : vector<16xf32>
      %add3A_572 = arith.constant 1 : i32
      %add3A_573 = arith.addi %mul3A_462, %add3A_572 : i32
      %swap3A_574 = arith.constant 1 : i32
      %swap3A_575 = arith.index_cast %swap3A_574 : i32 to index
      %swap3A_576 = arith.index_cast %add3A_573 : i32 to index
      %swap3A_577 = arith.constant 16 : index
      %swap3A_578 = tpu.vector_load %arg7[%swap3A_575, %swap3A_576, %swap3A_577] {strides = array<i32>} : memref<4x128x64xf32, #tpu.memory_space<vmem>>, vector<1x1x16xf32>,
      %swap3A_579 = vector.shape_cast %swap3A_578 : vector<1x1x16xf32> to vector<16xf32>
      %swap3A_580 = vector.shape_cast %mul3A_571 : vector<16xf32> to vector<1x1x16xf32>
      tpu.vector_store %arg7[%swap3A_575, %swap3A_576, %swap3A_577], %swap3A_580 {strides = array<i32>} : memref<4x128x64xf32, #tpu.memory_space<vmem>>, vector<1x1x16xf32>,
      %add3A_581 = arith.constant 1 : i32
      %add3A_582 = arith.addi %mul3A_462, %add3A_581 : i32
      %get3A_583 = arith.constant 1 : i32
      %get3A_584 = arith.index_cast %get3A_583 : i32 to index
      %get3A_585 = arith.index_cast %add3A_582 : i32 to index
      %get3A_586 = arith.constant 32 : index
      %get3A_587 = tpu.vector_load %arg6[%get3A_584, %get3A_585, %get3A_586] {strides = array<i32>} : memref<4x128x64xf32, #tpu.memory_space<vmem>>, vector<1x1x16xf32>,
      %get3A_588 = vector.shape_cast %get3A_587 : vector<1x1x16xf32> to vector<16xf32>
      %mul3A_589 = arith.constant 8.000000e+00 : f32
      %mul3A_590 = vector.broadcast %mul3A_589 : f32 to vector<16xf32>
      %mul3A_591 = arith.mulf %get3A_588, %mul3A_590 : vector<16xf32>
      %add3A_592 = arith.constant 1 : i32
      %add3A_593 = arith.addi %mul3A_462, %add3A_592 : i32
      %swap3A_594 = arith.constant 1 : i32
      %swap3A_595 = arith.index_cast %swap3A_594 : i32 to index
      %swap3A_596 = arith.index_cast %add3A_593 : i32 to index
      %swap3A_597 = arith.constant 32 : index
      %swap3A_598 = tpu.vector_load %arg7[%swap3A_595, %swap3A_596, %swap3A_597] {strides = array<i32>} : memref<4x128x64xf32, #tpu.memory_space<vmem>>, vector<1x1x16xf32>,
      %swap3A_599 = vector.shape_cast %swap3A_598 : vector<1x1x16xf32> to vector<16xf32>
      %swap3A_600 = vector.shape_cast %mul3A_591 : vector<16xf32> to vector<1x1x16xf32>
      tpu.vector_store %arg7[%swap3A_595, %swap3A_596, %swap3A_597], %swap3A_600 {strides = array<i32>} : memref<4x128x64xf32, #tpu.memory_space<vmem>>, vector<1x1x16xf32>,
      %add3A_601 = arith.constant 1 : i32
      %add3A_602 = arith.addi %mul3A_462, %add3A_601 : i32
      %get3A_603 = arith.constant 1 : i32
      %get3A_604 = arith.index_cast %get3A_603 : i32 to index
      %get3A_605 = arith.index_cast %add3A_602 : i32 to index
      %get3A_606 = arith.constant 48 : index
      %get3A_607 = tpu.vector_load %arg6[%get3A_604, %get3A_605, %get3A_606] {strides = array<i32>} : memref<4x128x64xf32, #tpu.memory_space<vmem>>, vector<1x1x16xf32>,
      %get3A_608 = vector.shape_cast %get3A_607 : vector<1x1x16xf32> to vector<16xf32>
      %mul3A_609 = arith.constant 8.000000e+00 : f32
      %mul3A_610 = vector.broadcast %mul3A_609 : f32 to vector<16xf32>
      %mul3A_611 = arith.mulf %get3A_608, %mul3A_610 : vector<16xf32>
      %add3A_612 = arith.constant 1 : i32
      %add3A_613 = arith.addi %mul3A_462, %add3A_612 : i32
      %swap3A_614 = arith.constant 1 : i32
      %swap3A_615 = arith.index_cast %swap3A_614 : i32 to index
      %swap3A_616 = arith.index_cast %add3A_613 : i32 to index
      %swap3A_617 = arith.constant 48 : index
      %swap3A_618 = tpu.vector_load %arg7[%swap3A_615, %swap3A_616, %swap3A_617] {strides = array<i32>} : memref<4x128x64xf32, #tpu.memory_space<vmem>>, vector<1x1x16xf32>,
      %swap3A_619 = vector.shape_cast %swap3A_618 : vector<1x1x16xf32> to vector<16xf32>
      %swap3A_620 = vector.shape_cast %mul3A_611 : vector<16xf32> to vector<1x1x16xf32>
      tpu.vector_store %arg7[%swap3A_615, %swap3A_616, %swap3A_617], %swap3A_620 {strides = array<i32>} : memref<4x128x64xf32, #tpu.memory_space<vmem>>, vector<1x1x16xf32>,
      %scan3A_621 = arith.constant 1 : i32
      %scan3A_622 = arith.addi %scan3A_460, %scan3A_621 : i32
      %mul3A_623 = arith.constant 2 : i32
      %mul3A_624 = arith.muli %mul3A_623, %scan3A_622 : i32
      %add3A_625 = arith.constant 0 : i32
      %add3A_626 = arith.addi %mul3A_624, %add3A_625 : i32
      %get3A_627 = arith.constant 1 : i32
      %get3A_628 = arith.index_cast %get3A_627 : i32 to index
      %get3A_629 = arith.index_cast %add3A_626 : i32 to index
      %get3A_630 = arith.constant 0 : index
      %get3A_631 = tpu.vector_load %arg6[%get3A_628, %get3A_629, %get3A_630] {strides = array<i32>} : memref<4x128x64xf32, #tpu.memory_space<vmem>>, vector<1x1x16xf32>,
      %get3A_632 = vector.shape_cast %get3A_631 : vector<1x1x16xf32> to vector<16xf32>
      %mul3A_633 = arith.constant 8.000000e+00 : f32
      %mul3A_634 = vector.broadcast %mul3A_633 : f32 to vector<16xf32>
      %mul3A_635 = arith.mulf %get3A_632, %mul3A_634 : vector<16xf32>
      %add3A_636 = arith.constant 0 : i32
      %add3A_637 = arith.addi %mul3A_624, %add3A_636 : i32
      %swap3A_638 = arith.constant 1 : i32
      %swap3A_639 = arith.index_cast %swap3A_638 : i32 to index
      %swap3A_640 = arith.index_cast %add3A_637 : i32 to index
      %swap3A_641 = arith.constant 0 : index
      %swap3A_642 = tpu.vector_load %arg7[%swap3A_639, %swap3A_640, %swap3A_641] {strides = array<i32>} : memref<4x128x64xf32, #tpu.memory_space<vmem>>, vector<1x1x16xf32>,
      %swap3A_643 = vector.shape_cast %swap3A_642 : vector<1x1x16xf32> to vector<16xf32>
      %swap3A_644 = vector.shape_cast %mul3A_635 : vector<16xf32> to vector<1x1x16xf32>
      tpu.vector_store %arg7[%swap3A_639, %swap3A_640, %swap3A_641], %swap3A_644 {strides = array<i32>} : memref<4x128x64xf32, #tpu.memory_space<vmem>>, vector<1x1x16xf32>,
      %add3A_645 = arith.constant 0 : i32
      %add3A_646 = arith.addi %mul3A_624, %add3A_645 : i32
      %get3A_647 = arith.constant 1 : i32
      %get3A_648 = arith.index_cast %get3A_647 : i32 to index
      %get3A_649 = arith.index_cast %add3A_646 : i32 to index
      %get3A_650 = arith.constant 16 : index
      %get3A_651 = tpu.vector_load %arg6[%get3A_648, %get3A_649, %get3A_650] {strides = array<i32>} : memref<4x128x64xf32, #tpu.memory_space<vmem>>, vector<1x1x16xf32>,
      %get3A_652 = vector.shape_cast %get3A_651 : vector<1x1x16xf32> to vector<16xf32>
      %mul3A_653 = arith.constant 8.000000e+00 : f32
      %mul3A_654 = vector.broadcast %mul3A_653 : f32 to vector<16xf32>
      %mul3A_655 = arith.mulf %get3A_652, %mul3A_654 : vector<16xf32>
      %add3A_656 = arith.constant 0 : i32
      %add3A_657 = arith.addi %mul3A_624, %add3A_656 : i32
      %swap3A_658 = arith.constant 1 : i32
      %swap3A_659 = arith.index_cast %swap3A_658 : i32 to index
      %swap3A_660 = arith.index_cast %add3A_657 : i32 to index
      %swap3A_661 = arith.constant 16 : index
      %swap3A_662 = tpu.vector_load %arg7[%swap3A_659, %swap3A_660, %swap3A_661] {strides = array<i32>} : memref<4x128x64xf32, #tpu.memory_space<vmem>>, vector<1x1x16xf32>,
      %swap3A_663 = vector.shape_cast %swap3A_662 : vector<1x1x16xf32> to vector<16xf32>
      %swap3A_664 = vector.shape_cast %mul3A_655 : vector<16xf32> to vector<1x1x16xf32>
      tpu.vector_store %arg7[%swap3A_659, %swap3A_660, %swap3A_661], %swap3A_664 {strides = array<i32>} : memref<4x128x64xf32, #tpu.memory_space<vmem>>, vector<1x1x16xf32>,
      %add3A_665 = arith.constant 0 : i32
      %add3A_666 = arith.addi %mul3A_624, %add3A_665 : i32
      %get3A_667 = arith.constant 1 : i32
      %get3A_668 = arith.index_cast %get3A_667 : i32 to index
      %get3A_669 = arith.index_cast %add3A_666 : i32 to index
      %get3A_670 = arith.constant 32 : index
      %get3A_671 = tpu.vector_load %arg6[%get3A_668, %get3A_669, %get3A_670] {strides = array<i32>} : memref<4x128x64xf32, #tpu.memory_space<vmem>>, vector<1x1x16xf32>,
      %get3A_672 = vector.shape_cast %get3A_671 : vector<1x1x16xf32> to vector<16xf32>
      %mul3A_673 = arith.constant 8.000000e+00 : f32
      %mul3A_674 = vector.broadcast %mul3A_673 : f32 to vector<16xf32>
      %mul3A_675 = arith.mulf %get3A_672, %mul3A_674 : vector<16xf32>
      %add3A_676 = arith.constant 0 : i32
      %add3A_677 = arith.addi %mul3A_624, %add3A_676 : i32
      %swap3A_678 = arith.constant 1 : i32
      %swap3A_679 = arith.index_cast %swap3A_678 : i32 to index
      %swap3A_680 = arith.index_cast %add3A_677 : i32 to index
      %swap3A_681 = arith.constant 32 : index
      %swap3A_682 = tpu.vector_load %arg7[%swap3A_679, %swap3A_680, %swap3A_681] {strides = array<i32>} : memref<4x128x64xf32, #tpu.memory_space<vmem>>, vector<1x1x16xf32>,
      %swap3A_683 = vector.shape_cast %swap3A_682 : vector<1x1x16xf32> to vector<16xf32>
      %swap3A_684 = vector.shape_cast %mul3A_675 : vector<16xf32> to vector<1x1x16xf32>
      tpu.vector_store %arg7[%swap3A_679, %swap3A_680, %swap3A_681], %swap3A_684 {strides = array<i32>} : memref<4x128x64xf32, #tpu.memory_space<vmem>>, vector<1x1x16xf32>,
      %add3A_685 = arith.constant 0 : i32
      %add3A_686 = arith.addi %mul3A_624, %add3A_685 : i32
      %get3A_687 = arith.constant 1 : i32
      %get3A_688 = arith.index_cast %get3A_687 : i32 to index
      %get3A_689 = arith.index_cast %add3A_686 : i32 to index
      %get3A_690 = arith.constant 48 : index
      %get3A_691 = tpu.vector_load %arg6[%get3A_688, %get3A_689, %get3A_690] {strides = array<i32>} : memref<4x128x64xf32, #tpu.memory_space<vmem>>, vector<1x1x16xf32>,
      %get3A_692 = vector.shape_cast %get3A_691 : vector<1x1x16xf32> to vector<16xf32>
      %mul3A_693 = arith.constant 8.000000e+00 : f32
      %mul3A_694 = vector.broadcast %mul3A_693 : f32 to vector<16xf32>
      %mul3A_695 = arith.mulf %get3A_692, %mul3A_694 : vector<16xf32>
      %add3A_696 = arith.constant 0 : i32
      %add3A_697 = arith.addi %mul3A_624, %add3A_696 : i32
      %swap3A_698 = arith.constant 1 : i32
      %swap3A_699 = arith.index_cast %swap3A_698 : i32 to index
      %swap3A_700 = arith.index_cast %add3A_697 : i32 to index
      %swap3A_701 = arith.constant 48 : index
      %swap3A_702 = tpu.vector_load %arg7[%swap3A_699, %swap3A_700, %swap3A_701] {strides = array<i32>} : memref<4x128x64xf32, #tpu.memory_space<vmem>>, vector<1x1x16xf32>,
      %swap3A_703 = vector.shape_cast %swap3A_702 : vector<1x1x16xf32> to vector<16xf32>
      %swap3A_704 = vector.shape_cast %mul3A_695 : vector<16xf32> to vector<1x1x16xf32>
      tpu.vector_store %arg7[%swap3A_699, %swap3A_700, %swap3A_701], %swap3A_704 {strides = array<i32>} : memref<4x128x64xf32, #tpu.memory_space<vmem>>, vector<1x1x16xf32>,
      %add3A_705 = arith.constant 1 : i32
      %add3A_706 = arith.addi %mul3A_624, %add3A_705 : i32
      %get3A_707 = arith.constant 1 : i32
      %get3A_708 = arith.index_cast %get3A_707 : i32 to index
      %get3A_709 = arith.index_cast %add3A_706 : i32 to index
      %get3A_710 = arith.constant 0 : index
      %get3A_711 = tpu.vector_load %arg6[%get3A_708, %get3A_709, %get3A_710] {strides = array<i32>} : memref<4x128x64xf32, #tpu.memory_space<vmem>>, vector<1x1x16xf32>,
      %get3A_712 = vector.shape_cast %get3A_711 : vector<1x1x16xf32> to vector<16xf32>
      %mul3A_713 = arith.constant 8.000000e+00 : f32
      %mul3A_714 = vector.broadcast %mul3A_713 : f32 to vector<16xf32>
      %mul3A_715 = arith.mulf %get3A_712, %mul3A_714 : vector<16xf32>
      %add3A_716 = arith.constant 1 : i32
      %add3A_717 = arith.addi %mul3A_624, %add3A_716 : i32
      %swap3A_718 = arith.constant 1 : i32
      %swap3A_719 = arith.index_cast %swap3A_718 : i32 to index
      %swap3A_720 = arith.index_cast %add3A_717 : i32 to index
      %swap3A_721 = arith.constant 0 : index
      %swap3A_722 = tpu.vector_load %arg7[%swap3A_719, %swap3A_720, %swap3A_721] {strides = array<i32>} : memref<4x128x64xf32, #tpu.memory_space<vmem>>, vector<1x1x16xf32>,
      %swap3A_723 = vector.shape_cast %swap3A_722 : vector<1x1x16xf32> to vector<16xf32>
      %swap3A_724 = vector.shape_cast %mul3A_715 : vector<16xf32> to vector<1x1x16xf32>
      tpu.vector_store %arg7[%swap3A_719, %swap3A_720, %swap3A_721], %swap3A_724 {strides = array<i32>} : memref<4x128x64xf32, #tpu.memory_space<vmem>>, vector<1x1x16xf32>,
      %add3A_725 = arith.constant 1 : i32
      %add3A_726 = arith.addi %mul3A_624, %add3A_725 : i32
      %get3A_727 = arith.constant 1 : i32
      %get3A_728 = arith.index_cast %get3A_727 : i32 to index
      %get3A_729 = arith.index_cast %add3A_726 : i32 to index
      %get3A_730 = arith.constant 16 : index
      %get3A_731 = tpu.vector_load %arg6[%get3A_728, %get3A_729, %get3A_730] {strides = array<i32>} : memref<4x128x64xf32, #tpu.memory_space<vmem>>, vector<1x1x16xf32>,
      %get3A_732 = vector.shape_cast %get3A_731 : vector<1x1x16xf32> to vector<16xf32>
      %mul3A_733 = arith.constant 8.000000e+00 : f32
      %mul3A_734 = vector.broadcast %mul3A_733 : f32 to vector<16xf32>
      %mul3A_735 = arith.mulf %get3A_732, %mul3A_734 : vector<16xf32>
      %add3A_736 = arith.constant 1 : i32
      %add3A_737 = arith.addi %mul3A_624, %add3A_736 : i32
      %swap3A_738 = arith.constant 1 : i32
      %swap3A_739 = arith.index_cast %swap3A_738 : i32 to index
      %swap3A_740 = arith.index_cast %add3A_737 : i32 to index
      %swap3A_741 = arith.constant 16 : index
      %swap3A_742 = tpu.vector_load %arg7[%swap3A_739, %swap3A_740, %swap3A_741] {strides = array<i32>} : memref<4x128x64xf32, #tpu.memory_space<vmem>>, vector<1x1x16xf32>,
      %swap3A_743 = vector.shape_cast %swap3A_742 : vector<1x1x16xf32> to vector<16xf32>
      %swap3A_744 = vector.shape_cast %mul3A_735 : vector<16xf32> to vector<1x1x16xf32>
      tpu.vector_store %arg7[%swap3A_739, %swap3A_740, %swap3A_741], %swap3A_744 {strides = array<i32>} : memref<4x128x64xf32, #tpu.memory_space<vmem>>, vector<1x1x16xf32>,
      %add3A_745 = arith.constant 1 : i32
      %add3A_746 = arith.addi %mul3A_624, %add3A_745 : i32
      %get3A_747 = arith.constant 1 : i32
      %get3A_748 = arith.index_cast %get3A_747 : i32 to index
      %get3A_749 = arith.index_cast %add3A_746 : i32 to index
      %get3A_750 = arith.constant 32 : index
      %get3A_751 = tpu.vector_load %arg6[%get3A_748, %get3A_749, %get3A_750] {strides = array<i32>} : memref<4x128x64xf32, #tpu.memory_space<vmem>>, vector<1x1x16xf32>,
      %get3A_752 = vector.shape_cast %get3A_751 : vector<1x1x16xf32> to vector<16xf32>
      %mul3A_753 = arith.constant 8.000000e+00 : f32
      %mul3A_754 = vector.broadcast %mul3A_753 : f32 to vector<16xf32>
      %mul3A_755 = arith.mulf %get3A_752, %mul3A_754 : vector<16xf32>
      %add3A_756 = arith.constant 1 : i32
      %add3A_757 = arith.addi %mul3A_624, %add3A_756 : i32
      %swap3A_758 = arith.constant 1 : i32
      %swap3A_759 = arith.index_cast %swap3A_758 : i32 to index
      %swap3A_760 = arith.index_cast %add3A_757 : i32 to index
      %swap3A_761 = arith.constant 32 : index
      %swap3A_762 = tpu.vector_load %arg7[%swap3A_759, %swap3A_760, %swap3A_761] {strides = array<i32>} : memref<4x128x64xf32, #tpu.memory_space<vmem>>, vector<1x1x16xf32>,
      %swap3A_763 = vector.shape_cast %swap3A_762 : vector<1x1x16xf32> to vector<16xf32>
      %swap3A_764 = vector.shape_cast %mul3A_755 : vector<16xf32> to vector<1x1x16xf32>
      tpu.vector_store %arg7[%swap3A_759, %swap3A_760, %swap3A_761], %swap3A_764 {strides = array<i32>} : memref<4x128x64xf32, #tpu.memory_space<vmem>>, vector<1x1x16xf32>,
      %add3A_765 = arith.constant 1 : i32
      %add3A_766 = arith.addi %mul3A_624, %add3A_765 : i32
      %get3A_767 = arith.constant 1 : i32
      %get3A_768 = arith.index_cast %get3A_767 : i32 to index
      %get3A_769 = arith.index_cast %add3A_766 : i32 to index
      %get3A_770 = arith.constant 48 : index
      %get3A_771 = tpu.vector_load %arg6[%get3A_768, %get3A_769, %get3A_770] {strides = array<i32>} : memref<4x128x64xf32, #tpu.memory_space<vmem>>, vector<1x1x16xf32>,
      %get3A_772 = vector.shape_cast %get3A_771 : vector<1x1x16xf32> to vector<16xf32>
      %mul3A_773 = arith.constant 8.000000e+00 : f32
      %mul3A_774 = vector.broadcast %mul3A_773 : f32 to vector<16xf32>
      %mul3A_775 = arith.mulf %get3A_772, %mul3A_774 : vector<16xf32>
      %add3A_776 = arith.constant 1 : i32
      %add3A_777 = arith.addi %mul3A_624, %add3A_776 : i32
      %swap3A_778 = arith.constant 1 : i32
      %swap3A_779 = arith.index_cast %swap3A_778 : i32 to index
      %swap3A_780 = arith.index_cast %add3A_777 : i32 to index
      %swap3A_781 = arith.constant 48 : index
      %swap3A_782 = tpu.vector_load %arg7[%swap3A_779, %swap3A_780, %swap3A_781] {strides = array<i32>} : memref<4x128x64xf32, #tpu.memory_space<vmem>>, vector<1x1x16xf32>,
      %swap3A_783 = vector.shape_cast %swap3A_782 : vector<1x1x16xf32> to vector<16xf32>
      %swap3A_784 = vector.shape_cast %mul3A_775 : vector<16xf32> to vector<1x1x16xf32>
      tpu.vector_store %arg7[%swap3A_779, %swap3A_780, %swap3A_781], %swap3A_784 {strides = array<i32>} : memref<4x128x64xf32, #tpu.memory_space<vmem>>, vector<1x1x16xf32>,
    }
    %scan3A_292 = arith.constant 64 : i32
    %add3A_293 = arith.constant 25216 : i32
    %add3A_294 = arith.addi %mul3A_2, %add3A_293 : i32
    %dma_start3A_295 = arith.constant 1 : i32
    %dma_start3A_296 = arith.constant 0 : i32
    %dma_start3A_297 = arith.constant 0 : i32
    %dma_start3A_298 = tpu.memref_slice %arg7[%dma_start3A_295, %dma_start3A_296, %dma_start3A_297] : memref<4x128x64xf32, #tpu.memory_space<vmem>> -> memref<1x128x64xf32, #tpu.memory_space<vmem>>
    %dma_start3A_299 = tpu.memref_squeeze %dma_start3A_298 : memref<1x128x64xf32, #tpu.memory_space<vmem>> -> memref<128x64xf32, #tpu.memory_space<vmem>>
    %dma_start3A_300 = arith.constant 0 : i32
    %dma_start3A_301 = tpu.memref_slice %arg4[%add3A_294, %dma_start3A_300] : memref<819200x64xf32, #tpu.memory_space<hbm>> -> memref<128x64xf32, #tpu.memory_space<hbm>>
    %dma_start3A_302 = arith.constant 0 : i32
    %dma_start3A_303 = tpu.memref_slice %arg4[%add3A_294, %dma_start3A_302] : memref<819200x64xf32, #tpu.memory_space<hbm>> -> memref<128x64xf32, #tpu.memory_space<hbm>>
    %dma_start3A_304 = arith.constant 0 : i32
    %dma_start3A_305 = arith.constant 0 : i32
    %dma_start3A_306 = tpu.memref_slice %arg7[%dma_start3A_295, %dma_start3A_304, %dma_start3A_305] : memref<4x128x64xf32, #tpu.memory_space<vmem>> -> memref<1x128x64xf32, #tpu.memory_space<vmem>>
    %dma_start3A_307 = tpu.memref_squeeze %dma_start3A_306 : memref<1x128x64xf32, #tpu.memory_space<vmem>> -> memref<128x64xf32, #tpu.memory_space<vmem>>
    tpu.enqueue_dma source(%dma_start3A_307 : memref<128x64xf32, #tpu.memory_space<vmem>>) target(%dma_start3A_303 : memref<128x64xf32, #tpu.memory_space<hbm>>) target_semaphore(%arg13 : memref<!tpu.dma_semaphore, #tpu.memory_space<semaphore_mem>>)
    %dma_wait3A_308 = arith.constant 2 : i32
    %dma_wait3A_309 = arith.constant 0 : i32
    %dma_wait3A_310 = arith.constant 0 : i32
    %dma_wait3A_311 = tpu.memref_slice %arg6[%dma_wait3A_308, %dma_wait3A_309, %dma_wait3A_310] : memref<4x128x64xf32, #tpu.memory_space<vmem>> -> memref<1x128x64xf32, #tpu.memory_space<vmem>>
    %dma_wait3A_312 = tpu.memref_squeeze %dma_wait3A_311 : memref<1x128x64xf32, #tpu.memory_space<vmem>> -> memref<128x64xf32, #tpu.memory_space<vmem>>
    %dma_wait3A_313 = arith.constant 0 : i32
    %dma_wait3A_314 = tpu.memref_slice %arg5[%dma_wait3A_313] : memref<25600xi32, #tpu.memory_space<vmem>> -> memref<128xi32, #tpu.memory_space<vmem>>
    %dma_wait3A_315 = arith.constant 0 : i32
    %dma_wait3A_316 = arith.constant 0 : i32
    %dma_wait3A_317 = tpu.memref_slice %arg3[%dma_wait3A_315, %dma_wait3A_316] : memref<2000000x64xf32, #tpu.memory_space<hbm>> -> memref<2000000x64xf32, #tpu.memory_space<hbm>>
    tpu.wait_indirect_dma semaphore(%arg10 : memref<!tpu.dma_semaphore, #tpu.memory_space<semaphore_mem>>) src(%dma_wait3A_317 : memref<2000000x64xf32, #tpu.memory_space<hbm>>) dst(%dma_wait3A_312 : memref<128x64xf32, #tpu.memory_space<vmem>>)
    %dma_wait3A_318 = arith.constant 2 : i32
    %dma_wait3A_319 = arith.constant 0 : i32
    %dma_wait3A_320 = arith.constant 0 : i32
    %dma_wait3A_321 = tpu.memref_slice %arg7[%dma_wait3A_318, %dma_wait3A_319, %dma_wait3A_320] : memref<4x128x64xf32, #tpu.memory_space<vmem>> -> memref<1x128x64xf32, #tpu.memory_space<vmem>>
    %dma_wait3A_322 = tpu.memref_squeeze %dma_wait3A_321 : memref<1x128x64xf32, #tpu.memory_space<vmem>> -> memref<128x64xf32, #tpu.memory_space<vmem>>
    %dma_wait3A_323 = arith.constant 0 : i32
    %dma_wait3A_324 = arith.constant 0 : i32
    %dma_wait3A_325 = tpu.memref_slice %arg4[%dma_wait3A_323, %dma_wait3A_324] : memref<819200x64xf32, #tpu.memory_space<hbm>> -> memref<128x64xf32, #tpu.memory_space<hbm>>
    %dma_wait3A_326 = arith.constant 0 : i32
    %dma_wait3A_327 = arith.constant 0 : i32
    %dma_wait3A_328 = tpu.memref_slice %arg4[%dma_wait3A_326, %dma_wait3A_327] : memref<819200x64xf32, #tpu.memory_space<hbm>> -> memref<128x64xf32, #tpu.memory_space<hbm>>
    %dma_wait3A_329 = arith.constant 0 : i32
    %dma_wait3A_330 = arith.constant 0 : i32
    %dma_wait3A_331 = tpu.memref_slice %arg7[%dma_wait3A_318, %dma_wait3A_329, %dma_wait3A_330] : memref<4x128x64xf32, #tpu.memory_space<vmem>> -> memref<1x128x64xf32, #tpu.memory_space<vmem>>
    %dma_wait3A_332 = tpu.memref_squeeze %dma_wait3A_331 : memref<1x128x64xf32, #tpu.memory_space<vmem>> -> memref<128x64xf32, #tpu.memory_space<vmem>>
    tpu.wait_dma2 semaphore(%arg14 : memref<!tpu.dma_semaphore, #tpu.memory_space<semaphore_mem>>) src(%dma_wait3A_332 : memref<128x64xf32, #tpu.memory_space<vmem>>) dst(%dma_wait3A_328 : memref<128x64xf32, #tpu.memory_space<hbm>>)
    %scan3A_333 = arith.constant 0 : i32
    %scan3A_334 = arith.constant 0 : i32
    %scan3A_335 = arith.constant 64 : i32
    %scan3A_336 = arith.addi %scan3A_334, %scan3A_335 : i32
    %scan3A_337 = arith.constant 2 : i32
    scf.for %scan3A_460 = %scan3A_334 to %scan3A_336 step %scan3A_337  : i32 {
      %mul3A_461 = arith.constant 2 : i32
      %mul3A_462 = arith.muli %mul3A_461, %scan3A_460 : i32
      %add3A_463 = arith.constant 0 : i32
      %add3A_464 = arith.addi %mul3A_462, %add3A_463 : i32
      %get3A = arith.constant 2 : i32
      %get3A_465 = arith.index_cast %get3A : i32 to index
      %get3A_466 = arith.index_cast %add3A_464 : i32 to index
      %get3A_467 = arith.constant 0 : index
      %get3A_468 = tpu.vector_load %arg6[%get3A_465, %get3A_466, %get3A_467] {strides = array<i32>} : memref<4x128x64xf32, #tpu.memory_space<vmem>>, vector<1x1x16xf32>,
      %get3A_469 = vector.shape_cast %get3A_468 : vector<1x1x16xf32> to vector<16xf32>
      %mul3A_470 = arith.constant 8.000000e+00 : f32
      %mul3A_471 = vector.broadcast %mul3A_470 : f32 to vector<16xf32>
      %mul3A_472 = arith.mulf %get3A_469, %mul3A_471 : vector<16xf32>
      %add3A_473 = arith.constant 0 : i32
      %add3A_474 = arith.addi %mul3A_462, %add3A_473 : i32
      %swap3A = arith.constant 2 : i32
      %swap3A_475 = arith.index_cast %swap3A : i32 to index
      %swap3A_476 = arith.index_cast %add3A_474 : i32 to index
      %swap3A_477 = arith.constant 0 : index
      %swap3A_478 = tpu.vector_load %arg7[%swap3A_475, %swap3A_476, %swap3A_477] {strides = array<i32>} : memref<4x128x64xf32, #tpu.memory_space<vmem>>, vector<1x1x16xf32>,
      %swap3A_479 = vector.shape_cast %swap3A_478 : vector<1x1x16xf32> to vector<16xf32>
      %swap3A_480 = vector.shape_cast %mul3A_472 : vector<16xf32> to vector<1x1x16xf32>
      tpu.vector_store %arg7[%swap3A_475, %swap3A_476, %swap3A_477], %swap3A_480 {strides = array<i32>} : memref<4x128x64xf32, #tpu.memory_space<vmem>>, vector<1x1x16xf32>,
      %add3A_481 = arith.constant 0 : i32
      %add3A_482 = arith.addi %mul3A_462, %add3A_481 : i32
      %get3A_483 = arith.constant 2 : i32
      %get3A_484 = arith.index_cast %get3A_483 : i32 to index
      %get3A_485 = arith.index_cast %add3A_482 : i32 to index
      %get3A_486 = arith.constant 16 : index
      %get3A_487 = tpu.vector_load %arg6[%get3A_484, %get3A_485, %get3A_486] {strides = array<i32>} : memref<4x128x64xf32, #tpu.memory_space<vmem>>, vector<1x1x16xf32>,
      %get3A_488 = vector.shape_cast %get3A_487 : vector<1x1x16xf32> to vector<16xf32>
      %mul3A_489 = arith.constant 8.000000e+00 : f32
      %mul3A_490 = vector.broadcast %mul3A_489 : f32 to vector<16xf32>
      %mul3A_491 = arith.mulf %get3A_488, %mul3A_490 : vector<16xf32>
      %add3A_492 = arith.constant 0 : i32
      %add3A_493 = arith.addi %mul3A_462, %add3A_492 : i32
      %swap3A_494 = arith.constant 2 : i32
      %swap3A_495 = arith.index_cast %swap3A_494 : i32 to index
      %swap3A_496 = arith.index_cast %add3A_493 : i32 to index
      %swap3A_497 = arith.constant 16 : index
      %swap3A_498 = tpu.vector_load %arg7[%swap3A_495, %swap3A_496, %swap3A_497] {strides = array<i32>} : memref<4x128x64xf32, #tpu.memory_space<vmem>>, vector<1x1x16xf32>,
      %swap3A_499 = vector.shape_cast %swap3A_498 : vector<1x1x16xf32> to vector<16xf32>
      %swap3A_500 = vector.shape_cast %mul3A_491 : vector<16xf32> to vector<1x1x16xf32>
      tpu.vector_store %arg7[%swap3A_495, %swap3A_496, %swap3A_497], %swap3A_500 {strides = array<i32>} : memref<4x128x64xf32, #tpu.memory_space<vmem>>, vector<1x1x16xf32>,
      %add3A_501 = arith.constant 0 : i32
      %add3A_502 = arith.addi %mul3A_462, %add3A_501 : i32
      %get3A_503 = arith.constant 2 : i32
      %get3A_504 = arith.index_cast %get3A_503 : i32 to index
      %get3A_505 = arith.index_cast %add3A_502 : i32 to index
      %get3A_506 = arith.constant 32 : index
      %get3A_507 = tpu.vector_load %arg6[%get3A_504, %get3A_505, %get3A_506] {strides = array<i32>} : memref<4x128x64xf32, #tpu.memory_space<vmem>>, vector<1x1x16xf32>,
      %get3A_508 = vector.shape_cast %get3A_507 : vector<1x1x16xf32> to vector<16xf32>
      %mul3A_509 = arith.constant 8.000000e+00 : f32
      %mul3A_510 = vector.broadcast %mul3A_509 : f32 to vector<16xf32>
      %mul3A_511 = arith.mulf %get3A_508, %mul3A_510 : vector<16xf32>
      %add3A_512 = arith.constant 0 : i32
      %add3A_513 = arith.addi %mul3A_462, %add3A_512 : i32
      %swap3A_514 = arith.constant 2 : i32
      %swap3A_515 = arith.index_cast %swap3A_514 : i32 to index
      %swap3A_516 = arith.index_cast %add3A_513 : i32 to index
      %swap3A_517 = arith.constant 32 : index
      %swap3A_518 = tpu.vector_load %arg7[%swap3A_515, %swap3A_516, %swap3A_517] {strides = array<i32>} : memref<4x128x64xf32, #tpu.memory_space<vmem>>, vector<1x1x16xf32>,
      %swap3A_519 = vector.shape_cast %swap3A_518 : vector<1x1x16xf32> to vector<16xf32>
      %swap3A_520 = vector.shape_cast %mul3A_511 : vector<16xf32> to vector<1x1x16xf32>
      tpu.vector_store %arg7[%swap3A_515, %swap3A_516, %swap3A_517], %swap3A_520 {strides = array<i32>} : memref<4x128x64xf32, #tpu.memory_space<vmem>>, vector<1x1x16xf32>,
      %add3A_521 = arith.constant 0 : i32
      %add3A_522 = arith.addi %mul3A_462, %add3A_521 : i32
      %get3A_523 = arith.constant 2 : i32
      %get3A_524 = arith.index_cast %get3A_523 : i32 to index
      %get3A_525 = arith.index_cast %add3A_522 : i32 to index
      %get3A_526 = arith.constant 48 : index
      %get3A_527 = tpu.vector_load %arg6[%get3A_524, %get3A_525, %get3A_526] {strides = array<i32>} : memref<4x128x64xf32, #tpu.memory_space<vmem>>, vector<1x1x16xf32>,
      %get3A_528 = vector.shape_cast %get3A_527 : vector<1x1x16xf32> to vector<16xf32>
      %mul3A_529 = arith.constant 8.000000e+00 : f32
      %mul3A_530 = vector.broadcast %mul3A_529 : f32 to vector<16xf32>
      %mul3A_531 = arith.mulf %get3A_528, %mul3A_530 : vector<16xf32>
      %add3A_532 = arith.constant 0 : i32
      %add3A_533 = arith.addi %mul3A_462, %add3A_532 : i32
      %swap3A_534 = arith.constant 2 : i32
      %swap3A_535 = arith.index_cast %swap3A_534 : i32 to index
      %swap3A_536 = arith.index_cast %add3A_533 : i32 to index
      %swap3A_537 = arith.constant 48 : index
      %swap3A_538 = tpu.vector_load %arg7[%swap3A_535, %swap3A_536, %swap3A_537] {strides = array<i32>} : memref<4x128x64xf32, #tpu.memory_space<vmem>>, vector<1x1x16xf32>,
      %swap3A_539 = vector.shape_cast %swap3A_538 : vector<1x1x16xf32> to vector<16xf32>
      %swap3A_540 = vector.shape_cast %mul3A_531 : vector<16xf32> to vector<1x1x16xf32>
      tpu.vector_store %arg7[%swap3A_535, %swap3A_536, %swap3A_537], %swap3A_540 {strides = array<i32>} : memref<4x128x64xf32, #tpu.memory_space<vmem>>, vector<1x1x16xf32>,
      %add3A_541 = arith.constant 1 : i32
      %add3A_542 = arith.addi %mul3A_462, %add3A_541 : i32
      %get3A_543 = arith.constant 2 : i32
      %get3A_544 = arith.index_cast %get3A_543 : i32 to index
      %get3A_545 = arith.index_cast %add3A_542 : i32 to index
      %get3A_546 = arith.constant 0 : index
      %get3A_547 = tpu.vector_load %arg6[%get3A_544, %get3A_545, %get3A_546] {strides = array<i32>} : memref<4x128x64xf32, #tpu.memory_space<vmem>>, vector<1x1x16xf32>,
      %get3A_548 = vector.shape_cast %get3A_547 : vector<1x1x16xf32> to vector<16xf32>
      %mul3A_549 = arith.constant 8.000000e+00 : f32
      %mul3A_550 = vector.broadcast %mul3A_549 : f32 to vector<16xf32>
      %mul3A_551 = arith.mulf %get3A_548, %mul3A_550 : vector<16xf32>
      %add3A_552 = arith.constant 1 : i32
      %add3A_553 = arith.addi %mul3A_462, %add3A_552 : i32
      %swap3A_554 = arith.constant 2 : i32
      %swap3A_555 = arith.index_cast %swap3A_554 : i32 to index
      %swap3A_556 = arith.index_cast %add3A_553 : i32 to index
      %swap3A_557 = arith.constant 0 : index
      %swap3A_558 = tpu.vector_load %arg7[%swap3A_555, %swap3A_556, %swap3A_557] {strides = array<i32>} : memref<4x128x64xf32, #tpu.memory_space<vmem>>, vector<1x1x16xf32>,
      %swap3A_559 = vector.shape_cast %swap3A_558 : vector<1x1x16xf32> to vector<16xf32>
      %swap3A_560 = vector.shape_cast %mul3A_551 : vector<16xf32> to vector<1x1x16xf32>
      tpu.vector_store %arg7[%swap3A_555, %swap3A_556, %swap3A_557], %swap3A_560 {strides = array<i32>} : memref<4x128x64xf32, #tpu.memory_space<vmem>>, vector<1x1x16xf32>,
      %add3A_561 = arith.constant 1 : i32
      %add3A_562 = arith.addi %mul3A_462, %add3A_561 : i32
      %get3A_563 = arith.constant 2 : i32
      %get3A_564 = arith.index_cast %get3A_563 : i32 to index
      %get3A_565 = arith.index_cast %add3A_562 : i32 to index
      %get3A_566 = arith.constant 16 : index
      %get3A_567 = tpu.vector_load %arg6[%get3A_564, %get3A_565, %get3A_566] {strides = array<i32>} : memref<4x128x64xf32, #tpu.memory_space<vmem>>, vector<1x1x16xf32>,
      %get3A_568 = vector.shape_cast %get3A_567 : vector<1x1x16xf32> to vector<16xf32>
      %mul3A_569 = arith.constant 8.000000e+00 : f32
      %mul3A_570 = vector.broadcast %mul3A_569 : f32 to vector<16xf32>
      %mul3A_571 = arith.mulf %get3A_568, %mul3A_570 : vector<16xf32>
      %add3A_572 = arith.constant 1 : i32
      %add3A_573 = arith.addi %mul3A_462, %add3A_572 : i32
      %swap3A_574 = arith.constant 2 : i32
      %swap3A_575 = arith.index_cast %swap3A_574 : i32 to index
      %swap3A_576 = arith.index_cast %add3A_573 : i32 to index
      %swap3A_577 = arith.constant 16 : index
      %swap3A_578 = tpu.vector_load %arg7[%swap3A_575, %swap3A_576, %swap3A_577] {strides = array<i32>} : memref<4x128x64xf32, #tpu.memory_space<vmem>>, vector<1x1x16xf32>,
      %swap3A_579 = vector.shape_cast %swap3A_578 : vector<1x1x16xf32> to vector<16xf32>
      %swap3A_580 = vector.shape_cast %mul3A_571 : vector<16xf32> to vector<1x1x16xf32>
      tpu.vector_store %arg7[%swap3A_575, %swap3A_576, %swap3A_577], %swap3A_580 {strides = array<i32>} : memref<4x128x64xf32, #tpu.memory_space<vmem>>, vector<1x1x16xf32>,
      %add3A_581 = arith.constant 1 : i32
      %add3A_582 = arith.addi %mul3A_462, %add3A_581 : i32
      %get3A_583 = arith.constant 2 : i32
      %get3A_584 = arith.index_cast %get3A_583 : i32 to index
      %get3A_585 = arith.index_cast %add3A_582 : i32 to index
      %get3A_586 = arith.constant 32 : index
      %get3A_587 = tpu.vector_load %arg6[%get3A_584, %get3A_585, %get3A_586] {strides = array<i32>} : memref<4x128x64xf32, #tpu.memory_space<vmem>>, vector<1x1x16xf32>,
      %get3A_588 = vector.shape_cast %get3A_587 : vector<1x1x16xf32> to vector<16xf32>
      %mul3A_589 = arith.constant 8.000000e+00 : f32
      %mul3A_590 = vector.broadcast %mul3A_589 : f32 to vector<16xf32>
      %mul3A_591 = arith.mulf %get3A_588, %mul3A_590 : vector<16xf32>
      %add3A_592 = arith.constant 1 : i32
      %add3A_593 = arith.addi %mul3A_462, %add3A_592 : i32
      %swap3A_594 = arith.constant 2 : i32
      %swap3A_595 = arith.index_cast %swap3A_594 : i32 to index
      %swap3A_596 = arith.index_cast %add3A_593 : i32 to index
      %swap3A_597 = arith.constant 32 : index
      %swap3A_598 = tpu.vector_load %arg7[%swap3A_595, %swap3A_596, %swap3A_597] {strides = array<i32>} : memref<4x128x64xf32, #tpu.memory_space<vmem>>, vector<1x1x16xf32>,
      %swap3A_599 = vector.shape_cast %swap3A_598 : vector<1x1x16xf32> to vector<16xf32>
      %swap3A_600 = vector.shape_cast %mul3A_591 : vector<16xf32> to vector<1x1x16xf32>
      tpu.vector_store %arg7[%swap3A_595, %swap3A_596, %swap3A_597], %swap3A_600 {strides = array<i32>} : memref<4x128x64xf32, #tpu.memory_space<vmem>>, vector<1x1x16xf32>,
      %add3A_601 = arith.constant 1 : i32
      %add3A_602 = arith.addi %mul3A_462, %add3A_601 : i32
      %get3A_603 = arith.constant 2 : i32
      %get3A_604 = arith.index_cast %get3A_603 : i32 to index
      %get3A_605 = arith.index_cast %add3A_602 : i32 to index
      %get3A_606 = arith.constant 48 : index
      %get3A_607 = tpu.vector_load %arg6[%get3A_604, %get3A_605, %get3A_606] {strides = array<i32>} : memref<4x128x64xf32, #tpu.memory_space<vmem>>, vector<1x1x16xf32>,
      %get3A_608 = vector.shape_cast %get3A_607 : vector<1x1x16xf32> to vector<16xf32>
      %mul3A_609 = arith.constant 8.000000e+00 : f32
      %mul3A_610 = vector.broadcast %mul3A_609 : f32 to vector<16xf32>
      %mul3A_611 = arith.mulf %get3A_608, %mul3A_610 : vector<16xf32>
      %add3A_612 = arith.constant 1 : i32
      %add3A_613 = arith.addi %mul3A_462, %add3A_612 : i32
      %swap3A_614 = arith.constant 2 : i32
      %swap3A_615 = arith.index_cast %swap3A_614 : i32 to index
      %swap3A_616 = arith.index_cast %add3A_613 : i32 to index
      %swap3A_617 = arith.constant 48 : index
      %swap3A_618 = tpu.vector_load %arg7[%swap3A_615, %swap3A_616, %swap3A_617] {strides = array<i32>} : memref<4x128x64xf32, #tpu.memory_space<vmem>>, vector<1x1x16xf32>,
      %swap3A_619 = vector.shape_cast %swap3A_618 : vector<1x1x16xf32> to vector<16xf32>
      %swap3A_620 = vector.shape_cast %mul3A_611 : vector<16xf32> to vector<1x1x16xf32>
      tpu.vector_store %arg7[%swap3A_615, %swap3A_616, %swap3A_617], %swap3A_620 {strides = array<i32>} : memref<4x128x64xf32, #tpu.memory_space<vmem>>, vector<1x1x16xf32>,
      %scan3A_621 = arith.constant 1 : i32
      %scan3A_622 = arith.addi %scan3A_460, %scan3A_621 : i32
      %mul3A_623 = arith.constant 2 : i32
      %mul3A_624 = arith.muli %mul3A_623, %scan3A_622 : i32
      %add3A_625 = arith.constant 0 : i32
      %add3A_626 = arith.addi %mul3A_624, %add3A_625 : i32
      %get3A_627 = arith.constant 2 : i32
      %get3A_628 = arith.index_cast %get3A_627 : i32 to index
      %get3A_629 = arith.index_cast %add3A_626 : i32 to index
      %get3A_630 = arith.constant 0 : index
      %get3A_631 = tpu.vector_load %arg6[%get3A_628, %get3A_629, %get3A_630] {strides = array<i32>} : memref<4x128x64xf32, #tpu.memory_space<vmem>>, vector<1x1x16xf32>,
      %get3A_632 = vector.shape_cast %get3A_631 : vector<1x1x16xf32> to vector<16xf32>
      %mul3A_633 = arith.constant 8.000000e+00 : f32
      %mul3A_634 = vector.broadcast %mul3A_633 : f32 to vector<16xf32>
      %mul3A_635 = arith.mulf %get3A_632, %mul3A_634 : vector<16xf32>
      %add3A_636 = arith.constant 0 : i32
      %add3A_637 = arith.addi %mul3A_624, %add3A_636 : i32
      %swap3A_638 = arith.constant 2 : i32
      %swap3A_639 = arith.index_cast %swap3A_638 : i32 to index
      %swap3A_640 = arith.index_cast %add3A_637 : i32 to index
      %swap3A_641 = arith.constant 0 : index
      %swap3A_642 = tpu.vector_load %arg7[%swap3A_639, %swap3A_640, %swap3A_641] {strides = array<i32>} : memref<4x128x64xf32, #tpu.memory_space<vmem>>, vector<1x1x16xf32>,
      %swap3A_643 = vector.shape_cast %swap3A_642 : vector<1x1x16xf32> to vector<16xf32>
      %swap3A_644 = vector.shape_cast %mul3A_635 : vector<16xf32> to vector<1x1x16xf32>
      tpu.vector_store %arg7[%swap3A_639, %swap3A_640, %swap3A_641], %swap3A_644 {strides = array<i32>} : memref<4x128x64xf32, #tpu.memory_space<vmem>>, vector<1x1x16xf32>,
      %add3A_645 = arith.constant 0 : i32
      %add3A_646 = arith.addi %mul3A_624, %add3A_645 : i32
      %get3A_647 = arith.constant 2 : i32
      %get3A_648 = arith.index_cast %get3A_647 : i32 to index
      %get3A_649 = arith.index_cast %add3A_646 : i32 to index
      %get3A_650 = arith.constant 16 : index
      %get3A_651 = tpu.vector_load %arg6[%get3A_648, %get3A_649, %get3A_650] {strides = array<i32>} : memref<4x128x64xf32, #tpu.memory_space<vmem>>, vector<1x1x16xf32>,
      %get3A_652 = vector.shape_cast %get3A_651 : vector<1x1x16xf32> to vector<16xf32>
      %mul3A_653 = arith.constant 8.000000e+00 : f32
      %mul3A_654 = vector.broadcast %mul3A_653 : f32 to vector<16xf32>
      %mul3A_655 = arith.mulf %get3A_652, %mul3A_654 : vector<16xf32>
      %add3A_656 = arith.constant 0 : i32
      %add3A_657 = arith.addi %mul3A_624, %add3A_656 : i32
      %swap3A_658 = arith.constant 2 : i32
      %swap3A_659 = arith.index_cast %swap3A_658 : i32 to index
      %swap3A_660 = arith.index_cast %add3A_657 : i32 to index
      %swap3A_661 = arith.constant 16 : index
      %swap3A_662 = tpu.vector_load %arg7[%swap3A_659, %swap3A_660, %swap3A_661] {strides = array<i32>} : memref<4x128x64xf32, #tpu.memory_space<vmem>>, vector<1x1x16xf32>,
      %swap3A_663 = vector.shape_cast %swap3A_662 : vector<1x1x16xf32> to vector<16xf32>
      %swap3A_664 = vector.shape_cast %mul3A_655 : vector<16xf32> to vector<1x1x16xf32>
      tpu.vector_store %arg7[%swap3A_659, %swap3A_660, %swap3A_661], %swap3A_664 {strides = array<i32>} : memref<4x128x64xf32, #tpu.memory_space<vmem>>, vector<1x1x16xf32>,
      %add3A_665 = arith.constant 0 : i32
      %add3A_666 = arith.addi %mul3A_624, %add3A_665 : i32
      %get3A_667 = arith.constant 2 : i32
      %get3A_668 = arith.index_cast %get3A_667 : i32 to index
      %get3A_669 = arith.index_cast %add3A_666 : i32 to index
      %get3A_670 = arith.constant 32 : index
      %get3A_671 = tpu.vector_load %arg6[%get3A_668, %get3A_669, %get3A_670] {strides = array<i32>} : memref<4x128x64xf32, #tpu.memory_space<vmem>>, vector<1x1x16xf32>,
      %get3A_672 = vector.shape_cast %get3A_671 : vector<1x1x16xf32> to vector<16xf32>
      %mul3A_673 = arith.constant 8.000000e+00 : f32
      %mul3A_674 = vector.broadcast %mul3A_673 : f32 to vector<16xf32>
      %mul3A_675 = arith.mulf %get3A_672, %mul3A_674 : vector<16xf32>
      %add3A_676 = arith.constant 0 : i32
      %add3A_677 = arith.addi %mul3A_624, %add3A_676 : i32
      %swap3A_678 = arith.constant 2 : i32
      %swap3A_679 = arith.index_cast %swap3A_678 : i32 to index
      %swap3A_680 = arith.index_cast %add3A_677 : i32 to index
      %swap3A_681 = arith.constant 32 : index
      %swap3A_682 = tpu.vector_load %arg7[%swap3A_679, %swap3A_680, %swap3A_681] {strides = array<i32>} : memref<4x128x64xf32, #tpu.memory_space<vmem>>, vector<1x1x16xf32>,
      %swap3A_683 = vector.shape_cast %swap3A_682 : vector<1x1x16xf32> to vector<16xf32>
      %swap3A_684 = vector.shape_cast %mul3A_675 : vector<16xf32> to vector<1x1x16xf32>
      tpu.vector_store %arg7[%swap3A_679, %swap3A_680, %swap3A_681], %swap3A_684 {strides = array<i32>} : memref<4x128x64xf32, #tpu.memory_space<vmem>>, vector<1x1x16xf32>,
      %add3A_685 = arith.constant 0 : i32
      %add3A_686 = arith.addi %mul3A_624, %add3A_685 : i32
      %get3A_687 = arith.constant 2 : i32
      %get3A_688 = arith.index_cast %get3A_687 : i32 to index
      %get3A_689 = arith.index_cast %add3A_686 : i32 to index
      %get3A_690 = arith.constant 48 : index
      %get3A_691 = tpu.vector_load %arg6[%get3A_688, %get3A_689, %get3A_690] {strides = array<i32>} : memref<4x128x64xf32, #tpu.memory_space<vmem>>, vector<1x1x16xf32>,
      %get3A_692 = vector.shape_cast %get3A_691 : vector<1x1x16xf32> to vector<16xf32>
      %mul3A_693 = arith.constant 8.000000e+00 : f32
      %mul3A_694 = vector.broadcast %mul3A_693 : f32 to vector<16xf32>
      %mul3A_695 = arith.mulf %get3A_692, %mul3A_694 : vector<16xf32>
      %add3A_696 = arith.constant 0 : i32
      %add3A_697 = arith.addi %mul3A_624, %add3A_696 : i32
      %swap3A_698 = arith.constant 2 : i32
      %swap3A_699 = arith.index_cast %swap3A_698 : i32 to index
      %swap3A_700 = arith.index_cast %add3A_697 : i32 to index
      %swap3A_701 = arith.constant 48 : index
      %swap3A_702 = tpu.vector_load %arg7[%swap3A_699, %swap3A_700, %swap3A_701] {strides = array<i32>} : memref<4x128x64xf32, #tpu.memory_space<vmem>>, vector<1x1x16xf32>,
      %swap3A_703 = vector.shape_cast %swap3A_702 : vector<1x1x16xf32> to vector<16xf32>
      %swap3A_704 = vector.shape_cast %mul3A_695 : vector<16xf32> to vector<1x1x16xf32>
      tpu.vector_store %arg7[%swap3A_699, %swap3A_700, %swap3A_701], %swap3A_704 {strides = array<i32>} : memref<4x128x64xf32, #tpu.memory_space<vmem>>, vector<1x1x16xf32>,
      %add3A_705 = arith.constant 1 : i32
      %add3A_706 = arith.addi %mul3A_624, %add3A_705 : i32
      %get3A_707 = arith.constant 2 : i32
      %get3A_708 = arith.index_cast %get3A_707 : i32 to index
      %get3A_709 = arith.index_cast %add3A_706 : i32 to index
      %get3A_710 = arith.constant 0 : index
      %get3A_711 = tpu.vector_load %arg6[%get3A_708, %get3A_709, %get3A_710] {strides = array<i32>} : memref<4x128x64xf32, #tpu.memory_space<vmem>>, vector<1x1x16xf32>,
      %get3A_712 = vector.shape_cast %get3A_711 : vector<1x1x16xf32> to vector<16xf32>
      %mul3A_713 = arith.constant 8.000000e+00 : f32
      %mul3A_714 = vector.broadcast %mul3A_713 : f32 to vector<16xf32>
      %mul3A_715 = arith.mulf %get3A_712, %mul3A_714 : vector<16xf32>
      %add3A_716 = arith.constant 1 : i32
      %add3A_717 = arith.addi %mul3A_624, %add3A_716 : i32
      %swap3A_718 = arith.constant 2 : i32
      %swap3A_719 = arith.index_cast %swap3A_718 : i32 to index
      %swap3A_720 = arith.index_cast %add3A_717 : i32 to index
      %swap3A_721 = arith.constant 0 : index
      %swap3A_722 = tpu.vector_load %arg7[%swap3A_719, %swap3A_720, %swap3A_721] {strides = array<i32>} : memref<4x128x64xf32, #tpu.memory_space<vmem>>, vector<1x1x16xf32>,
      %swap3A_723 = vector.shape_cast %swap3A_722 : vector<1x1x16xf32> to vector<16xf32>
      %swap3A_724 = vector.shape_cast %mul3A_715 : vector<16xf32> to vector<1x1x16xf32>
      tpu.vector_store %arg7[%swap3A_719, %swap3A_720, %swap3A_721], %swap3A_724 {strides = array<i32>} : memref<4x128x64xf32, #tpu.memory_space<vmem>>, vector<1x1x16xf32>,
      %add3A_725 = arith.constant 1 : i32
      %add3A_726 = arith.addi %mul3A_624, %add3A_725 : i32
      %get3A_727 = arith.constant 2 : i32
      %get3A_728 = arith.index_cast %get3A_727 : i32 to index
      %get3A_729 = arith.index_cast %add3A_726 : i32 to index
      %get3A_730 = arith.constant 16 : index
      %get3A_731 = tpu.vector_load %arg6[%get3A_728, %get3A_729, %get3A_730] {strides = array<i32>} : memref<4x128x64xf32, #tpu.memory_space<vmem>>, vector<1x1x16xf32>,
      %get3A_732 = vector.shape_cast %get3A_731 : vector<1x1x16xf32> to vector<16xf32>
      %mul3A_733 = arith.constant 8.000000e+00 : f32
      %mul3A_734 = vector.broadcast %mul3A_733 : f32 to vector<16xf32>
      %mul3A_735 = arith.mulf %get3A_732, %mul3A_734 : vector<16xf32>
      %add3A_736 = arith.constant 1 : i32
      %add3A_737 = arith.addi %mul3A_624, %add3A_736 : i32
      %swap3A_738 = arith.constant 2 : i32
      %swap3A_739 = arith.index_cast %swap3A_738 : i32 to index
      %swap3A_740 = arith.index_cast %add3A_737 : i32 to index
      %swap3A_741 = arith.constant 16 : index
      %swap3A_742 = tpu.vector_load %arg7[%swap3A_739, %swap3A_740, %swap3A_741] {strides = array<i32>} : memref<4x128x64xf32, #tpu.memory_space<vmem>>, vector<1x1x16xf32>,
      %swap3A_743 = vector.shape_cast %swap3A_742 : vector<1x1x16xf32> to vector<16xf32>
      %swap3A_744 = vector.shape_cast %mul3A_735 : vector<16xf32> to vector<1x1x16xf32>
      tpu.vector_store %arg7[%swap3A_739, %swap3A_740, %swap3A_741], %swap3A_744 {strides = array<i32>} : memref<4x128x64xf32, #tpu.memory_space<vmem>>, vector<1x1x16xf32>,
      %add3A_745 = arith.constant 1 : i32
      %add3A_746 = arith.addi %mul3A_624, %add3A_745 : i32
      %get3A_747 = arith.constant 2 : i32
      %get3A_748 = arith.index_cast %get3A_747 : i32 to index
      %get3A_749 = arith.index_cast %add3A_746 : i32 to index
      %get3A_750 = arith.constant 32 : index
      %get3A_751 = tpu.vector_load %arg6[%get3A_748, %get3A_749, %get3A_750] {strides = array<i32>} : memref<4x128x64xf32, #tpu.memory_space<vmem>>, vector<1x1x16xf32>,
      %get3A_752 = vector.shape_cast %get3A_751 : vector<1x1x16xf32> to vector<16xf32>
      %mul3A_753 = arith.constant 8.000000e+00 : f32
      %mul3A_754 = vector.broadcast %mul3A_753 : f32 to vector<16xf32>
      %mul3A_755 = arith.mulf %get3A_752, %mul3A_754 : vector<16xf32>
      %add3A_756 = arith.constant 1 : i32
      %add3A_757 = arith.addi %mul3A_624, %add3A_756 : i32
      %swap3A_758 = arith.constant 2 : i32
      %swap3A_759 = arith.index_cast %swap3A_758 : i32 to index
      %swap3A_760 = arith.index_cast %add3A_757 : i32 to index
      %swap3A_761 = arith.constant 32 : index
      %swap3A_762 = tpu.vector_load %arg7[%swap3A_759, %swap3A_760, %swap3A_761] {strides = array<i32>} : memref<4x128x64xf32, #tpu.memory_space<vmem>>, vector<1x1x16xf32>,
      %swap3A_763 = vector.shape_cast %swap3A_762 : vector<1x1x16xf32> to vector<16xf32>
      %swap3A_764 = vector.shape_cast %mul3A_755 : vector<16xf32> to vector<1x1x16xf32>
      tpu.vector_store %arg7[%swap3A_759, %swap3A_760, %swap3A_761], %swap3A_764 {strides = array<i32>} : memref<4x128x64xf32, #tpu.memory_space<vmem>>, vector<1x1x16xf32>,
      %add3A_765 = arith.constant 1 : i32
      %add3A_766 = arith.addi %mul3A_624, %add3A_765 : i32
      %get3A_767 = arith.constant 2 : i32
      %get3A_768 = arith.index_cast %get3A_767 : i32 to index
      %get3A_769 = arith.index_cast %add3A_766 : i32 to index
      %get3A_770 = arith.constant 48 : index
      %get3A_771 = tpu.vector_load %arg6[%get3A_768, %get3A_769, %get3A_770] {strides = array<i32>} : memref<4x128x64xf32, #tpu.memory_space<vmem>>, vector<1x1x16xf32>,
      %get3A_772 = vector.shape_cast %get3A_771 : vector<1x1x16xf32> to vector<16xf32>
      %mul3A_773 = arith.constant 8.000000e+00 : f32
      %mul3A_774 = vector.broadcast %mul3A_773 : f32 to vector<16xf32>
      %mul3A_775 = arith.mulf %get3A_772, %mul3A_774 : vector<16xf32>
      %add3A_776 = arith.constant 1 : i32
      %add3A_777 = arith.addi %mul3A_624, %add3A_776 : i32
      %swap3A_778 = arith.constant 2 : i32
      %swap3A_779 = arith.index_cast %swap3A_778 : i32 to index
      %swap3A_780 = arith.index_cast %add3A_777 : i32 to index
      %swap3A_781 = arith.constant 48 : index
      %swap3A_782 = tpu.vector_load %arg7[%swap3A_779, %swap3A_780, %swap3A_781] {strides = array<i32>} : memref<4x128x64xf32, #tpu.memory_space<vmem>>, vector<1x1x16xf32>,
      %swap3A_783 = vector.shape_cast %swap3A_782 : vector<1x1x16xf32> to vector<16xf32>
      %swap3A_784 = vector.shape_cast %mul3A_775 : vector<16xf32> to vector<1x1x16xf32>
      tpu.vector_store %arg7[%swap3A_779, %swap3A_780, %swap3A_781], %swap3A_784 {strides = array<i32>} : memref<4x128x64xf32, #tpu.memory_space<vmem>>, vector<1x1x16xf32>,
    }
    %scan3A_338 = arith.constant 64 : i32
    %add3A_339 = arith.constant 25344 : i32
    %add3A_340 = arith.addi %mul3A_2, %add3A_339 : i32
    %dma_start3A_341 = arith.constant 2 : i32
    %dma_start3A_342 = arith.constant 0 : i32
    %dma_start3A_343 = arith.constant 0 : i32
    %dma_start3A_344 = tpu.memref_slice %arg7[%dma_start3A_341, %dma_start3A_342, %dma_start3A_343] : memref<4x128x64xf32, #tpu.memory_space<vmem>> -> memref<1x128x64xf32, #tpu.memory_space<vmem>>
    %dma_start3A_345 = tpu.memref_squeeze %dma_start3A_344 : memref<1x128x64xf32, #tpu.memory_space<vmem>> -> memref<128x64xf32, #tpu.memory_space<vmem>>
    %dma_start3A_346 = arith.constant 0 : i32
    %dma_start3A_347 = tpu.memref_slice %arg4[%add3A_340, %dma_start3A_346] : memref<819200x64xf32, #tpu.memory_space<hbm>> -> memref<128x64xf32, #tpu.memory_space<hbm>>
    %dma_start3A_348 = arith.constant 0 : i32
    %dma_start3A_349 = tpu.memref_slice %arg4[%add3A_340, %dma_start3A_348] : memref<819200x64xf32, #tpu.memory_space<hbm>> -> memref<128x64xf32, #tpu.memory_space<hbm>>
    %dma_start3A_350 = arith.constant 0 : i32
    %dma_start3A_351 = arith.constant 0 : i32
    %dma_start3A_352 = tpu.memref_slice %arg7[%dma_start3A_341, %dma_start3A_350, %dma_start3A_351] : memref<4x128x64xf32, #tpu.memory_space<vmem>> -> memref<1x128x64xf32, #tpu.memory_space<vmem>>
    %dma_start3A_353 = tpu.memref_squeeze %dma_start3A_352 : memref<1x128x64xf32, #tpu.memory_space<vmem>> -> memref<128x64xf32, #tpu.memory_space<vmem>>
    tpu.enqueue_dma source(%dma_start3A_353 : memref<128x64xf32, #tpu.memory_space<vmem>>) target(%dma_start3A_349 : memref<128x64xf32, #tpu.memory_space<hbm>>) target_semaphore(%arg14 : memref<!tpu.dma_semaphore, #tpu.memory_space<semaphore_mem>>)
    %dma_wait3A_354 = arith.constant 3 : i32
    %dma_wait3A_355 = arith.constant 0 : i32
    %dma_wait3A_356 = arith.constant 0 : i32
    %dma_wait3A_357 = tpu.memref_slice %arg6[%dma_wait3A_354, %dma_wait3A_355, %dma_wait3A_356] : memref<4x128x64xf32, #tpu.memory_space<vmem>> -> memref<1x128x64xf32, #tpu.memory_space<vmem>>
    %dma_wait3A_358 = tpu.memref_squeeze %dma_wait3A_357 : memref<1x128x64xf32, #tpu.memory_space<vmem>> -> memref<128x64xf32, #tpu.memory_space<vmem>>
    %dma_wait3A_359 = arith.constant 0 : i32
    %dma_wait3A_360 = tpu.memref_slice %arg5[%dma_wait3A_359] : memref<25600xi32, #tpu.memory_space<vmem>> -> memref<128xi32, #tpu.memory_space<vmem>>
    %dma_wait3A_361 = arith.constant 0 : i32
    %dma_wait3A_362 = arith.constant 0 : i32
    %dma_wait3A_363 = tpu.memref_slice %arg3[%dma_wait3A_361, %dma_wait3A_362] : memref<2000000x64xf32, #tpu.memory_space<hbm>> -> memref<2000000x64xf32, #tpu.memory_space<hbm>>
    tpu.wait_indirect_dma semaphore(%arg11 : memref<!tpu.dma_semaphore, #tpu.memory_space<semaphore_mem>>) src(%dma_wait3A_363 : memref<2000000x64xf32, #tpu.memory_space<hbm>>) dst(%dma_wait3A_358 : memref<128x64xf32, #tpu.memory_space<vmem>>)
    %dma_wait3A_364 = arith.constant 3 : i32
    %dma_wait3A_365 = arith.constant 0 : i32
    %dma_wait3A_366 = arith.constant 0 : i32
    %dma_wait3A_367 = tpu.memref_slice %arg7[%dma_wait3A_364, %dma_wait3A_365, %dma_wait3A_366] : memref<4x128x64xf32, #tpu.memory_space<vmem>> -> memref<1x128x64xf32, #tpu.memory_space<vmem>>
    %dma_wait3A_368 = tpu.memref_squeeze %dma_wait3A_367 : memref<1x128x64xf32, #tpu.memory_space<vmem>> -> memref<128x64xf32, #tpu.memory_space<vmem>>
    %dma_wait3A_369 = arith.constant 0 : i32
    %dma_wait3A_370 = arith.constant 0 : i32
    %dma_wait3A_371 = tpu.memref_slice %arg4[%dma_wait3A_369, %dma_wait3A_370] : memref<819200x64xf32, #tpu.memory_space<hbm>> -> memref<128x64xf32, #tpu.memory_space<hbm>>
    %dma_wait3A_372 = arith.constant 0 : i32
    %dma_wait3A_373 = arith.constant 0 : i32
    %dma_wait3A_374 = tpu.memref_slice %arg4[%dma_wait3A_372, %dma_wait3A_373] : memref<819200x64xf32, #tpu.memory_space<hbm>> -> memref<128x64xf32, #tpu.memory_space<hbm>>
    %dma_wait3A_375 = arith.constant 0 : i32
    %dma_wait3A_376 = arith.constant 0 : i32
    %dma_wait3A_377 = tpu.memref_slice %arg7[%dma_wait3A_364, %dma_wait3A_375, %dma_wait3A_376] : memref<4x128x64xf32, #tpu.memory_space<vmem>> -> memref<1x128x64xf32, #tpu.memory_space<vmem>>
    %dma_wait3A_378 = tpu.memref_squeeze %dma_wait3A_377 : memref<1x128x64xf32, #tpu.memory_space<vmem>> -> memref<128x64xf32, #tpu.memory_space<vmem>>
    tpu.wait_dma2 semaphore(%arg15 : memref<!tpu.dma_semaphore, #tpu.memory_space<semaphore_mem>>) src(%dma_wait3A_378 : memref<128x64xf32, #tpu.memory_space<vmem>>) dst(%dma_wait3A_374 : memref<128x64xf32, #tpu.memory_space<hbm>>)
    %scan3A_379 = arith.constant 0 : i32
    %scan3A_380 = arith.constant 0 : i32
    %scan3A_381 = arith.constant 64 : i32
    %scan3A_382 = arith.addi %scan3A_380, %scan3A_381 : i32
    %scan3A_383 = arith.constant 2 : i32
    scf.for %scan3A_460 = %scan3A_380 to %scan3A_382 step %scan3A_383  : i32 {
      %mul3A_461 = arith.constant 2 : i32
      %mul3A_462 = arith.muli %mul3A_461, %scan3A_460 : i32
      %add3A_463 = arith.constant 0 : i32
      %add3A_464 = arith.addi %mul3A_462, %add3A_463 : i32
      %get3A = arith.constant 3 : i32
      %get3A_465 = arith.index_cast %get3A : i32 to index
      %get3A_466 = arith.index_cast %add3A_464 : i32 to index
      %get3A_467 = arith.constant 0 : index
      %get3A_468 = tpu.vector_load %arg6[%get3A_465, %get3A_466, %get3A_467] {strides = array<i32>} : memref<4x128x64xf32, #tpu.memory_space<vmem>>, vector<1x1x16xf32>,
      %get3A_469 = vector.shape_cast %get3A_468 : vector<1x1x16xf32> to vector<16xf32>
      %mul3A_470 = arith.constant 8.000000e+00 : f32
      %mul3A_471 = vector.broadcast %mul3A_470 : f32 to vector<16xf32>
      %mul3A_472 = arith.mulf %get3A_469, %mul3A_471 : vector<16xf32>
      %add3A_473 = arith.constant 0 : i32
      %add3A_474 = arith.addi %mul3A_462, %add3A_473 : i32
      %swap3A = arith.constant 3 : i32
      %swap3A_475 = arith.index_cast %swap3A : i32 to index
      %swap3A_476 = arith.index_cast %add3A_474 : i32 to index
      %swap3A_477 = arith.constant 0 : index
      %swap3A_478 = tpu.vector_load %arg7[%swap3A_475, %swap3A_476, %swap3A_477] {strides = array<i32>} : memref<4x128x64xf32, #tpu.memory_space<vmem>>, vector<1x1x16xf32>,
      %swap3A_479 = vector.shape_cast %swap3A_478 : vector<1x1x16xf32> to vector<16xf32>
      %swap3A_480 = vector.shape_cast %mul3A_472 : vector<16xf32> to vector<1x1x16xf32>
      tpu.vector_store %arg7[%swap3A_475, %swap3A_476, %swap3A_477], %swap3A_480 {strides = array<i32>} : memref<4x128x64xf32, #tpu.memory_space<vmem>>, vector<1x1x16xf32>,
      %add3A_481 = arith.constant 0 : i32
      %add3A_482 = arith.addi %mul3A_462, %add3A_481 : i32
      %get3A_483 = arith.constant 3 : i32
      %get3A_484 = arith.index_cast %get3A_483 : i32 to index
      %get3A_485 = arith.index_cast %add3A_482 : i32 to index
      %get3A_486 = arith.constant 16 : index
      %get3A_487 = tpu.vector_load %arg6[%get3A_484, %get3A_485, %get3A_486] {strides = array<i32>} : memref<4x128x64xf32, #tpu.memory_space<vmem>>, vector<1x1x16xf32>,
      %get3A_488 = vector.shape_cast %get3A_487 : vector<1x1x16xf32> to vector<16xf32>
      %mul3A_489 = arith.constant 8.000000e+00 : f32
      %mul3A_490 = vector.broadcast %mul3A_489 : f32 to vector<16xf32>
      %mul3A_491 = arith.mulf %get3A_488, %mul3A_490 : vector<16xf32>
      %add3A_492 = arith.constant 0 : i32
      %add3A_493 = arith.addi %mul3A_462, %add3A_492 : i32
      %swap3A_494 = arith.constant 3 : i32
      %swap3A_495 = arith.index_cast %swap3A_494 : i32 to index
      %swap3A_496 = arith.index_cast %add3A_493 : i32 to index
      %swap3A_497 = arith.constant 16 : index
      %swap3A_498 = tpu.vector_load %arg7[%swap3A_495, %swap3A_496, %swap3A_497] {strides = array<i32>} : memref<4x128x64xf32, #tpu.memory_space<vmem>>, vector<1x1x16xf32>,
      %swap3A_499 = vector.shape_cast %swap3A_498 : vector<1x1x16xf32> to vector<16xf32>
      %swap3A_500 = vector.shape_cast %mul3A_491 : vector<16xf32> to vector<1x1x16xf32>
      tpu.vector_store %arg7[%swap3A_495, %swap3A_496, %swap3A_497], %swap3A_500 {strides = array<i32>} : memref<4x128x64xf32, #tpu.memory_space<vmem>>, vector<1x1x16xf32>,
      %add3A_501 = arith.constant 0 : i32
      %add3A_502 = arith.addi %mul3A_462, %add3A_501 : i32
      %get3A_503 = arith.constant 3 : i32
      %get3A_504 = arith.index_cast %get3A_503 : i32 to index
      %get3A_505 = arith.index_cast %add3A_502 : i32 to index
      %get3A_506 = arith.constant 32 : index
      %get3A_507 = tpu.vector_load %arg6[%get3A_504, %get3A_505, %get3A_506] {strides = array<i32>} : memref<4x128x64xf32, #tpu.memory_space<vmem>>, vector<1x1x16xf32>,
      %get3A_508 = vector.shape_cast %get3A_507 : vector<1x1x16xf32> to vector<16xf32>
      %mul3A_509 = arith.constant 8.000000e+00 : f32
      %mul3A_510 = vector.broadcast %mul3A_509 : f32 to vector<16xf32>
      %mul3A_511 = arith.mulf %get3A_508, %mul3A_510 : vector<16xf32>
      %add3A_512 = arith.constant 0 : i32
      %add3A_513 = arith.addi %mul3A_462, %add3A_512 : i32
      %swap3A_514 = arith.constant 3 : i32
      %swap3A_515 = arith.index_cast %swap3A_514 : i32 to index
      %swap3A_516 = arith.index_cast %add3A_513 : i32 to index
      %swap3A_517 = arith.constant 32 : index
      %swap3A_518 = tpu.vector_load %arg7[%swap3A_515, %swap3A_516, %swap3A_517] {strides = array<i32>} : memref<4x128x64xf32, #tpu.memory_space<vmem>>, vector<1x1x16xf32>,
      %swap3A_519 = vector.shape_cast %swap3A_518 : vector<1x1x16xf32> to vector<16xf32>
      %swap3A_520 = vector.shape_cast %mul3A_511 : vector<16xf32> to vector<1x1x16xf32>
      tpu.vector_store %arg7[%swap3A_515, %swap3A_516, %swap3A_517], %swap3A_520 {strides = array<i32>} : memref<4x128x64xf32, #tpu.memory_space<vmem>>, vector<1x1x16xf32>,
      %add3A_521 = arith.constant 0 : i32
      %add3A_522 = arith.addi %mul3A_462, %add3A_521 : i32
      %get3A_523 = arith.constant 3 : i32
      %get3A_524 = arith.index_cast %get3A_523 : i32 to index
      %get3A_525 = arith.index_cast %add3A_522 : i32 to index
      %get3A_526 = arith.constant 48 : index
      %get3A_527 = tpu.vector_load %arg6[%get3A_524, %get3A_525, %get3A_526] {strides = array<i32>} : memref<4x128x64xf32, #tpu.memory_space<vmem>>, vector<1x1x16xf32>,
      %get3A_528 = vector.shape_cast %get3A_527 : vector<1x1x16xf32> to vector<16xf32>
      %mul3A_529 = arith.constant 8.000000e+00 : f32
      %mul3A_530 = vector.broadcast %mul3A_529 : f32 to vector<16xf32>
      %mul3A_531 = arith.mulf %get3A_528, %mul3A_530 : vector<16xf32>
      %add3A_532 = arith.constant 0 : i32
      %add3A_533 = arith.addi %mul3A_462, %add3A_532 : i32
      %swap3A_534 = arith.constant 3 : i32
      %swap3A_535 = arith.index_cast %swap3A_534 : i32 to index
      %swap3A_536 = arith.index_cast %add3A_533 : i32 to index
      %swap3A_537 = arith.constant 48 : index
      %swap3A_538 = tpu.vector_load %arg7[%swap3A_535, %swap3A_536, %swap3A_537] {strides = array<i32>} : memref<4x128x64xf32, #tpu.memory_space<vmem>>, vector<1x1x16xf32>,
      %swap3A_539 = vector.shape_cast %swap3A_538 : vector<1x1x16xf32> to vector<16xf32>
      %swap3A_540 = vector.shape_cast %mul3A_531 : vector<16xf32> to vector<1x1x16xf32>
      tpu.vector_store %arg7[%swap3A_535, %swap3A_536, %swap3A_537], %swap3A_540 {strides = array<i32>} : memref<4x128x64xf32, #tpu.memory_space<vmem>>, vector<1x1x16xf32>,
      %add3A_541 = arith.constant 1 : i32
      %add3A_542 = arith.addi %mul3A_462, %add3A_541 : i32
      %get3A_543 = arith.constant 3 : i32
      %get3A_544 = arith.index_cast %get3A_543 : i32 to index
      %get3A_545 = arith.index_cast %add3A_542 : i32 to index
      %get3A_546 = arith.constant 0 : index
      %get3A_547 = tpu.vector_load %arg6[%get3A_544, %get3A_545, %get3A_546] {strides = array<i32>} : memref<4x128x64xf32, #tpu.memory_space<vmem>>, vector<1x1x16xf32>,
      %get3A_548 = vector.shape_cast %get3A_547 : vector<1x1x16xf32> to vector<16xf32>
      %mul3A_549 = arith.constant 8.000000e+00 : f32
      %mul3A_550 = vector.broadcast %mul3A_549 : f32 to vector<16xf32>
      %mul3A_551 = arith.mulf %get3A_548, %mul3A_550 : vector<16xf32>
      %add3A_552 = arith.constant 1 : i32
      %add3A_553 = arith.addi %mul3A_462, %add3A_552 : i32
      %swap3A_554 = arith.constant 3 : i32
      %swap3A_555 = arith.index_cast %swap3A_554 : i32 to index
      %swap3A_556 = arith.index_cast %add3A_553 : i32 to index
      %swap3A_557 = arith.constant 0 : index
      %swap3A_558 = tpu.vector_load %arg7[%swap3A_555, %swap3A_556, %swap3A_557] {strides = array<i32>} : memref<4x128x64xf32, #tpu.memory_space<vmem>>, vector<1x1x16xf32>,
      %swap3A_559 = vector.shape_cast %swap3A_558 : vector<1x1x16xf32> to vector<16xf32>
      %swap3A_560 = vector.shape_cast %mul3A_551 : vector<16xf32> to vector<1x1x16xf32>
      tpu.vector_store %arg7[%swap3A_555, %swap3A_556, %swap3A_557], %swap3A_560 {strides = array<i32>} : memref<4x128x64xf32, #tpu.memory_space<vmem>>, vector<1x1x16xf32>,
      %add3A_561 = arith.constant 1 : i32
      %add3A_562 = arith.addi %mul3A_462, %add3A_561 : i32
      %get3A_563 = arith.constant 3 : i32
      %get3A_564 = arith.index_cast %get3A_563 : i32 to index
      %get3A_565 = arith.index_cast %add3A_562 : i32 to index
      %get3A_566 = arith.constant 16 : index
      %get3A_567 = tpu.vector_load %arg6[%get3A_564, %get3A_565, %get3A_566] {strides = array<i32>} : memref<4x128x64xf32, #tpu.memory_space<vmem>>, vector<1x1x16xf32>,
      %get3A_568 = vector.shape_cast %get3A_567 : vector<1x1x16xf32> to vector<16xf32>
      %mul3A_569 = arith.constant 8.000000e+00 : f32
      %mul3A_570 = vector.broadcast %mul3A_569 : f32 to vector<16xf32>
      %mul3A_571 = arith.mulf %get3A_568, %mul3A_570 : vector<16xf32>
      %add3A_572 = arith.constant 1 : i32
      %add3A_573 = arith.addi %mul3A_462, %add3A_572 : i32
      %swap3A_574 = arith.constant 3 : i32
      %swap3A_575 = arith.index_cast %swap3A_574 : i32 to index
      %swap3A_576 = arith.index_cast %add3A_573 : i32 to index
      %swap3A_577 = arith.constant 16 : index
      %swap3A_578 = tpu.vector_load %arg7[%swap3A_575, %swap3A_576, %swap3A_577] {strides = array<i32>} : memref<4x128x64xf32, #tpu.memory_space<vmem>>, vector<1x1x16xf32>,
      %swap3A_579 = vector.shape_cast %swap3A_578 : vector<1x1x16xf32> to vector<16xf32>
      %swap3A_580 = vector.shape_cast %mul3A_571 : vector<16xf32> to vector<1x1x16xf32>
      tpu.vector_store %arg7[%swap3A_575, %swap3A_576, %swap3A_577], %swap3A_580 {strides = array<i32>} : memref<4x128x64xf32, #tpu.memory_space<vmem>>, vector<1x1x16xf32>,
      %add3A_581 = arith.constant 1 : i32
      %add3A_582 = arith.addi %mul3A_462, %add3A_581 : i32
      %get3A_583 = arith.constant 3 : i32
      %get3A_584 = arith.index_cast %get3A_583 : i32 to index
      %get3A_585 = arith.index_cast %add3A_582 : i32 to index
      %get3A_586 = arith.constant 32 : index
      %get3A_587 = tpu.vector_load %arg6[%get3A_584, %get3A_585, %get3A_586] {strides = array<i32>} : memref<4x128x64xf32, #tpu.memory_space<vmem>>, vector<1x1x16xf32>,
      %get3A_588 = vector.shape_cast %get3A_587 : vector<1x1x16xf32> to vector<16xf32>
      %mul3A_589 = arith.constant 8.000000e+00 : f32
      %mul3A_590 = vector.broadcast %mul3A_589 : f32 to vector<16xf32>
      %mul3A_591 = arith.mulf %get3A_588, %mul3A_590 : vector<16xf32>
      %add3A_592 = arith.constant 1 : i32
      %add3A_593 = arith.addi %mul3A_462, %add3A_592 : i32
      %swap3A_594 = arith.constant 3 : i32
      %swap3A_595 = arith.index_cast %swap3A_594 : i32 to index
      %swap3A_596 = arith.index_cast %add3A_593 : i32 to index
      %swap3A_597 = arith.constant 32 : index
      %swap3A_598 = tpu.vector_load %arg7[%swap3A_595, %swap3A_596, %swap3A_597] {strides = array<i32>} : memref<4x128x64xf32, #tpu.memory_space<vmem>>, vector<1x1x16xf32>,
      %swap3A_599 = vector.shape_cast %swap3A_598 : vector<1x1x16xf32> to vector<16xf32>
      %swap3A_600 = vector.shape_cast %mul3A_591 : vector<16xf32> to vector<1x1x16xf32>
      tpu.vector_store %arg7[%swap3A_595, %swap3A_596, %swap3A_597], %swap3A_600 {strides = array<i32>} : memref<4x128x64xf32, #tpu.memory_space<vmem>>, vector<1x1x16xf32>,
      %add3A_601 = arith.constant 1 : i32
      %add3A_602 = arith.addi %mul3A_462, %add3A_601 : i32
      %get3A_603 = arith.constant 3 : i32
      %get3A_604 = arith.index_cast %get3A_603 : i32 to index
      %get3A_605 = arith.index_cast %add3A_602 : i32 to index
      %get3A_606 = arith.constant 48 : index
      %get3A_607 = tpu.vector_load %arg6[%get3A_604, %get3A_605, %get3A_606] {strides = array<i32>} : memref<4x128x64xf32, #tpu.memory_space<vmem>>, vector<1x1x16xf32>,
      %get3A_608 = vector.shape_cast %get3A_607 : vector<1x1x16xf32> to vector<16xf32>
      %mul3A_609 = arith.constant 8.000000e+00 : f32
      %mul3A_610 = vector.broadcast %mul3A_609 : f32 to vector<16xf32>
      %mul3A_611 = arith.mulf %get3A_608, %mul3A_610 : vector<16xf32>
      %add3A_612 = arith.constant 1 : i32
      %add3A_613 = arith.addi %mul3A_462, %add3A_612 : i32
      %swap3A_614 = arith.constant 3 : i32
      %swap3A_615 = arith.index_cast %swap3A_614 : i32 to index
      %swap3A_616 = arith.index_cast %add3A_613 : i32 to index
      %swap3A_617 = arith.constant 48 : index
      %swap3A_618 = tpu.vector_load %arg7[%swap3A_615, %swap3A_616, %swap3A_617] {strides = array<i32>} : memref<4x128x64xf32, #tpu.memory_space<vmem>>, vector<1x1x16xf32>,
      %swap3A_619 = vector.shape_cast %swap3A_618 : vector<1x1x16xf32> to vector<16xf32>
      %swap3A_620 = vector.shape_cast %mul3A_611 : vector<16xf32> to vector<1x1x16xf32>
      tpu.vector_store %arg7[%swap3A_615, %swap3A_616, %swap3A_617], %swap3A_620 {strides = array<i32>} : memref<4x128x64xf32, #tpu.memory_space<vmem>>, vector<1x1x16xf32>,
      %scan3A_621 = arith.constant 1 : i32
      %scan3A_622 = arith.addi %scan3A_460, %scan3A_621 : i32
      %mul3A_623 = arith.constant 2 : i32
      %mul3A_624 = arith.muli %mul3A_623, %scan3A_622 : i32
      %add3A_625 = arith.constant 0 : i32
      %add3A_626 = arith.addi %mul3A_624, %add3A_625 : i32
      %get3A_627 = arith.constant 3 : i32
      %get3A_628 = arith.index_cast %get3A_627 : i32 to index
      %get3A_629 = arith.index_cast %add3A_626 : i32 to index
      %get3A_630 = arith.constant 0 : index
      %get3A_631 = tpu.vector_load %arg6[%get3A_628, %get3A_629, %get3A_630] {strides = array<i32>} : memref<4x128x64xf32, #tpu.memory_space<vmem>>, vector<1x1x16xf32>,
      %get3A_632 = vector.shape_cast %get3A_631 : vector<1x1x16xf32> to vector<16xf32>
      %mul3A_633 = arith.constant 8.000000e+00 : f32
      %mul3A_634 = vector.broadcast %mul3A_633 : f32 to vector<16xf32>
      %mul3A_635 = arith.mulf %get3A_632, %mul3A_634 : vector<16xf32>
      %add3A_636 = arith.constant 0 : i32
      %add3A_637 = arith.addi %mul3A_624, %add3A_636 : i32
      %swap3A_638 = arith.constant 3 : i32
      %swap3A_639 = arith.index_cast %swap3A_638 : i32 to index
      %swap3A_640 = arith.index_cast %add3A_637 : i32 to index
      %swap3A_641 = arith.constant 0 : index
      %swap3A_642 = tpu.vector_load %arg7[%swap3A_639, %swap3A_640, %swap3A_641] {strides = array<i32>} : memref<4x128x64xf32, #tpu.memory_space<vmem>>, vector<1x1x16xf32>,
      %swap3A_643 = vector.shape_cast %swap3A_642 : vector<1x1x16xf32> to vector<16xf32>
      %swap3A_644 = vector.shape_cast %mul3A_635 : vector<16xf32> to vector<1x1x16xf32>
      tpu.vector_store %arg7[%swap3A_639, %swap3A_640, %swap3A_641], %swap3A_644 {strides = array<i32>} : memref<4x128x64xf32, #tpu.memory_space<vmem>>, vector<1x1x16xf32>,
      %add3A_645 = arith.constant 0 : i32
      %add3A_646 = arith.addi %mul3A_624, %add3A_645 : i32
      %get3A_647 = arith.constant 3 : i32
      %get3A_648 = arith.index_cast %get3A_647 : i32 to index
      %get3A_649 = arith.index_cast %add3A_646 : i32 to index
      %get3A_650 = arith.constant 16 : index
      %get3A_651 = tpu.vector_load %arg6[%get3A_648, %get3A_649, %get3A_650] {strides = array<i32>} : memref<4x128x64xf32, #tpu.memory_space<vmem>>, vector<1x1x16xf32>,
      %get3A_652 = vector.shape_cast %get3A_651 : vector<1x1x16xf32> to vector<16xf32>
      %mul3A_653 = arith.constant 8.000000e+00 : f32
      %mul3A_654 = vector.broadcast %mul3A_653 : f32 to vector<16xf32>
      %mul3A_655 = arith.mulf %get3A_652, %mul3A_654 : vector<16xf32>
      %add3A_656 = arith.constant 0 : i32
      %add3A_657 = arith.addi %mul3A_624, %add3A_656 : i32
      %swap3A_658 = arith.constant 3 : i32
      %swap3A_659 = arith.index_cast %swap3A_658 : i32 to index
      %swap3A_660 = arith.index_cast %add3A_657 : i32 to index
      %swap3A_661 = arith.constant 16 : index
      %swap3A_662 = tpu.vector_load %arg7[%swap3A_659, %swap3A_660, %swap3A_661] {strides = array<i32>} : memref<4x128x64xf32, #tpu.memory_space<vmem>>, vector<1x1x16xf32>,
      %swap3A_663 = vector.shape_cast %swap3A_662 : vector<1x1x16xf32> to vector<16xf32>
      %swap3A_664 = vector.shape_cast %mul3A_655 : vector<16xf32> to vector<1x1x16xf32>
      tpu.vector_store %arg7[%swap3A_659, %swap3A_660, %swap3A_661], %swap3A_664 {strides = array<i32>} : memref<4x128x64xf32, #tpu.memory_space<vmem>>, vector<1x1x16xf32>,
      %add3A_665 = arith.constant 0 : i32
      %add3A_666 = arith.addi %mul3A_624, %add3A_665 : i32
      %get3A_667 = arith.constant 3 : i32
      %get3A_668 = arith.index_cast %get3A_667 : i32 to index
      %get3A_669 = arith.index_cast %add3A_666 : i32 to index
      %get3A_670 = arith.constant 32 : index
      %get3A_671 = tpu.vector_load %arg6[%get3A_668, %get3A_669, %get3A_670] {strides = array<i32>} : memref<4x128x64xf32, #tpu.memory_space<vmem>>, vector<1x1x16xf32>,
      %get3A_672 = vector.shape_cast %get3A_671 : vector<1x1x16xf32> to vector<16xf32>
      %mul3A_673 = arith.constant 8.000000e+00 : f32
      %mul3A_674 = vector.broadcast %mul3A_673 : f32 to vector<16xf32>
      %mul3A_675 = arith.mulf %get3A_672, %mul3A_674 : vector<16xf32>
      %add3A_676 = arith.constant 0 : i32
      %add3A_677 = arith.addi %mul3A_624, %add3A_676 : i32
      %swap3A_678 = arith.constant 3 : i32
      %swap3A_679 = arith.index_cast %swap3A_678 : i32 to index
      %swap3A_680 = arith.index_cast %add3A_677 : i32 to index
      %swap3A_681 = arith.constant 32 : index
      %swap3A_682 = tpu.vector_load %arg7[%swap3A_679, %swap3A_680, %swap3A_681] {strides = array<i32>} : memref<4x128x64xf32, #tpu.memory_space<vmem>>, vector<1x1x16xf32>,
      %swap3A_683 = vector.shape_cast %swap3A_682 : vector<1x1x16xf32> to vector<16xf32>
      %swap3A_684 = vector.shape_cast %mul3A_675 : vector<16xf32> to vector<1x1x16xf32>
      tpu.vector_store %arg7[%swap3A_679, %swap3A_680, %swap3A_681], %swap3A_684 {strides = array<i32>} : memref<4x128x64xf32, #tpu.memory_space<vmem>>, vector<1x1x16xf32>,
      %add3A_685 = arith.constant 0 : i32
      %add3A_686 = arith.addi %mul3A_624, %add3A_685 : i32
      %get3A_687 = arith.constant 3 : i32
      %get3A_688 = arith.index_cast %get3A_687 : i32 to index
      %get3A_689 = arith.index_cast %add3A_686 : i32 to index
      %get3A_690 = arith.constant 48 : index
      %get3A_691 = tpu.vector_load %arg6[%get3A_688, %get3A_689, %get3A_690] {strides = array<i32>} : memref<4x128x64xf32, #tpu.memory_space<vmem>>, vector<1x1x16xf32>,
      %get3A_692 = vector.shape_cast %get3A_691 : vector<1x1x16xf32> to vector<16xf32>
      %mul3A_693 = arith.constant 8.000000e+00 : f32
      %mul3A_694 = vector.broadcast %mul3A_693 : f32 to vector<16xf32>
      %mul3A_695 = arith.mulf %get3A_692, %mul3A_694 : vector<16xf32>
      %add3A_696 = arith.constant 0 : i32
      %add3A_697 = arith.addi %mul3A_624, %add3A_696 : i32
      %swap3A_698 = arith.constant 3 : i32
      %swap3A_699 = arith.index_cast %swap3A_698 : i32 to index
      %swap3A_700 = arith.index_cast %add3A_697 : i32 to index
      %swap3A_701 = arith.constant 48 : index
      %swap3A_702 = tpu.vector_load %arg7[%swap3A_699, %swap3A_700, %swap3A_701] {strides = array<i32>} : memref<4x128x64xf32, #tpu.memory_space<vmem>>, vector<1x1x16xf32>,
      %swap3A_703 = vector.shape_cast %swap3A_702 : vector<1x1x16xf32> to vector<16xf32>
      %swap3A_704 = vector.shape_cast %mul3A_695 : vector<16xf32> to vector<1x1x16xf32>
      tpu.vector_store %arg7[%swap3A_699, %swap3A_700, %swap3A_701], %swap3A_704 {strides = array<i32>} : memref<4x128x64xf32, #tpu.memory_space<vmem>>, vector<1x1x16xf32>,
      %add3A_705 = arith.constant 1 : i32
      %add3A_706 = arith.addi %mul3A_624, %add3A_705 : i32
      %get3A_707 = arith.constant 3 : i32
      %get3A_708 = arith.index_cast %get3A_707 : i32 to index
      %get3A_709 = arith.index_cast %add3A_706 : i32 to index
      %get3A_710 = arith.constant 0 : index
      %get3A_711 = tpu.vector_load %arg6[%get3A_708, %get3A_709, %get3A_710] {strides = array<i32>} : memref<4x128x64xf32, #tpu.memory_space<vmem>>, vector<1x1x16xf32>,
      %get3A_712 = vector.shape_cast %get3A_711 : vector<1x1x16xf32> to vector<16xf32>
      %mul3A_713 = arith.constant 8.000000e+00 : f32
      %mul3A_714 = vector.broadcast %mul3A_713 : f32 to vector<16xf32>
      %mul3A_715 = arith.mulf %get3A_712, %mul3A_714 : vector<16xf32>
      %add3A_716 = arith.constant 1 : i32
      %add3A_717 = arith.addi %mul3A_624, %add3A_716 : i32
      %swap3A_718 = arith.constant 3 : i32
      %swap3A_719 = arith.index_cast %swap3A_718 : i32 to index
      %swap3A_720 = arith.index_cast %add3A_717 : i32 to index
      %swap3A_721 = arith.constant 0 : index
      %swap3A_722 = tpu.vector_load %arg7[%swap3A_719, %swap3A_720, %swap3A_721] {strides = array<i32>} : memref<4x128x64xf32, #tpu.memory_space<vmem>>, vector<1x1x16xf32>,
      %swap3A_723 = vector.shape_cast %swap3A_722 : vector<1x1x16xf32> to vector<16xf32>
      %swap3A_724 = vector.shape_cast %mul3A_715 : vector<16xf32> to vector<1x1x16xf32>
      tpu.vector_store %arg7[%swap3A_719, %swap3A_720, %swap3A_721], %swap3A_724 {strides = array<i32>} : memref<4x128x64xf32, #tpu.memory_space<vmem>>, vector<1x1x16xf32>,
      %add3A_725 = arith.constant 1 : i32
      %add3A_726 = arith.addi %mul3A_624, %add3A_725 : i32
      %get3A_727 = arith.constant 3 : i32
      %get3A_728 = arith.index_cast %get3A_727 : i32 to index
      %get3A_729 = arith.index_cast %add3A_726 : i32 to index
      %get3A_730 = arith.constant 16 : index
      %get3A_731 = tpu.vector_load %arg6[%get3A_728, %get3A_729, %get3A_730] {strides = array<i32>} : memref<4x128x64xf32, #tpu.memory_space<vmem>>, vector<1x1x16xf32>,
      %get3A_732 = vector.shape_cast %get3A_731 : vector<1x1x16xf32> to vector<16xf32>
      %mul3A_733 = arith.constant 8.000000e+00 : f32
      %mul3A_734 = vector.broadcast %mul3A_733 : f32 to vector<16xf32>
      %mul3A_735 = arith.mulf %get3A_732, %mul3A_734 : vector<16xf32>
      %add3A_736 = arith.constant 1 : i32
      %add3A_737 = arith.addi %mul3A_624, %add3A_736 : i32
      %swap3A_738 = arith.constant 3 : i32
      %swap3A_739 = arith.index_cast %swap3A_738 : i32 to index
      %swap3A_740 = arith.index_cast %add3A_737 : i32 to index
      %swap3A_741 = arith.constant 16 : index
      %swap3A_742 = tpu.vector_load %arg7[%swap3A_739, %swap3A_740, %swap3A_741] {strides = array<i32>} : memref<4x128x64xf32, #tpu.memory_space<vmem>>, vector<1x1x16xf32>,
      %swap3A_743 = vector.shape_cast %swap3A_742 : vector<1x1x16xf32> to vector<16xf32>
      %swap3A_744 = vector.shape_cast %mul3A_735 : vector<16xf32> to vector<1x1x16xf32>
      tpu.vector_store %arg7[%swap3A_739, %swap3A_740, %swap3A_741], %swap3A_744 {strides = array<i32>} : memref<4x128x64xf32, #tpu.memory_space<vmem>>, vector<1x1x16xf32>,
      %add3A_745 = arith.constant 1 : i32
      %add3A_746 = arith.addi %mul3A_624, %add3A_745 : i32
      %get3A_747 = arith.constant 3 : i32
      %get3A_748 = arith.index_cast %get3A_747 : i32 to index
      %get3A_749 = arith.index_cast %add3A_746 : i32 to index
      %get3A_750 = arith.constant 32 : index
      %get3A_751 = tpu.vector_load %arg6[%get3A_748, %get3A_749, %get3A_750] {strides = array<i32>} : memref<4x128x64xf32, #tpu.memory_space<vmem>>, vector<1x1x16xf32>,
      %get3A_752 = vector.shape_cast %get3A_751 : vector<1x1x16xf32> to vector<16xf32>
      %mul3A_753 = arith.constant 8.000000e+00 : f32
      %mul3A_754 = vector.broadcast %mul3A_753 : f32 to vector<16xf32>
      %mul3A_755 = arith.mulf %get3A_752, %mul3A_754 : vector<16xf32>
      %add3A_756 = arith.constant 1 : i32
      %add3A_757 = arith.addi %mul3A_624, %add3A_756 : i32
      %swap3A_758 = arith.constant 3 : i32
      %swap3A_759 = arith.index_cast %swap3A_758 : i32 to index
      %swap3A_760 = arith.index_cast %add3A_757 : i32 to index
      %swap3A_761 = arith.constant 32 : index
      %swap3A_762 = tpu.vector_load %arg7[%swap3A_759, %swap3A_760, %swap3A_761] {strides = array<i32>} : memref<4x128x64xf32, #tpu.memory_space<vmem>>, vector<1x1x16xf32>,
      %swap3A_763 = vector.shape_cast %swap3A_762 : vector<1x1x16xf32> to vector<16xf32>
      %swap3A_764 = vector.shape_cast %mul3A_755 : vector<16xf32> to vector<1x1x16xf32>
      tpu.vector_store %arg7[%swap3A_759, %swap3A_760, %swap3A_761], %swap3A_764 {strides = array<i32>} : memref<4x128x64xf32, #tpu.memory_space<vmem>>, vector<1x1x16xf32>,
      %add3A_765 = arith.constant 1 : i32
      %add3A_766 = arith.addi %mul3A_624, %add3A_765 : i32
      %get3A_767 = arith.constant 3 : i32
      %get3A_768 = arith.index_cast %get3A_767 : i32 to index
      %get3A_769 = arith.index_cast %add3A_766 : i32 to index
      %get3A_770 = arith.constant 48 : index
      %get3A_771 = tpu.vector_load %arg6[%get3A_768, %get3A_769, %get3A_770] {strides = array<i32>} : memref<4x128x64xf32, #tpu.memory_space<vmem>>, vector<1x1x16xf32>,
      %get3A_772 = vector.shape_cast %get3A_771 : vector<1x1x16xf32> to vector<16xf32>
      %mul3A_773 = arith.constant 8.000000e+00 : f32
      %mul3A_774 = vector.broadcast %mul3A_773 : f32 to vector<16xf32>
      %mul3A_775 = arith.mulf %get3A_772, %mul3A_774 : vector<16xf32>
      %add3A_776 = arith.constant 1 : i32
      %add3A_777 = arith.addi %mul3A_624, %add3A_776 : i32
      %swap3A_778 = arith.constant 3 : i32
      %swap3A_779 = arith.index_cast %swap3A_778 : i32 to index
      %swap3A_780 = arith.index_cast %add3A_777 : i32 to index
      %swap3A_781 = arith.constant 48 : index
      %swap3A_782 = tpu.vector_load %arg7[%swap3A_779, %swap3A_780, %swap3A_781] {strides = array<i32>} : memref<4x128x64xf32, #tpu.memory_space<vmem>>, vector<1x1x16xf32>,
      %swap3A_783 = vector.shape_cast %swap3A_782 : vector<1x1x16xf32> to vector<16xf32>
      %swap3A_784 = vector.shape_cast %mul3A_775 : vector<16xf32> to vector<1x1x16xf32>
      tpu.vector_store %arg7[%swap3A_779, %swap3A_780, %swap3A_781], %swap3A_784 {strides = array<i32>} : memref<4x128x64xf32, #tpu.memory_space<vmem>>, vector<1x1x16xf32>,
    }
    %scan3A_384 = arith.constant 64 : i32
    %add3A_385 = arith.constant 25472 : i32
    %add3A_386 = arith.addi %mul3A_2, %add3A_385 : i32
    %dma_start3A_387 = arith.constant 3 : i32
    %dma_start3A_388 = arith.constant 0 : i32
    %dma_start3A_389 = arith.constant 0 : i32
    %dma_start3A_390 = tpu.memref_slice %arg7[%dma_start3A_387, %dma_start3A_388, %dma_start3A_389] : memref<4x128x64xf32, #tpu.memory_space<vmem>> -> memref<1x128x64xf32, #tpu.memory_space<vmem>>
    %dma_start3A_391 = tpu.memref_squeeze %dma_start3A_390 : memref<1x128x64xf32, #tpu.memory_space<vmem>> -> memref<128x64xf32, #tpu.memory_space<vmem>>
    %dma_start3A_392 = arith.constant 0 : i32
    %dma_start3A_393 = tpu.memref_slice %arg4[%add3A_386, %dma_start3A_392] : memref<819200x64xf32, #tpu.memory_space<hbm>> -> memref<128x64xf32, #tpu.memory_space<hbm>>
    %dma_start3A_394 = arith.constant 0 : i32
    %dma_start3A_395 = tpu.memref_slice %arg4[%add3A_386, %dma_start3A_394] : memref<819200x64xf32, #tpu.memory_space<hbm>> -> memref<128x64xf32, #tpu.memory_space<hbm>>
    %dma_start3A_396 = arith.constant 0 : i32
    %dma_start3A_397 = arith.constant 0 : i32
    %dma_start3A_398 = tpu.memref_slice %arg7[%dma_start3A_387, %dma_start3A_396, %dma_start3A_397] : memref<4x128x64xf32, #tpu.memory_space<vmem>> -> memref<1x128x64xf32, #tpu.memory_space<vmem>>
    %dma_start3A_399 = tpu.memref_squeeze %dma_start3A_398 : memref<1x128x64xf32, #tpu.memory_space<vmem>> -> memref<128x64xf32, #tpu.memory_space<vmem>>
    tpu.enqueue_dma source(%dma_start3A_399 : memref<128x64xf32, #tpu.memory_space<vmem>>) target(%dma_start3A_395 : memref<128x64xf32, #tpu.memory_space<hbm>>) target_semaphore(%arg15 : memref<!tpu.dma_semaphore, #tpu.memory_space<semaphore_mem>>)
    %dma_wait3A_400 = arith.constant 0 : i32
    %dma_wait3A_401 = arith.constant 0 : i32
    %dma_wait3A_402 = arith.constant 0 : i32
    %dma_wait3A_403 = tpu.memref_slice %arg7[%dma_wait3A_400, %dma_wait3A_401, %dma_wait3A_402] : memref<4x128x64xf32, #tpu.memory_space<vmem>> -> memref<1x128x64xf32, #tpu.memory_space<vmem>>
    %dma_wait3A_404 = tpu.memref_squeeze %dma_wait3A_403 : memref<1x128x64xf32, #tpu.memory_space<vmem>> -> memref<128x64xf32, #tpu.memory_space<vmem>>
    %dma_wait3A_405 = arith.constant 0 : i32
    %dma_wait3A_406 = arith.constant 0 : i32
    %dma_wait3A_407 = tpu.memref_slice %arg4[%dma_wait3A_405, %dma_wait3A_406] : memref<819200x64xf32, #tpu.memory_space<hbm>> -> memref<128x64xf32, #tpu.memory_space<hbm>>
    %dma_wait3A_408 = arith.constant 0 : i32
    %dma_wait3A_409 = arith.constant 0 : i32
    %dma_wait3A_410 = tpu.memref_slice %arg4[%dma_wait3A_408, %dma_wait3A_409] : memref<819200x64xf32, #tpu.memory_space<hbm>> -> memref<128x64xf32, #tpu.memory_space<hbm>>
    %dma_wait3A_411 = arith.constant 0 : i32
    %dma_wait3A_412 = arith.constant 0 : i32
    %dma_wait3A_413 = tpu.memref_slice %arg7[%dma_wait3A_400, %dma_wait3A_411, %dma_wait3A_412] : memref<4x128x64xf32, #tpu.memory_space<vmem>> -> memref<1x128x64xf32, #tpu.memory_space<vmem>>
    %dma_wait3A_414 = tpu.memref_squeeze %dma_wait3A_413 : memref<1x128x64xf32, #tpu.memory_space<vmem>> -> memref<128x64xf32, #tpu.memory_space<vmem>>
    tpu.wait_dma2 semaphore(%arg12 : memref<!tpu.dma_semaphore, #tpu.memory_space<semaphore_mem>>) src(%dma_wait3A_414 : memref<128x64xf32, #tpu.memory_space<vmem>>) dst(%dma_wait3A_410 : memref<128x64xf32, #tpu.memory_space<hbm>>)
    %dma_wait3A_415 = arith.constant 1 : i32
    %dma_wait3A_416 = arith.constant 0 : i32
    %dma_wait3A_417 = arith.constant 0 : i32
    %dma_wait3A_418 = tpu.memref_slice %arg7[%dma_wait3A_415, %dma_wait3A_416, %dma_wait3A_417] : memref<4x128x64xf32, #tpu.memory_space<vmem>> -> memref<1x128x64xf32, #tpu.memory_space<vmem>>
    %dma_wait3A_419 = tpu.memref_squeeze %dma_wait3A_418 : memref<1x128x64xf32, #tpu.memory_space<vmem>> -> memref<128x64xf32, #tpu.memory_space<vmem>>
    %dma_wait3A_420 = arith.constant 0 : i32
    %dma_wait3A_421 = arith.constant 0 : i32
    %dma_wait3A_422 = tpu.memref_slice %arg4[%dma_wait3A_420, %dma_wait3A_421] : memref<819200x64xf32, #tpu.memory_space<hbm>> -> memref<128x64xf32, #tpu.memory_space<hbm>>
    %dma_wait3A_423 = arith.constant 0 : i32
    %dma_wait3A_424 = arith.constant 0 : i32
    %dma_wait3A_425 = tpu.memref_slice %arg4[%dma_wait3A_423, %dma_wait3A_424] : memref<819200x64xf32, #tpu.memory_space<hbm>> -> memref<128x64xf32, #tpu.memory_space<hbm>>
    %dma_wait3A_426 = arith.constant 0 : i32
    %dma_wait3A_427 = arith.constant 0 : i32
    %dma_wait3A_428 = tpu.memref_slice %arg7[%dma_wait3A_415, %dma_wait3A_426, %dma_wait3A_427] : memref<4x128x64xf32, #tpu.memory_space<vmem>> -> memref<1x128x64xf32, #tpu.memory_space<vmem>>
    %dma_wait3A_429 = tpu.memref_squeeze %dma_wait3A_428 : memref<1x128x64xf32, #tpu.memory_space<vmem>> -> memref<128x64xf32, #tpu.memory_space<vmem>>
    tpu.wait_dma2 semaphore(%arg13 : memref<!tpu.dma_semaphore, #tpu.memory_space<semaphore_mem>>) src(%dma_wait3A_429 : memref<128x64xf32, #tpu.memory_space<vmem>>) dst(%dma_wait3A_425 : memref<128x64xf32, #tpu.memory_space<hbm>>)
    %dma_wait3A_430 = arith.constant 2 : i32
    %dma_wait3A_431 = arith.constant 0 : i32
    %dma_wait3A_432 = arith.constant 0 : i32
    %dma_wait3A_433 = tpu.memref_slice %arg7[%dma_wait3A_430, %dma_wait3A_431, %dma_wait3A_432] : memref<4x128x64xf32, #tpu.memory_space<vmem>> -> memref<1x128x64xf32, #tpu.memory_space<vmem>>
    %dma_wait3A_434 = tpu.memref_squeeze %dma_wait3A_433 : memref<1x128x64xf32, #tpu.memory_space<vmem>> -> memref<128x64xf32, #tpu.memory_space<vmem>>
    %dma_wait3A_435 = arith.constant 0 : i32
    %dma_wait3A_436 = arith.constant 0 : i32
    %dma_wait3A_437 = tpu.memref_slice %arg4[%dma_wait3A_435, %dma_wait3A_436] : memref<819200x64xf32, #tpu.memory_space<hbm>> -> memref<128x64xf32, #tpu.memory_space<hbm>>
    %dma_wait3A_438 = arith.constant 0 : i32
    %dma_wait3A_439 = arith.constant 0 : i32
    %dma_wait3A_440 = tpu.memref_slice %arg4[%dma_wait3A_438, %dma_wait3A_439] : memref<819200x64xf32, #tpu.memory_space<hbm>> -> memref<128x64xf32, #tpu.memory_space<hbm>>
    %dma_wait3A_441 = arith.constant 0 : i32
    %dma_wait3A_442 = arith.constant 0 : i32
    %dma_wait3A_443 = tpu.memref_slice %arg7[%dma_wait3A_430, %dma_wait3A_441, %dma_wait3A_442] : memref<4x128x64xf32, #tpu.memory_space<vmem>> -> memref<1x128x64xf32, #tpu.memory_space<vmem>>
    %dma_wait3A_444 = tpu.memref_squeeze %dma_wait3A_443 : memref<1x128x64xf32, #tpu.memory_space<vmem>> -> memref<128x64xf32, #tpu.memory_space<vmem>>
    tpu.wait_dma2 semaphore(%arg14 : memref<!tpu.dma_semaphore, #tpu.memory_space<semaphore_mem>>) src(%dma_wait3A_444 : memref<128x64xf32, #tpu.memory_space<vmem>>) dst(%dma_wait3A_440 : memref<128x64xf32, #tpu.memory_space<hbm>>)
    %dma_wait3A_445 = arith.constant 3 : i32
    %dma_wait3A_446 = arith.constant 0 : i32
    %dma_wait3A_447 = arith.constant 0 : i32
    %dma_wait3A_448 = tpu.memref_slice %arg7[%dma_wait3A_445, %dma_wait3A_446, %dma_wait3A_447] : memref<4x128x64xf32, #tpu.memory_space<vmem>> -> memref<1x128x64xf32, #tpu.memory_space<vmem>>
    %dma_wait3A_449 = tpu.memref_squeeze %dma_wait3A_448 : memref<1x128x64xf32, #tpu.memory_space<vmem>> -> memref<128x64xf32, #tpu.memory_space<vmem>>
    %dma_wait3A_450 = arith.constant 0 : i32
    %dma_wait3A_451 = arith.constant 0 : i32
    %dma_wait3A_452 = tpu.memref_slice %arg4[%dma_wait3A_450, %dma_wait3A_451] : memref<819200x64xf32, #tpu.memory_space<hbm>> -> memref<128x64xf32, #tpu.memory_space<hbm>>
    %dma_wait3A_453 = arith.constant 0 : i32
    %dma_wait3A_454 = arith.constant 0 : i32
    %dma_wait3A_455 = tpu.memref_slice %arg4[%dma_wait3A_453, %dma_wait3A_454] : memref<819200x64xf32, #tpu.memory_space<hbm>> -> memref<128x64xf32, #tpu.memory_space<hbm>>
    %dma_wait3A_456 = arith.constant 0 : i32
    %dma_wait3A_457 = arith.constant 0 : i32
    %dma_wait3A_458 = tpu.memref_slice %arg7[%dma_wait3A_445, %dma_wait3A_456, %dma_wait3A_457] : memref<4x128x64xf32, #tpu.memory_space<vmem>> -> memref<1x128x64xf32, #tpu.memory_space<vmem>>
    %dma_wait3A_459 = tpu.memref_squeeze %dma_wait3A_458 : memref<1x128x64xf32, #tpu.memory_space<vmem>> -> memref<128x64xf32, #tpu.memory_space<vmem>>
    tpu.wait_dma2 semaphore(%arg15 : memref<!tpu.dma_semaphore, #tpu.memory_space<semaphore_mem>>) src(%dma_wait3A_459 : memref<128x64xf32, #tpu.memory_space<vmem>>) dst(%dma_wait3A_455 : memref<128x64xf32, #tpu.memory_space<hbm>>)
    return
  }
}

</mosaic_0001>

<sc_bundles>
// kernel: kernel.3.cloned.1.call-start
scs
__scs_entry_jumppad:
0x0: {  	(pc) =	sbr.rel $0x88, $3  }
0x1: {  	(tag) =	ssettag $0x0;
	lr =	simm.s32 $0x1  }
0x2: {  	[smem:$0x3F9F] =	sst lr;
	_ =	strace $0xD0000000  }
0x3: {  	_ = 	snop  }
0x4: {  	_ = 	snop  }
0x5: {  	_ = 	snop  }
0x6: {  	_ = 	snop  }
0x7: {  	_ = 	snop  }
__scs_overlays_trampoline_lowered:
0x8: {  	[smem:$0x3FAE] =	sst s0  }
0x9: {  	[smem:$0x3FAF] =	sst s1  }
0xa: {  	[smem:$0x3FB0] =	sst s2  }
0xb: {  	[smem:$0x3FB1] =	sst s3  }
0xc: {  	[smem:$0x3FB2] =	sst s4  }
0xd: {  	[smem:$0x3FB3] =	sst s5  }
0xe: {  	[smem:$0x3FB4] =	sst s6  }
0xf: {  	[smem:$0x3FB5] =	sst s7  }
0x10: {  	[smem:$0x3FB6] =	sst s8  }
0x11: {  	[smem:$0x3FB7] =	sst s9;
	s0 =	simm.s32 @!p0 $0x0  }
0x12: {  	s1 =	sld [smem:$0x3F9D];
	s0 =	simm.s32 @p0 $0x1  }
0x13: {  	[smem:$0x3FB8] =	sst s0;
	s0 =	simm.s32 @!p1 $0x0  }
0x14: {  	s2 =	sld [smem:$0x3F9C];
	s0 =	simm.s32 @p1 $0x1  }
0x15: {  	[smem:$0x3FB9] =	sst s0;
	s0 =	simm.s32 @!p2 $0x0  }
0x16: {  	s3 =	sld [smem:$0x3FDB];
	s0 =	simm.s32 @p2 $0x1  }
0x17: {  	s4 =	simm.s32 $0x1BF5;
	[smem:$0x3FBB] =	sst s0  }
0x18: {  	s0 =	sld [smem:$0x3F9E];
	_ =	swait.ge [sflag:s4], $0x0  }
0x19: {  	s7 =	sld [smem:$0x3F9F]  }
0x1a: {  	s8 =	sadd.s32 $0xFFFFE003, lr  }
0x1b: {  	s9 =	sadd.s32 $0xFFFFFEF7, lr;
	s5 =	simm.s32 $0xFFFFFFFF;
	p2 =	slt.u32 s8, $0xFFFFF086  }
0x1c: {  	p1 =	slt.u32 s9, $0xF7A;
	s5 =	simm.s32 @!p2 $0x0  }
0x1d: {  	s5 =	simm.s32 @p1 $0x1;
	p0 =	seq.s32 s7, s2  }
0x1e: {  	s7 =	smul.u32 @!p0 $0xF7A, s2;
	p2 =	seq.s32 @!p0 s5, $0x0  }
0x1f: {  	s9 =	smul.u32 $0xF7A, s1;
	s8 =	simm.s32 @!p0 $0x1BF5;
	p2 =	por !p2, p0  }
0x20: {  	[sflag:s8] =	ssyncset.s32 @!p0 $0xFFFFF086;
	s6 =	sadd.s32 @!p0 s3, s7;
	s7 =	simm.s32 @!p0 $0x108  }
0x21: {  	s3 =	sadd.s32 s3, s9;
	s6 =	sadd.s32 @!p0 $0x88, s6;
	s7 =	simm.s32 @p2 $0x1082  }
0x22: {  	[simem:s7], [sflag:s8] =	dma.local @!p0 [hbm:s6], $0xF7A  }
0x23: {  	s9 =	sor.u32 $0xD0000000, s2;
	s6 =	simm.s32 $0x108;
	_ =	swait.ge @!p0 [sflag:s8], $0x0  }
0x24: {  	s3 =	sadd.s32 $0x88, s3;
	s6 =	simm.s32 @!p1 $0x1082;
	[sflag:s4] =	ssyncset.s32 $0xFFFFF086  }
0x25: {  	[simem:s6], [sflag:s4] =	dma.local [hbm:s3], $0xF7A  }
0x26: {  	[smem:$0x3F9F] =	sst s1;
	(tag) =	ssettag s2;
	_ =	strace s9  }
0x27: {  	s1 =	sld [smem:$0x3FAF]  }
0x28: {  	s2 =	sld [smem:$0x3FB0]  }
0x29: {  	s4 =	sld [smem:$0x3FB2]  }
0x2a: {  	p0 =	seq.s32 s5, $0x0;
	s5 =	sld [smem:$0x3FB3]  }
0x2b: {  	s6 =	sld [smem:$0x3FB4]  }
0x2c: {  	s7 =	sld [smem:$0x3FB5]  }
0x2d: {  	s3 =	simm.s32 $0x108;
	s8 =	sld [smem:$0x3FB6]  }
0x2e: {  	s3 =	simm.s32 @!p0 $0x1082;
	s9 =	sld [smem:$0x3FB7]  }
0x2f: {  	lr =	sadd.s32 s0, s3;
	s0 =	sld [smem:$0x3FAE]  }
0x30: {  	s3 =	sld [smem:$0x3FB1]  }
0x31: {  	[smem:$0x3FBA] =	sst s10  }
0x32: {  	s10 =	sld [smem:$0x3FB8];
	_ =	sdelay $0x3  }
0x33: {  	p0 =	seq.s32 s10, $0x1;
	s10 =	sld [smem:$0x3FBA];
	_ =	sdelay $0x3  }
0x34: {  	[smem:$0x3FBA] =	sst s10  }
0x35: {  	s10 =	sld [smem:$0x3FB9];
	_ =	sdelay $0x3  }
0x36: {  	p1 =	seq.s32 s10, $0x1;
	s10 =	sld [smem:$0x3FBA];
	_ =	sdelay $0x3  }
0x37: {  	[smem:$0x3FBA] =	sst s10  }
0x38: {  	s10 =	sld [smem:$0x3FBB]  }
0x39: {  	_ = 	snop;
	(pc) =	sbr.ind lr, $3  }
0x3a: {  	_ = 	snop  }
0x3b: {  	_ = 	snop  }
0x3c: {  	p2 =	seq.s32 s10, $0x1;
	s10 =	sld [smem:$0x3FBA]  }
0x3d: {  	_ =	shalt  }
0x3e: {  	_ =	shalt  }
0x3f: {  	_ =	shalt  }
0x40: {  	_ =	shalt  }
0x41: {  	_ =	shalt  }
0x42: {  	_ =	shalt  }
0x43: {  	_ =	shalt  }
0x44: {  	_ =	shalt  }
0x45: {  	_ =	shalt  }
0x46: {  	_ =	shalt  }
0x47: {  	_ =	shalt  }
0x48: {  	_ =	shalt  }
0x49: {  	_ =	shalt  }
0x4a: {  	_ =	shalt  }
0x4b: {  	_ =	shalt  }
0x4c: {  	_ =	shalt  }
0x4d: {  	_ =	shalt  }
0x4e: {  	_ =	shalt  }
0x4f: {  	_ =	shalt  }
0x50: {  	_ =	shalt  }
0x51: {  	_ =	shalt  }
0x52: {  	_ =	shalt  }
0x53: {  	_ =	shalt  }
0x54: {  	_ =	shalt  }
0x55: {  	_ =	shalt  }
0x56: {  	_ =	shalt  }
0x57: {  	_ =	shalt  }
0x58: {  	_ =	shalt  }
0x59: {  	_ =	shalt  }
0x5a: {  	_ =	shalt  }
0x5b: {  	_ =	shalt  }
0x5c: {  	_ =	shalt  }
0x5d: {  	_ =	shalt  }
0x5e: {  	_ =	shalt  }
0x5f: {  	_ =	shalt  }
0x60: {  	_ =	shalt  }
0x61: {  	_ =	shalt  }
0x62: {  	_ =	shalt  }
0x63: {  	_ =	shalt  }
0x64: {  	_ =	shalt  }
0x65: {  	_ =	shalt  }
0x66: {  	_ =	shalt  }
0x67: {  	_ =	shalt  }
0x68: {  	_ =	shalt  }
0x69: {  	_ =	shalt  }
0x6a: {  	_ =	shalt  }
0x6b: {  	_ =	shalt  }
0x6c: {  	_ =	shalt  }
0x6d: {  	_ =	shalt  }
0x6e: {  	_ =	shalt  }
0x6f: {  	_ =	shalt  }
0x70: {  	_ =	shalt  }
0x71: {  	_ =	shalt  }
0x72: {  	_ =	shalt  }
0x73: {  	_ =	shalt  }
0x74: {  	_ =	shalt  }
0x75: {  	_ =	shalt  }
0x76: {  	_ =	shalt  }
0x77: {  	_ =	shalt  }
0x78: {  	_ =	shalt  }
0x79: {  	_ =	shalt  }
0x7a: {  	_ =	shalt  }
0x7b: {  	_ =	shalt  }
0x7c: {  	_ =	shalt  }
0x7d: {  	_ =	shalt  }
0x7e: {  	_ =	shalt  }
0x7f: {  	_ =	shalt  }
0x80: {  	_ =	shalt  }
0x81: {  	_ =	shalt  }
0x82: {  	_ =	shalt  }
0x83: {  	_ =	shalt  }
0x84: {  	_ =	shalt  }
0x85: {  	_ =	shalt  }
0x86: {  	_ =	shalt  }
0x87: {  	_ =	shalt  }
.Lfunc_end0:
.L_simem_size_0:
called_computation.2_lowered:
.L_overlay_start_0:
0x88: {  	s2 =	sld [smem:$0x3FD9]  }
0x89: {  	s3 =	sld [smem:$0x3FFE];
	_ =	sdelay $0x1  }
0x8a: {  	s1 =	srdreg.scid  }
0x8b: {  	s0 =	sand.u32 $0x1, s1  }
0x8c: {  	s17 =	sshll.u32 s0, $0xA;
	s2 =	sadd.s32 s3, s2  }
0x8d: {  	s2 =	sadd.s32 s2, s17  }
0x8e: {  	[smem:$0x3FC6] =	sst s2  }
0x8f: {  	_ = 	snop  }
0x90: {  	s2 =	sld [smem:$0x3FD0];
	(tm) =	ssettm $0x1  }
0x91: {  	s18 =	sld [smem:$0x3FFB];
	_ =	sdelay $0x3  }
0x92: {  	_ =	strace s18  }
0x93: {  	s3 =	sld [smem:$0x3FFC];
	_ =	sdelay $0x3  }
0x94: {  	_ =	strace s3  }
0x95: {  	s3 =	sld [smem:$0x3FFD];
	_ =	sdelay $0x3  }
0x96: {  	_ =	strace s3  }
0x97: {  	_ =	strace $0x8FFFFFFF  }
0x98: {  	s19 =	sld [smem:$0x3FDB];
	_ =	sdelay $0x1  }
0x99: {  	s4 =	simm.s32 $_scs_section_size  }
0x9a: {  	s5 =	simm.s32 $_size__tile_overlayer_lowered;
	s6 =	simm.s32 $_tile_overlayer_lowered  }
0x9b: {  	s22 =	simm.s32 $0x1BFF;
	s21 =	sshll.u32 s6, $0x1;
	s3 =	sadd.s32 s4, s19  }
0x9c: {  	s7 =	simm.s32 $0x0;
	s20 =	sshll.u32 s5, $0x1;
	s5 =	sadd.s32 s21, s3  }
0x9d: {  	[timem:s7], [sflag:s22] =	dma.local [hbm:s5], s20  }
0x9e: {  	_ =	swait.ge [sflag:s22], s20  }
0x9f: {  	s4 =	ssub.s32 $0x0, s20;
	[sflag:s22] =	ssyncset.done $0x0  }
0xa0: {  	[sflag:s22] =	ssyncadd.s32 s4;
	_ =	sdelay $0x1  }
0xa1: {  	s23 =	simm.s32 $0x1B8B  }
0xa2: {  	_ =	swait.ge [sflag:s23], $0x1  }
0xa3: {  	[sflag:s23] =	ssyncset.done $0x0  }
0xa4: {  	s25 =	simm.s32 $0x1B8E;
	s24 =	sld [smem:$0x3FFE];
	[sflag:s23] =	ssyncadd.s32 $0xFFFFFFFF  }
0xa5: {  	s26 =	simm.s32 $execute0_lowered;
	[smem:$0x3FD2] =	sst s25  }
0xa6: {  	s5 =	sshll.u32 s26, $0x1;
	_ =	strace $0x80000049;
	[dreg:$0x1] =	wrdreg $0xFFFFFFFF  }
0xa7: {  	s28 =	simm.s32 $_size_execute0_lowered;
	s3 =	sadd.s32 s3, s5;
	[dreg:$0x0] =	wrdreg $0x0  }
0xa8: {  	s5 =	sshll.u32 s28, $0x1;
	[dreg:$0x2] =	wrdreg s3  }
0xa9: {  	[dreg:$0x3] =	wrdreg s5  }
0xaa: {  	[dreg:$0x4] =	wrdreg $0xC0  }
0xab: {  	_ =	task [dreg:s7], $0x5FFFF  }
0xac: {  	[dreg:$0x1] =	wrdreg $0xFFFFFFFF  }
0xad: {  	[dreg:$0x0] =	wrdreg $0x60  }
0xae: {  	[dreg:$0x2] =	wrdreg s24  }
0xaf: {  	[dreg:$0x3] =	wrdreg s2  }
0xb0: {  	[dreg:$0x4] =	wrdreg $0x9  }
0xb1: {  	_ =	task.clear_ibuf [dreg:s7], $0x5FFFF;
	_ =	strace $0x90000049  }
0xb2: {  	s29 =	simm.s32 $0x9;
	_ =	strace $0x8000004B  }
0xb3: {  	_ =	swait.ge [sflag:s29], $0x1  }
0xb4: {  	[sflag:s29] =	ssyncadd.s32 $0xFFFFFFFF  }
0xb5: {  	_ =	strace $0x9000004B  }
0xb6: {  	_ =	sfence  }
0xb7: {  	s30 =	sld [smem:$0x0];
	_ =	sdelay $0x2  }
0xb8: {  	s31 =	sshll.u32 s1, $0xD;
	s1 =	sshrl.u32 s1, $0x2  }
0xb9: {  	s3 =	sand.u32 $0x4000, s31;
	s1 =	sadd.s32 s1, s30  }
0xba: {  	s0 =	sor.u32 s3, s0;
	s1 =	sshll.u32 s1, $0x11  }
0xbb: {  	s0 =	sor.u32 s1, s0  }
0xbc: {  	s0 =	sadd.s32 $0x8F2B, s0  }
0xbd: {  	[sflag:s0] =	ssyncadd.remote.s32 $0x1  }
0xbe: {  	_ =	sfence.sel $0xFFFF  }
0xbf: {  	[dreg:$0x0] =	wrdreg $0xFFFFFFFF;
	(pc) =	sbr.abs _section_cstart, $3  }
0xc0: {  	[dreg:$0x1] =	wrdreg $0xFFFFFFFF  }
0xc1: {  	_ =	task.clear_ibuf [dreg:s7], $0x2FFFF;
	_ =	strace $0x9FFFFFFF  }
0xc2: {  	(tm) =	ssettm $0x7FFFFFFF  }
0xc3: {  	_ =	shalt  }
tec
execute0_lowered:
.L_overlay_start_1:
0x0: {  	(tag) =	ssettag $0x1  }
0x1: {  	s0 =	rddreg [dreg:$0x0];
	s1 =	srdreg.scid  }
0x2: {  	s3 =	stileid.u32;
	s2 =	rddreg [dreg:$0x1];
	s28 =	simm.s32 $0x1  }
0x3: {  	s29 =	simm.s32 $0xE400;
	s31 =	simm.s32 $0x2;
	s30 =	simm.s32 $0x14400  }
0x4: {  	s9 =	simm.s32 $0x7;
	s1 =	sand.u32 $0x1, s1;
	s4 =	sshll.u32 s3, $0x1  }
0x5: {  	s10 =	simm.s32 $0x8;
	s3 =	simm.s32 $0x0;
	s5 =	sor.u32 s1, s4  }
0x6: {  	s14 =	simm.s32 $0x0;
	[smem:$0x7FF] =	sst s3;
	s7 =	smul.u32 $0x6400, s5  }
0x7: {  	s1 =	ssub.s32 $0x2, s1;
	s4 =	sadd.s32 $0xF5C200, s0;
	s6 =	smul.u32 $0x32000, s5  }
0x8: {  	_ =	strace $0x8000004A;
	s18 =	sshrl.u32 s1, $0x1;
	s17 =	sshrl.u32 s7, $0x3  }
0x9: {  	s19 =	sadd.s32 s2, s6;
	s6 =	smul.u32 $0x190000, s5;
	s11 =	sor.u32 $0x80, s7  }
0xa: {  	s12 =	sor.u32 $0x100, s7;
	s13 =	sor.u32 $0x180, s7;
	s7 =	simm.s32 $0x5  }
0xb: {  	s8 =	sadd.s32 s17, s0;
	s21 =	sadd.s32 $0x400, s19;
	[dreg:$0x3] =	wrdreg s19  }
0xc: {  	s0 =	ssub.s32 s1, s18;
	s22 =	sadd.s32 $0x800, s19;
	[dreg:$0x5] =	wrdreg s21  }
0xd: {  	s1 =	sadd.s32 $0xC00, s19;
	s20 =	sadd.s32 $0xF43200, s8;
	[dreg:$0x6] =	wrdreg s22  }
0xe: {  	[dreg:$0x7] =	wrdreg s1;
	s23 =	sshrl.u32 s6, $0x3;
	s0 =	smax.u32 s0, $0x1  }
0xf: {  	s21 =	simm.s32 $0x6400;
	[dreg:$0x4] =	wrdreg s20;
	s1 =	sadd.s32 s2, s23  }
0x10: {  	s22 =	simm.s32 $0x8400;
	[dreg:$0xc] =	wrdreg s0;
	s24 =	sadd.s32 $0x31000, s1  }
0x11: {  	s8 =	simm.s32 $0x6;
	s25 =	sadd.s32 $0x31400, s1;
	[dreg:$0x8] =	wrdreg s24  }
0x12: {  	s20 =	simm.s32 $0x80;
	s26 =	sadd.s32 $0x31800, s1;
	[dreg:$0x9] =	wrdreg s25  }
0x13: {  	s23 =	simm.s32 $0x3;
	s1 =	sadd.s32 $0x31C00, s1;
	[dreg:$0xa] =	wrdreg s26  }
0x14: {  	s0 =	simm.s32 $0x4;
	[dreg:$0xb] =	wrdreg s1;
	s24 =	simm.s32 $0xA400  }
0x15: {  	s26 =	simm.s32 $0xC400;
	s1 =	simm.s32 $0x10400;
	s25 =	simm.s32 $0x12400  }
.LBB2_1:
0x16: {  	s5 =	rddreg [dreg:$0x4];
	s19 =	simm.s32 $0x9  }
0x17: {  	[tilespmem:s3], [sflag:$0x9] =	stream.linear.gather [hbm4b:s5+s3], $0x6400, $0x38;
	[tilespmem:$0x16400] =	vst v63  }
0x18: {  	_ =	swait.ge [sflag:s19], $0x6400  }
0x19: {  	[sflag:s19] =	ssyncset.done $0x0  }
0x1a: {  	s5 =	simm.s32 $0x20;
	[sflag:s19] =	ssyncadd.s32 $0xFFFF9C00  }
0x1b: {  	v2 =	vld [tilespmem:s5+$0xFFFFFFE0]  }
0x1c: {  	v3 =	vld [tilespmem:s5+$0x0]  }
0x1d: {  	v0 =	vld [tilespmem:s5+$0x10]  }
0x1e: {  	v1 =	vld [tilespmem:s5+$0xFFFFFFF0];
	_ =	sdelay $0x1  }
0x1f: {  	v2 =	vshll.u32 v2, $0x1  }
0x20: {  	s15 =	simm.s32 $0x0;
	s16 =	simm.s32 $0x60;
	[tilespmem:s5+$0xFFFFFFE0] =	vst v2;
	v2 =	vshll.u32 v3, $0x1  }
.LBB2_2:
0x21: {  	v3 =	vld [tilespmem:s16+$0xFFFFFFE0];
	[tilespmem:s5+$0x0] =	vst v2;
	v0 =	vshll.u32 v0, $0x1;
	s15 =	sadd.s32 $0x4, s15  }
0x22: {  	v2 =	vld [tilespmem:s16+$0x0];
	v1 =	vshll.u32 v1, $0x1;
	[tilespmem:s5+$0x10] =	vst v0;
	p0 =	slt.u32 s15, $0x63C  }
.Ltmp0:
0x23: {  	v0 =	vld [tilespmem:s16+$0x10];
	[tilespmem:s5+$0xFFFFFFF0] =	vst v1;
	s5 =	smov.u32 s16;
	(pc) =	sbr.rel @p0 .LBB2_2-.Ltmp0, $3  }
0x24: {  	v1 =	vld [tilespmem:s16+$0xFFFFFFF0];
	_ =	sdelay $0x1  }
0x25: {  	v3 =	vshll.u32 v3, $0x1  }
0x26: {  	s16 =	sadd.s32 $0x40, s16;
	[tilespmem:s5+$0xFFFFFFE0] =	vst v3;
	v2 =	vshll.u32 v2, $0x1  }
0x27: {  	[tilespmem:s5+$0x0] =	vst v2;
	v0 =	vshll.u32 v0, $0x1  }
0x28: {  	v1 =	vshll.u32 v1, $0x1;
	[tilespmem:s5+$0x10] =	vst v0  }
0x29: {  	[tilespmem:s5+$0xFFFFFFF0] =	vst v1  }
0x2a: {  	[tilespmem:s21], [sflag:$0x1] =	stream.indirect.gather [hbm4b:s4+s20], $0x40, s3, s20, $0xb8;
	[tilespmem:$0x16400] =	vst v63  }
0x2b: {  	_ = 	snop  }
0x2c: {  	[tilespmem:s22], [sflag:$0x2] =	stream.indirect.gather [hbm4b:s4+s20], $0x40, s20, s20, $0xb8;
	[tilespmem:$0x16400] =	vst v63  }
0x2d: {  	s17 =	simm.s32 $0x100  }
0x2e: {  	[tilespmem:s24], [sflag:$0x3] =	stream.indirect.gather [hbm4b:s4+s20], $0x40, s17, s20, $0xb8;
	[tilespmem:$0x16400] =	vst v63  }
0x2f: {  	s18 =	simm.s32 $0x180  }
0x30: {  	[tilespmem:s26], [sflag:$0x4] =	stream.indirect.gather [hbm4b:s4+s20], $0x40, s18, s20, $0xb8;
	[tilespmem:$0x16400] =	vst v63  }
0x31: {  	_ =	swait.ge [sflag:s28], $0x2000  }
0x32: {  	[sflag:s28] =	ssyncset.done $0x0  }
0x33: {  	s19 =	simm.s32 $0x6480;
	[sflag:s28] =	ssyncadd.s32 $0xFFFFE000  }
0x34: {  	v63 =	vld [tilespmem:s19+$0xFFFFFF80];
	_ =	sdelay $0x4  }
0x35: {  	v0 =	vmul.f32 $8.000000000e+00, v63  }
0x36: {  	s15 =	simm.s32 $0xE480  }
0x37: {  	[tilespmem:s15+$0xFFFFFF80] =	vst v0  }
0x38: {  	v0 =	vld [tilespmem:s19+$0xFFFFFF90];
	_ =	sdelay $0x4  }
0x39: {  	v0 =	vmul.f32 $8.000000000e+00, v0;
	_ =	sdelay $0x1  }
0x3a: {  	[tilespmem:s15+$0xFFFFFF90] =	vst v0  }
0x3b: {  	v0 =	vld [tilespmem:s19+$0xFFFFFFA0];
	_ =	sdelay $0x4  }
0x3c: {  	v0 =	vmul.f32 $8.000000000e+00, v0;
	_ =	sdelay $0x1  }
0x3d: {  	[tilespmem:s15+$0xFFFFFFA0] =	vst v0  }
0x3e: {  	v0 =	vld [tilespmem:s19+$0xFFFFFFB0];
	_ =	sdelay $0x4  }
0x3f: {  	v0 =	vmul.f32 $8.000000000e+00, v0;
	_ =	sdelay $0x1  }
0x40: {  	[tilespmem:s15+$0xFFFFFFB0] =	vst v0  }
0x41: {  	v0 =	vld [tilespmem:s19+$0xFFFFFFC0];
	_ =	sdelay $0x4  }
0x42: {  	v0 =	vmul.f32 $8.000000000e+00, v0;
	_ =	sdelay $0x1  }
0x43: {  	[tilespmem:s15+$0xFFFFFFC0] =	vst v0  }
0x44: {  	v0 =	vld [tilespmem:s19+$0xFFFFFFD0];
	_ =	sdelay $0x4  }
0x45: {  	v0 =	vmul.f32 $8.000000000e+00, v0;
	_ =	sdelay $0x1  }
0x46: {  	[tilespmem:s15+$0xFFFFFFD0] =	vst v0  }
0x47: {  	v0 =	vld [tilespmem:s19+$0xFFFFFFE0];
	_ =	sdelay $0x4  }
0x48: {  	v0 =	vmul.f32 $8.000000000e+00, v0;
	_ =	sdelay $0x1  }
0x49: {  	[tilespmem:s15+$0xFFFFFFE0] =	vst v0  }
0x4a: {  	v0 =	vld [tilespmem:s19+$0xFFFFFFF0];
	_ =	sdelay $0x4  }
0x4b: {  	v0 =	vmul.f32 $8.000000000e+00, v0;
	_ =	sdelay $0x1  }
0x4c: {  	[tilespmem:s15+$0xFFFFFFF0] =	vst v0  }
0x4d: {  	v0 =	vld [tilespmem:s19+$0x0];
	_ =	sdelay $0x4  }
0x4e: {  	v0 =	vmul.f32 $8.000000000e+00, v0;
	_ =	sdelay $0x1  }
0x4f: {  	[tilespmem:s15+$0x0] =	vst v0  }
0x50: {  	v0 =	vld [tilespmem:s19+$0x10];
	_ =	sdelay $0x4  }
0x51: {  	v0 =	vmul.f32 $8.000000000e+00, v0;
	_ =	sdelay $0x1  }
0x52: {  	[tilespmem:s15+$0x10] =	vst v0  }
0x53: {  	v0 =	vld [tilespmem:s19+$0x20];
	_ =	sdelay $0x4  }
0x54: {  	v0 =	vmul.f32 $8.000000000e+00, v0;
	_ =	sdelay $0x1  }
0x55: {  	[tilespmem:s15+$0x20] =	vst v0  }
0x56: {  	v0 =	vld [tilespmem:s19+$0x30];
	_ =	sdelay $0x4  }
0x57: {  	v0 =	vmul.f32 $8.000000000e+00, v0;
	_ =	sdelay $0x1  }
0x58: {  	[tilespmem:s15+$0x30] =	vst v0  }
0x59: {  	v0 =	vld [tilespmem:s19+$0x40];
	_ =	sdelay $0x4  }
0x5a: {  	v0 =	vmul.f32 $8.000000000e+00, v0;
	_ =	sdelay $0x1  }
0x5b: {  	[tilespmem:s15+$0x40] =	vst v0  }
0x5c: {  	v0 =	vld [tilespmem:s19+$0x50];
	_ =	sdelay $0x4  }
0x5d: {  	v0 =	vmul.f32 $8.000000000e+00, v0;
	_ =	sdelay $0x1  }
0x5e: {  	[tilespmem:s15+$0x50] =	vst v0  }
0x5f: {  	v0 =	vld [tilespmem:s19+$0x60];
	_ =	sdelay $0x4  }
0x60: {  	v0 =	vmul.f32 $8.000000000e+00, v0;
	_ =	sdelay $0x1  }
0x61: {  	[tilespmem:s15+$0x60] =	vst v0  }
0x62: {  	v0 =	vld [tilespmem:s19+$0x70];
	_ =	sdelay $0x4  }
0x63: {  	v0 =	vmul.f32 $8.000000000e+00, v0;
	_ =	sdelay $0x1  }
0x64: {  	s16 =	simm.s32 $0x0;
	s5 =	simm.s32 $0x6580;
	[tilespmem:s15+$0x70] =	vst v0  }
.LBB2_4:
0x65: {  	v0 =	vld [tilespmem:s5+$0xFFFFFF80];
	s16 =	sadd.s32 $0x2, s16  }
0x66: {  	p0 =	slt.u32 s16, $0x3E;
	_ =	sdelay $0x3  }
0x67: {  	v0 =	vmul.f32 $8.000000000e+00, v0  }
0x68: {  	s15 =	sadd.s32 $0x100, s15  }
0x69: {  	[tilespmem:s15+$0xFFFFFF80] =	vst v0  }
0x6a: {  	v0 =	vld [tilespmem:s5+$0xFFFFFF90];
	_ =	sdelay $0x4  }
0x6b: {  	v0 =	vmul.f32 $8.000000000e+00, v0;
	_ =	sdelay $0x1  }
0x6c: {  	[tilespmem:s15+$0xFFFFFF90] =	vst v0  }
0x6d: {  	v0 =	vld [tilespmem:s5+$0xFFFFFFA0];
	_ =	sdelay $0x4  }
0x6e: {  	v0 =	vmul.f32 $8.000000000e+00, v0;
	_ =	sdelay $0x1  }
0x6f: {  	[tilespmem:s15+$0xFFFFFFA0] =	vst v0  }
0x70: {  	v0 =	vld [tilespmem:s5+$0xFFFFFFB0];
	_ =	sdelay $0x4  }
0x71: {  	v0 =	vmul.f32 $8.000000000e+00, v0;
	_ =	sdelay $0x1  }
0x72: {  	[tilespmem:s15+$0xFFFFFFB0] =	vst v0  }
0x73: {  	v0 =	vld [tilespmem:s5+$0xFFFFFFC0];
	_ =	sdelay $0x4  }
0x74: {  	v0 =	vmul.f32 $8.000000000e+00, v0;
	_ =	sdelay $0x1  }
0x75: {  	[tilespmem:s15+$0xFFFFFFC0] =	vst v0  }
0x76: {  	v0 =	vld [tilespmem:s5+$0xFFFFFFD0];
	_ =	sdelay $0x4  }
0x77: {  	v0 =	vmul.f32 $8.000000000e+00, v0;
	_ =	sdelay $0x1  }
0x78: {  	[tilespmem:s15+$0xFFFFFFD0] =	vst v0  }
0x79: {  	v0 =	vld [tilespmem:s5+$0xFFFFFFE0];
	_ =	sdelay $0x4  }
0x7a: {  	v0 =	vmul.f32 $8.000000000e+00, v0;
	_ =	sdelay $0x1  }
0x7b: {  	[tilespmem:s15+$0xFFFFFFE0] =	vst v0  }
0x7c: {  	v0 =	vld [tilespmem:s5+$0xFFFFFFF0];
	_ =	sdelay $0x4  }
0x7d: {  	v0 =	vmul.f32 $8.000000000e+00, v0;
	_ =	sdelay $0x1  }
0x7e: {  	[tilespmem:s15+$0xFFFFFFF0] =	vst v0  }
0x7f: {  	v0 =	vld [tilespmem:s5+$0x0];
	_ =	sdelay $0x4  }
0x80: {  	v0 =	vmul.f32 $8.000000000e+00, v0;
	_ =	sdelay $0x1  }
0x81: {  	[tilespmem:s15+$0x0] =	vst v0  }
0x82: {  	v0 =	vld [tilespmem:s5+$0x10];
	_ =	sdelay $0x4  }
0x83: {  	v0 =	vmul.f32 $8.000000000e+00, v0;
	_ =	sdelay $0x1  }
0x84: {  	[tilespmem:s15+$0x10] =	vst v0  }
0x85: {  	v0 =	vld [tilespmem:s5+$0x20];
	_ =	sdelay $0x4  }
0x86: {  	v0 =	vmul.f32 $8.000000000e+00, v0;
	_ =	sdelay $0x1  }
0x87: {  	[tilespmem:s15+$0x20] =	vst v0  }
0x88: {  	v0 =	vld [tilespmem:s5+$0x30];
	_ =	sdelay $0x4  }
0x89: {  	v0 =	vmul.f32 $8.000000000e+00, v0;
	_ =	sdelay $0x1  }
0x8a: {  	[tilespmem:s15+$0x30] =	vst v0  }
0x8b: {  	v0 =	vld [tilespmem:s5+$0x40];
	_ =	sdelay $0x4  }
0x8c: {  	v0 =	vmul.f32 $8.000000000e+00, v0;
	_ =	sdelay $0x1  }
0x8d: {  	[tilespmem:s15+$0x40] =	vst v0  }
0x8e: {  	v0 =	vld [tilespmem:s5+$0x50];
	_ =	sdelay $0x4  }
0x8f: {  	v0 =	vmul.f32 $8.000000000e+00, v0;
	_ =	sdelay $0x1  }
0x90: {  	[tilespmem:s15+$0x50] =	vst v0  }
0x91: {  	v0 =	vld [tilespmem:s5+$0x60];
	_ =	sdelay $0x4  }
0x92: {  	v0 =	vmul.f32 $8.000000000e+00, v0;
	_ =	sdelay $0x1  }
0x93: {  	[tilespmem:s15+$0x60] =	vst v0  }
0x94: {  	v0 =	vld [tilespmem:s5+$0x70];
	_ =	sdelay $0x2  }
.Ltmp1:
0x95: {  	(pc) =	sbr.rel @p0 .LBB2_4-.Ltmp1, $3  }
0x96: {  	_ = 	snop  }
0x97: {  	v0 =	vmul.f32 $8.000000000e+00, v0;
	_ =	sdelay $0x1  }
0x98: {  	s5 =	sadd.s32 $0x100, s5;
	[tilespmem:s15+$0x70] =	vst v0  }
0x99: {  	s5 =	rddreg [dreg:$0x3]  }
0x9a: {  	[hbm4b:s5+s3] =	stream.linear.scatter [tilespmem:s29], [sflag:$0x5], $0x2000, $0x38;
	[tilespmem:$0x16400] =	vst v63  }
0x9b: {  	[dreg:$0xd] =	wrdreg s14;
	s18 =	simm.s32 $0x200  }
0x9c: {  	[tilespmem:s21], [sflag:$0x1] =	stream.indirect.gather [hbm4b:s4+s20], $0x40, s18, s20, $0xb8;
	[tilespmem:$0x16400] =	vst v63  }
0x9d: {  	_ =	swait.ge [sflag:s31], $0x2000  }
0x9e: {  	[sflag:s31] =	ssyncset.done $0x0  }
0x9f: {  	s19 =	simm.s32 $0x84F0;
	[sflag:s31] =	ssyncadd.s32 $0xFFFFE000  }
0xa0: {  	v0 =	vld [tilespmem:s19+$0xFFFFFF10];
	_ =	sdelay $0x4  }
0xa1: {  	v0 =	vmul.f32 $8.000000000e+00, v0  }
0xa2: {  	s15 =	simm.s32 $0x104F0  }
0xa3: {  	[tilespmem:s15+$0xFFFFFF10] =	vst v0  }
0xa4: {  	v0 =	vld [tilespmem:s19+$0xFFFFFF20];
	_ =	sdelay $0x4  }
0xa5: {  	v0 =	vmul.f32 $8.000000000e+00, v0;
	_ =	sdelay $0x1  }
0xa6: {  	[tilespmem:s15+$0xFFFFFF20] =	vst v0  }
0xa7: {  	v0 =	vld [tilespmem:s19+$0xFFFFFF30];
	_ =	sdelay $0x4  }
0xa8: {  	v0 =	vmul.f32 $8.000000000e+00, v0;
	_ =	sdelay $0x1  }
0xa9: {  	[tilespmem:s15+$0xFFFFFF30] =	vst v0  }
0xaa: {  	v0 =	vld [tilespmem:s19+$0xFFFFFF40];
	_ =	sdelay $0x4  }
0xab: {  	v0 =	vmul.f32 $8.000000000e+00, v0;
	_ =	sdelay $0x1  }
0xac: {  	[tilespmem:s15+$0xFFFFFF40] =	vst v0  }
0xad: {  	v0 =	vld [tilespmem:s19+$0xFFFFFF50];
	_ =	sdelay $0x4  }
0xae: {  	v0 =	vmul.f32 $8.000000000e+00, v0;
	_ =	sdelay $0x1  }
0xaf: {  	[tilespmem:s15+$0xFFFFFF50] =	vst v0  }
0xb0: {  	v0 =	vld [tilespmem:s19+$0xFFFFFF60];
	_ =	sdelay $0x4  }
0xb1: {  	v0 =	vmul.f32 $8.000000000e+00, v0;
	_ =	sdelay $0x1  }
0xb2: {  	[tilespmem:s15+$0xFFFFFF60] =	vst v0  }
0xb3: {  	v0 =	vld [tilespmem:s19+$0xFFFFFF70];
	_ =	sdelay $0x4  }
0xb4: {  	v0 =	vmul.f32 $8.000000000e+00, v0;
	_ =	sdelay $0x1  }
0xb5: {  	[tilespmem:s15+$0xFFFFFF70] =	vst v0  }
0xb6: {  	v0 =	vld [tilespmem:s19+$0xFFFFFF80];
	_ =	sdelay $0x4  }
0xb7: {  	v0 =	vmul.f32 $8.000000000e+00, v0;
	_ =	sdelay $0x1  }
0xb8: {  	[tilespmem:s15+$0xFFFFFF80] =	vst v0  }
0xb9: {  	v0 =	vld [tilespmem:s19+$0xFFFFFF90];
	_ =	sdelay $0x4  }
0xba: {  	v0 =	vmul.f32 $8.000000000e+00, v0;
	_ =	sdelay $0x1  }
0xbb: {  	[tilespmem:s15+$0xFFFFFF90] =	vst v0  }
0xbc: {  	v0 =	vld [tilespmem:s19+$0xFFFFFFA0];
	_ =	sdelay $0x4  }
0xbd: {  	v0 =	vmul.f32 $8.000000000e+00, v0;
	_ =	sdelay $0x1  }
0xbe: {  	[tilespmem:s15+$0xFFFFFFA0] =	vst v0  }
0xbf: {  	v0 =	vld [tilespmem:s19+$0xFFFFFFB0];
	_ =	sdelay $0x4  }
0xc0: {  	v0 =	vmul.f32 $8.000000000e+00, v0;
	_ =	sdelay $0x1  }
0xc1: {  	[tilespmem:s15+$0xFFFFFFB0] =	vst v0  }
0xc2: {  	v0 =	vld [tilespmem:s19+$0xFFFFFFC0];
	_ =	sdelay $0x4  }
0xc3: {  	v0 =	vmul.f32 $8.000000000e+00, v0;
	_ =	sdelay $0x1  }
0xc4: {  	[tilespmem:s15+$0xFFFFFFC0] =	vst v0  }
0xc5: {  	v0 =	vld [tilespmem:s19+$0xFFFFFFD0];
	_ =	sdelay $0x4  }
0xc6: {  	v0 =	vmul.f32 $8.000000000e+00, v0;
	_ =	sdelay $0x1  }
0xc7: {  	[tilespmem:s15+$0xFFFFFFD0] =	vst v0  }
0xc8: {  	v0 =	vld [tilespmem:s19+$0xFFFFFFE0];
	_ =	sdelay $0x4  }
0xc9: {  	v0 =	vmul.f32 $8.000000000e+00, v0;
	_ =	sdelay $0x1  }
0xca: {  	[tilespmem:s15+$0xFFFFFFE0] =	vst v0  }
0xcb: {  	v0 =	vld [tilespmem:s19+$0xFFFFFFF0];
	_ =	sdelay $0x4  }
0xcc: {  	v0 =	vmul.f32 $8.000000000e+00, v0;
	_ =	sdelay $0x1  }
0xcd: {  	[tilespmem:s15+$0xFFFFFFF0] =	vst v0  }
0xce: {  	v0 =	vld [tilespmem:s19+$0x0];
	_ =	sdelay $0x4  }
0xcf: {  	v0 =	vmul.f32 $8.000000000e+00, v0;
	_ =	sdelay $0x1  }
0xd0: {  	s16 =	simm.s32 $0x0;
	s5 =	simm.s32 $0x85F0;
	[tilespmem:s15+$0x0] =	vst v0  }
.LBB2_6:
0xd1: {  	v0 =	vld [tilespmem:s5+$0xFFFFFF10];
	s16 =	sadd.s32 $0x2, s16  }
0xd2: {  	p0 =	slt.u32 s16, $0x3E;
	_ =	sdelay $0x3  }
0xd3: {  	v0 =	vmul.f32 $8.000000000e+00, v0  }
0xd4: {  	s15 =	sadd.s32 $0x100, s15  }
0xd5: {  	[tilespmem:s15+$0xFFFFFF10] =	vst v0  }
0xd6: {  	v0 =	vld [tilespmem:s5+$0xFFFFFF20];
	_ =	sdelay $0x4  }
0xd7: {  	v0 =	vmul.f32 $8.000000000e+00, v0;
	_ =	sdelay $0x1  }
0xd8: {  	[tilespmem:s15+$0xFFFFFF20] =	vst v0  }
0xd9: {  	v0 =	vld [tilespmem:s5+$0xFFFFFF30];
	_ =	sdelay $0x4  }
0xda: {  	v0 =	vmul.f32 $8.000000000e+00, v0;
	_ =	sdelay $0x1  }
0xdb: {  	[tilespmem:s15+$0xFFFFFF30] =	vst v0  }
0xdc: {  	v0 =	vld [tilespmem:s5+$0xFFFFFF40];
	_ =	sdelay $0x4  }
0xdd: {  	v0 =	vmul.f32 $8.000000000e+00, v0;
	_ =	sdelay $0x1  }
0xde: {  	[tilespmem:s15+$0xFFFFFF40] =	vst v0  }
0xdf: {  	v0 =	vld [tilespmem:s5+$0xFFFFFF50];
	_ =	sdelay $0x4  }
0xe0: {  	v0 =	vmul.f32 $8.000000000e+00, v0;
	_ =	sdelay $0x1  }
0xe1: {  	[tilespmem:s15+$0xFFFFFF50] =	vst v0  }
0xe2: {  	v0 =	vld [tilespmem:s5+$0xFFFFFF60];
	_ =	sdelay $0x4  }
0xe3: {  	v0 =	vmul.f32 $8.000000000e+00, v0;
	_ =	sdelay $0x1  }
0xe4: {  	[tilespmem:s15+$0xFFFFFF60] =	vst v0  }
0xe5: {  	v0 =	vld [tilespmem:s5+$0xFFFFFF70];
	_ =	sdelay $0x4  }
0xe6: {  	v0 =	vmul.f32 $8.000000000e+00, v0;
	_ =	sdelay $0x1  }
0xe7: {  	[tilespmem:s15+$0xFFFFFF70] =	vst v0  }
0xe8: {  	v0 =	vld [tilespmem:s5+$0xFFFFFF80];
	_ =	sdelay $0x4  }
0xe9: {  	v0 =	vmul.f32 $8.000000000e+00, v0;
	_ =	sdelay $0x1  }
0xea: {  	[tilespmem:s15+$0xFFFFFF80] =	vst v0  }
0xeb: {  	v0 =	vld [tilespmem:s5+$0xFFFFFF90];
	_ =	sdelay $0x4  }
0xec: {  	v0 =	vmul.f32 $8.000000000e+00, v0;
	_ =	sdelay $0x1  }
0xed: {  	[tilespmem:s15+$0xFFFFFF90] =	vst v0  }
0xee: {  	v0 =	vld [tilespmem:s5+$0xFFFFFFA0];
	_ =	sdelay $0x4  }
0xef: {  	v0 =	vmul.f32 $8.000000000e+00, v0;
	_ =	sdelay $0x1  }
0xf0: {  	[tilespmem:s15+$0xFFFFFFA0] =	vst v0  }
0xf1: {  	v0 =	vld [tilespmem:s5+$0xFFFFFFB0];
	_ =	sdelay $0x4  }
0xf2: {  	v0 =	vmul.f32 $8.000000000e+00, v0;
	_ =	sdelay $0x1  }
0xf3: {  	[tilespmem:s15+$0xFFFFFFB0] =	vst v0  }
0xf4: {  	v0 =	vld [tilespmem:s5+$0xFFFFFFC0];
	_ =	sdelay $0x4  }
0xf5: {  	v0 =	vmul.f32 $8.000000000e+00, v0;
	_ =	sdelay $0x1  }
0xf6: {  	[tilespmem:s15+$0xFFFFFFC0] =	vst v0  }
0xf7: {  	v0 =	vld [tilespmem:s5+$0xFFFFFFD0];
	_ =	sdelay $0x4  }
0xf8: {  	v0 =	vmul.f32 $8.000000000e+00, v0;
	_ =	sdelay $0x1  }
0xf9: {  	[tilespmem:s15+$0xFFFFFFD0] =	vst v0  }
0xfa: {  	v0 =	vld [tilespmem:s5+$0xFFFFFFE0];
	_ =	sdelay $0x4  }
0xfb: {  	v0 =	vmul.f32 $8.000000000e+00, v0;
	_ =	sdelay $0x1  }
0xfc: {  	[tilespmem:s15+$0xFFFFFFE0] =	vst v0  }
0xfd: {  	v0 =	vld [tilespmem:s5+$0xFFFFFFF0];
	_ =	sdelay $0x4  }
0xfe: {  	v0 =	vmul.f32 $8.000000000e+00, v0;
	_ =	sdelay $0x1  }
0xff: {  	[tilespmem:s15+$0xFFFFFFF0] =	vst v0  }
0x100: {  	v0 =	vld [tilespmem:s5+$0x0];
	_ =	sdelay $0x2  }
.Ltmp2:
0x101: {  	(pc) =	sbr.rel @p0 .LBB2_6-.Ltmp2, $3  }
0x102: {  	_ = 	snop  }
0x103: {  	v0 =	vmul.f32 $8.000000000e+00, v0;
	_ =	sdelay $0x1  }
0x104: {  	s5 =	sadd.s32 $0x100, s5;
	[tilespmem:s15+$0x0] =	vst v0  }
0x105: {  	s5 =	simm.s32 $0x0;
	s14 =	rddreg [dreg:$0x5]  }
0x106: {  	[hbm4b:s14+s5] =	stream.linear.scatter [tilespmem:s1], [sflag:$0x6], $0x2000, $0x38;
	[tilespmem:$0x16400] =	vst v63  }
0x107: {  	s19 =	simm.s32 $0x280  }
0x108: {  	[tilespmem:s22], [sflag:$0x2] =	stream.indirect.gather [hbm4b:s4+s20], $0x40, s19, s20, $0xb8;
	[tilespmem:$0x16400] =	vst v63  }
0x109: {  	_ =	swait.ge [sflag:s23], $0x2000  }
0x10a: {  	[sflag:s23] =	ssyncset.done $0x0  }
0x10b: {  	s5 =	simm.s32 $0x0;
	[sflag:s23] =	ssyncadd.s32 $0xFFFFE000  }
0x10c: {  	v0 =	vld [tilespmem:s5+$0xA4F0]  }
0x10d: {  	v1 =	vld [tilespmem:s5+$0xA400]  }
0x10e: {  	v2 =	vld [tilespmem:s5+$0xA410]  }
0x10f: {  	v3 =	vld [tilespmem:s5+$0xA420]  }
0x110: {  	v4 =	vld [tilespmem:s5+$0xA430]  }
0x111: {  	v5 =	vld [tilespmem:s5+$0xA440];
	v0 =	vmul.f32 $8.000000000e+00, v0  }
0x112: {  	v6 =	vld [tilespmem:s5+$0xA450];
	v1 =	vmul.f32 $8.000000000e+00, v1  }
0x113: {  	v7 =	vld [tilespmem:s5+$0xA460];
	[tilespmem:s5+$0x124F0] =	vst v0;
	v0 =	vmul.f32 $8.000000000e+00, v2  }
0x114: {  	v8 =	vld [tilespmem:s5+$0xA470];
	[tilespmem:s5+$0x12400] =	vst v1;
	v1 =	vmul.f32 $8.000000000e+00, v3  }
0x115: {  	v9 =	vld [tilespmem:s5+$0xA480];
	[tilespmem:s5+$0x12410] =	vst v0;
	v0 =	vmul.f32 $8.000000000e+00, v4  }
0x116: {  	v2 =	vld [tilespmem:s5+$0xA490];
	[tilespmem:s5+$0x12420] =	vst v1;
	v1 =	vmul.f32 $8.000000000e+00, v5  }
0x117: {  	v3 =	vmul.f32 $8.000000000e+00, v6;
	[tilespmem:s5+$0x12430] =	vst v0;
	v0 =	vld [tilespmem:s5+$0xA4A0]  }
0x118: {  	v4 =	vmul.f32 $8.000000000e+00, v7;
	[tilespmem:s5+$0x12440] =	vst v1;
	v1 =	vld [tilespmem:s5+$0xA4B0]  }
0x119: {  	v6 =	vmul.f32 $8.000000000e+00, v8;
	[tilespmem:s5+$0x12450] =	vst v3;
	v3 =	vld [tilespmem:s5+$0xA4C0]  }
0x11a: {  	s15 =	simm.s32 $0x0;
	s16 =	simm.s32 $0x400;
	v5 =	vmul.f32 $8.000000000e+00, v9;
	[tilespmem:s5+$0x12460] =	vst v4;
	v4 =	vld [tilespmem:s5+$0xA4D0]  }
.LBB2_8:
0x11b: {  	s17 =	sshra.s32 s16, $0x2;
	s15 =	sadd.s32 $0x2, s15;
	[tilespmem:s5+$0x12470] =	vst v6;
	v2 =	vmul.f32 $8.000000000e+00, v2;
	v6 =	vld [tilespmem:s5+$0xA4E0]  }
0x11c: {  	v7 =	vld [tilespmem:s17+$0xA4F0];
	p0 =	slt.u32 s15, $0x3E;
	[tilespmem:s5+$0x12480] =	vst v5;
	v0 =	vmul.f32 $8.000000000e+00, v0  }
0x11d: {  	v5 =	vld [tilespmem:s17+$0xA400];
	[tilespmem:s5+$0x12490] =	vst v2;
	v1 =	vmul.f32 $8.000000000e+00, v1  }
0x11e: {  	v2 =	vld [tilespmem:s17+$0xA410];
	[tilespmem:s5+$0x124A0] =	vst v0;
	v0 =	vmul.f32 $8.000000000e+00, v3  }
0x11f: {  	v3 =	vld [tilespmem:s17+$0xA420];
	[tilespmem:s5+$0x124B0] =	vst v1;
	v1 =	vmul.f32 $8.000000000e+00, v4  }
0x120: {  	v4 =	vld [tilespmem:s17+$0xA430];
	[tilespmem:s5+$0x124C0] =	vst v0;
	v0 =	vmul.f32 $8.000000000e+00, v6  }
0x121: {  	v6 =	vld [tilespmem:s17+$0xA440];
	v7 =	vmul.f32 $8.000000000e+00, v7;
	[tilespmem:s5+$0x124D0] =	vst v1  }
0x122: {  	v1 =	vmul.f32 $8.000000000e+00, v5;
	v5 =	vld [tilespmem:s17+$0xA450];
	[tilespmem:s5+$0x124E0] =	vst v0;
	s5 =	smov.u32 s17  }
0x123: {  	v0 =	vmul.f32 $8.000000000e+00, v2;
	v8 =	vld [tilespmem:s5+$0xA460];
	[tilespmem:s5+$0x124F0] =	vst v7  }
0x124: {  	[tilespmem:s5+$0x12400] =	vst v1;
	v1 =	vmul.f32 $8.000000000e+00, v3;
	v3 =	vld [tilespmem:s5+$0xA470]  }
0x125: {  	[tilespmem:s5+$0x12410] =	vst v0;
	v0 =	vmul.f32 $8.000000000e+00, v4;
	v4 =	vld [tilespmem:s5+$0xA480]  }
.Ltmp3:
0x126: {  	[tilespmem:s5+$0x12420] =	vst v1;
	v1 =	vmul.f32 $8.000000000e+00, v6;
	v2 =	vld [tilespmem:s5+$0xA490];
	(pc) =	sbr.rel @p0 .LBB2_8-.Ltmp3, $4  }
0x127: {  	[tilespmem:s5+$0x12430] =	vst v0;
	v5 =	vmul.f32 $8.000000000e+00, v5;
	v0 =	vld [tilespmem:s5+$0xA4A0]  }
0x128: {  	[tilespmem:s5+$0x12440] =	vst v1;
	v7 =	vmul.f32 $8.000000000e+00, v8;
	v1 =	vld [tilespmem:s5+$0xA4B0]  }
0x129: {  	[tilespmem:s5+$0x12450] =	vst v5;
	v6 =	vmul.f32 $8.000000000e+00, v3;
	v3 =	vld [tilespmem:s5+$0xA4C0]  }
0x12a: {  	s16 =	sadd.s32 $0x400, s16;
	[tilespmem:s5+$0x12460] =	vst v7;
	v5 =	vmul.f32 $8.000000000e+00, v4;
	v4 =	vld [tilespmem:s5+$0xA4D0]  }
0x12b: {  	[tilespmem:s5+$0x12470] =	vst v6;
	v2 =	vmul.f32 $8.000000000e+00, v2;
	v6 =	vld [tilespmem:s5+$0xA4E0]  }
0x12c: {  	[tilespmem:s5+$0x12480] =	vst v5;
	v0 =	vmul.f32 $8.000000000e+00, v0  }
0x12d: {  	[tilespmem:s5+$0x12490] =	vst v2;
	v1 =	vmul.f32 $8.000000000e+00, v1  }
0x12e: {  	[tilespmem:s5+$0x124A0] =	vst v0;
	v0 =	vmul.f32 $8.000000000e+00, v3  }
0x12f: {  	[tilespmem:s5+$0x124B0] =	vst v1;
	v1 =	vmul.f32 $8.000000000e+00, v4  }
0x130: {  	[tilespmem:s5+$0x124C0] =	vst v0;
	v0 =	vmul.f32 $8.000000000e+00, v6  }
0x131: {  	[tilespmem:s5+$0x124D0] =	vst v1  }
0x132: {  	s18 =	simm.s32 $0x0;
	s14 =	rddreg [dreg:$0x6];
	[tilespmem:s5+$0x124E0] =	vst v0  }
0x133: {  	[hbm4b:s14+s18] =	stream.linear.scatter [tilespmem:s25], [sflag:$0x7], $0x2000, $0x38;
	[tilespmem:$0x16400] =	vst v63  }
0x134: {  	s19 =	simm.s32 $0x300  }
0x135: {  	[tilespmem:s24], [sflag:$0x3] =	stream.indirect.gather [hbm4b:s4+s20], $0x40, s19, s20, $0xb8;
	[tilespmem:$0x16400] =	vst v63  }
0x136: {  	_ =	swait.ge [sflag:s0], $0x2000  }
0x137: {  	[sflag:s0] =	ssyncset.done $0x0  }
0x138: {  	s5 =	simm.s32 $0x0;
	[sflag:s0] =	ssyncadd.s32 $0xFFFFE000  }
0x139: {  	v0 =	vld [tilespmem:s5+$0xC4F0]  }
0x13a: {  	v1 =	vld [tilespmem:s5+$0xC400]  }
0x13b: {  	v2 =	vld [tilespmem:s5+$0xC410]  }
0x13c: {  	v3 =	vld [tilespmem:s5+$0xC420]  }
0x13d: {  	v4 =	vld [tilespmem:s5+$0xC430]  }
0x13e: {  	v5 =	vld [tilespmem:s5+$0xC440];
	v0 =	vmul.f32 $8.000000000e+00, v0  }
0x13f: {  	v6 =	vld [tilespmem:s5+$0xC450];
	v1 =	vmul.f32 $8.000000000e+00, v1  }
0x140: {  	v7 =	vld [tilespmem:s5+$0xC460];
	[tilespmem:s5+$0x144F0] =	vst v0;
	v0 =	vmul.f32 $8.000000000e+00, v2  }
0x141: {  	v8 =	vld [tilespmem:s5+$0xC470];
	[tilespmem:s5+$0x14400] =	vst v1;
	v1 =	vmul.f32 $8.000000000e+00, v3  }
0x142: {  	v9 =	vld [tilespmem:s5+$0xC480];
	[tilespmem:s5+$0x14410] =	vst v0;
	v0 =	vmul.f32 $8.000000000e+00, v4  }
0x143: {  	v2 =	vld [tilespmem:s5+$0xC490];
	[tilespmem:s5+$0x14420] =	vst v1;
	v1 =	vmul.f32 $8.000000000e+00, v5  }
0x144: {  	v3 =	vmul.f32 $8.000000000e+00, v6;
	[tilespmem:s5+$0x14430] =	vst v0;
	v0 =	vld [tilespmem:s5+$0xC4A0]  }
0x145: {  	v4 =	vmul.f32 $8.000000000e+00, v7;
	[tilespmem:s5+$0x14440] =	vst v1;
	v1 =	vld [tilespmem:s5+$0xC4B0]  }
0x146: {  	v6 =	vmul.f32 $8.000000000e+00, v8;
	[tilespmem:s5+$0x14450] =	vst v3;
	v3 =	vld [tilespmem:s5+$0xC4C0]  }
0x147: {  	s15 =	simm.s32 $0x0;
	s16 =	simm.s32 $0x400;
	v5 =	vmul.f32 $8.000000000e+00, v9;
	[tilespmem:s5+$0x14460] =	vst v4;
	v4 =	vld [tilespmem:s5+$0xC4D0]  }
.LBB2_10:
0x148: {  	s17 =	sshra.s32 s16, $0x2;
	s15 =	sadd.s32 $0x2, s15;
	[tilespmem:s5+$0x14470] =	vst v6;
	v2 =	vmul.f32 $8.000000000e+00, v2;
	v6 =	vld [tilespmem:s5+$0xC4E0]  }
0x149: {  	v7 =	vld [tilespmem:s17+$0xC4F0];
	p0 =	slt.u32 s15, $0x3E;
	[tilespmem:s5+$0x14480] =	vst v5;
	v0 =	vmul.f32 $8.000000000e+00, v0  }
0x14a: {  	v5 =	vld [tilespmem:s17+$0xC400];
	[tilespmem:s5+$0x14490] =	vst v2;
	v1 =	vmul.f32 $8.000000000e+00, v1  }
0x14b: {  	v2 =	vld [tilespmem:s17+$0xC410];
	[tilespmem:s5+$0x144A0] =	vst v0;
	v0 =	vmul.f32 $8.000000000e+00, v3  }
0x14c: {  	v3 =	vld [tilespmem:s17+$0xC420];
	[tilespmem:s5+$0x144B0] =	vst v1;
	v1 =	vmul.f32 $8.000000000e+00, v4  }
0x14d: {  	v4 =	vld [tilespmem:s17+$0xC430];
	[tilespmem:s5+$0x144C0] =	vst v0;
	v0 =	vmul.f32 $8.000000000e+00, v6  }
0x14e: {  	v6 =	vld [tilespmem:s17+$0xC440];
	v7 =	vmul.f32 $8.000000000e+00, v7;
	[tilespmem:s5+$0x144D0] =	vst v1  }
0x14f: {  	v1 =	vmul.f32 $8.000000000e+00, v5;
	v5 =	vld [tilespmem:s17+$0xC450];
	[tilespmem:s5+$0x144E0] =	vst v0;
	s5 =	smov.u32 s17  }
0x150: {  	v0 =	vmul.f32 $8.000000000e+00, v2;
	v8 =	vld [tilespmem:s5+$0xC460];
	[tilespmem:s5+$0x144F0] =	vst v7  }
0x151: {  	[tilespmem:s5+$0x14400] =	vst v1;
	v1 =	vmul.f32 $8.000000000e+00, v3;
	v3 =	vld [tilespmem:s5+$0xC470]  }
0x152: {  	[tilespmem:s5+$0x14410] =	vst v0;
	v0 =	vmul.f32 $8.000000000e+00, v4;
	v4 =	vld [tilespmem:s5+$0xC480]  }
.Ltmp4:
0x153: {  	[tilespmem:s5+$0x14420] =	vst v1;
	v1 =	vmul.f32 $8.000000000e+00, v6;
	v2 =	vld [tilespmem:s5+$0xC490];
	(pc) =	sbr.rel @p0 .LBB2_10-.Ltmp4, $4  }
0x154: {  	[tilespmem:s5+$0x14430] =	vst v0;
	v5 =	vmul.f32 $8.000000000e+00, v5;
	v0 =	vld [tilespmem:s5+$0xC4A0]  }
0x155: {  	[tilespmem:s5+$0x14440] =	vst v1;
	v7 =	vmul.f32 $8.000000000e+00, v8;
	v1 =	vld [tilespmem:s5+$0xC4B0]  }
0x156: {  	[tilespmem:s5+$0x14450] =	vst v5;
	v6 =	vmul.f32 $8.000000000e+00, v3;
	v3 =	vld [tilespmem:s5+$0xC4C0]  }
0x157: {  	s16 =	sadd.s32 $0x400, s16;
	[tilespmem:s5+$0x14460] =	vst v7;
	v5 =	vmul.f32 $8.000000000e+00, v4;
	v4 =	vld [tilespmem:s5+$0xC4D0]  }
0x158: {  	[tilespmem:s5+$0x14470] =	vst v6;
	v2 =	vmul.f32 $8.000000000e+00, v2;
	v60 =	vld [tilespmem:s5+$0xC4E0]  }
0x159: {  	[tilespmem:s5+$0x14480] =	vst v5;
	v0 =	vmul.f32 $8.000000000e+00, v0  }
0x15a: {  	[tilespmem:s5+$0x14490] =	vst v2;
	v1 =	vmul.f32 $8.000000000e+00, v1  }
0x15b: {  	[tilespmem:s5+$0x144A0] =	vst v0;
	v61 =	vmul.f32 $8.000000000e+00, v3  }
0x15c: {  	[tilespmem:s5+$0x144B0] =	vst v1;
	v62 =	vmul.f32 $8.000000000e+00, v4  }
0x15d: {  	[tilespmem:s5+$0x144C0] =	vst v61;
	v63 =	vmul.f32 $8.000000000e+00, v60  }
0x15e: {  	[tilespmem:s5+$0x144D0] =	vst v62  }
0x15f: {  	s18 =	rddreg [dreg:$0x7];
	[tilespmem:s5+$0x144E0] =	vst v63  }
0x160: {  	[hbm4b:s18+s3] =	stream.linear.scatter [tilespmem:s30], [sflag:$0x8], $0x2000, $0x38;
	[tilespmem:$0x16400] =	vst v63  }
0x161: {  	s19 =	simm.s32 $0x380;
	s15 =	simm.s32 $0x1  }
0x162: {  	[tilespmem:s26], [sflag:$0x4] =	stream.indirect.gather [hbm4b:s4+s20], $0x40, s19, s20, $0xb8;
	[tilespmem:$0x16400] =	vst v63  }
.LBB2_12:
0x163: {  	_ =	swait.ge [sflag:s28], $0x2000  }
0x164: {  	[sflag:s28] =	ssyncset.done $0x0  }
0x165: {  	[sflag:s28] =	ssyncadd.s32 $0xFFFFE000  }
0x166: {  	_ =	swait.ge [sflag:s7], $0x2000  }
0x167: {  	[sflag:s7] =	ssyncset.done $0x0  }
0x168: {  	s5 =	simm.s32 $0x6480;
	[sflag:s7] =	ssyncadd.s32 $0xFFFFE000  }
0x169: {  	v0 =	vld [tilespmem:s5+$0xFFFFFF80];
	_ =	sdelay $0x4  }
0x16a: {  	v0 =	vmul.f32 $8.000000000e+00, v0  }
0x16b: {  	s16 =	simm.s32 $0xE480  }
0x16c: {  	[tilespmem:s16+$0xFFFFFF80] =	vst v0  }
0x16d: {  	v0 =	vld [tilespmem:s5+$0xFFFFFF90];
	_ =	sdelay $0x4  }
0x16e: {  	v0 =	vmul.f32 $8.000000000e+00, v0;
	_ =	sdelay $0x1  }
0x16f: {  	[tilespmem:s16+$0xFFFFFF90] =	vst v0  }
0x170: {  	v0 =	vld [tilespmem:s5+$0xFFFFFFA0];
	_ =	sdelay $0x4  }
0x171: {  	v0 =	vmul.f32 $8.000000000e+00, v0;
	_ =	sdelay $0x1  }
0x172: {  	[tilespmem:s16+$0xFFFFFFA0] =	vst v0  }
0x173: {  	v0 =	vld [tilespmem:s5+$0xFFFFFFB0];
	_ =	sdelay $0x4  }
0x174: {  	v0 =	vmul.f32 $8.000000000e+00, v0;
	_ =	sdelay $0x1  }
0x175: {  	[tilespmem:s16+$0xFFFFFFB0] =	vst v0  }
0x176: {  	v0 =	vld [tilespmem:s5+$0xFFFFFFC0];
	_ =	sdelay $0x4  }
0x177: {  	v0 =	vmul.f32 $8.000000000e+00, v0;
	_ =	sdelay $0x1  }
0x178: {  	[tilespmem:s16+$0xFFFFFFC0] =	vst v0  }
0x179: {  	v0 =	vld [tilespmem:s5+$0xFFFFFFD0];
	_ =	sdelay $0x4  }
0x17a: {  	v0 =	vmul.f32 $8.000000000e+00, v0;
	_ =	sdelay $0x1  }
0x17b: {  	[tilespmem:s16+$0xFFFFFFD0] =	vst v0  }
0x17c: {  	v0 =	vld [tilespmem:s5+$0xFFFFFFE0];
	_ =	sdelay $0x4  }
0x17d: {  	v0 =	vmul.f32 $8.000000000e+00, v0;
	_ =	sdelay $0x1  }
0x17e: {  	[tilespmem:s16+$0xFFFFFFE0] =	vst v0  }
0x17f: {  	v0 =	vld [tilespmem:s5+$0xFFFFFFF0];
	_ =	sdelay $0x4  }
0x180: {  	v0 =	vmul.f32 $8.000000000e+00, v0;
	_ =	sdelay $0x1  }
0x181: {  	[tilespmem:s16+$0xFFFFFFF0] =	vst v0  }
0x182: {  	v0 =	vld [tilespmem:s5+$0x0];
	_ =	sdelay $0x4  }
0x183: {  	v0 =	vmul.f32 $8.000000000e+00, v0;
	_ =	sdelay $0x1  }
0x184: {  	[tilespmem:s16+$0x0] =	vst v0  }
0x185: {  	v0 =	vld [tilespmem:s5+$0x10];
	_ =	sdelay $0x4  }
0x186: {  	v0 =	vmul.f32 $8.000000000e+00, v0;
	_ =	sdelay $0x1  }
0x187: {  	[tilespmem:s16+$0x10] =	vst v0  }
0x188: {  	v0 =	vld [tilespmem:s5+$0x20];
	_ =	sdelay $0x4  }
0x189: {  	v0 =	vmul.f32 $8.000000000e+00, v0;
	_ =	sdelay $0x1  }
0x18a: {  	[tilespmem:s16+$0x20] =	vst v0  }
0x18b: {  	v0 =	vld [tilespmem:s5+$0x30];
	_ =	sdelay $0x4  }
0x18c: {  	v0 =	vmul.f32 $8.000000000e+00, v0;
	_ =	sdelay $0x1  }
0x18d: {  	[tilespmem:s16+$0x30] =	vst v0  }
0x18e: {  	v0 =	vld [tilespmem:s5+$0x40];
	_ =	sdelay $0x4  }
0x18f: {  	v0 =	vmul.f32 $8.000000000e+00, v0;
	_ =	sdelay $0x1  }
0x190: {  	[tilespmem:s16+$0x40] =	vst v0  }
0x191: {  	v0 =	vld [tilespmem:s5+$0x50];
	_ =	sdelay $0x4  }
0x192: {  	v0 =	vmul.f32 $8.000000000e+00, v0;
	_ =	sdelay $0x1  }
0x193: {  	[tilespmem:s16+$0x50] =	vst v0  }
0x194: {  	v0 =	vld [tilespmem:s5+$0x60];
	_ =	sdelay $0x4  }
0x195: {  	v0 =	vmul.f32 $8.000000000e+00, v0;
	_ =	sdelay $0x1  }
0x196: {  	[tilespmem:s16+$0x60] =	vst v0  }
0x197: {  	v0 =	vld [tilespmem:s5+$0x70];
	_ =	sdelay $0x4  }
0x198: {  	v0 =	vmul.f32 $8.000000000e+00, v0;
	_ =	sdelay $0x1  }
0x199: {  	s17 =	simm.s32 $0x0;
	s5 =	simm.s32 $0x6580;
	[tilespmem:s16+$0x70] =	vst v0  }
.LBB2_13:
0x19a: {  	v0 =	vld [tilespmem:s5+$0xFFFFFF80];
	s17 =	sadd.s32 $0x2, s17  }
0x19b: {  	p0 =	slt.u32 s17, $0x3E;
	_ =	sdelay $0x3  }
0x19c: {  	v0 =	vmul.f32 $8.000000000e+00, v0  }
0x19d: {  	s16 =	sadd.s32 $0x100, s16  }
0x19e: {  	[tilespmem:s16+$0xFFFFFF80] =	vst v0  }
0x19f: {  	v0 =	vld [tilespmem:s5+$0xFFFFFF90];
	_ =	sdelay $0x4  }
0x1a0: {  	v0 =	vmul.f32 $8.000000000e+00, v0;
	_ =	sdelay $0x1  }
0x1a1: {  	[tilespmem:s16+$0xFFFFFF90] =	vst v0  }
0x1a2: {  	v0 =	vld [tilespmem:s5+$0xFFFFFFA0];
	_ =	sdelay $0x4  }
0x1a3: {  	v0 =	vmul.f32 $8.000000000e+00, v0;
	_ =	sdelay $0x1  }
0x1a4: {  	[tilespmem:s16+$0xFFFFFFA0] =	vst v0  }
0x1a5: {  	v0 =	vld [tilespmem:s5+$0xFFFFFFB0];
	_ =	sdelay $0x4  }
0x1a6: {  	v0 =	vmul.f32 $8.000000000e+00, v0;
	_ =	sdelay $0x1  }
0x1a7: {  	[tilespmem:s16+$0xFFFFFFB0] =	vst v0  }
0x1a8: {  	v0 =	vld [tilespmem:s5+$0xFFFFFFC0];
	_ =	sdelay $0x4  }
0x1a9: {  	v0 =	vmul.f32 $8.000000000e+00, v0;
	_ =	sdelay $0x1  }
0x1aa: {  	[tilespmem:s16+$0xFFFFFFC0] =	vst v0  }
0x1ab: {  	v0 =	vld [tilespmem:s5+$0xFFFFFFD0];
	_ =	sdelay $0x4  }
0x1ac: {  	v0 =	vmul.f32 $8.000000000e+00, v0;
	_ =	sdelay $0x1  }
0x1ad: {  	[tilespmem:s16+$0xFFFFFFD0] =	vst v0  }
0x1ae: {  	v0 =	vld [tilespmem:s5+$0xFFFFFFE0];
	_ =	sdelay $0x4  }
0x1af: {  	v0 =	vmul.f32 $8.000000000e+00, v0;
	_ =	sdelay $0x1  }
0x1b0: {  	[tilespmem:s16+$0xFFFFFFE0] =	vst v0  }
0x1b1: {  	v0 =	vld [tilespmem:s5+$0xFFFFFFF0];
	_ =	sdelay $0x4  }
0x1b2: {  	v0 =	vmul.f32 $8.000000000e+00, v0;
	_ =	sdelay $0x1  }
0x1b3: {  	[tilespmem:s16+$0xFFFFFFF0] =	vst v0  }
0x1b4: {  	v0 =	vld [tilespmem:s5+$0x0];
	_ =	sdelay $0x4  }
0x1b5: {  	v0 =	vmul.f32 $8.000000000e+00, v0;
	_ =	sdelay $0x1  }
0x1b6: {  	[tilespmem:s16+$0x0] =	vst v0  }
0x1b7: {  	v0 =	vld [tilespmem:s5+$0x10];
	_ =	sdelay $0x4  }
0x1b8: {  	v0 =	vmul.f32 $8.000000000e+00, v0;
	_ =	sdelay $0x1  }
0x1b9: {  	[tilespmem:s16+$0x10] =	vst v0  }
0x1ba: {  	v0 =	vld [tilespmem:s5+$0x20];
	_ =	sdelay $0x4  }
0x1bb: {  	v0 =	vmul.f32 $8.000000000e+00, v0;
	_ =	sdelay $0x1  }
0x1bc: {  	[tilespmem:s16+$0x20] =	vst v0  }
0x1bd: {  	v0 =	vld [tilespmem:s5+$0x30];
	_ =	sdelay $0x4  }
0x1be: {  	v0 =	vmul.f32 $8.000000000e+00, v0;
	_ =	sdelay $0x1  }
0x1bf: {  	[tilespmem:s16+$0x30] =	vst v0  }
0x1c0: {  	v0 =	vld [tilespmem:s5+$0x40];
	_ =	sdelay $0x4  }
0x1c1: {  	v0 =	vmul.f32 $8.000000000e+00, v0;
	_ =	sdelay $0x1  }
0x1c2: {  	[tilespmem:s16+$0x40] =	vst v0  }
0x1c3: {  	v0 =	vld [tilespmem:s5+$0x50];
	_ =	sdelay $0x4  }
0x1c4: {  	v0 =	vmul.f32 $8.000000000e+00, v0;
	_ =	sdelay $0x1  }
0x1c5: {  	[tilespmem:s16+$0x50] =	vst v0  }
0x1c6: {  	v0 =	vld [tilespmem:s5+$0x60];
	_ =	sdelay $0x4  }
0x1c7: {  	v0 =	vmul.f32 $8.000000000e+00, v0;
	_ =	sdelay $0x1  }
0x1c8: {  	[tilespmem:s16+$0x60] =	vst v0  }
0x1c9: {  	v0 =	vld [tilespmem:s5+$0x70];
	_ =	sdelay $0x2  }
.Ltmp5:
0x1ca: {  	(pc) =	sbr.rel @p0 .LBB2_13-.Ltmp5, $3  }
0x1cb: {  	_ = 	snop  }
0x1cc: {  	v0 =	vmul.f32 $8.000000000e+00, v0;
	_ =	sdelay $0x1  }
0x1cd: {  	s5 =	sadd.s32 $0x100, s5;
	[tilespmem:s16+$0x70] =	vst v0  }
0x1ce: {  	s5 =	sshll.u32 s15, $0xF  }
0x1cf: {  	s5 =	sadd.s32 s6, s5  }
0x1d0: {  	s17 =	sshll.u32 s15, $0x9;
	s5 =	sshrl.u32 s5, $0x3  }
0x1d1: {  	s16 =	sand.u32 $0x3FFFFE00, s17;
	s5 =	sadd.s32 s2, s5  }
0x1d2: {  	[hbm4b:s5+s3] =	stream.linear.scatter [tilespmem:s29], [sflag:$0x5], $0x2000, $0x38;
	[tilespmem:$0x16400] =	vst v63  }
0x1d3: {  	s18 =	sadd.s32 $0x200, s16  }
0x1d4: {  	[tilespmem:s21], [sflag:$0x1] =	stream.indirect.gather [hbm4b:s4+s20], $0x40, s18, s20, $0xb8;
	[tilespmem:$0x16400] =	vst v63  }
0x1d5: {  	_ =	swait.ge [sflag:s31], $0x2000  }
0x1d6: {  	[sflag:s31] =	ssyncset.done $0x0  }
0x1d7: {  	[sflag:s31] =	ssyncadd.s32 $0xFFFFE000  }
0x1d8: {  	_ =	swait.ge [sflag:s8], $0x2000  }
0x1d9: {  	[sflag:s8] =	ssyncset.done $0x0  }
0x1da: {  	s19 =	simm.s32 $0x84F0;
	[sflag:s8] =	ssyncadd.s32 $0xFFFFE000  }
0x1db: {  	v0 =	vld [tilespmem:s19+$0xFFFFFF10];
	_ =	sdelay $0x4  }
0x1dc: {  	v0 =	vmul.f32 $8.000000000e+00, v0  }
0x1dd: {  	s18 =	simm.s32 $0x104F0  }
0x1de: {  	[tilespmem:s18+$0xFFFFFF10] =	vst v0  }
0x1df: {  	v0 =	vld [tilespmem:s19+$0xFFFFFF20];
	_ =	sdelay $0x4  }
0x1e0: {  	v0 =	vmul.f32 $8.000000000e+00, v0;
	_ =	sdelay $0x1  }
0x1e1: {  	[tilespmem:s18+$0xFFFFFF20] =	vst v0  }
0x1e2: {  	v0 =	vld [tilespmem:s19+$0xFFFFFF30];
	_ =	sdelay $0x4  }
0x1e3: {  	v0 =	vmul.f32 $8.000000000e+00, v0;
	_ =	sdelay $0x1  }
0x1e4: {  	[tilespmem:s18+$0xFFFFFF30] =	vst v0  }
0x1e5: {  	v0 =	vld [tilespmem:s19+$0xFFFFFF40];
	_ =	sdelay $0x4  }
0x1e6: {  	v0 =	vmul.f32 $8.000000000e+00, v0;
	_ =	sdelay $0x1  }
0x1e7: {  	[tilespmem:s18+$0xFFFFFF40] =	vst v0  }
0x1e8: {  	v0 =	vld [tilespmem:s19+$0xFFFFFF50];
	_ =	sdelay $0x4  }
0x1e9: {  	v0 =	vmul.f32 $8.000000000e+00, v0;
	_ =	sdelay $0x1  }
0x1ea: {  	[tilespmem:s18+$0xFFFFFF50] =	vst v0  }
0x1eb: {  	v0 =	vld [tilespmem:s19+$0xFFFFFF60];
	_ =	sdelay $0x4  }
0x1ec: {  	v0 =	vmul.f32 $8.000000000e+00, v0;
	_ =	sdelay $0x1  }
0x1ed: {  	[tilespmem:s18+$0xFFFFFF60] =	vst v0  }
0x1ee: {  	v0 =	vld [tilespmem:s19+$0xFFFFFF70];
	_ =	sdelay $0x4  }
0x1ef: {  	v0 =	vmul.f32 $8.000000000e+00, v0;
	_ =	sdelay $0x1  }
0x1f0: {  	[tilespmem:s18+$0xFFFFFF70] =	vst v0  }
0x1f1: {  	v0 =	vld [tilespmem:s19+$0xFFFFFF80];
	_ =	sdelay $0x4  }
0x1f2: {  	v0 =	vmul.f32 $8.000000000e+00, v0;
	_ =	sdelay $0x1  }
0x1f3: {  	[tilespmem:s18+$0xFFFFFF80] =	vst v0  }
0x1f4: {  	v0 =	vld [tilespmem:s19+$0xFFFFFF90];
	_ =	sdelay $0x4  }
0x1f5: {  	v0 =	vmul.f32 $8.000000000e+00, v0;
	_ =	sdelay $0x1  }
0x1f6: {  	[tilespmem:s18+$0xFFFFFF90] =	vst v0  }
0x1f7: {  	v0 =	vld [tilespmem:s19+$0xFFFFFFA0];
	_ =	sdelay $0x4  }
0x1f8: {  	v0 =	vmul.f32 $8.000000000e+00, v0;
	_ =	sdelay $0x1  }
0x1f9: {  	[tilespmem:s18+$0xFFFFFFA0] =	vst v0  }
0x1fa: {  	v0 =	vld [tilespmem:s19+$0xFFFFFFB0];
	_ =	sdelay $0x4  }
0x1fb: {  	v0 =	vmul.f32 $8.000000000e+00, v0;
	_ =	sdelay $0x1  }
0x1fc: {  	[tilespmem:s18+$0xFFFFFFB0] =	vst v0  }
0x1fd: {  	v0 =	vld [tilespmem:s19+$0xFFFFFFC0];
	_ =	sdelay $0x4  }
0x1fe: {  	v0 =	vmul.f32 $8.000000000e+00, v0;
	_ =	sdelay $0x1  }
0x1ff: {  	[tilespmem:s18+$0xFFFFFFC0] =	vst v0  }
0x200: {  	v0 =	vld [tilespmem:s19+$0xFFFFFFD0];
	_ =	sdelay $0x4  }
0x201: {  	v0 =	vmul.f32 $8.000000000e+00, v0;
	_ =	sdelay $0x1  }
0x202: {  	[tilespmem:s18+$0xFFFFFFD0] =	vst v0  }
0x203: {  	v0 =	vld [tilespmem:s19+$0xFFFFFFE0];
	_ =	sdelay $0x4  }
0x204: {  	v0 =	vmul.f32 $8.000000000e+00, v0;
	_ =	sdelay $0x1  }
0x205: {  	[tilespmem:s18+$0xFFFFFFE0] =	vst v0  }
0x206: {  	v0 =	vld [tilespmem:s19+$0xFFFFFFF0];
	_ =	sdelay $0x4  }
0x207: {  	v0 =	vmul.f32 $8.000000000e+00, v0;
	_ =	sdelay $0x1  }
0x208: {  	[tilespmem:s18+$0xFFFFFFF0] =	vst v0  }
0x209: {  	v0 =	vld [tilespmem:s19+$0x0];
	_ =	sdelay $0x4  }
0x20a: {  	v0 =	vmul.f32 $8.000000000e+00, v0;
	_ =	sdelay $0x1  }
0x20b: {  	s5 =	simm.s32 $0x0;
	s19 =	simm.s32 $0x85F0;
	[tilespmem:s18+$0x0] =	vst v0  }
.LBB2_15:
0x20c: {  	v0 =	vld [tilespmem:s19+$0xFFFFFF10];
	s5 =	sadd.s32 $0x2, s5  }
0x20d: {  	p0 =	slt.u32 s5, $0x3E;
	_ =	sdelay $0x3  }
0x20e: {  	v0 =	vmul.f32 $8.000000000e+00, v0  }
0x20f: {  	s18 =	sadd.s32 $0x100, s18  }
0x210: {  	[tilespmem:s18+$0xFFFFFF10] =	vst v0  }
0x211: {  	v0 =	vld [tilespmem:s19+$0xFFFFFF20];
	_ =	sdelay $0x4  }
0x212: {  	v0 =	vmul.f32 $8.000000000e+00, v0;
	_ =	sdelay $0x1  }
0x213: {  	[tilespmem:s18+$0xFFFFFF20] =	vst v0  }
0x214: {  	v0 =	vld [tilespmem:s19+$0xFFFFFF30];
	_ =	sdelay $0x4  }
0x215: {  	v0 =	vmul.f32 $8.000000000e+00, v0;
	_ =	sdelay $0x1  }
0x216: {  	[tilespmem:s18+$0xFFFFFF30] =	vst v0  }
0x217: {  	v0 =	vld [tilespmem:s19+$0xFFFFFF40];
	_ =	sdelay $0x4  }
0x218: {  	v0 =	vmul.f32 $8.000000000e+00, v0;
	_ =	sdelay $0x1  }
0x219: {  	[tilespmem:s18+$0xFFFFFF40] =	vst v0  }
0x21a: {  	v0 =	vld [tilespmem:s19+$0xFFFFFF50];
	_ =	sdelay $0x4  }
0x21b: {  	v0 =	vmul.f32 $8.000000000e+00, v0;
	_ =	sdelay $0x1  }
0x21c: {  	[tilespmem:s18+$0xFFFFFF50] =	vst v0  }
0x21d: {  	v0 =	vld [tilespmem:s19+$0xFFFFFF60];
	_ =	sdelay $0x4  }
0x21e: {  	v0 =	vmul.f32 $8.000000000e+00, v0;
	_ =	sdelay $0x1  }
0x21f: {  	[tilespmem:s18+$0xFFFFFF60] =	vst v0  }
0x220: {  	v0 =	vld [tilespmem:s19+$0xFFFFFF70];
	_ =	sdelay $0x4  }
0x221: {  	v0 =	vmul.f32 $8.000000000e+00, v0;
	_ =	sdelay $0x1  }
0x222: {  	[tilespmem:s18+$0xFFFFFF70] =	vst v0  }
0x223: {  	v0 =	vld [tilespmem:s19+$0xFFFFFF80];
	_ =	sdelay $0x4  }
0x224: {  	v0 =	vmul.f32 $8.000000000e+00, v0;
	_ =	sdelay $0x1  }
0x225: {  	[tilespmem:s18+$0xFFFFFF80] =	vst v0  }
0x226: {  	v0 =	vld [tilespmem:s19+$0xFFFFFF90];
	_ =	sdelay $0x4  }
0x227: {  	v0 =	vmul.f32 $8.000000000e+00, v0;
	_ =	sdelay $0x1  }
0x228: {  	[tilespmem:s18+$0xFFFFFF90] =	vst v0  }
0x229: {  	v0 =	vld [tilespmem:s19+$0xFFFFFFA0];
	_ =	sdelay $0x4  }
0x22a: {  	v0 =	vmul.f32 $8.000000000e+00, v0;
	_ =	sdelay $0x1  }
0x22b: {  	[tilespmem:s18+$0xFFFFFFA0] =	vst v0  }
0x22c: {  	v0 =	vld [tilespmem:s19+$0xFFFFFFB0];
	_ =	sdelay $0x4  }
0x22d: {  	v0 =	vmul.f32 $8.000000000e+00, v0;
	_ =	sdelay $0x1  }
0x22e: {  	[tilespmem:s18+$0xFFFFFFB0] =	vst v0  }
0x22f: {  	v0 =	vld [tilespmem:s19+$0xFFFFFFC0];
	_ =	sdelay $0x4  }
0x230: {  	v0 =	vmul.f32 $8.000000000e+00, v0;
	_ =	sdelay $0x1  }
0x231: {  	[tilespmem:s18+$0xFFFFFFC0] =	vst v0  }
0x232: {  	v0 =	vld [tilespmem:s19+$0xFFFFFFD0];
	_ =	sdelay $0x4  }
0x233: {  	v0 =	vmul.f32 $8.000000000e+00, v0;
	_ =	sdelay $0x1  }
0x234: {  	[tilespmem:s18+$0xFFFFFFD0] =	vst v0  }
0x235: {  	v0 =	vld [tilespmem:s19+$0xFFFFFFE0];
	_ =	sdelay $0x4  }
0x236: {  	v0 =	vmul.f32 $8.000000000e+00, v0;
	_ =	sdelay $0x1  }
0x237: {  	[tilespmem:s18+$0xFFFFFFE0] =	vst v0  }
0x238: {  	v0 =	vld [tilespmem:s19+$0xFFFFFFF0];
	_ =	sdelay $0x4  }
0x239: {  	v0 =	vmul.f32 $8.000000000e+00, v0;
	_ =	sdelay $0x1  }
0x23a: {  	[tilespmem:s18+$0xFFFFFFF0] =	vst v0  }
0x23b: {  	v0 =	vld [tilespmem:s19+$0x0];
	_ =	sdelay $0x2  }
.Ltmp6:
0x23c: {  	(pc) =	sbr.rel @p0 .LBB2_15-.Ltmp6, $3  }
0x23d: {  	_ = 	snop  }
0x23e: {  	v0 =	vmul.f32 $8.000000000e+00, v0;
	_ =	sdelay $0x1  }
0x23f: {  	s19 =	sadd.s32 $0x100, s19;
	[tilespmem:s18+$0x0] =	vst v0  }
0x240: {  	s5 =	sadd.s32 s17, s11  }
0x241: {  	s5 =	sshll.u32 s5, $0x3  }
0x242: {  	s5 =	sand.u32 $0x1FFFF400, s5  }
0x243: {  	s18 =	simm.s32 $0x0;
	s5 =	sadd.s32 s2, s5  }
0x244: {  	[hbm4b:s5+s18] =	stream.linear.scatter [tilespmem:s1], [sflag:$0x6], $0x2000, $0x38;
	[tilespmem:$0x16400] =	vst v63  }
0x245: {  	s19 =	sadd.s32 $0x280, s16  }
0x246: {  	[tilespmem:s22], [sflag:$0x2] =	stream.indirect.gather [hbm4b:s4+s20], $0x40, s19, s20, $0xb8;
	[tilespmem:$0x16400] =	vst v63  }
0x247: {  	_ =	swait.ge [sflag:s23], $0x2000  }
0x248: {  	[sflag:s23] =	ssyncset.done $0x0  }
0x249: {  	[sflag:s23] =	ssyncadd.s32 $0xFFFFE000  }
0x24a: {  	_ =	swait.ge [sflag:s9], $0x2000  }
0x24b: {  	[sflag:s9] =	ssyncset.done $0x0  }
0x24c: {  	s5 =	simm.s32 $0x0;
	[sflag:s9] =	ssyncadd.s32 $0xFFFFE000  }
0x24d: {  	v0 =	vld [tilespmem:s5+$0xA4F0]  }
0x24e: {  	v1 =	vld [tilespmem:s5+$0xA400]  }
0x24f: {  	v2 =	vld [tilespmem:s5+$0xA410]  }
0x250: {  	v3 =	vld [tilespmem:s5+$0xA420]  }
0x251: {  	v4 =	vld [tilespmem:s5+$0xA430]  }
0x252: {  	v5 =	vld [tilespmem:s5+$0xA440];
	v0 =	vmul.f32 $8.000000000e+00, v0  }
0x253: {  	v6 =	vld [tilespmem:s5+$0xA450];
	v1 =	vmul.f32 $8.000000000e+00, v1  }
0x254: {  	v7 =	vld [tilespmem:s5+$0xA460];
	[tilespmem:s5+$0x124F0] =	vst v0;
	v0 =	vmul.f32 $8.000000000e+00, v2  }
0x255: {  	v8 =	vld [tilespmem:s5+$0xA470];
	[tilespmem:s5+$0x12400] =	vst v1;
	v1 =	vmul.f32 $8.000000000e+00, v3  }
0x256: {  	v9 =	vld [tilespmem:s5+$0xA480];
	[tilespmem:s5+$0x12410] =	vst v0;
	v0 =	vmul.f32 $8.000000000e+00, v4  }
0x257: {  	v2 =	vld [tilespmem:s5+$0xA490];
	[tilespmem:s5+$0x12420] =	vst v1;
	v1 =	vmul.f32 $8.000000000e+00, v5  }
0x258: {  	v3 =	vmul.f32 $8.000000000e+00, v6;
	[tilespmem:s5+$0x12430] =	vst v0;
	v0 =	vld [tilespmem:s5+$0xA4A0]  }
0x259: {  	v4 =	vmul.f32 $8.000000000e+00, v7;
	[tilespmem:s5+$0x12440] =	vst v1;
	v1 =	vld [tilespmem:s5+$0xA4B0]  }
0x25a: {  	v6 =	vmul.f32 $8.000000000e+00, v8;
	[tilespmem:s5+$0x12450] =	vst v3;
	v3 =	vld [tilespmem:s5+$0xA4C0]  }
0x25b: {  	s18 =	simm.s32 $0x0;
	s19 =	simm.s32 $0x400;
	v5 =	vmul.f32 $8.000000000e+00, v9;
	[tilespmem:s5+$0x12460] =	vst v4;
	v4 =	vld [tilespmem:s5+$0xA4D0]  }
.LBB2_17:
0x25c: {  	s14 =	sshra.s32 s19, $0x2;
	s18 =	sadd.s32 $0x2, s18;
	[tilespmem:s5+$0x12470] =	vst v6;
	v2 =	vmul.f32 $8.000000000e+00, v2;
	v6 =	vld [tilespmem:s5+$0xA4E0]  }
0x25d: {  	v7 =	vld [tilespmem:s14+$0xA4F0];
	p0 =	slt.u32 s18, $0x3E;
	[tilespmem:s5+$0x12480] =	vst v5;
	v0 =	vmul.f32 $8.000000000e+00, v0  }
0x25e: {  	v5 =	vld [tilespmem:s14+$0xA400];
	[tilespmem:s5+$0x12490] =	vst v2;
	v1 =	vmul.f32 $8.000000000e+00, v1  }
0x25f: {  	v2 =	vld [tilespmem:s14+$0xA410];
	[tilespmem:s5+$0x124A0] =	vst v0;
	v0 =	vmul.f32 $8.000000000e+00, v3  }
0x260: {  	v3 =	vld [tilespmem:s14+$0xA420];
	[tilespmem:s5+$0x124B0] =	vst v1;
	v1 =	vmul.f32 $8.000000000e+00, v4  }
0x261: {  	v4 =	vld [tilespmem:s14+$0xA430];
	[tilespmem:s5+$0x124C0] =	vst v0;
	v0 =	vmul.f32 $8.000000000e+00, v6  }
0x262: {  	v6 =	vld [tilespmem:s14+$0xA440];
	v7 =	vmul.f32 $8.000000000e+00, v7;
	[tilespmem:s5+$0x124D0] =	vst v1  }
0x263: {  	v1 =	vmul.f32 $8.000000000e+00, v5;
	v5 =	vld [tilespmem:s14+$0xA450];
	[tilespmem:s5+$0x124E0] =	vst v0;
	s5 =	smov.u32 s14  }
0x264: {  	v0 =	vmul.f32 $8.000000000e+00, v2;
	v8 =	vld [tilespmem:s5+$0xA460];
	[tilespmem:s5+$0x124F0] =	vst v7  }
0x265: {  	[tilespmem:s5+$0x12400] =	vst v1;
	v1 =	vmul.f32 $8.000000000e+00, v3;
	v3 =	vld [tilespmem:s5+$0xA470]  }
0x266: {  	[tilespmem:s5+$0x12410] =	vst v0;
	v0 =	vmul.f32 $8.000000000e+00, v4;
	v4 =	vld [tilespmem:s5+$0xA480]  }
.Ltmp7:
0x267: {  	[tilespmem:s5+$0x12420] =	vst v1;
	v1 =	vmul.f32 $8.000000000e+00, v6;
	v2 =	vld [tilespmem:s5+$0xA490];
	(pc) =	sbr.rel @p0 .LBB2_17-.Ltmp7, $4  }
0x268: {  	[tilespmem:s5+$0x12430] =	vst v0;
	v5 =	vmul.f32 $8.000000000e+00, v5;
	v0 =	vld [tilespmem:s5+$0xA4A0]  }
0x269: {  	[tilespmem:s5+$0x12440] =	vst v1;
	v7 =	vmul.f32 $8.000000000e+00, v8;
	v1 =	vld [tilespmem:s5+$0xA4B0]  }
0x26a: {  	[tilespmem:s5+$0x12450] =	vst v5;
	v6 =	vmul.f32 $8.000000000e+00, v3;
	v3 =	vld [tilespmem:s5+$0xA4C0]  }
0x26b: {  	s19 =	sadd.s32 $0x400, s19;
	[tilespmem:s5+$0x12460] =	vst v7;
	v5 =	vmul.f32 $8.000000000e+00, v4;
	v4 =	vld [tilespmem:s5+$0xA4D0]  }
0x26c: {  	[tilespmem:s5+$0x12470] =	vst v6;
	v2 =	vmul.f32 $8.000000000e+00, v2;
	v6 =	vld [tilespmem:s5+$0xA4E0]  }
0x26d: {  	[tilespmem:s5+$0x12480] =	vst v5;
	v0 =	vmul.f32 $8.000000000e+00, v0  }
0x26e: {  	[tilespmem:s5+$0x12490] =	vst v2;
	v1 =	vmul.f32 $8.000000000e+00, v1  }
0x26f: {  	[tilespmem:s5+$0x124A0] =	vst v0;
	v0 =	vmul.f32 $8.000000000e+00, v3  }
0x270: {  	s14 =	sadd.s32 s17, s12;
	[tilespmem:s5+$0x124B0] =	vst v1;
	v1 =	vmul.f32 $8.000000000e+00, v4  }
0x271: {  	s14 =	sshll.u32 s14, $0x3;
	[tilespmem:s5+$0x124C0] =	vst v0;
	v0 =	vmul.f32 $8.000000000e+00, v6  }
0x272: {  	s14 =	sand.u32 $0x1FFFF800, s14;
	[tilespmem:s5+$0x124D0] =	vst v1  }
0x273: {  	s18 =	simm.s32 $0x0;
	s14 =	sadd.s32 s2, s14;
	[tilespmem:s5+$0x124E0] =	vst v0  }
0x274: {  	[hbm4b:s14+s18] =	stream.linear.scatter [tilespmem:s25], [sflag:$0x7], $0x2000, $0x38;
	[tilespmem:$0x16400] =	vst v63  }
0x275: {  	s19 =	sadd.s32 $0x300, s16  }
0x276: {  	[tilespmem:s24], [sflag:$0x3] =	stream.indirect.gather [hbm4b:s4+s20], $0x40, s19, s20, $0xb8;
	[tilespmem:$0x16400] =	vst v63  }
0x277: {  	_ =	swait.ge [sflag:s0], $0x2000  }
0x278: {  	[sflag:s0] =	ssyncset.done $0x0  }
0x279: {  	[sflag:s0] =	ssyncadd.s32 $0xFFFFE000  }
0x27a: {  	_ =	swait.ge [sflag:s10], $0x2000  }
0x27b: {  	[sflag:s10] =	ssyncset.done $0x0  }
0x27c: {  	s5 =	simm.s32 $0x0;
	[sflag:s10] =	ssyncadd.s32 $0xFFFFE000  }
0x27d: {  	v0 =	vld [tilespmem:s5+$0xC4F0]  }
0x27e: {  	v1 =	vld [tilespmem:s5+$0xC400]  }
0x27f: {  	v2 =	vld [tilespmem:s5+$0xC410]  }
0x280: {  	v3 =	vld [tilespmem:s5+$0xC420]  }
0x281: {  	v4 =	vld [tilespmem:s5+$0xC430]  }
0x282: {  	v5 =	vld [tilespmem:s5+$0xC440];
	v0 =	vmul.f32 $8.000000000e+00, v0  }
0x283: {  	v6 =	vld [tilespmem:s5+$0xC450];
	v1 =	vmul.f32 $8.000000000e+00, v1  }
0x284: {  	v7 =	vld [tilespmem:s5+$0xC460];
	[tilespmem:s5+$0x144F0] =	vst v0;
	v0 =	vmul.f32 $8.000000000e+00, v2  }
0x285: {  	v8 =	vld [tilespmem:s5+$0xC470];
	[tilespmem:s5+$0x14400] =	vst v1;
	v1 =	vmul.f32 $8.000000000e+00, v3  }
0x286: {  	v9 =	vld [tilespmem:s5+$0xC480];
	[tilespmem:s5+$0x14410] =	vst v0;
	v0 =	vmul.f32 $8.000000000e+00, v4  }
0x287: {  	v2 =	vld [tilespmem:s5+$0xC490];
	[tilespmem:s5+$0x14420] =	vst v1;
	v1 =	vmul.f32 $8.000000000e+00, v5  }
0x288: {  	v3 =	vmul.f32 $8.000000000e+00, v6;
	[tilespmem:s5+$0x14430] =	vst v0;
	v0 =	vld [tilespmem:s5+$0xC4A0]  }
0x289: {  	v4 =	vmul.f32 $8.000000000e+00, v7;
	[tilespmem:s5+$0x14440] =	vst v1;
	v1 =	vld [tilespmem:s5+$0xC4B0]  }
0x28a: {  	v6 =	vmul.f32 $8.000000000e+00, v8;
	[tilespmem:s5+$0x14450] =	vst v3;
	v3 =	vld [tilespmem:s5+$0xC4C0]  }
0x28b: {  	s18 =	simm.s32 $0x0;
	s19 =	simm.s32 $0x400;
	v5 =	vmul.f32 $8.000000000e+00, v9;
	[tilespmem:s5+$0x14460] =	vst v4;
	v4 =	vld [tilespmem:s5+$0xC4D0]  }
.LBB2_19:
0x28c: {  	s14 =	sshra.s32 s19, $0x2;
	s18 =	sadd.s32 $0x2, s18;
	[tilespmem:s5+$0x14470] =	vst v6;
	v2 =	vmul.f32 $8.000000000e+00, v2;
	v6 =	vld [tilespmem:s5+$0xC4E0]  }
0x28d: {  	v7 =	vld [tilespmem:s14+$0xC4F0];
	p0 =	slt.u32 s18, $0x3E;
	[tilespmem:s5+$0x14480] =	vst v5;
	v0 =	vmul.f32 $8.000000000e+00, v0  }
0x28e: {  	v5 =	vld [tilespmem:s14+$0xC400];
	[tilespmem:s5+$0x14490] =	vst v2;
	v1 =	vmul.f32 $8.000000000e+00, v1  }
0x28f: {  	v2 =	vld [tilespmem:s14+$0xC410];
	[tilespmem:s5+$0x144A0] =	vst v0;
	v0 =	vmul.f32 $8.000000000e+00, v3  }
0x290: {  	v3 =	vld [tilespmem:s14+$0xC420];
	[tilespmem:s5+$0x144B0] =	vst v1;
	v1 =	vmul.f32 $8.000000000e+00, v4  }
0x291: {  	v4 =	vld [tilespmem:s14+$0xC430];
	[tilespmem:s5+$0x144C0] =	vst v0;
	v0 =	vmul.f32 $8.000000000e+00, v6  }
0x292: {  	v6 =	vld [tilespmem:s14+$0xC440];
	v7 =	vmul.f32 $8.000000000e+00, v7;
	[tilespmem:s5+$0x144D0] =	vst v1  }
0x293: {  	v1 =	vmul.f32 $8.000000000e+00, v5;
	v5 =	vld [tilespmem:s14+$0xC450];
	[tilespmem:s5+$0x144E0] =	vst v0;
	s5 =	smov.u32 s14  }
0x294: {  	v0 =	vmul.f32 $8.000000000e+00, v2;
	v8 =	vld [tilespmem:s5+$0xC460];
	[tilespmem:s5+$0x144F0] =	vst v7  }
0x295: {  	[tilespmem:s5+$0x14400] =	vst v1;
	v1 =	vmul.f32 $8.000000000e+00, v3;
	v3 =	vld [tilespmem:s5+$0xC470]  }
0x296: {  	[tilespmem:s5+$0x14410] =	vst v0;
	v0 =	vmul.f32 $8.000000000e+00, v4;
	v4 =	vld [tilespmem:s5+$0xC480]  }
.Ltmp8:
0x297: {  	[tilespmem:s5+$0x14420] =	vst v1;
	v1 =	vmul.f32 $8.000000000e+00, v6;
	v2 =	vld [tilespmem:s5+$0xC490];
	(pc) =	sbr.rel @p0 .LBB2_19-.Ltmp8, $4  }
0x298: {  	[tilespmem:s5+$0x14430] =	vst v0;
	v5 =	vmul.f32 $8.000000000e+00, v5;
	v0 =	vld [tilespmem:s5+$0xC4A0]  }
0x299: {  	[tilespmem:s5+$0x14440] =	vst v1;
	v7 =	vmul.f32 $8.000000000e+00, v8;
	v1 =	vld [tilespmem:s5+$0xC4B0]  }
0x29a: {  	[tilespmem:s5+$0x14450] =	vst v5;
	v6 =	vmul.f32 $8.000000000e+00, v3;
	v3 =	vld [tilespmem:s5+$0xC4C0]  }
0x29b: {  	s19 =	sadd.s32 $0x400, s19;
	[tilespmem:s5+$0x14460] =	vst v7;
	v5 =	vmul.f32 $8.000000000e+00, v4;
	v4 =	vld [tilespmem:s5+$0xC4D0]  }
0x29c: {  	[tilespmem:s5+$0x14470] =	vst v6;
	v2 =	vmul.f32 $8.000000000e+00, v2;
	v60 =	vld [tilespmem:s5+$0xC4E0]  }
0x29d: {  	[tilespmem:s5+$0x14480] =	vst v5;
	v0 =	vmul.f32 $8.000000000e+00, v0  }
0x29e: {  	[tilespmem:s5+$0x14490] =	vst v2;
	v1 =	vmul.f32 $8.000000000e+00, v1  }
0x29f: {  	[tilespmem:s5+$0x144A0] =	vst v0;
	v61 =	vmul.f32 $8.000000000e+00, v3  }
0x2a0: {  	s14 =	sadd.s32 s17, s13;
	s15 =	sadd.s32 $0x1, s15;
	[tilespmem:s5+$0x144B0] =	vst v1;
	v62 =	vmul.f32 $8.000000000e+00, v4  }
0x2a1: {  	s14 =	sshll.u32 s14, $0x3;
	p0 =	sne.s32 s15, $0x31;
	[tilespmem:s5+$0x144C0] =	vst v61;
	v63 =	vmul.f32 $8.000000000e+00, v60  }
.Ltmp9:
0x2a2: {  	s14 =	sand.u32 $0x1FFFFC00, s14;
	[tilespmem:s5+$0x144D0] =	vst v62;
	(pc) =	sbr.rel @p0 .LBB2_12-.Ltmp9, $4  }
0x2a3: {  	s18 =	sadd.s32 s2, s14;
	[tilespmem:s5+$0x144E0] =	vst v63  }
0x2a4: {  	[hbm4b:s18+s3] =	stream.linear.scatter [tilespmem:s30], [sflag:$0x8], $0x2000, $0x38;
	[tilespmem:$0x16400] =	vst v63  }
0x2a5: {  	s19 =	sadd.s32 $0x380, s16  }
0x2a6: {  	[tilespmem:s26], [sflag:$0x4] =	stream.indirect.gather [hbm4b:s4+s20], $0x40, s19, s20, $0xb8;
	[tilespmem:$0x16400] =	vst v63  }
0x2a7: {  	_ =	swait.ge [sflag:s28], $0x2000  }
0x2a8: {  	[sflag:s28] =	ssyncset.done $0x0  }
0x2a9: {  	[sflag:s28] =	ssyncadd.s32 $0xFFFFE000  }
0x2aa: {  	_ =	swait.ge [sflag:s7], $0x2000  }
0x2ab: {  	[sflag:s7] =	ssyncset.done $0x0  }
0x2ac: {  	s5 =	simm.s32 $0x6480;
	[sflag:s7] =	ssyncadd.s32 $0xFFFFE000  }
0x2ad: {  	v0 =	vld [tilespmem:s5+$0xFFFFFF80];
	_ =	sdelay $0x4  }
0x2ae: {  	v0 =	vmul.f32 $8.000000000e+00, v0  }
0x2af: {  	s15 =	simm.s32 $0xE480  }
0x2b0: {  	[tilespmem:s15+$0xFFFFFF80] =	vst v0  }
0x2b1: {  	v0 =	vld [tilespmem:s5+$0xFFFFFF90];
	_ =	sdelay $0x4  }
0x2b2: {  	v0 =	vmul.f32 $8.000000000e+00, v0;
	_ =	sdelay $0x1  }
0x2b3: {  	[tilespmem:s15+$0xFFFFFF90] =	vst v0  }
0x2b4: {  	v0 =	vld [tilespmem:s5+$0xFFFFFFA0];
	_ =	sdelay $0x4  }
0x2b5: {  	v0 =	vmul.f32 $8.000000000e+00, v0;
	_ =	sdelay $0x1  }
0x2b6: {  	[tilespmem:s15+$0xFFFFFFA0] =	vst v0  }
0x2b7: {  	v0 =	vld [tilespmem:s5+$0xFFFFFFB0];
	_ =	sdelay $0x4  }
0x2b8: {  	v0 =	vmul.f32 $8.000000000e+00, v0;
	_ =	sdelay $0x1  }
0x2b9: {  	[tilespmem:s15+$0xFFFFFFB0] =	vst v0  }
0x2ba: {  	v0 =	vld [tilespmem:s5+$0xFFFFFFC0];
	_ =	sdelay $0x4  }
0x2bb: {  	v0 =	vmul.f32 $8.000000000e+00, v0;
	_ =	sdelay $0x1  }
0x2bc: {  	[tilespmem:s15+$0xFFFFFFC0] =	vst v0  }
0x2bd: {  	v0 =	vld [tilespmem:s5+$0xFFFFFFD0];
	_ =	sdelay $0x4  }
0x2be: {  	v0 =	vmul.f32 $8.000000000e+00, v0;
	_ =	sdelay $0x1  }
0x2bf: {  	[tilespmem:s15+$0xFFFFFFD0] =	vst v0  }
0x2c0: {  	v0 =	vld [tilespmem:s5+$0xFFFFFFE0];
	_ =	sdelay $0x4  }
0x2c1: {  	v0 =	vmul.f32 $8.000000000e+00, v0;
	_ =	sdelay $0x1  }
0x2c2: {  	[tilespmem:s15+$0xFFFFFFE0] =	vst v0  }
0x2c3: {  	v0 =	vld [tilespmem:s5+$0xFFFFFFF0];
	_ =	sdelay $0x4  }
0x2c4: {  	v0 =	vmul.f32 $8.000000000e+00, v0;
	_ =	sdelay $0x1  }
0x2c5: {  	[tilespmem:s15+$0xFFFFFFF0] =	vst v0  }
0x2c6: {  	v0 =	vld [tilespmem:s5+$0x0];
	_ =	sdelay $0x4  }
0x2c7: {  	v0 =	vmul.f32 $8.000000000e+00, v0;
	_ =	sdelay $0x1  }
0x2c8: {  	[tilespmem:s15+$0x0] =	vst v0  }
0x2c9: {  	v0 =	vld [tilespmem:s5+$0x10];
	_ =	sdelay $0x4  }
0x2ca: {  	v0 =	vmul.f32 $8.000000000e+00, v0;
	_ =	sdelay $0x1  }
0x2cb: {  	[tilespmem:s15+$0x10] =	vst v0  }
0x2cc: {  	v0 =	vld [tilespmem:s5+$0x20];
	_ =	sdelay $0x4  }
0x2cd: {  	v0 =	vmul.f32 $8.000000000e+00, v0;
	_ =	sdelay $0x1  }
0x2ce: {  	[tilespmem:s15+$0x20] =	vst v0  }
0x2cf: {  	v0 =	vld [tilespmem:s5+$0x30];
	_ =	sdelay $0x4  }
0x2d0: {  	v0 =	vmul.f32 $8.000000000e+00, v0;
	_ =	sdelay $0x1  }
0x2d1: {  	[tilespmem:s15+$0x30] =	vst v0  }
0x2d2: {  	v0 =	vld [tilespmem:s5+$0x40];
	_ =	sdelay $0x4  }
0x2d3: {  	v0 =	vmul.f32 $8.000000000e+00, v0;
	_ =	sdelay $0x1  }
0x2d4: {  	[tilespmem:s15+$0x40] =	vst v0  }
0x2d5: {  	v0 =	vld [tilespmem:s5+$0x50];
	_ =	sdelay $0x4  }
0x2d6: {  	v0 =	vmul.f32 $8.000000000e+00, v0;
	_ =	sdelay $0x1  }
0x2d7: {  	[tilespmem:s15+$0x50] =	vst v0  }
0x2d8: {  	v0 =	vld [tilespmem:s5+$0x60];
	_ =	sdelay $0x4  }
0x2d9: {  	v0 =	vmul.f32 $8.000000000e+00, v0;
	_ =	sdelay $0x1  }
0x2da: {  	[tilespmem:s15+$0x60] =	vst v0  }
0x2db: {  	v0 =	vld [tilespmem:s5+$0x70];
	_ =	sdelay $0x4  }
0x2dc: {  	v0 =	vmul.f32 $8.000000000e+00, v0;
	_ =	sdelay $0x1  }
0x2dd: {  	s16 =	simm.s32 $0x6580;
	s5 =	simm.s32 $0x0;
	[tilespmem:s15+$0x70] =	vst v0  }
.LBB2_22:
0x2de: {  	v0 =	vld [tilespmem:s16+$0xFFFFFF80];
	s5 =	sadd.s32 $0x2, s5  }
0x2df: {  	p0 =	slt.u32 s5, $0x3E;
	_ =	sdelay $0x3  }
0x2e0: {  	v0 =	vmul.f32 $8.000000000e+00, v0  }
0x2e1: {  	s15 =	sadd.s32 $0x100, s15  }
0x2e2: {  	[tilespmem:s15+$0xFFFFFF80] =	vst v0  }
0x2e3: {  	v0 =	vld [tilespmem:s16+$0xFFFFFF90];
	_ =	sdelay $0x4  }
0x2e4: {  	v0 =	vmul.f32 $8.000000000e+00, v0;
	_ =	sdelay $0x1  }
0x2e5: {  	[tilespmem:s15+$0xFFFFFF90] =	vst v0  }
0x2e6: {  	v0 =	vld [tilespmem:s16+$0xFFFFFFA0];
	_ =	sdelay $0x4  }
0x2e7: {  	v0 =	vmul.f32 $8.000000000e+00, v0;
	_ =	sdelay $0x1  }
0x2e8: {  	[tilespmem:s15+$0xFFFFFFA0] =	vst v0  }
0x2e9: {  	v0 =	vld [tilespmem:s16+$0xFFFFFFB0];
	_ =	sdelay $0x4  }
0x2ea: {  	v0 =	vmul.f32 $8.000000000e+00, v0;
	_ =	sdelay $0x1  }
0x2eb: {  	[tilespmem:s15+$0xFFFFFFB0] =	vst v0  }
0x2ec: {  	v0 =	vld [tilespmem:s16+$0xFFFFFFC0];
	_ =	sdelay $0x4  }
0x2ed: {  	v0 =	vmul.f32 $8.000000000e+00, v0;
	_ =	sdelay $0x1  }
0x2ee: {  	[tilespmem:s15+$0xFFFFFFC0] =	vst v0  }
0x2ef: {  	v0 =	vld [tilespmem:s16+$0xFFFFFFD0];
	_ =	sdelay $0x4  }
0x2f0: {  	v0 =	vmul.f32 $8.000000000e+00, v0;
	_ =	sdelay $0x1  }
0x2f1: {  	[tilespmem:s15+$0xFFFFFFD0] =	vst v0  }
0x2f2: {  	v0 =	vld [tilespmem:s16+$0xFFFFFFE0];
	_ =	sdelay $0x4  }
0x2f3: {  	v0 =	vmul.f32 $8.000000000e+00, v0;
	_ =	sdelay $0x1  }
0x2f4: {  	[tilespmem:s15+$0xFFFFFFE0] =	vst v0  }
0x2f5: {  	v0 =	vld [tilespmem:s16+$0xFFFFFFF0];
	_ =	sdelay $0x4  }
0x2f6: {  	v0 =	vmul.f32 $8.000000000e+00, v0;
	_ =	sdelay $0x1  }
0x2f7: {  	[tilespmem:s15+$0xFFFFFFF0] =	vst v0  }
0x2f8: {  	v0 =	vld [tilespmem:s16+$0x0];
	_ =	sdelay $0x4  }
0x2f9: {  	v0 =	vmul.f32 $8.000000000e+00, v0;
	_ =	sdelay $0x1  }
0x2fa: {  	[tilespmem:s15+$0x0] =	vst v0  }
0x2fb: {  	v0 =	vld [tilespmem:s16+$0x10];
	_ =	sdelay $0x4  }
0x2fc: {  	v0 =	vmul.f32 $8.000000000e+00, v0;
	_ =	sdelay $0x1  }
0x2fd: {  	[tilespmem:s15+$0x10] =	vst v0  }
0x2fe: {  	v0 =	vld [tilespmem:s16+$0x20];
	_ =	sdelay $0x4  }
0x2ff: {  	v0 =	vmul.f32 $8.000000000e+00, v0;
	_ =	sdelay $0x1  }
0x300: {  	[tilespmem:s15+$0x20] =	vst v0  }
0x301: {  	v0 =	vld [tilespmem:s16+$0x30];
	_ =	sdelay $0x4  }
0x302: {  	v0 =	vmul.f32 $8.000000000e+00, v0;
	_ =	sdelay $0x1  }
0x303: {  	[tilespmem:s15+$0x30] =	vst v0  }
0x304: {  	v0 =	vld [tilespmem:s16+$0x40];
	_ =	sdelay $0x4  }
0x305: {  	v0 =	vmul.f32 $8.000000000e+00, v0;
	_ =	sdelay $0x1  }
0x306: {  	[tilespmem:s15+$0x40] =	vst v0  }
0x307: {  	v0 =	vld [tilespmem:s16+$0x50];
	_ =	sdelay $0x4  }
0x308: {  	v0 =	vmul.f32 $8.000000000e+00, v0;
	_ =	sdelay $0x1  }
0x309: {  	[tilespmem:s15+$0x50] =	vst v0  }
0x30a: {  	v0 =	vld [tilespmem:s16+$0x60];
	_ =	sdelay $0x4  }
0x30b: {  	v0 =	vmul.f32 $8.000000000e+00, v0;
	_ =	sdelay $0x1  }
0x30c: {  	[tilespmem:s15+$0x60] =	vst v0  }
0x30d: {  	v0 =	vld [tilespmem:s16+$0x70];
	_ =	sdelay $0x2  }
.Ltmp10:
0x30e: {  	(pc) =	sbr.rel @p0 .LBB2_22-.Ltmp10, $3  }
0x30f: {  	_ = 	snop  }
0x310: {  	v0 =	vmul.f32 $8.000000000e+00, v0;
	_ =	sdelay $0x1  }
0x311: {  	s16 =	sadd.s32 $0x100, s16;
	[tilespmem:s15+$0x70] =	vst v0  }
0x312: {  	s5 =	rddreg [dreg:$0x8]  }
0x313: {  	[hbm4b:s5+s3] =	stream.linear.scatter [tilespmem:s29], [sflag:$0x5], $0x2000, $0x38;
	[tilespmem:$0x16400] =	vst v63  }
0x314: {  	_ =	swait.ge [sflag:s31], $0x2000  }
0x315: {  	[sflag:s31] =	ssyncset.done $0x0  }
0x316: {  	[sflag:s31] =	ssyncadd.s32 $0xFFFFE000  }
0x317: {  	_ =	swait.ge [sflag:s8], $0x2000  }
0x318: {  	[sflag:s8] =	ssyncset.done $0x0  }
0x319: {  	s19 =	simm.s32 $0x84F0;
	[sflag:s8] =	ssyncadd.s32 $0xFFFFE000  }
0x31a: {  	v0 =	vld [tilespmem:s19+$0xFFFFFF10];
	_ =	sdelay $0x4  }
0x31b: {  	v0 =	vmul.f32 $8.000000000e+00, v0  }
0x31c: {  	s15 =	simm.s32 $0x104F0  }
0x31d: {  	[tilespmem:s15+$0xFFFFFF10] =	vst v0  }
0x31e: {  	v0 =	vld [tilespmem:s19+$0xFFFFFF20];
	_ =	sdelay $0x4  }
0x31f: {  	v0 =	vmul.f32 $8.000000000e+00, v0;
	_ =	sdelay $0x1  }
0x320: {  	[tilespmem:s15+$0xFFFFFF20] =	vst v0  }
0x321: {  	v0 =	vld [tilespmem:s19+$0xFFFFFF30];
	_ =	sdelay $0x4  }
0x322: {  	v0 =	vmul.f32 $8.000000000e+00, v0;
	_ =	sdelay $0x1  }
0x323: {  	[tilespmem:s15+$0xFFFFFF30] =	vst v0  }
0x324: {  	v0 =	vld [tilespmem:s19+$0xFFFFFF40];
	_ =	sdelay $0x4  }
0x325: {  	v0 =	vmul.f32 $8.000000000e+00, v0;
	_ =	sdelay $0x1  }
0x326: {  	[tilespmem:s15+$0xFFFFFF40] =	vst v0  }
0x327: {  	v0 =	vld [tilespmem:s19+$0xFFFFFF50];
	_ =	sdelay $0x4  }
0x328: {  	v0 =	vmul.f32 $8.000000000e+00, v0;
	_ =	sdelay $0x1  }
0x329: {  	[tilespmem:s15+$0xFFFFFF50] =	vst v0  }
0x32a: {  	v0 =	vld [tilespmem:s19+$0xFFFFFF60];
	_ =	sdelay $0x4  }
0x32b: {  	v0 =	vmul.f32 $8.000000000e+00, v0;
	_ =	sdelay $0x1  }
0x32c: {  	[tilespmem:s15+$0xFFFFFF60] =	vst v0  }
0x32d: {  	v0 =	vld [tilespmem:s19+$0xFFFFFF70];
	_ =	sdelay $0x4  }
0x32e: {  	v0 =	vmul.f32 $8.000000000e+00, v0;
	_ =	sdelay $0x1  }
0x32f: {  	[tilespmem:s15+$0xFFFFFF70] =	vst v0  }
0x330: {  	v0 =	vld [tilespmem:s19+$0xFFFFFF80];
	_ =	sdelay $0x4  }
0x331: {  	v0 =	vmul.f32 $8.000000000e+00, v0;
	_ =	sdelay $0x1  }
0x332: {  	[tilespmem:s15+$0xFFFFFF80] =	vst v0  }
0x333: {  	v0 =	vld [tilespmem:s19+$0xFFFFFF90];
	_ =	sdelay $0x4  }
0x334: {  	v0 =	vmul.f32 $8.000000000e+00, v0;
	_ =	sdelay $0x1  }
0x335: {  	[tilespmem:s15+$0xFFFFFF90] =	vst v0  }
0x336: {  	v0 =	vld [tilespmem:s19+$0xFFFFFFA0];
	_ =	sdelay $0x4  }
0x337: {  	v0 =	vmul.f32 $8.000000000e+00, v0;
	_ =	sdelay $0x1  }
0x338: {  	[tilespmem:s15+$0xFFFFFFA0] =	vst v0  }
0x339: {  	v0 =	vld [tilespmem:s19+$0xFFFFFFB0];
	_ =	sdelay $0x4  }
0x33a: {  	v0 =	vmul.f32 $8.000000000e+00, v0;
	_ =	sdelay $0x1  }
0x33b: {  	[tilespmem:s15+$0xFFFFFFB0] =	vst v0  }
0x33c: {  	v0 =	vld [tilespmem:s19+$0xFFFFFFC0];
	_ =	sdelay $0x4  }
0x33d: {  	v0 =	vmul.f32 $8.000000000e+00, v0;
	_ =	sdelay $0x1  }
0x33e: {  	[tilespmem:s15+$0xFFFFFFC0] =	vst v0  }
0x33f: {  	v0 =	vld [tilespmem:s19+$0xFFFFFFD0];
	_ =	sdelay $0x4  }
0x340: {  	v0 =	vmul.f32 $8.000000000e+00, v0;
	_ =	sdelay $0x1  }
0x341: {  	[tilespmem:s15+$0xFFFFFFD0] =	vst v0  }
0x342: {  	v0 =	vld [tilespmem:s19+$0xFFFFFFE0];
	_ =	sdelay $0x4  }
0x343: {  	v0 =	vmul.f32 $8.000000000e+00, v0;
	_ =	sdelay $0x1  }
0x344: {  	[tilespmem:s15+$0xFFFFFFE0] =	vst v0  }
0x345: {  	v0 =	vld [tilespmem:s19+$0xFFFFFFF0];
	_ =	sdelay $0x4  }
0x346: {  	v0 =	vmul.f32 $8.000000000e+00, v0;
	_ =	sdelay $0x1  }
0x347: {  	[tilespmem:s15+$0xFFFFFFF0] =	vst v0  }
0x348: {  	v0 =	vld [tilespmem:s19+$0x0];
	_ =	sdelay $0x4  }
0x349: {  	v0 =	vmul.f32 $8.000000000e+00, v0;
	_ =	sdelay $0x1  }
0x34a: {  	s16 =	simm.s32 $0x85F0;
	s5 =	simm.s32 $0x0;
	[tilespmem:s15+$0x0] =	vst v0  }
.LBB2_24:
0x34b: {  	v0 =	vld [tilespmem:s16+$0xFFFFFF10];
	s5 =	sadd.s32 $0x2, s5  }
0x34c: {  	p0 =	slt.u32 s5, $0x3E;
	_ =	sdelay $0x3  }
0x34d: {  	v0 =	vmul.f32 $8.000000000e+00, v0  }
0x34e: {  	s15 =	sadd.s32 $0x100, s15  }
0x34f: {  	[tilespmem:s15+$0xFFFFFF10] =	vst v0  }
0x350: {  	v0 =	vld [tilespmem:s16+$0xFFFFFF20];
	_ =	sdelay $0x4  }
0x351: {  	v0 =	vmul.f32 $8.000000000e+00, v0;
	_ =	sdelay $0x1  }
0x352: {  	[tilespmem:s15+$0xFFFFFF20] =	vst v0  }
0x353: {  	v0 =	vld [tilespmem:s16+$0xFFFFFF30];
	_ =	sdelay $0x4  }
0x354: {  	v0 =	vmul.f32 $8.000000000e+00, v0;
	_ =	sdelay $0x1  }
0x355: {  	[tilespmem:s15+$0xFFFFFF30] =	vst v0  }
0x356: {  	v0 =	vld [tilespmem:s16+$0xFFFFFF40];
	_ =	sdelay $0x4  }
0x357: {  	v0 =	vmul.f32 $8.000000000e+00, v0;
	_ =	sdelay $0x1  }
0x358: {  	[tilespmem:s15+$0xFFFFFF40] =	vst v0  }
0x359: {  	v0 =	vld [tilespmem:s16+$0xFFFFFF50];
	_ =	sdelay $0x4  }
0x35a: {  	v0 =	vmul.f32 $8.000000000e+00, v0;
	_ =	sdelay $0x1  }
0x35b: {  	[tilespmem:s15+$0xFFFFFF50] =	vst v0  }
0x35c: {  	v0 =	vld [tilespmem:s16+$0xFFFFFF60];
	_ =	sdelay $0x4  }
0x35d: {  	v0 =	vmul.f32 $8.000000000e+00, v0;
	_ =	sdelay $0x1  }
0x35e: {  	[tilespmem:s15+$0xFFFFFF60] =	vst v0  }
0x35f: {  	v0 =	vld [tilespmem:s16+$0xFFFFFF70];
	_ =	sdelay $0x4  }
0x360: {  	v0 =	vmul.f32 $8.000000000e+00, v0;
	_ =	sdelay $0x1  }
0x361: {  	[tilespmem:s15+$0xFFFFFF70] =	vst v0  }
0x362: {  	v0 =	vld [tilespmem:s16+$0xFFFFFF80];
	_ =	sdelay $0x4  }
0x363: {  	v0 =	vmul.f32 $8.000000000e+00, v0;
	_ =	sdelay $0x1  }
0x364: {  	[tilespmem:s15+$0xFFFFFF80] =	vst v0  }
0x365: {  	v0 =	vld [tilespmem:s16+$0xFFFFFF90];
	_ =	sdelay $0x4  }
0x366: {  	v0 =	vmul.f32 $8.000000000e+00, v0;
	_ =	sdelay $0x1  }
0x367: {  	[tilespmem:s15+$0xFFFFFF90] =	vst v0  }
0x368: {  	v0 =	vld [tilespmem:s16+$0xFFFFFFA0];
	_ =	sdelay $0x4  }
0x369: {  	v0 =	vmul.f32 $8.000000000e+00, v0;
	_ =	sdelay $0x1  }
0x36a: {  	[tilespmem:s15+$0xFFFFFFA0] =	vst v0  }
0x36b: {  	v0 =	vld [tilespmem:s16+$0xFFFFFFB0];
	_ =	sdelay $0x4  }
0x36c: {  	v0 =	vmul.f32 $8.000000000e+00, v0;
	_ =	sdelay $0x1  }
0x36d: {  	[tilespmem:s15+$0xFFFFFFB0] =	vst v0  }
0x36e: {  	v0 =	vld [tilespmem:s16+$0xFFFFFFC0];
	_ =	sdelay $0x4  }
0x36f: {  	v0 =	vmul.f32 $8.000000000e+00, v0;
	_ =	sdelay $0x1  }
0x370: {  	[tilespmem:s15+$0xFFFFFFC0] =	vst v0  }
0x371: {  	v0 =	vld [tilespmem:s16+$0xFFFFFFD0];
	_ =	sdelay $0x4  }
0x372: {  	v0 =	vmul.f32 $8.000000000e+00, v0;
	_ =	sdelay $0x1  }
0x373: {  	[tilespmem:s15+$0xFFFFFFD0] =	vst v0  }
0x374: {  	v0 =	vld [tilespmem:s16+$0xFFFFFFE0];
	_ =	sdelay $0x4  }
0x375: {  	v0 =	vmul.f32 $8.000000000e+00, v0;
	_ =	sdelay $0x1  }
0x376: {  	[tilespmem:s15+$0xFFFFFFE0] =	vst v0  }
0x377: {  	v0 =	vld [tilespmem:s16+$0xFFFFFFF0];
	_ =	sdelay $0x4  }
0x378: {  	v0 =	vmul.f32 $8.000000000e+00, v0;
	_ =	sdelay $0x1  }
0x379: {  	[tilespmem:s15+$0xFFFFFFF0] =	vst v0  }
0x37a: {  	v0 =	vld [tilespmem:s16+$0x0];
	_ =	sdelay $0x2  }
.Ltmp11:
0x37b: {  	(pc) =	sbr.rel @p0 .LBB2_24-.Ltmp11, $3  }
0x37c: {  	_ = 	snop  }
0x37d: {  	v0 =	vmul.f32 $8.000000000e+00, v0;
	_ =	sdelay $0x1  }
0x37e: {  	s16 =	sadd.s32 $0x100, s16;
	[tilespmem:s15+$0x0] =	vst v0  }
0x37f: {  	s5 =	simm.s32 $0x0;
	s14 =	rddreg [dreg:$0x9]  }
0x380: {  	[hbm4b:s14+s5] =	stream.linear.scatter [tilespmem:s1], [sflag:$0x6], $0x2000, $0x38;
	[tilespmem:$0x16400] =	vst v63  }
0x381: {  	_ =	swait.ge [sflag:s23], $0x2000  }
0x382: {  	[sflag:s23] =	ssyncset.done $0x0  }
0x383: {  	[sflag:s23] =	ssyncadd.s32 $0xFFFFE000  }
0x384: {  	_ =	swait.ge [sflag:s9], $0x2000  }
0x385: {  	[sflag:s9] =	ssyncset.done $0x0  }
0x386: {  	s5 =	simm.s32 $0x0;
	[sflag:s9] =	ssyncadd.s32 $0xFFFFE000  }
0x387: {  	v0 =	vld [tilespmem:s5+$0xA4F0]  }
0x388: {  	v1 =	vld [tilespmem:s5+$0xA400]  }
0x389: {  	v2 =	vld [tilespmem:s5+$0xA410]  }
0x38a: {  	v3 =	vld [tilespmem:s5+$0xA420]  }
0x38b: {  	v4 =	vld [tilespmem:s5+$0xA430]  }
0x38c: {  	v5 =	vld [tilespmem:s5+$0xA440];
	v0 =	vmul.f32 $8.000000000e+00, v0  }
0x38d: {  	v6 =	vld [tilespmem:s5+$0xA450];
	v1 =	vmul.f32 $8.000000000e+00, v1  }
0x38e: {  	v7 =	vld [tilespmem:s5+$0xA460];
	[tilespmem:s5+$0x124F0] =	vst v0;
	v0 =	vmul.f32 $8.000000000e+00, v2  }
0x38f: {  	v8 =	vld [tilespmem:s5+$0xA470];
	[tilespmem:s5+$0x12400] =	vst v1;
	v1 =	vmul.f32 $8.000000000e+00, v3  }
0x390: {  	v9 =	vld [tilespmem:s5+$0xA480];
	[tilespmem:s5+$0x12410] =	vst v0;
	v0 =	vmul.f32 $8.000000000e+00, v4  }
0x391: {  	v2 =	vld [tilespmem:s5+$0xA490];
	[tilespmem:s5+$0x12420] =	vst v1;
	v1 =	vmul.f32 $8.000000000e+00, v5  }
0x392: {  	v3 =	vmul.f32 $8.000000000e+00, v6;
	[tilespmem:s5+$0x12430] =	vst v0;
	v0 =	vld [tilespmem:s5+$0xA4A0]  }
0x393: {  	v4 =	vmul.f32 $8.000000000e+00, v7;
	[tilespmem:s5+$0x12440] =	vst v1;
	v1 =	vld [tilespmem:s5+$0xA4B0]  }
0x394: {  	v6 =	vmul.f32 $8.000000000e+00, v8;
	[tilespmem:s5+$0x12450] =	vst v3;
	v3 =	vld [tilespmem:s5+$0xA4C0]  }
0x395: {  	s15 =	simm.s32 $0x0;
	s16 =	simm.s32 $0x400;
	v5 =	vmul.f32 $8.000000000e+00, v9;
	[tilespmem:s5+$0x12460] =	vst v4;
	v4 =	vld [tilespmem:s5+$0xA4D0]  }
.LBB2_26:
0x396: {  	s14 =	sshra.s32 s16, $0x2;
	s15 =	sadd.s32 $0x2, s15;
	[tilespmem:s5+$0x12470] =	vst v6;
	v2 =	vmul.f32 $8.000000000e+00, v2;
	v6 =	vld [tilespmem:s5+$0xA4E0]  }
0x397: {  	v7 =	vld [tilespmem:s14+$0xA4F0];
	p0 =	slt.u32 s15, $0x3E;
	[tilespmem:s5+$0x12480] =	vst v5;
	v0 =	vmul.f32 $8.000000000e+00, v0  }
0x398: {  	v5 =	vld [tilespmem:s14+$0xA400];
	[tilespmem:s5+$0x12490] =	vst v2;
	v1 =	vmul.f32 $8.000000000e+00, v1  }
0x399: {  	v2 =	vld [tilespmem:s14+$0xA410];
	[tilespmem:s5+$0x124A0] =	vst v0;
	v0 =	vmul.f32 $8.000000000e+00, v3  }
0x39a: {  	v3 =	vld [tilespmem:s14+$0xA420];
	[tilespmem:s5+$0x124B0] =	vst v1;
	v1 =	vmul.f32 $8.000000000e+00, v4  }
0x39b: {  	v4 =	vld [tilespmem:s14+$0xA430];
	[tilespmem:s5+$0x124C0] =	vst v0;
	v0 =	vmul.f32 $8.000000000e+00, v6  }
0x39c: {  	v6 =	vld [tilespmem:s14+$0xA440];
	v7 =	vmul.f32 $8.000000000e+00, v7;
	[tilespmem:s5+$0x124D0] =	vst v1  }
0x39d: {  	v1 =	vmul.f32 $8.000000000e+00, v5;
	v5 =	vld [tilespmem:s14+$0xA450];
	[tilespmem:s5+$0x124E0] =	vst v0;
	s5 =	smov.u32 s14  }
0x39e: {  	v0 =	vmul.f32 $8.000000000e+00, v2;
	v8 =	vld [tilespmem:s5+$0xA460];
	[tilespmem:s5+$0x124F0] =	vst v7  }
0x39f: {  	[tilespmem:s5+$0x12400] =	vst v1;
	v1 =	vmul.f32 $8.000000000e+00, v3;
	v3 =	vld [tilespmem:s5+$0xA470]  }
0x3a0: {  	[tilespmem:s5+$0x12410] =	vst v0;
	v0 =	vmul.f32 $8.000000000e+00, v4;
	v4 =	vld [tilespmem:s5+$0xA480]  }
.Ltmp12:
0x3a1: {  	[tilespmem:s5+$0x12420] =	vst v1;
	v1 =	vmul.f32 $8.000000000e+00, v6;
	v2 =	vld [tilespmem:s5+$0xA490];
	(pc) =	sbr.rel @p0 .LBB2_26-.Ltmp12, $4  }
0x3a2: {  	[tilespmem:s5+$0x12430] =	vst v0;
	v5 =	vmul.f32 $8.000000000e+00, v5;
	v0 =	vld [tilespmem:s5+$0xA4A0]  }
0x3a3: {  	[tilespmem:s5+$0x12440] =	vst v1;
	v7 =	vmul.f32 $8.000000000e+00, v8;
	v1 =	vld [tilespmem:s5+$0xA4B0]  }
0x3a4: {  	[tilespmem:s5+$0x12450] =	vst v5;
	v6 =	vmul.f32 $8.000000000e+00, v3;
	v3 =	vld [tilespmem:s5+$0xA4C0]  }
0x3a5: {  	s16 =	sadd.s32 $0x400, s16;
	[tilespmem:s5+$0x12460] =	vst v7;
	v5 =	vmul.f32 $8.000000000e+00, v4;
	v4 =	vld [tilespmem:s5+$0xA4D0]  }
0x3a6: {  	[tilespmem:s5+$0x12470] =	vst v6;
	v2 =	vmul.f32 $8.000000000e+00, v2;
	v6 =	vld [tilespmem:s5+$0xA4E0]  }
0x3a7: {  	[tilespmem:s5+$0x12480] =	vst v5;
	v0 =	vmul.f32 $8.000000000e+00, v0  }
0x3a8: {  	[tilespmem:s5+$0x12490] =	vst v2;
	v1 =	vmul.f32 $8.000000000e+00, v1  }
0x3a9: {  	[tilespmem:s5+$0x124A0] =	vst v0;
	v0 =	vmul.f32 $8.000000000e+00, v3  }
0x3aa: {  	[tilespmem:s5+$0x124B0] =	vst v1;
	v1 =	vmul.f32 $8.000000000e+00, v4  }
0x3ab: {  	[tilespmem:s5+$0x124C0] =	vst v0;
	v0 =	vmul.f32 $8.000000000e+00, v6  }
0x3ac: {  	[tilespmem:s5+$0x124D0] =	vst v1  }
0x3ad: {  	s19 =	simm.s32 $0x0;
	s14 =	rddreg [dreg:$0xa];
	[tilespmem:s5+$0x124E0] =	vst v0  }
0x3ae: {  	[hbm4b:s14+s19] =	stream.linear.scatter [tilespmem:s25], [sflag:$0x7], $0x2000, $0x38;
	[tilespmem:$0x16400] =	vst v63  }
0x3af: {  	_ =	swait.ge [sflag:s0], $0x2000  }
0x3b0: {  	[sflag:s0] =	ssyncset.done $0x0  }
0x3b1: {  	[sflag:s0] =	ssyncadd.s32 $0xFFFFE000  }
0x3b2: {  	_ =	swait.ge [sflag:s10], $0x2000  }
0x3b3: {  	[sflag:s10] =	ssyncset.done $0x0  }
0x3b4: {  	s5 =	simm.s32 $0x0;
	[sflag:s10] =	ssyncadd.s32 $0xFFFFE000  }
0x3b5: {  	v0 =	vld [tilespmem:s5+$0xC4F0]  }
0x3b6: {  	v1 =	vld [tilespmem:s5+$0xC400]  }
0x3b7: {  	v2 =	vld [tilespmem:s5+$0xC410]  }
0x3b8: {  	v3 =	vld [tilespmem:s5+$0xC420]  }
0x3b9: {  	v4 =	vld [tilespmem:s5+$0xC430]  }
0x3ba: {  	v5 =	vld [tilespmem:s5+$0xC440];
	v0 =	vmul.f32 $8.000000000e+00, v0  }
0x3bb: {  	v6 =	vld [tilespmem:s5+$0xC450];
	v1 =	vmul.f32 $8.000000000e+00, v1  }
0x3bc: {  	v7 =	vld [tilespmem:s5+$0xC460];
	[tilespmem:s5+$0x144F0] =	vst v0;
	v0 =	vmul.f32 $8.000000000e+00, v2  }
0x3bd: {  	v8 =	vld [tilespmem:s5+$0xC470];
	[tilespmem:s5+$0x14400] =	vst v1;
	v1 =	vmul.f32 $8.000000000e+00, v3  }
0x3be: {  	v9 =	vld [tilespmem:s5+$0xC480];
	[tilespmem:s5+$0x14410] =	vst v0;
	v0 =	vmul.f32 $8.000000000e+00, v4  }
0x3bf: {  	v2 =	vld [tilespmem:s5+$0xC490];
	[tilespmem:s5+$0x14420] =	vst v1;
	v1 =	vmul.f32 $8.000000000e+00, v5  }
0x3c0: {  	v3 =	vmul.f32 $8.000000000e+00, v6;
	[tilespmem:s5+$0x14430] =	vst v0;
	v0 =	vld [tilespmem:s5+$0xC4A0]  }
0x3c1: {  	v4 =	vmul.f32 $8.000000000e+00, v7;
	[tilespmem:s5+$0x14440] =	vst v1;
	v1 =	vld [tilespmem:s5+$0xC4B0]  }
0x3c2: {  	v6 =	vmul.f32 $8.000000000e+00, v8;
	[tilespmem:s5+$0x14450] =	vst v3;
	v3 =	vld [tilespmem:s5+$0xC4C0]  }
0x3c3: {  	s15 =	simm.s32 $0x0;
	s16 =	simm.s32 $0x400;
	v5 =	vmul.f32 $8.000000000e+00, v9;
	[tilespmem:s5+$0x14460] =	vst v4;
	v4 =	vld [tilespmem:s5+$0xC4D0]  }
.LBB2_28:
0x3c4: {  	s14 =	sshra.s32 s16, $0x2;
	s15 =	sadd.s32 $0x2, s15;
	[tilespmem:s5+$0x14470] =	vst v6;
	v2 =	vmul.f32 $8.000000000e+00, v2;
	v6 =	vld [tilespmem:s5+$0xC4E0]  }
0x3c5: {  	v7 =	vld [tilespmem:s14+$0xC4F0];
	p0 =	slt.u32 s15, $0x3E;
	[tilespmem:s5+$0x14480] =	vst v5;
	v0 =	vmul.f32 $8.000000000e+00, v0  }
0x3c6: {  	v5 =	vld [tilespmem:s14+$0xC400];
	[tilespmem:s5+$0x14490] =	vst v2;
	v1 =	vmul.f32 $8.000000000e+00, v1  }
0x3c7: {  	v2 =	vld [tilespmem:s14+$0xC410];
	[tilespmem:s5+$0x144A0] =	vst v0;
	v0 =	vmul.f32 $8.000000000e+00, v3  }
0x3c8: {  	v3 =	vld [tilespmem:s14+$0xC420];
	[tilespmem:s5+$0x144B0] =	vst v1;
	v1 =	vmul.f32 $8.000000000e+00, v4  }
0x3c9: {  	v4 =	vld [tilespmem:s14+$0xC430];
	[tilespmem:s5+$0x144C0] =	vst v0;
	v0 =	vmul.f32 $8.000000000e+00, v6  }
0x3ca: {  	v6 =	vld [tilespmem:s14+$0xC440];
	v7 =	vmul.f32 $8.000000000e+00, v7;
	[tilespmem:s5+$0x144D0] =	vst v1  }
0x3cb: {  	v1 =	vmul.f32 $8.000000000e+00, v5;
	v5 =	vld [tilespmem:s14+$0xC450];
	[tilespmem:s5+$0x144E0] =	vst v0;
	s5 =	smov.u32 s14  }
0x3cc: {  	v0 =	vmul.f32 $8.000000000e+00, v2;
	v8 =	vld [tilespmem:s5+$0xC460];
	[tilespmem:s5+$0x144F0] =	vst v7  }
0x3cd: {  	[tilespmem:s5+$0x14400] =	vst v1;
	v1 =	vmul.f32 $8.000000000e+00, v3;
	v3 =	vld [tilespmem:s5+$0xC470]  }
0x3ce: {  	[tilespmem:s5+$0x14410] =	vst v0;
	v0 =	vmul.f32 $8.000000000e+00, v4;
	v4 =	vld [tilespmem:s5+$0xC480]  }
.Ltmp13:
0x3cf: {  	[tilespmem:s5+$0x14420] =	vst v1;
	v1 =	vmul.f32 $8.000000000e+00, v6;
	v2 =	vld [tilespmem:s5+$0xC490];
	(pc) =	sbr.rel @p0 .LBB2_28-.Ltmp13, $4  }
0x3d0: {  	[tilespmem:s5+$0x14430] =	vst v0;
	v5 =	vmul.f32 $8.000000000e+00, v5;
	v0 =	vld [tilespmem:s5+$0xC4A0]  }
0x3d1: {  	[tilespmem:s5+$0x14440] =	vst v1;
	v7 =	vmul.f32 $8.000000000e+00, v8;
	v1 =	vld [tilespmem:s5+$0xC4B0]  }
0x3d2: {  	[tilespmem:s5+$0x14450] =	vst v5;
	v6 =	vmul.f32 $8.000000000e+00, v3;
	v3 =	vld [tilespmem:s5+$0xC4C0]  }
0x3d3: {  	s16 =	sadd.s32 $0x400, s16;
	[tilespmem:s5+$0x14460] =	vst v7;
	v5 =	vmul.f32 $8.000000000e+00, v4;
	v4 =	vld [tilespmem:s5+$0xC4D0]  }
0x3d4: {  	[tilespmem:s5+$0x14470] =	vst v6;
	v2 =	vmul.f32 $8.000000000e+00, v2;
	v60 =	vld [tilespmem:s5+$0xC4E0]  }
0x3d5: {  	[tilespmem:s5+$0x14480] =	vst v5;
	v0 =	vmul.f32 $8.000000000e+00, v0  }
0x3d6: {  	[tilespmem:s5+$0x14490] =	vst v2;
	v1 =	vmul.f32 $8.000000000e+00, v1  }
0x3d7: {  	[tilespmem:s5+$0x144A0] =	vst v0;
	v61 =	vmul.f32 $8.000000000e+00, v3  }
0x3d8: {  	[tilespmem:s5+$0x144B0] =	vst v1;
	v62 =	vmul.f32 $8.000000000e+00, v4  }
0x3d9: {  	[tilespmem:s5+$0x144C0] =	vst v61;
	v63 =	vmul.f32 $8.000000000e+00, v60  }
0x3da: {  	[tilespmem:s5+$0x144D0] =	vst v62  }
0x3db: {  	s18 =	rddreg [dreg:$0xb];
	[tilespmem:s5+$0x144E0] =	vst v63  }
0x3dc: {  	[hbm4b:s18+s3] =	stream.linear.scatter [tilespmem:s30], [sflag:$0x8], $0x2000, $0x38;
	[tilespmem:$0x16400] =	vst v63  }
0x3dd: {  	_ =	swait.ge [sflag:s7], $0x2000  }
0x3de: {  	[sflag:s7] =	ssyncset.done $0x0  }
0x3df: {  	[sflag:s7] =	ssyncadd.s32 $0xFFFFE000  }
0x3e0: {  	_ =	swait.ge [sflag:s8], $0x2000  }
0x3e1: {  	[sflag:s8] =	ssyncset.done $0x0  }
0x3e2: {  	[sflag:s8] =	ssyncadd.s32 $0xFFFFE000  }
0x3e3: {  	_ =	swait.ge [sflag:s9], $0x2000  }
0x3e4: {  	[sflag:s9] =	ssyncset.done $0x0  }
0x3e5: {  	[sflag:s9] =	ssyncadd.s32 $0xFFFFE000  }
0x3e6: {  	_ =	swait.ge [sflag:s10], $0x2000  }
0x3e7: {  	s14 =	rddreg [dreg:$0xd]  }
0x3e8: {  	s19 =	rddreg [dreg:$0xc];
	s14 =	sadd.s32 $0x1, s14  }
0x3e9: {  	p0 =	sne.s32 s14, s19  }
.Ltmp14:
0x3ea: {  	_ = 	snop;
	(pc) =	sbr.rel @p0 .LBB2_1-.Ltmp14, $3  }
0x3eb: {  	_ =	sdelay $0x1  }
0x3ec: {  	[sflag:s10] =	ssyncset.done $0x0  }
0x3ed: {  	[sflag:s10] =	ssyncadd.s32 $0xFFFFE000  }
0x3ee: {  	_ =	sfence.sel $0x180000  }
0x3ef: {  	[bflag:$0x0] =	sbarrier.arrive $0xFFFF  }
0x3f0: {  	_ =	strace $0x9000004A  }
0x3f1: {  	s0 =	stileid.u32;
	[bflag:$0x2] =	sbarrier.arrive $0xFFFF  }
0x3f2: {  	p0 =	sne.s32 s0, $0x0;
	s0 =	rddreg [dreg:$0x2]  }
0x3f3: {  	s0 =	sadd.s32 @!p0 $0x100000, s0  }
0x3f4: {  	[sflag:s0] =	ssyncadd.tile.s32 @!p0 $0x1;
	_ =	shalt  }
.Lfunc_end2:
_tile_overlayer_lowered:
.L_overlay_start_2:
0x3f5: {  	(tag) =	ssettag $0x2  }
0x3f6: {  	s0 =	rddreg [dreg:$0x0];
	s2 =	stileid.u32  }
0x3f7: {  	s1 =	rddreg [dreg:$0x1];
	p0 =	sne.s32 s2, $0x0  }
0x3f8: {  	s3 =	rddreg [dreg:$0x2];
	[bflag:$0x3] =	sbarrier.arrive $0xFFFF;
	s2 =	simm.s32 @!p0 $0x1C09  }
0x3f9: {  	[timem:s3], [sflag:s2] =	dma.local @!p0 [hbm:s0], s1  }
0x3fa: {  	s0 =	simm.s32 @!p0 $0x9  }
0x3fb: {  	_ =	swait.ge @!p0 [sflag:s0], s1  }
0x3fc: {  	s1 =	ssub.s32 @!p0 $0x0, s1;
	[sflag:s0] =	ssyncset.done @!p0 $0x0  }
0x3fd: {  	[sflag:s0] =	ssyncadd.s32 @!p0 s1  }
0x3fe: {  	[bflag:$0x3] =	sbarrier.arrive $0xFFFF  }
0x3ff: {  	_ =	shalt  }

// kernel: sparse-core-data-format-call.1.cloned.1.call-start
scs
called_computation.1_lowered:
.L_overlay_start_0:
0x0: {  	s2 =	sld [smem:$0x3FD9]  }
0x1: {  	s3 =	sld [smem:$0x3FFE];
	_ =	sdelay $0x1  }
0x2: {  	s1 =	srdreg.scid  }
0x3: {  	s0 =	sand.u32 $0x1, s1  }
0x4: {  	s18 =	sshll.u32 s0, $0xA;
	s2 =	sadd.s32 s3, s2  }
0x5: {  	s2 =	sadd.s32 s2, s18  }
0x6: {  	[smem:$0x3FC6] =	sst s2  }
0x7: {  	_ = 	snop  }
0x8: {  	s2 =	sld [smem:$0x3FC8];
	(tm) =	ssettm $0x1  }
0x9: {  	s19 =	sld [smem:$0x3FFB];
	_ =	sdelay $0x3  }
0xa: {  	_ =	strace s19  }
0xb: {  	s3 =	sld [smem:$0x3FFC];
	_ =	sdelay $0x3  }
0xc: {  	_ =	strace s3  }
0xd: {  	s3 =	sld [smem:$0x3FFD];
	_ =	sdelay $0x3  }
0xe: {  	_ =	strace s3  }
0xf: {  	_ =	strace $0x8FFFFFFF  }
0x10: {  	s20 =	sld [smem:$0x3FDB];
	_ =	sdelay $0x1  }
0x11: {  	s4 =	simm.s32 $_scs_section_size  }
0x12: {  	s5 =	simm.s32 $_size__tile_overlayer_lowered;
	s6 =	simm.s32 $_tile_overlayer_lowered  }
0x13: {  	s23 =	simm.s32 $0x1BFF;
	s22 =	sshll.u32 s6, $0x1;
	s3 =	sadd.s32 s4, s20  }
0x14: {  	s7 =	simm.s32 $0x0;
	s21 =	sshll.u32 s5, $0x1;
	s5 =	sadd.s32 s22, s3  }
0x15: {  	[timem:s7], [sflag:s23] =	dma.local [hbm:s5], s21  }
0x16: {  	_ =	swait.ge [sflag:s23], s21  }
0x17: {  	s4 =	ssub.s32 $0x0, s21;
	[sflag:s23] =	ssyncset.done $0x0  }
0x18: {  	[sflag:s23] =	ssyncadd.s32 s4;
	_ =	sdelay $0x1  }
0x19: {  	s24 =	simm.s32 $0x1B8B  }
0x1a: {  	_ =	swait.ge [sflag:s24], $0x1  }
0x1b: {  	[sflag:s24] =	ssyncset.done $0x0  }
0x1c: {  	s26 =	simm.s32 $0x1B8E;
	s25 =	sld [smem:$0x3FFE];
	[sflag:s24] =	ssyncadd.s32 $0xFFFFFFFF  }
0x1d: {  	s27 =	simm.s32 $execute0_lowered;
	[smem:$0x3FD2] =	sst s26  }
0x1e: {  	s5 =	sshll.u32 s27, $0x1;
	_ =	strace $0x80000046;
	[dreg:$0x1] =	wrdreg $0xFFFFFFFF  }
0x1f: {  	s28 =	simm.s32 $_size_execute0_lowered;
	s3 =	sadd.s32 s3, s5;
	[dreg:$0x0] =	wrdreg $0x0  }
0x20: {  	s5 =	sshll.u32 s28, $0x1;
	[dreg:$0x2] =	wrdreg s3  }
0x21: {  	[dreg:$0x3] =	wrdreg s5  }
0x22: {  	[dreg:$0x4] =	wrdreg $0xC0  }
0x23: {  	_ =	task [dreg:s7], $0x5FFFF  }
0x24: {  	[dreg:$0x1] =	wrdreg $0xFFFFFFFF  }
0x25: {  	[dreg:$0x0] =	wrdreg $0x60  }
0x26: {  	[dreg:$0x2] =	wrdreg s2  }
0x27: {  	[dreg:$0x3] =	wrdreg s25  }
0x28: {  	[dreg:$0x4] =	wrdreg $0x9  }
0x29: {  	_ =	task.clear_ibuf [dreg:s7], $0x5FFFF;
	_ =	strace $0x90000046  }
0x2a: {  	s29 =	simm.s32 $0x9;
	_ =	strace $0x80000048  }
0x2b: {  	_ =	swait.ge [sflag:s29], $0x1  }
0x2c: {  	[sflag:s29] =	ssyncadd.s32 $0xFFFFFFFF  }
0x2d: {  	_ =	strace $0x90000048  }
0x2e: {  	_ =	sfence  }
0x2f: {  	s30 =	sld [smem:$0x0];
	_ =	sdelay $0x2  }
0x30: {  	s31 =	sshll.u32 s1, $0xD;
	s1 =	sshrl.u32 s1, $0x2  }
0x31: {  	s3 =	sand.u32 $0x4000, s31;
	s1 =	sadd.s32 s1, s30  }
0x32: {  	s0 =	sor.u32 s3, s0;
	s1 =	sshll.u32 s1, $0x11  }
0x33: {  	s0 =	sor.u32 s1, s0  }
0x34: {  	s0 =	sadd.s32 $0x8F2B, s0  }
0x35: {  	[sflag:s0] =	ssyncadd.remote.s32 $0x1  }
0x36: {  	_ =	sfence.sel $0xFFFF  }
0x37: {  	[dreg:$0x0] =	wrdreg $0xFFFFFFFF;
	(pc) =	sbr.abs _section_cstart, $3  }
0x38: {  	[dreg:$0x1] =	wrdreg $0xFFFFFFFF  }
0x39: {  	_ =	task.clear_ibuf [dreg:s7], $0x2FFFF;
	_ =	strace $0x9FFFFFFF  }
0x3a: {  	(tm) =	ssettm $0x7FFFFFFF  }
0x3b: {  	_ =	shalt  }
tec
execute0_lowered:
.L_overlay_start_1:
0x0: {  	(tag) =	ssettag $0x1  }
0x1: {  	s0 =	srdreg.scid;
	s2 =	rddreg [dreg:$0x0]  }
0x2: {  	s5 =	rddreg [dreg:$0x1];
	s1 =	stileid.u32  }
0x3: {  	s4 =	simm.s32 $0x1;
	s6 =	simm.s32 $0x2;
	s15 =	simm.s32 $0x0  }
0x4: {  	p0 =	por $0x0, $0x0;
	s8 =	simm.s32 $0x80;
	s0 =	sshll.u32 s0, $0x4  }
0x5: {  	s14 =	simm.s32 $0x0;
	s9 =	simm.s32 $0x0;
	s3 =	sand.u32 $0x10, s0  }
.Ltmp0:
0x6: {  	s10 =	simm.s32 $0x0;
	s3 =	sor.u32 s1, s3;
	(pc) =	sbr.rel .LBB1_1-.Ltmp0, $4  }
0x7: {  	s0 =	rddreg [dreg:$0x2];
	_ =	strace $0x80000047;
	s3 =	sshll.u32 s3, $0x7  }
0x8: {  	s12 =	simm.s32 $0x0;
	[sflag:s4] =	ssyncpa.u1 $0x0;
	s7 =	ssub.s32 $0xF4200, s3  }
0x9: {  	s13 =	simm.s32 $0x0;
	[sflag:s6] =	ssyncpa.u1 $0x0;
	s6 =	sshrl.u32 s7, $0xC  }
0xa: {  	s5 =	sadd.s32 $0xE00, s5;
	s11 =	smov.u32 s3;
	s7 =	sadd.s32 $0x2, s6  }
.LBB1_5:
0xb: {  	p1 =	slt.u32 s13, $0x2  }
0xc: {  	s17 =	smov.u32 s15;
	p2 =	sgt.s32 @!p1 s15, $0xF41C0;
	s16 =	sshra.s32 @!p1 s15, $0x1F  }
0xd: {  	p3 =	sgt.s32 @!p1 s14, $0x40;
	s18 =	sshra.s32 @!p1 s14, $0x1F;
	p2 =	por !p2, p1  }
0xe: {  	s15 =	sand.u32 @!p1 s16, s15;
	p3 =	por !p3, p1;
	s16 =	smov.u32 s14  }
0xf: {  	s14 =	sand.u32 @!p1 s18, s14;
	s17 =	simm.s32 @p2 $0xF41C0;
	s16 =	simm.s32 @p3 $0x40  }
0x10: {  	s15 =	ssub.s32 @!p1 s17, s15;
	s14 =	ssub.s32 @!p1 s16, s14  }
0x11: {  	s18 =	smov.u32 s12;
	s16 =	sadd.s32 @!p1 $0xFFF0BE40, s15;
	s17 =	sadd.s32 @!p1 $0xFFFFFFC0, s14  }
0x12: {  	s15 =	ssub.s32 @!p1 $0xF4240, s15;
	p2 =	sgt.s32 @!p1 s16, $0x7F;
	p3 =	sgt.s32 @!p1 s17, $0x3F  }
0x13: {  	s14 =	ssub.s32 @!p1 $0x80, s14;
	p2 =	por !p2, p1;
	p3 =	por !p3, p1  }
0x14: {  	s16 =	sadd.s32 $0x1000, s11;
	s15 =	simm.s32 @!p2 $0x0;
	s14 =	simm.s32 @!p3 $0x0  }
0x15: {  	p2 =	sgt.s32 s16, $0xF423F;
	s14 =	smul.u32 @!p1 s14, s15;
	s15 =	sadd.s32 $0x40, s12  }
0x16: {  	s18 =	smov.u32 @p2 s15  }
0x17: {  	s16 =	smov.u32 @p2 s3;
	p2 =	sgt.s32 s18, $0x3F  }
0x18: {  	s18 =	simm.s32 @p2 $0x0;
	p2 =	sne.s32 s13, s7  }
.Ltmp1:
0x19: {  	p0 =	por !p0, !p0;
	s17 =	simm.s32 @!p1 $0x2;
	(pc) =	sbr.rel @!p2 .LBB1_6-.Ltmp1, $4  }
0x1a: {  	s15 =	smov.u32 s9;
	s9 =	smov.u32 s11;
	s14 =	sand.u32 @!p1 $0x3FFFFFFF, s14  }
0x1b: {  	s11 =	smov.u32 s16;
	_ =	swait.ge @!p1 [sflag:s17], s14;
	s19 =	ssub.s32 @!p1 $0x0, s14  }
0x1c: {  	s14 =	smov.u32 s10;
	s13 =	sadd.s32 $0x1, s13;
	[sflag:s17] =	ssyncset.done @!p1 $0x0  }
0x1d: {  	s10 =	smov.u32 s12;
	s12 =	smov.u32 s18;
	[sflag:s17] =	ssyncadd.s32 @!p1 s19  }
.LBB1_1:
0x1e: {  	p1 =	sgt.u32 s13, s6  }
0x1f: {  	s16 =	sshrl.u32 @!p1 s12, $0x3  }
0x20: {  	s17 =	sshll.u32 @!p1 s11, $0x3;
	s16 =	smul.u32 @!p1 $0x7A1400, s16  }
0x21: {  	s18 =	sshll.u32 @!p1 s12, $0x7;
	s17 =	sand.u32 @!p1 $0xFFFFFC00, s17  }
0x22: {  	s16 =	sadd.s32 @!p1 s16, s17;
	s17 =	sand.u32 @!p1 $0x380, s18  }
0x23: {  	s18 =	sand.u32 @!p1 $0x7F, s11;
	s16 =	sor.u32 @!p1 s17, s16  }
0x24: {  	s17 =	sor.u32 @!p1 s18, s16  }
0x25: {  	s18 =	smulhi.u32 @!p1 $0x218D6287, s17;
	_ =	sdelay $0x1  }
0x26: {  	s16 =	smulhi.u32 @!p1 $0x218D6287, s16;
	s18 =	sshrl.u32 @!p1 s18, $0x11  }
0x27: {  	s18 =	smul.u32 @!p1 $0xF4280, s18  }
0x28: {  	s19 =	sxor.u32 @!p1 $0xFFFFFFFF, s13;
	s16 =	sshrl.u32 @!p1 s16, $0x11  }
0x29: {  	s19 =	sshll.u32 @!p1 s19, $0xD;
	s16 =	sand.u32 @!p1 $0x3F, s16;
	s17 =	ssub.s32 @!p1 s17, s18  }
0x2a: {  	s16 =	smul.u32 @!p1 $0x1E850, s16;
	s18 =	sshrl.u32 @!p1 s17, $0x3;
	s17 =	sand.u32 @!p1 $0x7, s17  }
0x2b: {  	s19 =	sand.u32 @!p1 $0x2000, s19;
	s18 =	sadd.s32 @!p1 s2, s18;
	s17 =	sshll.u32 @!p1 s17, $0x12  }
0x2c: {  	s16 =	sadd.s32 @!p1 s16, s18;
	s17 =	sor.u32 @!p1 $0x400, s17;
	s18 =	simm.s32 @!p1 $0x7A1400  }
0x2d: {  	[tilespmem:s19], [sflag:$0x1] =	stream.strided.gather @!p1 [hbm4b:s16+s17], $0x2000, s18, s17, $0x38;
	[tilespmem:$0x8100] =	vst v63  }
0x2e: {  	p1 =	seq.s32 s13, $0x0  }
0x2f: {  	p2 =	sge.u32 @!p1 s13, s7  }
0x30: {  	p1 =	por p1, p2  }
.Ltmp2:
0x31: {  	_ = 	snop;
	(pc) =	sbr.rel @p1 .LBB1_5-.Ltmp2, $1  }
0x32: {  	_ =	sdelay $0x3  }
0x33: {  	s16 =	simm.s32 $0x1  }
0x34: {  	_ =	swait.ge [sflag:s4], $0x2000;
	s16 =	simm.s32 @!p0 $0x0  }
0x35: {  	[sflag:s4] =	ssyncset.done $0x0;
	s17 =	sshll.u32 s16, $0xD  }
0x36: {  	[sflag:s4] =	ssyncadd.s32 $0xFFFFE000;
	s17 =	sor.u32 $0x40, s17  }
0x37: {  	s16 =	smul.u32 $0x8200, s16;
	v0 =	vld [tilespmem:s17+$0x30]  }
0x38: {  	v1 =	vld [tilespmem:s17+$0xFFFFFFD0]  }
0x39: {  	s16 =	sshrl.u32 s16, $0x2;
	v5 =	vld [tilespmem:s17+$0xFFFFFFE0]  }
0x3a: {  	v6 =	vld [tilespmem:s17+$0xFFFFFFF0];
	s19 =	sor.u32 $0x4000, s16  }
0x3b: {  	s31 =	sand.u32 $0x1, s13;
	v4 =	vld [tilespmem:s17+$0x0];
	s18 =	sadd.s32 $0x0, s19  }
0x3c: {  	v3 =	vld [tilespmem:s17+$0x10];
	s16 =	smul.u32 $0x8200, s31;
	[tilespmem:s18+$0x1C70 ss:$0x41] =	vst.msk $0xffff, v0  }
0x3d: {  	v2 =	vld [tilespmem:s17+$0x20];
	[tilespmem:s18+$0x410 ss:$0x41] =	vst.msk $0xffff, v1  }
0x3e: {  	s16 =	sshrl.u32 s16, $0x2;
	v1 =	vld [tilespmem:s17+$0xFFFFFFC0];
	[tilespmem:s18+$0x820 ss:$0x41] =	vst.msk $0xffff, v5;
	s17 =	sadd.s32 $0x80, s17  }
0x3f: {  	s20 =	simm.s32 $0x4;
	s21 =	simm.s32 $0x8;
	s16 =	sor.u32 $0x4000, s16;
	[tilespmem:s18+$0xC30 ss:$0x41] =	vst.msk $0xffff, v6;
	v0 =	vld [tilespmem:s17+$0x30]  }
.LBB1_3:
0x40: {  	p1 =	sne.s32 s21, $0xFC;
	v5 =	vld [tilespmem:s17+$0xFFFFFFD0];
	[tilespmem:s18+$0x1040 ss:$0x41] =	vst.msk $0xffff, v4  }
0x41: {  	v6 =	vld [tilespmem:s17+$0xFFFFFFE0];
	[tilespmem:s18+$0x1450 ss:$0x41] =	vst.msk $0xffff, v3  }
0x42: {  	s22 =	sshra.s32 s20, $0x2;
	s20 =	smov.u32 s21;
	v7 =	vld [tilespmem:s17+$0xFFFFFFF0];
	[tilespmem:s18+$0x1860 ss:$0x41] =	vst.msk $0xffff, v2  }
.Ltmp3:
0x43: {  	v4 =	vld [tilespmem:s17+$0x0];
	[tilespmem:s18+$0x0 ss:$0x41] =	vst.msk $0xffff, v1;
	s18 =	sadd.s32 s22, s19;
	(pc) =	sbr.rel @p1 .LBB1_3-.Ltmp3, $4  }
0x44: {  	v3 =	vld [tilespmem:s17+$0x10];
	[tilespmem:s18+$0x1C70 ss:$0x41] =	vst.msk $0xffff, v0  }
0x45: {  	[tilespmem:s18+$0x410 ss:$0x41] =	vst.msk $0xffff, v5;
	v2 =	vld [tilespmem:s17+$0x20]  }
0x46: {  	v1 =	vld [tilespmem:s17+$0xFFFFFFC0];
	[tilespmem:s18+$0x820 ss:$0x41] =	vst.msk $0xffff, v6;
	s17 =	sadd.s32 $0x80, s17  }
0x47: {  	s21 =	sadd.s32 $0x4, s21;
	v0 =	vld [tilespmem:s17+$0x30];
	[tilespmem:s18+$0xC30 ss:$0x41] =	vst.msk $0xffff, v7  }
0x48: {  	s21 =	sshll.u32 s9, $0x7;
	s22 =	sshll.u32 s10, $0x3;
	s20 =	sshra.s32 s20, $0x2  }
0x49: {  	p1 =	sgt.s32 s9, $0xF41C0;
	s30 =	sshra.s32 s9, $0x1F;
	s25 =	sshra.s32 s10, $0x1F  }
0x4a: {  	v5 =	vld [tilespmem:s17+$0xFFFFFFD0];
	s28 =	sshrl.u32 s10, $0x3;
	s23 =	sand.u32 $0xFFFFFC00, s21;
	s22 =	sand.u32 $0xFFFFFC00, s22  }
0x4b: {  	[tilespmem:s18+$0x1040 ss:$0x41] =	vst.msk $0xffff, v4;
	v58 =	vld [tilespmem:s17+$0xFFFFFFE0];
	s21 =	sand.u32 $0x380, s21;
	s19 =	sadd.s32 s20, s19;
	s22 =	sadd.s32 s22, s23  }
0x4c: {  	v59 =	vld [tilespmem:s17+$0xFFFFFFF0];
	[tilespmem:s18+$0x1450 ss:$0x41] =	vst.msk $0xffff, v3;
	s29 =	sor.u32 s21, s22;
	s21 =	smov.u32 s9;
	s22 =	sand.u32 s30, s9  }
0x4d: {  	v60 =	vld [tilespmem:s17+$0x0];
	[tilespmem:s18+$0x1860 ss:$0x41] =	vst.msk $0xffff, v2;
	s30 =	sand.u32 $0x7, s10;
	s20 =	sshrl.u32 s29, $0x7;
	s21 =	simm.s32 @!p1 $0xF41C0  }
0x4e: {  	v61 =	vld [tilespmem:s17+$0x10];
	[tilespmem:s18+$0x0 ss:$0x41] =	vst.msk $0xffff, v1;
	p1 =	sgt.s32 s10, $0x40;
	s24 =	ssub.s32 s21, s22;
	s21 =	smov.u32 s10  }
0x4f: {  	v62 =	vld [tilespmem:s17+$0x20];
	[tilespmem:s19+$0x1C70 ss:$0x41] =	vst.msk $0xffff, v0;
	s31 =	smulhi.u32 $0x218DEF5, s20;
	s22 =	sand.u32 s25, s10;
	s21 =	simm.s32 @!p1 $0x40  }
0x50: {  	v63 =	vld [tilespmem:s17+$0xFFFFFFC0];
	[tilespmem:s19+$0x410 ss:$0x41] =	vst.msk $0xffff, v5;
	s26 =	sadd.s32 $0xFFF0BE40, s24;
	s17 =	ssub.s32 $0xF4240, s24;
	s21 =	ssub.s32 s21, s22  }
0x51: {  	[tilespmem:s19+$0x820 ss:$0x41] =	vst.msk $0xffff, v58;
	s23 =	sshrl.u32 s31, $0xD;
	p1 =	sgt.s32 s26, $0x7F;
	s27 =	sadd.s32 $0xFFFFFFC0, s21  }
0x52: {  	[tilespmem:s19+$0xC30 ss:$0x41] =	vst.msk $0xffff, v59;
	s23 =	smul.u32 $0xF4240, s23;
	s18 =	ssub.s32 $0x80, s21;
	p2 =	sgt.s32 s27, $0x3F  }
.Ltmp4:
0x53: {  	[tilespmem:s19+$0x1040 ss:$0x41] =	vst.msk $0xffff, v60;
	s17 =	simm.s32 @p1 $0x0;
	s18 =	simm.s32 @p2 $0x0;
	(pc) =	sbr.rel .LBB1_5-.Ltmp4, $4  }
0x54: {  	s29 =	sand.u32 $0xF, s28;
	[tilespmem:s19+$0x1450 ss:$0x41] =	vst.msk $0xffff, v61;
	s20 =	ssub.s32 s20, s23;
	s17 =	smul.u32 s18, s17  }
0x55: {  	[tilespmem:s19+$0x1860 ss:$0x41] =	vst.msk $0xffff, v62;
	s21 =	sshll.u32 s30, $0x12;
	s20 =	sshll.u32 s20, $0x4;
	s18 =	sadd.s32 s5, s29  }
0x56: {  	[tilespmem:s19+$0x0 ss:$0x41] =	vst.msk $0xffff, v63;
	s31 =	sor.u32 $0x40, s21;
	s18 =	sadd.s32 s20, s18;
	s17 =	sand.u32 $0x3FFFFFFF, s17  }
0x57: {  	[hbm4b:s18+s31] =	stream.strided.scatter [tilespmem:s16], [sflag:$0x2], s17, s8, s31, $0x18;
	[tilespmem:$0x8100] =	vst v63  }
.LBB1_6:
0x58: {  	_ =	sfence.sel $0x180000  }
0x59: {  	s2 =	simm.s32 $0x1;
	[bflag:$0x0] =	sbarrier.arrive $0xFFFF  }
0x5a: {  	s31 =	simm.s32 $0x2;
	[sflag:s2] =	ssyncpa.u1 $0x1  }
0x5b: {  	[sflag:s31] =	ssyncpa.u1 $0x1  }
0x5c: {  	p0 =	sne.s32 s1, $0x0;
	_ =	strace $0x90000047  }
0x5d: {  	s0 =	sadd.s32 @!p0 $0x100000, s0;
	[bflag:$0x2] =	sbarrier.arrive $0xFFFF  }
0x5e: {  	[sflag:s0] =	ssyncadd.tile.s32 @!p0 $0x1;
	_ =	shalt  }
.Lfunc_end1:
_tile_overlayer_lowered:
.L_overlay_start_2:
0x5f: {  	(tag) =	ssettag $0x2  }
0x60: {  	s0 =	rddreg [dreg:$0x0];
	s2 =	stileid.u32  }
0x61: {  	s1 =	rddreg [dreg:$0x1];
	p0 =	sne.s32 s2, $0x0  }
0x62: {  	s3 =	rddreg [dreg:$0x2];
	[bflag:$0x3] =	sbarrier.arrive $0xFFFF;
	s2 =	simm.s32 @!p0 $0x1C01  }
0x63: {  	[timem:s3], [sflag:s2] =	dma.local @!p0 [hbm:s0], s1  }
0x64: {  	s0 =	simm.s32 @!p0 $0x1  }
0x65: {  	_ =	swait.ge @!p0 [sflag:s0], s1  }
0x66: {  	s1 =	ssub.s32 @!p0 $0x0, s1;
	[sflag:s0] =	ssyncset.done @!p0 $0x0  }
0x67: {  	[sflag:s0] =	ssyncadd.s32 @!p0 s1  }
0x68: {  	[bflag:$0x3] =	sbarrier.arrive $0xFFFF  }
0x69: {  	_ =	shalt  }

// kernel: sparse-core-data-format-call.cloned.1.call-start
scs
called_computation_lowered:
.L_overlay_start_0:
0x0: {  	s2 =	sld [smem:$0x3FD9]  }
0x1: {  	s3 =	sld [smem:$0x3FFE];
	_ =	sdelay $0x1  }
0x2: {  	s1 =	srdreg.scid  }
0x3: {  	s0 =	sand.u32 $0x1, s1  }
0x4: {  	s18 =	sshll.u32 s0, $0xA;
	s2 =	sadd.s32 s3, s2  }
0x5: {  	s2 =	sadd.s32 s2, s18  }
0x6: {  	[smem:$0x3FC6] =	sst s2  }
0x7: {  	_ = 	snop  }
0x8: {  	s2 =	sld [smem:$0x3FD0];
	(tm) =	ssettm $0x1  }
0x9: {  	s19 =	sld [smem:$0x3FFB];
	_ =	sdelay $0x3  }
0xa: {  	_ =	strace s19  }
0xb: {  	s3 =	sld [smem:$0x3FFC];
	_ =	sdelay $0x3  }
0xc: {  	_ =	strace s3  }
0xd: {  	s3 =	sld [smem:$0x3FFD];
	_ =	sdelay $0x3  }
0xe: {  	_ =	strace s3  }
0xf: {  	_ =	strace $0x8FFFFFFF  }
0x10: {  	s20 =	sld [smem:$0x3FDB];
	_ =	sdelay $0x1  }
0x11: {  	s4 =	simm.s32 $_scs_section_size  }
0x12: {  	s5 =	simm.s32 $_size__tile_overlayer_lowered;
	s6 =	simm.s32 $_tile_overlayer_lowered  }
0x13: {  	s23 =	simm.s32 $0x1BFF;
	s22 =	sshll.u32 s6, $0x1;
	s3 =	sadd.s32 s4, s20  }
0x14: {  	s7 =	simm.s32 $0x0;
	s21 =	sshll.u32 s5, $0x1;
	s5 =	sadd.s32 s22, s3  }
0x15: {  	[timem:s7], [sflag:s23] =	dma.local [hbm:s5], s21  }
0x16: {  	_ =	swait.ge [sflag:s23], s21  }
0x17: {  	s4 =	ssub.s32 $0x0, s21;
	[sflag:s23] =	ssyncset.done $0x0  }
0x18: {  	[sflag:s23] =	ssyncadd.s32 s4;
	_ =	sdelay $0x1  }
0x19: {  	s24 =	simm.s32 $0x1B8B  }
0x1a: {  	_ =	swait.ge [sflag:s24], $0x1  }
0x1b: {  	[sflag:s24] =	ssyncset.done $0x0  }
0x1c: {  	s26 =	simm.s32 $0x1B8E;
	s25 =	sld [smem:$0x3FFE];
	[sflag:s24] =	ssyncadd.s32 $0xFFFFFFFF  }
0x1d: {  	s27 =	simm.s32 $execute0_lowered;
	[smem:$0x3FD2] =	sst s26  }
0x1e: {  	s5 =	sshll.u32 s27, $0x1;
	_ =	strace $0x8000004C;
	[dreg:$0x1] =	wrdreg $0xFFFFFFFF  }
0x1f: {  	s28 =	simm.s32 $_size_execute0_lowered;
	s3 =	sadd.s32 s3, s5;
	[dreg:$0x0] =	wrdreg $0x0  }
0x20: {  	s5 =	sshll.u32 s28, $0x1;
	[dreg:$0x2] =	wrdreg s3  }
0x21: {  	[dreg:$0x3] =	wrdreg s5  }
0x22: {  	[dreg:$0x4] =	wrdreg $0xC0  }
0x23: {  	_ =	task [dreg:s7], $0x5FFFF  }
0x24: {  	[dreg:$0x1] =	wrdreg $0xFFFFFFFF  }
0x25: {  	[dreg:$0x0] =	wrdreg $0x60  }
0x26: {  	[dreg:$0x2] =	wrdreg s25  }
0x27: {  	[dreg:$0x3] =	wrdreg s2  }
0x28: {  	[dreg:$0x4] =	wrdreg $0x9  }
0x29: {  	_ =	task.clear_ibuf [dreg:s7], $0x5FFFF;
	_ =	strace $0x9000004C  }
0x2a: {  	s29 =	simm.s32 $0x9;
	_ =	strace $0x8000004E  }
0x2b: {  	_ =	swait.ge [sflag:s29], $0x1  }
0x2c: {  	[sflag:s29] =	ssyncadd.s32 $0xFFFFFFFF  }
0x2d: {  	_ =	strace $0x9000004E  }
0x2e: {  	_ =	sfence  }
0x2f: {  	s30 =	sld [smem:$0x0];
	_ =	sdelay $0x2  }
0x30: {  	s31 =	sshll.u32 s1, $0xD;
	s1 =	sshrl.u32 s1, $0x2  }
0x31: {  	s3 =	sand.u32 $0x4000, s31;
	s1 =	sadd.s32 s1, s30  }
0x32: {  	s0 =	sor.u32 s3, s0;
	s1 =	sshll.u32 s1, $0x11  }
0x33: {  	s0 =	sor.u32 s1, s0  }
0x34: {  	s0 =	sadd.s32 $0x8F2B, s0  }
0x35: {  	[sflag:s0] =	ssyncadd.remote.s32 $0x1  }
0x36: {  	_ =	sfence.sel $0xFFFF  }
0x37: {  	[dreg:$0x0] =	wrdreg $0xFFFFFFFF;
	(pc) =	sbr.abs _section_cstart, $3  }
0x38: {  	[dreg:$0x1] =	wrdreg $0xFFFFFFFF  }
0x39: {  	_ =	task.clear_ibuf [dreg:s7], $0x2FFFF;
	_ =	strace $0x9FFFFFFF  }
0x3a: {  	(tm) =	ssettm $0x7FFFFFFF  }
0x3b: {  	_ =	shalt  }
tec
execute0_lowered:
.L_overlay_start_1:
0x0: {  	(tag) =	ssettag $0x1  }
0x1: {  	s0 =	srdreg.scid  }
0x2: {  	s1 =	sshll.u32 s0, $0x4  }
0x3: {  	s0 =	stileid.u32;
	s1 =	sand.u32 $0x10, s1  }
0x4: {  	s1 =	sor.u32 s0, s1  }
0x5: {  	s6 =	rddreg [dreg:$0x0];
	s4 =	simm.s32 $0x1;
	s2 =	sshll.u32 s1, $0x7  }
0x6: {  	s7 =	simm.s32 $0x2;
	s12 =	simm.s32 $0x0;
	s1 =	ssub.s32 $0x4000, s2  }
0x7: {  	s8 =	simm.s32 $0x20000;
	s13 =	simm.s32 $0x0;
	s3 =	sand.u32 $0xF80, s1  }
0x8: {  	s9 =	simm.s32 $0x0;
	s5 =	sshrl.u32 s1, $0xC;
	p0 =	sne.s32 s3, $0x0  }
.Ltmp0:
0x9: {  	s1 =	rddreg [dreg:$0x2];
	s4 =	simm.s32 @!p0 $0x0;
	(pc) =	sbr.rel .LBB1_1-.Ltmp0, $4  }
0xa: {  	s11 =	simm.s32 $0x0;
	s3 =	rddreg [dreg:$0x1];
	s5 =	sadd.s32 s4, s5  }
0xb: {  	_ =	strace $0x8000004D;
	s4 =	simm.s32 $0x1;
	s5 =	smul.u32 $0x32, s5  }
0xc: {  	s6 =	sadd.s32 $0xE00, s6;
	s10 =	smov.u32 s2;
	[sflag:s4] =	ssyncpa.u1 $0x0  }
0xd: {  	p0 =	por $0x0, $0x0;
	[sflag:s7] =	ssyncpa.u1 $0x0;
	s7 =	sor.u32 $0x1, s5  }
.LBB1_4:
0xe: {  	s16 =	sshll.u32 s13, $0x3;
	s17 =	sand.u32 $0x78, s13  }
0xf: {  	s30 =	sand.u32 $0x1F800, s13;
	s12 =	sshll.u32 s12, $0x11;
	s16 =	sand.u32 $0x3C00, s16  }
0x10: {  	[tilespmem:s15+$0x810 ss:$0x81] =	vst.msk $0xffff, v2;
	s31 =	sand.u32 $0x7, s13;
	s16 =	sor.u32 s17, s16;
	s17 =	sadd.s32 s3, s30  }
0x11: {  	[tilespmem:s15+$0x1020 ss:$0x81] =	vst.msk $0xffff, v0;
	s13 =	sshll.u32 s31, $0x12;
	s12 =	sadd.s32 s12, s17;
	s16 =	sshrl.u32 s16, $0x3  }
0x12: {  	[tilespmem:s15+$0x0 ss:$0x81] =	vst.msk $0xffff, v1;
	s13 =	sor.u32 $0x400, s13;
	s12 =	sadd.s32 s16, s12  }
0x13: {  	[hbm4b:s12+s13] =	stream.strided.scatter [tilespmem:s14], [sflag:$0x2], $0x2000, s8, s13, $0x20;
	[tilespmem:$0x8080] =	vst v63  }
.LBB1_5:
0x14: {  	s14 =	sadd.s32 $0x1, s9  }
0x15: {  	s12 =	sadd.s32 $0x1000, s10;
	s16 =	smov.u32 s10;
	p2 =	sgt.s32 s14, $0x31  }
0x16: {  	s16 =	smov.u32 @p2 s12  }
0x17: {  	s14 =	simm.s32 @p2 $0x0;
	p2 =	sgt.s32 s16, $0x3FFF  }
0x18: {  	s16 =	smov.u32 @p2 s2;
	p2 =	sne.s32 s11, s7  }
.Ltmp1:
0x19: {  	p1 =	slt.u32 s11, $0x2;
	(pc) =	sbr.rel @!p2 .LBB1_6-.Ltmp1, $4  }
0x1a: {  	s15 =	simm.s32 @!p1 $0x2  }
0x1b: {  	s13 =	smov.u32 s10;
	p0 =	por !p0, !p0;
	_ =	swait.ge @!p1 [sflag:s15], $0x2000  }
0x1c: {  	s12 =	smov.u32 s9;
	[sflag:s15] =	ssyncset.done @!p1 $0x0;
	s9 =	smov.u32 s14  }
0x1d: {  	s11 =	sadd.s32 $0x1, s11;
	[sflag:s15] =	ssyncadd.s32 @!p1 $0xFFFFE000;
	s10 =	smov.u32 s16  }
.LBB1_1:
0x1e: {  	p1 =	sge.u32 s11, s5  }
0x1f: {  	s14 =	sand.u32 @!p1 $0x1FFFFFF, s9  }
0x20: {  	s15 =	smulhi.u32 @!p1 $0x4924925, s14;
	_ =	sdelay $0x1  }
0x21: {  	s15 =	smul.u32 @!p1 $0x38, s15  }
0x22: {  	s16 =	sxor.u32 @!p1 $0xFFFFFFFF, s11;
	s17 =	smul.u32 @!p1 $0x380, s10  }
0x23: {  	s31 =	sadd.s32 $0xFFFFFFFF, s11;
	s16 =	sshll.u32 @!p1 s16, $0xD;
	s14 =	ssub.s32 @!p1 s14, s15  }
0x24: {  	s15 =	sand.u32 @!p1 $0x2000, s16;
	s16 =	sadd.s32 @!p1 s6, s17;
	s14 =	sshll.u32 @!p1 s14, $0x4  }
0x25: {  	s17 =	simm.s32 @!p1 $0x1C00;
	s14 =	sadd.s32 @!p1 s14, s16;
	s16 =	simm.s32 @!p1 $0x40  }
0x26: {  	[tilespmem:s15], [sflag:$0x1] =	stream.strided.gather @!p1 [hbm4b:s14+s16], $0x2000, s17, s16, $0x38;
	[tilespmem:$0x8080] =	vst v63  }
0x27: {  	p1 =	sge.u32 s31, s5  }
.Ltmp2:
0x28: {  	_ = 	snop;
	(pc) =	sbr.rel @p1 .LBB1_5-.Ltmp2, $1  }
0x29: {  	_ =	sdelay $0x3  }
0x2a: {  	s14 =	simm.s32 $0x1  }
0x2b: {  	_ =	swait.ge [sflag:s4], $0x2000;
	s14 =	simm.s32 @!p0 $0x0  }
0x2c: {  	[sflag:s4] =	ssyncset.done $0x0;
	s15 =	sshll.u32 s14, $0xD  }
0x2d: {  	[sflag:s4] =	ssyncadd.s32 $0xFFFFE000;
	s18 =	sor.u32 $0x20, s15  }
0x2e: {  	s14 =	smul.u32 $0x8100, s14;
	v3 =	vld [tilespmem:s18+$0x10]  }
0x2f: {  	s30 =	sand.u32 $0x1, s11;
	v2 =	vld [tilespmem:s18+$0xFFFFFFF0]  }
0x30: {  	s15 =	smul.u32 $0x8100, s30;
	s14 =	sshrl.u32 s14, $0x2;
	v0 =	vld [tilespmem:s18+$0x0]  }
0x31: {  	v1 =	vld [tilespmem:s18+$0xFFFFFFE0];
	s16 =	sor.u32 $0x4000, s14  }
0x32: {  	s31 =	sshrl.u32 s15, $0x2;
	s15 =	sadd.s32 $0x0, s16  }
0x33: {  	s17 =	simm.s32 $0x4;
	s18 =	sadd.s32 $0x40, s18;
	s14 =	sor.u32 $0x4000, s31;
	[tilespmem:s15+$0x1830 ss:$0x81] =	vst.msk $0xffff, v3  }
.LBB1_3:
0x34: {  	v3 =	vld [tilespmem:s18+$0x10];
	p1 =	sne.s32 s17, $0x1FC;
	[tilespmem:s15+$0x810 ss:$0x81] =	vst.msk $0xffff, v2;
	s19 =	smov.u32 s17;
	s17 =	sadd.s32 $0x4, s17  }
.Ltmp3:
0x35: {  	v2 =	vld [tilespmem:s18+$0xFFFFFFF0];
	[tilespmem:s15+$0x1020 ss:$0x81] =	vst.msk $0xffff, v0;
	(pc) =	sbr.rel @p1 .LBB1_3-.Ltmp3, $4  }
0x36: {  	v0 =	vld [tilespmem:s18+$0x0];
	[tilespmem:s15+$0x0 ss:$0x81] =	vst.msk $0xffff, v1  }
0x37: {  	s15 =	sshra.s32 s19, $0x2;
	v1 =	vld [tilespmem:s18+$0xFFFFFFE0]  }
0x38: {  	s15 =	sadd.s32 s15, s16  }
0x39: {  	s18 =	sadd.s32 $0x40, s18;
	[tilespmem:s15+$0x1830 ss:$0x81] =	vst.msk $0xffff, v3  }
.Ltmp4:
0x3a: {  	_ = 	snop;
	(pc) =	sbr.rel .LBB1_4-.Ltmp4, $1  }
0x3b: {  	_ =	sdelay $0x3  }
.LBB1_6:
0x3c: {  	_ =	sfence.sel $0x180000  }
0x3d: {  	s2 =	simm.s32 $0x1;
	[bflag:$0x0] =	sbarrier.arrive $0xFFFF  }
0x3e: {  	s31 =	simm.s32 $0x2;
	[sflag:s2] =	ssyncpa.u1 $0x1  }
0x3f: {  	[sflag:s31] =	ssyncpa.u1 $0x1  }
0x40: {  	p0 =	sne.s32 s0, $0x0;
	_ =	strace $0x9000004D  }
0x41: {  	s0 =	sadd.s32 @!p0 $0x100000, s1;
	[bflag:$0x2] =	sbarrier.arrive $0xFFFF  }
0x42: {  	[sflag:s0] =	ssyncadd.tile.s32 @!p0 $0x1;
	_ =	shalt  }
.Lfunc_end1:
_tile_overlayer_lowered:
.L_overlay_start_2:
0x43: {  	(tag) =	ssettag $0x2  }
0x44: {  	s0 =	rddreg [dreg:$0x0];
	s2 =	stileid.u32  }
0x45: {  	s1 =	rddreg [dreg:$0x1];
	p0 =	sne.s32 s2, $0x0  }
0x46: {  	s3 =	rddreg [dreg:$0x2];
	[bflag:$0x3] =	sbarrier.arrive $0xFFFF;
	s2 =	simm.s32 @!p0 $0x1C01  }
0x47: {  	[timem:s3], [sflag:s2] =	dma.local @!p0 [hbm:s0], s1  }
0x48: {  	s0 =	simm.s32 @!p0 $0x1  }
0x49: {  	_ =	swait.ge @!p0 [sflag:s0], s1  }
0x4a: {  	s1 =	ssub.s32 @!p0 $0x0, s1;
	[sflag:s0] =	ssyncset.done @!p0 $0x0  }
0x4b: {  	[sflag:s0] =	ssyncadd.s32 @!p0 s1  }
0x4c: {  	[bflag:$0x3] =	sbarrier.arrive $0xFFFF  }
0x4d: {  	_ =	shalt  }

</sc_bundles>
